<compile_context>
chip_gen: v7x
topology: tpu7x:2x2x1
jax: 0.10.2.dev20260603
libtpu: 0.0.44.dev20260713+nightly
codegen_flags: <defaults>
</compile_context>

<pallas_src>
import functools

import jax
import jax.numpy as jnp
from jax import lax
from jax.experimental import pallas as pl
from jax.experimental.pallas import tpu as pltpu
from jax.experimental.pallas import tpu_sc as plsc

_N0 = 8192
_N1 = 4096

_NC = 2
_NS = 16
_NW = _NC * _NS
_L = 16

_TC_ROWS = 4480
_SC_ROWS = _N0 - _TC_ROWS
_TC_BR = 560
_ROWS_W = _SC_ROWS // _NW
_CROWS = 1
_NBUF = 16
_NCHUNK = _ROWS_W // _CROWS
_UNROLL = 8
_NCHAIN = 4
_NITER = _N1 // (_L * _UNROLL)

_BIG_I32 = 2**31 - 1

_mesh = plsc.VectorSubcoreMesh(core_axis_name="c", subcore_axis_name="s")


@functools.partial(
    pl.kernel,
    mesh=_mesh,
    out_type=[
        jax.ShapeDtypeStruct((_NW, _L), jnp.float32),
        jax.ShapeDtypeStruct((_NW, _L), jnp.int32),
    ],
    scratch_types=[
        pltpu.VMEM((_NBUF, _CROWS, _N1), jnp.float32),
        pltpu.VMEM((_L,), jnp.float32),
        pltpu.VMEM((_L,), jnp.int32),
    ] + [pltpu.SemaphoreType.DMA] * _NBUF,
    compiler_params=pltpu.CompilerParams(use_tc_tiling_on_sc=True),
)
def _sc_partial_argmax(x_hbm, outv_hbm, outi_hbm, buf, stage_v, stage_i,
                       *sems):
    wid = lax.axis_index("s") * _NC + lax.axis_index("c")
    row_base = _TC_ROWS + wid * _ROWS_W
    iota = lax.iota(jnp.int32, _L)

    def allmax(x):
        for s in (8, 4, 2, 1):
            x = jnp.maximum(x, x.at[iota ^ s].get(mode="promise_in_bounds"))
        return x

    def allmin(x):
        for s in (8, 4, 2, 1):
            x = jnp.minimum(x, x.at[iota ^ s].get(mode="promise_in_bounds"))
        return x

    def start(c, slot):
        return pltpu.async_copy(
            x_hbm.at[pl.ds(row_base + c * _CROWS, _CROWS)], buf.at[slot],
            sems[slot])

    def wait_for(c, slot):
        pltpu.make_async_copy(
            x_hbm.at[pl.ds(row_base + c * _CROWS, _CROWS)], buf.at[slot],
            sems[slot]).wait()

    ninf = jnp.full((_L,), float("-inf"), jnp.float32)

    for c0 in range(_NBUF):
        start(c0, c0)

    def chunk_max(slot):
        acc = (ninf,) * _NCHAIN
        for r in range(_CROWS):
            rbuf = buf.at[slot, r]

            def mbody(i, accs, rbuf=rbuf):
                accs = list(accs)
                off = i * (_L * _UNROLL)
                for j in range(_UNROLL):
                    v = rbuf[pl.ds(off + j * _L, _L)]
                    k = j % _NCHAIN
                    accs[k] = jnp.maximum(accs[k], v)
                return tuple(accs)

            acc = lax.fori_loop(0, _NITER, mbody, acc)
        acc = list(acc)
        n = _NCHAIN
        while n > 1:
            n //= 2
            for k in range(n):
                acc[k] = jnp.maximum(acc[k], acc[k + n])
        return acc[0]

    zeros = jnp.zeros((_L,), jnp.int32)

    def cbody(k, carry):
        bestv, bestc = carry
        for slot in range(_NBUF):
            c = _NBUF * k + slot
            wait_for(c, slot)
            cm = chunk_max(slot)
            nxt = c + _NBUF

            @pl.when(nxt < _NCHUNK)
            def _():
                start(nxt, slot)

            better = cm > bestv
            bestc = jnp.where(better, c, bestc)
            bestv = jnp.maximum(bestv, cm)
        return (bestv, bestc)

    bestv, bestc = lax.fori_loop(0, _NCHUNK // _NBUF, cbody, (ninf, zeros))
    for slot in range(_NCHUNK % _NBUF):
        c = (_NCHUNK // _NBUF) * _NBUF + slot
        wait_for(c, slot)
        cm = chunk_max(slot)
        better = cm > bestv
        bestc = jnp.where(better, c, bestc)
        bestv = jnp.maximum(bestv, cm)

    m_best = allmax(bestv)[0]
    mvec = jnp.broadcast_to(m_best, (_L,))
    c_best = allmin(jnp.where(bestv == mvec, bestc, _BIG_I32))[0]

    win_row = row_base + c_best * _CROWS
    pltpu.sync_copy(x_hbm.at[pl.ds(win_row, _CROWS)], buf.at[0])
    mvec = jnp.broadcast_to(m_best, (_L,))
    big = jnp.full((_L,), _BIG_I32, jnp.int32)

    pmin = (big, big)
    for r in range(_CROWS):
        rbuf = buf.at[0, r]
        flat_row = (win_row + r) * _N1

        def rbody(i, pmins, rbuf=rbuf, flat_row=flat_row):
            p0, p1 = pmins
            off = i * (_L * _UNROLL)
            for j in range(_UNROLL):
                v = rbuf[pl.ds(off + j * _L, _L)]
                pos = iota + (flat_row + off + j * _L)
                cand = jnp.where(v == mvec, pos, _BIG_I32)
                if j % 2 == 0:
                    p0 = jnp.minimum(p0, cand)
                else:
                    p1 = jnp.minimum(p1, cand)
            return (p0, p1)

        pmin = lax.fori_loop(0, _NITER, rbody, pmin)

    flat = allmin(jnp.minimum(pmin[0], pmin[1]))[0]

    stage_v[...] = jnp.broadcast_to(m_best, (_L,))
    stage_i[...] = jnp.broadcast_to(flat, (_L,))
    pltpu.sync_copy(stage_v, outv_hbm.at[wid])
    pltpu.sync_copy(stage_i, outi_hbm.at[wid])


def _tc_partial_body(x_ref, outm_ref, outi_ref, m_s, i_s):
    k = pl.program_id(0)

    @pl.when(k == 0)
    def _():
        m_s[0] = jnp.float32(float("-inf"))
        i_s[0] = jnp.int32(0)

    xb = x_ref[...]
    m_b = jnp.max(xb)

    @pl.when(m_b > m_s[0])
    def _():
        mrow = jnp.max(xb, axis=1)
        riota = jax.lax.broadcasted_iota(jnp.int32, (_TC_BR,), 0)
        r0 = jnp.min(jnp.where(mrow == m_b, riota, _BIG_I32))
        row = x_ref[pl.ds(r0, 1), :]
        ciota = jax.lax.broadcasted_iota(jnp.int32, (1, _N1), 1)
        c0 = jnp.min(jnp.where(row == m_b, ciota, _BIG_I32))
        m_s[0] = m_b
        i_s[0] = (k * _TC_BR + r0) * _N1 + c0

    @pl.when(k == _TC_ROWS // _TC_BR - 1)
    def _():
        outm_ref[0] = m_s[0]
        outi_ref[0] = i_s[0]


_tc_partial = pl.pallas_call(
    _tc_partial_body,
    grid=(_TC_ROWS // _TC_BR,),
    in_specs=[pl.BlockSpec((_TC_BR, _N1), lambda k: (k, 0))],
    out_specs=[
        pl.BlockSpec(memory_space=pltpu.SMEM),
        pl.BlockSpec(memory_space=pltpu.SMEM),
    ],
    out_shape=[
        jax.ShapeDtypeStruct((1,), jnp.float32),
        jax.ShapeDtypeStruct((1,), jnp.int32),
    ],
    scratch_shapes=[
        pltpu.SMEM((1,), jnp.float32),
        pltpu.SMEM((1,), jnp.int32),
    ],
    compiler_params=pltpu.CompilerParams(
        dimension_semantics=("arbitrary",)),
)


def _combine_body(v_ref, i_ref, tm_ref, ti_ref, o_ref):
    vals = v_ref[...]
    idxs = i_ref[...]
    m = jnp.maximum(jnp.max(vals), tm_ref[0])
    cand = jnp.where(vals == m, idxs, _BIG_I32)
    idx = jnp.min(cand)
    idx = jnp.minimum(idx, jnp.where(tm_ref[0] == m, ti_ref[0], _BIG_I32))
    o_ref[0] = idx // _N0
    o_ref[1] = idx % _N1


_combine = pl.pallas_call(
    _combine_body,
    out_shape=jax.ShapeDtypeStruct((2,), jnp.int32),
    in_specs=[
        pl.BlockSpec(memory_space=pltpu.VMEM),
        pl.BlockSpec(memory_space=pltpu.VMEM),
        pl.BlockSpec(memory_space=pltpu.SMEM),
        pl.BlockSpec(memory_space=pltpu.SMEM),
    ],
    out_specs=pl.BlockSpec(memory_space=pltpu.SMEM),
)


def kernel(inputs):
    vals, idxs = _sc_partial_argmax(inputs)
    tcm, tci = _tc_partial(inputs)
    return _combine(vals, idxs, tcm, tci)

# --- scband reference (transcript-rebuilt; emitter-appended) ---
"""Pipeline reference for scband-max-layer-12180527251742 (READ-ONLY COPY).

The authoritative reference and input builder live on the scoring server;
editing this copy changes nothing except your own understanding.
"""

import jax, jax.numpy as jnp
import numpy as np

N0 = 8192
N1 = 4096

def setup_inputs(seed: int = 0) -> dict:
    key = jax.random.key(seed)
    inputs = jax.random.normal(key, (N0, N1), dtype=jnp.float32)
    return {"inputs": inputs}

def reference(inputs):
    # Faithful translation of MaxLayer.call:
    #   output = argmax of flattened input
    #   return [output // inputs.shape[0], output % inputs.shape[1]]
    # (note: the original code divides by shape[0] and mods by shape[1]; we
    #  reproduce that exact arithmetic.)
    flat = jnp.reshape(inputs, (-1,))
    idx = jnp.argmax(flat)
    coord0 = idx // inputs.shape[0]
    coord1 = idx % inputs.shape[1]
    return jnp.stack([coord0, coord1])

if __name__ == "__main__":
    import jax
    _d = setup_inputs()
    print(jax.jit(kernel)(*tuple(_d.values())))

</pallas_src>

<mosaic_0001>
#map = affine_map<(d0, d1) -> (0, 0)>
module attributes {stable_mosaic.version = 14 : i64} {
  func.func @_sc_partial_argmax(%arg0: i32, %arg1: i32, %arg2: memref<8192x4096xf32, #tpu.memory_space<hbm>>, %arg3: memref<32x16xf32, #tpu.memory_space<hbm>>, %arg4: memref<32x16xi32, #tpu.memory_space<hbm>>, %arg5: memref<16x1x4096xf32, #tpu.memory_space<vmem>>, %arg6: memref<16xf32, #tpu.memory_space<vmem>>, %arg7: memref<16xi32, #tpu.memory_space<vmem>>, %arg8: memref<!tpu.dma_semaphore, #tpu.memory_space<semaphore_mem>>, %arg9: memref<!tpu.dma_semaphore, #tpu.memory_space<semaphore_mem>>, %arg10: memref<!tpu.dma_semaphore, #tpu.memory_space<semaphore_mem>>, %arg11: memref<!tpu.dma_semaphore, #tpu.memory_space<semaphore_mem>>, %arg12: memref<!tpu.dma_semaphore, #tpu.memory_space<semaphore_mem>>, %arg13: memref<!tpu.dma_semaphore, #tpu.memory_space<semaphore_mem>>, %arg14: memref<!tpu.dma_semaphore, #tpu.memory_space<semaphore_mem>>, %arg15: memref<!tpu.dma_semaphore, #tpu.memory_space<semaphore_mem>>, %arg16: memref<!tpu.dma_semaphore, #tpu.memory_space<semaphore_mem>>, %arg17: memref<!tpu.dma_semaphore, #tpu.memory_space<semaphore_mem>>, %arg18: memref<!tpu.dma_semaphore, #tpu.memory_space<semaphore_mem>>, %arg19: memref<!tpu.dma_semaphore, #tpu.memory_space<semaphore_mem>>, %arg20: memref<!tpu.dma_semaphore, #tpu.memory_space<semaphore_mem>>, %arg21: memref<!tpu.dma_semaphore, #tpu.memory_space<semaphore_mem>>, %arg22: memref<!tpu.dma_semaphore, #tpu.memory_space<semaphore_mem>>, %arg23: memref<!tpu.dma_semaphore, #tpu.memory_space<semaphore_mem>>) attributes {dimension_semantics = [#tpu.dimension_semantics<core_parallel>, #tpu.dimension_semantics<subcore_parallel>], iteration_bounds = array<i64: 2, 16>, scalar_prefetch = 0 : i64, scratch_operands = 19 : i64, tpu.core_type = #tpu.core_type<sc_vector_subcore>, window_params = [{transform_indices = #map}, {transform_indices = #map}, {transform_indices = #map}]} {
    %mul3A = arith.constant 2 : i32
    %mul3A_0 = arith.muli %arg1, %mul3A : i32
    %add3A = arith.addi %mul3A_0, %arg0 : i32
    %mul3A_1 = arith.constant 116 : i32
    %mul3A_2 = arith.muli %add3A, %mul3A_1 : i32
    %add3A_3 = arith.constant 4480 : i32
    %add3A_4 = arith.addi %add3A_3, %mul3A_2 : i32
    %iota3A = tpu.iota {dimensions = array<i32: 0>} : vector<16xi32>
    %broadcast_in_dim3A = arith.constant 0xFF800000 : f32
    %broadcast_in_dim3A_5 = vector.broadcast %broadcast_in_dim3A : f32 to vector<16xf32>
    %add3A_6 = arith.constant 0 : i32
    %add3A_7 = arith.addi %add3A_4, %add3A_6 : i32
    %dma_start3A = arith.constant 0 : i32
    %dma_start3A_8 = arith.constant 0 : i32
    %dma_start3A_9 = arith.constant 0 : i32
    %dma_start3A_10 = tpu.memref_slice %arg5[%dma_start3A, %dma_start3A_8, %dma_start3A_9] : memref<16x1x4096xf32, #tpu.memory_space<vmem>> -> memref<1x1x4096xf32, #tpu.memory_space<vmem>>
    %dma_start3A_11 = tpu.memref_squeeze %dma_start3A_10 : memref<1x1x4096xf32, #tpu.memory_space<vmem>> -> memref<1x4096xf32, #tpu.memory_space<vmem>>
    %dma_start3A_12 = arith.constant 0 : i32
    %dma_start3A_13 = tpu.memref_slice %arg2[%add3A_7, %dma_start3A_12] : memref<8192x4096xf32, #tpu.memory_space<hbm>> -> memref<1x4096xf32, #tpu.memory_space<hbm>>
    %dma_start3A_14 = arith.constant 0 : i32
    %dma_start3A_15 = arith.constant 0 : i32
    %dma_start3A_16 = tpu.memref_slice %arg5[%dma_start3A, %dma_start3A_14, %dma_start3A_15] : memref<16x1x4096xf32, #tpu.memory_space<vmem>> -> memref<1x1x4096xf32, #tpu.memory_space<vmem>>
    %dma_start3A_17 = tpu.memref_squeeze %dma_start3A_16 : memref<1x1x4096xf32, #tpu.memory_space<vmem>> -> memref<1x4096xf32, #tpu.memory_space<vmem>>
    %dma_start3A_18 = arith.constant 0 : i32
    %dma_start3A_19 = tpu.memref_slice %arg2[%add3A_7, %dma_start3A_18] : memref<8192x4096xf32, #tpu.memory_space<hbm>> -> memref<1x4096xf32, #tpu.memory_space<hbm>>
    tpu.enqueue_dma source(%dma_start3A_19 : memref<1x4096xf32, #tpu.memory_space<hbm>>) target(%dma_start3A_17 : memref<1x4096xf32, #tpu.memory_space<vmem>>) target_semaphore(%arg8 : memref<!tpu.dma_semaphore, #tpu.memory_space<semaphore_mem>>)
    %add3A_20 = arith.constant 1 : i32
    %add3A_21 = arith.addi %add3A_4, %add3A_20 : i32
    %dma_start3A_22 = arith.constant 1 : i32
    %dma_start3A_23 = arith.constant 0 : i32
    %dma_start3A_24 = arith.constant 0 : i32
    %dma_start3A_25 = tpu.memref_slice %arg5[%dma_start3A_22, %dma_start3A_23, %dma_start3A_24] : memref<16x1x4096xf32, #tpu.memory_space<vmem>> -> memref<1x1x4096xf32, #tpu.memory_space<vmem>>
    %dma_start3A_26 = tpu.memref_squeeze %dma_start3A_25 : memref<1x1x4096xf32, #tpu.memory_space<vmem>> -> memref<1x4096xf32, #tpu.memory_space<vmem>>
    %dma_start3A_27 = arith.constant 0 : i32
    %dma_start3A_28 = tpu.memref_slice %arg2[%add3A_21, %dma_start3A_27] : memref<8192x4096xf32, #tpu.memory_space<hbm>> -> memref<1x4096xf32, #tpu.memory_space<hbm>>
    %dma_start3A_29 = arith.constant 0 : i32
    %dma_start3A_30 = arith.constant 0 : i32
    %dma_start3A_31 = tpu.memref_slice %arg5[%dma_start3A_22, %dma_start3A_29, %dma_start3A_30] : memref<16x1x4096xf32, #tpu.memory_space<vmem>> -> memref<1x1x4096xf32, #tpu.memory_space<vmem>>
    %dma_start3A_32 = tpu.memref_squeeze %dma_start3A_31 : memref<1x1x4096xf32, #tpu.memory_space<vmem>> -> memref<1x4096xf32, #tpu.memory_space<vmem>>
    %dma_start3A_33 = arith.constant 0 : i32
    %dma_start3A_34 = tpu.memref_slice %arg2[%add3A_21, %dma_start3A_33] : memref<8192x4096xf32, #tpu.memory_space<hbm>> -> memref<1x4096xf32, #tpu.memory_space<hbm>>
    tpu.enqueue_dma source(%dma_start3A_34 : memref<1x4096xf32, #tpu.memory_space<hbm>>) target(%dma_start3A_32 : memref<1x4096xf32, #tpu.memory_space<vmem>>) target_semaphore(%arg9 : memref<!tpu.dma_semaphore, #tpu.memory_space<semaphore_mem>>)
    %add3A_35 = arith.constant 2 : i32
    %add3A_36 = arith.addi %add3A_4, %add3A_35 : i32
    %dma_start3A_37 = arith.constant 2 : i32
    %dma_start3A_38 = arith.constant 0 : i32
    %dma_start3A_39 = arith.constant 0 : i32
    %dma_start3A_40 = tpu.memref_slice %arg5[%dma_start3A_37, %dma_start3A_38, %dma_start3A_39] : memref<16x1x4096xf32, #tpu.memory_space<vmem>> -> memref<1x1x4096xf32, #tpu.memory_space<vmem>>
    %dma_start3A_41 = tpu.memref_squeeze %dma_start3A_40 : memref<1x1x4096xf32, #tpu.memory_space<vmem>> -> memref<1x4096xf32, #tpu.memory_space<vmem>>
    %dma_start3A_42 = arith.constant 0 : i32
    %dma_start3A_43 = tpu.memref_slice %arg2[%add3A_36, %dma_start3A_42] : memref<8192x4096xf32, #tpu.memory_space<hbm>> -> memref<1x4096xf32, #tpu.memory_space<hbm>>
    %dma_start3A_44 = arith.constant 0 : i32
    %dma_start3A_45 = arith.constant 0 : i32
    %dma_start3A_46 = tpu.memref_slice %arg5[%dma_start3A_37, %dma_start3A_44, %dma_start3A_45] : memref<16x1x4096xf32, #tpu.memory_space<vmem>> -> memref<1x1x4096xf32, #tpu.memory_space<vmem>>
    %dma_start3A_47 = tpu.memref_squeeze %dma_start3A_46 : memref<1x1x4096xf32, #tpu.memory_space<vmem>> -> memref<1x4096xf32, #tpu.memory_space<vmem>>
    %dma_start3A_48 = arith.constant 0 : i32
    %dma_start3A_49 = tpu.memref_slice %arg2[%add3A_36, %dma_start3A_48] : memref<8192x4096xf32, #tpu.memory_space<hbm>> -> memref<1x4096xf32, #tpu.memory_space<hbm>>
    tpu.enqueue_dma source(%dma_start3A_49 : memref<1x4096xf32, #tpu.memory_space<hbm>>) target(%dma_start3A_47 : memref<1x4096xf32, #tpu.memory_space<vmem>>) target_semaphore(%arg10 : memref<!tpu.dma_semaphore, #tpu.memory_space<semaphore_mem>>)
    %add3A_50 = arith.constant 3 : i32
    %add3A_51 = arith.addi %add3A_4, %add3A_50 : i32
    %dma_start3A_52 = arith.constant 3 : i32
    %dma_start3A_53 = arith.constant 0 : i32
    %dma_start3A_54 = arith.constant 0 : i32
    %dma_start3A_55 = tpu.memref_slice %arg5[%dma_start3A_52, %dma_start3A_53, %dma_start3A_54] : memref<16x1x4096xf32, #tpu.memory_space<vmem>> -> memref<1x1x4096xf32, #tpu.memory_space<vmem>>
    %dma_start3A_56 = tpu.memref_squeeze %dma_start3A_55 : memref<1x1x4096xf32, #tpu.memory_space<vmem>> -> memref<1x4096xf32, #tpu.memory_space<vmem>>
    %dma_start3A_57 = arith.constant 0 : i32
    %dma_start3A_58 = tpu.memref_slice %arg2[%add3A_51, %dma_start3A_57] : memref<8192x4096xf32, #tpu.memory_space<hbm>> -> memref<1x4096xf32, #tpu.memory_space<hbm>>
    %dma_start3A_59 = arith.constant 0 : i32
    %dma_start3A_60 = arith.constant 0 : i32
    %dma_start3A_61 = tpu.memref_slice %arg5[%dma_start3A_52, %dma_start3A_59, %dma_start3A_60] : memref<16x1x4096xf32, #tpu.memory_space<vmem>> -> memref<1x1x4096xf32, #tpu.memory_space<vmem>>
    %dma_start3A_62 = tpu.memref_squeeze %dma_start3A_61 : memref<1x1x4096xf32, #tpu.memory_space<vmem>> -> memref<1x4096xf32, #tpu.memory_space<vmem>>
    %dma_start3A_63 = arith.constant 0 : i32
    %dma_start3A_64 = tpu.memref_slice %arg2[%add3A_51, %dma_start3A_63] : memref<8192x4096xf32, #tpu.memory_space<hbm>> -> memref<1x4096xf32, #tpu.memory_space<hbm>>
    tpu.enqueue_dma source(%dma_start3A_64 : memref<1x4096xf32, #tpu.memory_space<hbm>>) target(%dma_start3A_62 : memref<1x4096xf32, #tpu.memory_space<vmem>>) target_semaphore(%arg11 : memref<!tpu.dma_semaphore, #tpu.memory_space<semaphore_mem>>)
    %add3A_65 = arith.constant 4 : i32
    %add3A_66 = arith.addi %add3A_4, %add3A_65 : i32
    %dma_start3A_67 = arith.constant 4 : i32
    %dma_start3A_68 = arith.constant 0 : i32
    %dma_start3A_69 = arith.constant 0 : i32
    %dma_start3A_70 = tpu.memref_slice %arg5[%dma_start3A_67, %dma_start3A_68, %dma_start3A_69] : memref<16x1x4096xf32, #tpu.memory_space<vmem>> -> memref<1x1x4096xf32, #tpu.memory_space<vmem>>
    %dma_start3A_71 = tpu.memref_squeeze %dma_start3A_70 : memref<1x1x4096xf32, #tpu.memory_space<vmem>> -> memref<1x4096xf32, #tpu.memory_space<vmem>>
    %dma_start3A_72 = arith.constant 0 : i32
    %dma_start3A_73 = tpu.memref_slice %arg2[%add3A_66, %dma_start3A_72] : memref<8192x4096xf32, #tpu.memory_space<hbm>> -> memref<1x4096xf32, #tpu.memory_space<hbm>>
    %dma_start3A_74 = arith.constant 0 : i32
    %dma_start3A_75 = arith.constant 0 : i32
    %dma_start3A_76 = tpu.memref_slice %arg5[%dma_start3A_67, %dma_start3A_74, %dma_start3A_75] : memref<16x1x4096xf32, #tpu.memory_space<vmem>> -> memref<1x1x4096xf32, #tpu.memory_space<vmem>>
    %dma_start3A_77 = tpu.memref_squeeze %dma_start3A_76 : memref<1x1x4096xf32, #tpu.memory_space<vmem>> -> memref<1x4096xf32, #tpu.memory_space<vmem>>
    %dma_start3A_78 = arith.constant 0 : i32
    %dma_start3A_79 = tpu.memref_slice %arg2[%add3A_66, %dma_start3A_78] : memref<8192x4096xf32, #tpu.memory_space<hbm>> -> memref<1x4096xf32, #tpu.memory_space<hbm>>
    tpu.enqueue_dma source(%dma_start3A_79 : memref<1x4096xf32, #tpu.memory_space<hbm>>) target(%dma_start3A_77 : memref<1x4096xf32, #tpu.memory_space<vmem>>) target_semaphore(%arg12 : memref<!tpu.dma_semaphore, #tpu.memory_space<semaphore_mem>>)
    %add3A_80 = arith.constant 5 : i32
    %add3A_81 = arith.addi %add3A_4, %add3A_80 : i32
    %dma_start3A_82 = arith.constant 5 : i32
    %dma_start3A_83 = arith.constant 0 : i32
    %dma_start3A_84 = arith.constant 0 : i32
    %dma_start3A_85 = tpu.memref_slice %arg5[%dma_start3A_82, %dma_start3A_83, %dma_start3A_84] : memref<16x1x4096xf32, #tpu.memory_space<vmem>> -> memref<1x1x4096xf32, #tpu.memory_space<vmem>>
    %dma_start3A_86 = tpu.memref_squeeze %dma_start3A_85 : memref<1x1x4096xf32, #tpu.memory_space<vmem>> -> memref<1x4096xf32, #tpu.memory_space<vmem>>
    %dma_start3A_87 = arith.constant 0 : i32
    %dma_start3A_88 = tpu.memref_slice %arg2[%add3A_81, %dma_start3A_87] : memref<8192x4096xf32, #tpu.memory_space<hbm>> -> memref<1x4096xf32, #tpu.memory_space<hbm>>
    %dma_start3A_89 = arith.constant 0 : i32
    %dma_start3A_90 = arith.constant 0 : i32
    %dma_start3A_91 = tpu.memref_slice %arg5[%dma_start3A_82, %dma_start3A_89, %dma_start3A_90] : memref<16x1x4096xf32, #tpu.memory_space<vmem>> -> memref<1x1x4096xf32, #tpu.memory_space<vmem>>
    %dma_start3A_92 = tpu.memref_squeeze %dma_start3A_91 : memref<1x1x4096xf32, #tpu.memory_space<vmem>> -> memref<1x4096xf32, #tpu.memory_space<vmem>>
    %dma_start3A_93 = arith.constant 0 : i32
    %dma_start3A_94 = tpu.memref_slice %arg2[%add3A_81, %dma_start3A_93] : memref<8192x4096xf32, #tpu.memory_space<hbm>> -> memref<1x4096xf32, #tpu.memory_space<hbm>>
    tpu.enqueue_dma source(%dma_start3A_94 : memref<1x4096xf32, #tpu.memory_space<hbm>>) target(%dma_start3A_92 : memref<1x4096xf32, #tpu.memory_space<vmem>>) target_semaphore(%arg13 : memref<!tpu.dma_semaphore, #tpu.memory_space<semaphore_mem>>)
    %add3A_95 = arith.constant 6 : i32
    %add3A_96 = arith.addi %add3A_4, %add3A_95 : i32
    %dma_start3A_97 = arith.constant 6 : i32
    %dma_start3A_98 = arith.constant 0 : i32
    %dma_start3A_99 = arith.constant 0 : i32
    %dma_start3A_100 = tpu.memref_slice %arg5[%dma_start3A_97, %dma_start3A_98, %dma_start3A_99] : memref<16x1x4096xf32, #tpu.memory_space<vmem>> -> memref<1x1x4096xf32, #tpu.memory_space<vmem>>
    %dma_start3A_101 = tpu.memref_squeeze %dma_start3A_100 : memref<1x1x4096xf32, #tpu.memory_space<vmem>> -> memref<1x4096xf32, #tpu.memory_space<vmem>>
    %dma_start3A_102 = arith.constant 0 : i32
    %dma_start3A_103 = tpu.memref_slice %arg2[%add3A_96, %dma_start3A_102] : memref<8192x4096xf32, #tpu.memory_space<hbm>> -> memref<1x4096xf32, #tpu.memory_space<hbm>>
    %dma_start3A_104 = arith.constant 0 : i32
    %dma_start3A_105 = arith.constant 0 : i32
    %dma_start3A_106 = tpu.memref_slice %arg5[%dma_start3A_97, %dma_start3A_104, %dma_start3A_105] : memref<16x1x4096xf32, #tpu.memory_space<vmem>> -> memref<1x1x4096xf32, #tpu.memory_space<vmem>>
    %dma_start3A_107 = tpu.memref_squeeze %dma_start3A_106 : memref<1x1x4096xf32, #tpu.memory_space<vmem>> -> memref<1x4096xf32, #tpu.memory_space<vmem>>
    %dma_start3A_108 = arith.constant 0 : i32
    %dma_start3A_109 = tpu.memref_slice %arg2[%add3A_96, %dma_start3A_108] : memref<8192x4096xf32, #tpu.memory_space<hbm>> -> memref<1x4096xf32, #tpu.memory_space<hbm>>
    tpu.enqueue_dma source(%dma_start3A_109 : memref<1x4096xf32, #tpu.memory_space<hbm>>) target(%dma_start3A_107 : memref<1x4096xf32, #tpu.memory_space<vmem>>) target_semaphore(%arg14 : memref<!tpu.dma_semaphore, #tpu.memory_space<semaphore_mem>>)
    %add3A_110 = arith.constant 7 : i32
    %add3A_111 = arith.addi %add3A_4, %add3A_110 : i32
    %dma_start3A_112 = arith.constant 7 : i32
    %dma_start3A_113 = arith.constant 0 : i32
    %dma_start3A_114 = arith.constant 0 : i32
    %dma_start3A_115 = tpu.memref_slice %arg5[%dma_start3A_112, %dma_start3A_113, %dma_start3A_114] : memref<16x1x4096xf32, #tpu.memory_space<vmem>> -> memref<1x1x4096xf32, #tpu.memory_space<vmem>>
    %dma_start3A_116 = tpu.memref_squeeze %dma_start3A_115 : memref<1x1x4096xf32, #tpu.memory_space<vmem>> -> memref<1x4096xf32, #tpu.memory_space<vmem>>
    %dma_start3A_117 = arith.constant 0 : i32
    %dma_start3A_118 = tpu.memref_slice %arg2[%add3A_111, %dma_start3A_117] : memref<8192x4096xf32, #tpu.memory_space<hbm>> -> memref<1x4096xf32, #tpu.memory_space<hbm>>
    %dma_start3A_119 = arith.constant 0 : i32
    %dma_start3A_120 = arith.constant 0 : i32
    %dma_start3A_121 = tpu.memref_slice %arg5[%dma_start3A_112, %dma_start3A_119, %dma_start3A_120] : memref<16x1x4096xf32, #tpu.memory_space<vmem>> -> memref<1x1x4096xf32, #tpu.memory_space<vmem>>
    %dma_start3A_122 = tpu.memref_squeeze %dma_start3A_121 : memref<1x1x4096xf32, #tpu.memory_space<vmem>> -> memref<1x4096xf32, #tpu.memory_space<vmem>>
    %dma_start3A_123 = arith.constant 0 : i32
    %dma_start3A_124 = tpu.memref_slice %arg2[%add3A_111, %dma_start3A_123] : memref<8192x4096xf32, #tpu.memory_space<hbm>> -> memref<1x4096xf32, #tpu.memory_space<hbm>>
    tpu.enqueue_dma source(%dma_start3A_124 : memref<1x4096xf32, #tpu.memory_space<hbm>>) target(%dma_start3A_122 : memref<1x4096xf32, #tpu.memory_space<vmem>>) target_semaphore(%arg15 : memref<!tpu.dma_semaphore, #tpu.memory_space<semaphore_mem>>)
    %add3A_125 = arith.constant 8 : i32
    %add3A_126 = arith.addi %add3A_4, %add3A_125 : i32
    %dma_start3A_127 = arith.constant 8 : i32
    %dma_start3A_128 = arith.constant 0 : i32
    %dma_start3A_129 = arith.constant 0 : i32
    %dma_start3A_130 = tpu.memref_slice %arg5[%dma_start3A_127, %dma_start3A_128, %dma_start3A_129] : memref<16x1x4096xf32, #tpu.memory_space<vmem>> -> memref<1x1x4096xf32, #tpu.memory_space<vmem>>
    %dma_start3A_131 = tpu.memref_squeeze %dma_start3A_130 : memref<1x1x4096xf32, #tpu.memory_space<vmem>> -> memref<1x4096xf32, #tpu.memory_space<vmem>>
    %dma_start3A_132 = arith.constant 0 : i32
    %dma_start3A_133 = tpu.memref_slice %arg2[%add3A_126, %dma_start3A_132] : memref<8192x4096xf32, #tpu.memory_space<hbm>> -> memref<1x4096xf32, #tpu.memory_space<hbm>>
    %dma_start3A_134 = arith.constant 0 : i32
    %dma_start3A_135 = arith.constant 0 : i32
    %dma_start3A_136 = tpu.memref_slice %arg5[%dma_start3A_127, %dma_start3A_134, %dma_start3A_135] : memref<16x1x4096xf32, #tpu.memory_space<vmem>> -> memref<1x1x4096xf32, #tpu.memory_space<vmem>>
    %dma_start3A_137 = tpu.memref_squeeze %dma_start3A_136 : memref<1x1x4096xf32, #tpu.memory_space<vmem>> -> memref<1x4096xf32, #tpu.memory_space<vmem>>
    %dma_start3A_138 = arith.constant 0 : i32
    %dma_start3A_139 = tpu.memref_slice %arg2[%add3A_126, %dma_start3A_138] : memref<8192x4096xf32, #tpu.memory_space<hbm>> -> memref<1x4096xf32, #tpu.memory_space<hbm>>
    tpu.enqueue_dma source(%dma_start3A_139 : memref<1x4096xf32, #tpu.memory_space<hbm>>) target(%dma_start3A_137 : memref<1x4096xf32, #tpu.memory_space<vmem>>) target_semaphore(%arg16 : memref<!tpu.dma_semaphore, #tpu.memory_space<semaphore_mem>>)
    %add3A_140 = arith.constant 9 : i32
    %add3A_141 = arith.addi %add3A_4, %add3A_140 : i32
    %dma_start3A_142 = arith.constant 9 : i32
    %dma_start3A_143 = arith.constant 0 : i32
    %dma_start3A_144 = arith.constant 0 : i32
    %dma_start3A_145 = tpu.memref_slice %arg5[%dma_start3A_142, %dma_start3A_143, %dma_start3A_144] : memref<16x1x4096xf32, #tpu.memory_space<vmem>> -> memref<1x1x4096xf32, #tpu.memory_space<vmem>>
    %dma_start3A_146 = tpu.memref_squeeze %dma_start3A_145 : memref<1x1x4096xf32, #tpu.memory_space<vmem>> -> memref<1x4096xf32, #tpu.memory_space<vmem>>
    %dma_start3A_147 = arith.constant 0 : i32
    %dma_start3A_148 = tpu.memref_slice %arg2[%add3A_141, %dma_start3A_147] : memref<8192x4096xf32, #tpu.memory_space<hbm>> -> memref<1x4096xf32, #tpu.memory_space<hbm>>
    %dma_start3A_149 = arith.constant 0 : i32
    %dma_start3A_150 = arith.constant 0 : i32
    %dma_start3A_151 = tpu.memref_slice %arg5[%dma_start3A_142, %dma_start3A_149, %dma_start3A_150] : memref<16x1x4096xf32, #tpu.memory_space<vmem>> -> memref<1x1x4096xf32, #tpu.memory_space<vmem>>
    %dma_start3A_152 = tpu.memref_squeeze %dma_start3A_151 : memref<1x1x4096xf32, #tpu.memory_space<vmem>> -> memref<1x4096xf32, #tpu.memory_space<vmem>>
    %dma_start3A_153 = arith.constant 0 : i32
    %dma_start3A_154 = tpu.memref_slice %arg2[%add3A_141, %dma_start3A_153] : memref<8192x4096xf32, #tpu.memory_space<hbm>> -> memref<1x4096xf32, #tpu.memory_space<hbm>>
    tpu.enqueue_dma source(%dma_start3A_154 : memref<1x4096xf32, #tpu.memory_space<hbm>>) target(%dma_start3A_152 : memref<1x4096xf32, #tpu.memory_space<vmem>>) target_semaphore(%arg17 : memref<!tpu.dma_semaphore, #tpu.memory_space<semaphore_mem>>)
    %add3A_155 = arith.constant 10 : i32
    %add3A_156 = arith.addi %add3A_4, %add3A_155 : i32
    %dma_start3A_157 = arith.constant 10 : i32
    %dma_start3A_158 = arith.constant 0 : i32
    %dma_start3A_159 = arith.constant 0 : i32
    %dma_start3A_160 = tpu.memref_slice %arg5[%dma_start3A_157, %dma_start3A_158, %dma_start3A_159] : memref<16x1x4096xf32, #tpu.memory_space<vmem>> -> memref<1x1x4096xf32, #tpu.memory_space<vmem>>
    %dma_start3A_161 = tpu.memref_squeeze %dma_start3A_160 : memref<1x1x4096xf32, #tpu.memory_space<vmem>> -> memref<1x4096xf32, #tpu.memory_space<vmem>>
    %dma_start3A_162 = arith.constant 0 : i32
    %dma_start3A_163 = tpu.memref_slice %arg2[%add3A_156, %dma_start3A_162] : memref<8192x4096xf32, #tpu.memory_space<hbm>> -> memref<1x4096xf32, #tpu.memory_space<hbm>>
    %dma_start3A_164 = arith.constant 0 : i32
    %dma_start3A_165 = arith.constant 0 : i32
    %dma_start3A_166 = tpu.memref_slice %arg5[%dma_start3A_157, %dma_start3A_164, %dma_start3A_165] : memref<16x1x4096xf32, #tpu.memory_space<vmem>> -> memref<1x1x4096xf32, #tpu.memory_space<vmem>>
    %dma_start3A_167 = tpu.memref_squeeze %dma_start3A_166 : memref<1x1x4096xf32, #tpu.memory_space<vmem>> -> memref<1x4096xf32, #tpu.memory_space<vmem>>
    %dma_start3A_168 = arith.constant 0 : i32
    %dma_start3A_169 = tpu.memref_slice %arg2[%add3A_156, %dma_start3A_168] : memref<8192x4096xf32, #tpu.memory_space<hbm>> -> memref<1x4096xf32, #tpu.memory_space<hbm>>
    tpu.enqueue_dma source(%dma_start3A_169 : memref<1x4096xf32, #tpu.memory_space<hbm>>) target(%dma_start3A_167 : memref<1x4096xf32, #tpu.memory_space<vmem>>) target_semaphore(%arg18 : memref<!tpu.dma_semaphore, #tpu.memory_space<semaphore_mem>>)
    %add3A_170 = arith.constant 11 : i32
    %add3A_171 = arith.addi %add3A_4, %add3A_170 : i32
    %dma_start3A_172 = arith.constant 11 : i32
    %dma_start3A_173 = arith.constant 0 : i32
    %dma_start3A_174 = arith.constant 0 : i32
    %dma_start3A_175 = tpu.memref_slice %arg5[%dma_start3A_172, %dma_start3A_173, %dma_start3A_174] : memref<16x1x4096xf32, #tpu.memory_space<vmem>> -> memref<1x1x4096xf32, #tpu.memory_space<vmem>>
    %dma_start3A_176 = tpu.memref_squeeze %dma_start3A_175 : memref<1x1x4096xf32, #tpu.memory_space<vmem>> -> memref<1x4096xf32, #tpu.memory_space<vmem>>
    %dma_start3A_177 = arith.constant 0 : i32
    %dma_start3A_178 = tpu.memref_slice %arg2[%add3A_171, %dma_start3A_177] : memref<8192x4096xf32, #tpu.memory_space<hbm>> -> memref<1x4096xf32, #tpu.memory_space<hbm>>
    %dma_start3A_179 = arith.constant 0 : i32
    %dma_start3A_180 = arith.constant 0 : i32
    %dma_start3A_181 = tpu.memref_slice %arg5[%dma_start3A_172, %dma_start3A_179, %dma_start3A_180] : memref<16x1x4096xf32, #tpu.memory_space<vmem>> -> memref<1x1x4096xf32, #tpu.memory_space<vmem>>
    %dma_start3A_182 = tpu.memref_squeeze %dma_start3A_181 : memref<1x1x4096xf32, #tpu.memory_space<vmem>> -> memref<1x4096xf32, #tpu.memory_space<vmem>>
    %dma_start3A_183 = arith.constant 0 : i32
    %dma_start3A_184 = tpu.memref_slice %arg2[%add3A_171, %dma_start3A_183] : memref<8192x4096xf32, #tpu.memory_space<hbm>> -> memref<1x4096xf32, #tpu.memory_space<hbm>>
    tpu.enqueue_dma source(%dma_start3A_184 : memref<1x4096xf32, #tpu.memory_space<hbm>>) target(%dma_start3A_182 : memref<1x4096xf32, #tpu.memory_space<vmem>>) target_semaphore(%arg19 : memref<!tpu.dma_semaphore, #tpu.memory_space<semaphore_mem>>)
    %add3A_185 = arith.constant 12 : i32
    %add3A_186 = arith.addi %add3A_4, %add3A_185 : i32
    %dma_start3A_187 = arith.constant 12 : i32
    %dma_start3A_188 = arith.constant 0 : i32
    %dma_start3A_189 = arith.constant 0 : i32
    %dma_start3A_190 = tpu.memref_slice %arg5[%dma_start3A_187, %dma_start3A_188, %dma_start3A_189] : memref<16x1x4096xf32, #tpu.memory_space<vmem>> -> memref<1x1x4096xf32, #tpu.memory_space<vmem>>
    %dma_start3A_191 = tpu.memref_squeeze %dma_start3A_190 : memref<1x1x4096xf32, #tpu.memory_space<vmem>> -> memref<1x4096xf32, #tpu.memory_space<vmem>>
    %dma_start3A_192 = arith.constant 0 : i32
    %dma_start3A_193 = tpu.memref_slice %arg2[%add3A_186, %dma_start3A_192] : memref<8192x4096xf32, #tpu.memory_space<hbm>> -> memref<1x4096xf32, #tpu.memory_space<hbm>>
    %dma_start3A_194 = arith.constant 0 : i32
    %dma_start3A_195 = arith.constant 0 : i32
    %dma_start3A_196 = tpu.memref_slice %arg5[%dma_start3A_187, %dma_start3A_194, %dma_start3A_195] : memref<16x1x4096xf32, #tpu.memory_space<vmem>> -> memref<1x1x4096xf32, #tpu.memory_space<vmem>>
    %dma_start3A_197 = tpu.memref_squeeze %dma_start3A_196 : memref<1x1x4096xf32, #tpu.memory_space<vmem>> -> memref<1x4096xf32, #tpu.memory_space<vmem>>
    %dma_start3A_198 = arith.constant 0 : i32
    %dma_start3A_199 = tpu.memref_slice %arg2[%add3A_186, %dma_start3A_198] : memref<8192x4096xf32, #tpu.memory_space<hbm>> -> memref<1x4096xf32, #tpu.memory_space<hbm>>
    tpu.enqueue_dma source(%dma_start3A_199 : memref<1x4096xf32, #tpu.memory_space<hbm>>) target(%dma_start3A_197 : memref<1x4096xf32, #tpu.memory_space<vmem>>) target_semaphore(%arg20 : memref<!tpu.dma_semaphore, #tpu.memory_space<semaphore_mem>>)
    %add3A_200 = arith.constant 13 : i32
    %add3A_201 = arith.addi %add3A_4, %add3A_200 : i32
    %dma_start3A_202 = arith.constant 13 : i32
    %dma_start3A_203 = arith.constant 0 : i32
    %dma_start3A_204 = arith.constant 0 : i32
    %dma_start3A_205 = tpu.memref_slice %arg5[%dma_start3A_202, %dma_start3A_203, %dma_start3A_204] : memref<16x1x4096xf32, #tpu.memory_space<vmem>> -> memref<1x1x4096xf32, #tpu.memory_space<vmem>>
    %dma_start3A_206 = tpu.memref_squeeze %dma_start3A_205 : memref<1x1x4096xf32, #tpu.memory_space<vmem>> -> memref<1x4096xf32, #tpu.memory_space<vmem>>
    %dma_start3A_207 = arith.constant 0 : i32
    %dma_start3A_208 = tpu.memref_slice %arg2[%add3A_201, %dma_start3A_207] : memref<8192x4096xf32, #tpu.memory_space<hbm>> -> memref<1x4096xf32, #tpu.memory_space<hbm>>
    %dma_start3A_209 = arith.constant 0 : i32
    %dma_start3A_210 = arith.constant 0 : i32
    %dma_start3A_211 = tpu.memref_slice %arg5[%dma_start3A_202, %dma_start3A_209, %dma_start3A_210] : memref<16x1x4096xf32, #tpu.memory_space<vmem>> -> memref<1x1x4096xf32, #tpu.memory_space<vmem>>
    %dma_start3A_212 = tpu.memref_squeeze %dma_start3A_211 : memref<1x1x4096xf32, #tpu.memory_space<vmem>> -> memref<1x4096xf32, #tpu.memory_space<vmem>>
    %dma_start3A_213 = arith.constant 0 : i32
    %dma_start3A_214 = tpu.memref_slice %arg2[%add3A_201, %dma_start3A_213] : memref<8192x4096xf32, #tpu.memory_space<hbm>> -> memref<1x4096xf32, #tpu.memory_space<hbm>>
    tpu.enqueue_dma source(%dma_start3A_214 : memref<1x4096xf32, #tpu.memory_space<hbm>>) target(%dma_start3A_212 : memref<1x4096xf32, #tpu.memory_space<vmem>>) target_semaphore(%arg21 : memref<!tpu.dma_semaphore, #tpu.memory_space<semaphore_mem>>)
    %add3A_215 = arith.constant 14 : i32
    %add3A_216 = arith.addi %add3A_4, %add3A_215 : i32
    %dma_start3A_217 = arith.constant 14 : i32
    %dma_start3A_218 = arith.constant 0 : i32
    %dma_start3A_219 = arith.constant 0 : i32
    %dma_start3A_220 = tpu.memref_slice %arg5[%dma_start3A_217, %dma_start3A_218, %dma_start3A_219] : memref<16x1x4096xf32, #tpu.memory_space<vmem>> -> memref<1x1x4096xf32, #tpu.memory_space<vmem>>
    %dma_start3A_221 = tpu.memref_squeeze %dma_start3A_220 : memref<1x1x4096xf32, #tpu.memory_space<vmem>> -> memref<1x4096xf32, #tpu.memory_space<vmem>>
    %dma_start3A_222 = arith.constant 0 : i32
    %dma_start3A_223 = tpu.memref_slice %arg2[%add3A_216, %dma_start3A_222] : memref<8192x4096xf32, #tpu.memory_space<hbm>> -> memref<1x4096xf32, #tpu.memory_space<hbm>>
    %dma_start3A_224 = arith.constant 0 : i32
    %dma_start3A_225 = arith.constant 0 : i32
    %dma_start3A_226 = tpu.memref_slice %arg5[%dma_start3A_217, %dma_start3A_224, %dma_start3A_225] : memref<16x1x4096xf32, #tpu.memory_space<vmem>> -> memref<1x1x4096xf32, #tpu.memory_space<vmem>>
    %dma_start3A_227 = tpu.memref_squeeze %dma_start3A_226 : memref<1x1x4096xf32, #tpu.memory_space<vmem>> -> memref<1x4096xf32, #tpu.memory_space<vmem>>
    %dma_start3A_228 = arith.constant 0 : i32
    %dma_start3A_229 = tpu.memref_slice %arg2[%add3A_216, %dma_start3A_228] : memref<8192x4096xf32, #tpu.memory_space<hbm>> -> memref<1x4096xf32, #tpu.memory_space<hbm>>
    tpu.enqueue_dma source(%dma_start3A_229 : memref<1x4096xf32, #tpu.memory_space<hbm>>) target(%dma_start3A_227 : memref<1x4096xf32, #tpu.memory_space<vmem>>) target_semaphore(%arg22 : memref<!tpu.dma_semaphore, #tpu.memory_space<semaphore_mem>>)
    %add3A_230 = arith.constant 15 : i32
    %add3A_231 = arith.addi %add3A_4, %add3A_230 : i32
    %dma_start3A_232 = arith.constant 15 : i32
    %dma_start3A_233 = arith.constant 0 : i32
    %dma_start3A_234 = arith.constant 0 : i32
    %dma_start3A_235 = tpu.memref_slice %arg5[%dma_start3A_232, %dma_start3A_233, %dma_start3A_234] : memref<16x1x4096xf32, #tpu.memory_space<vmem>> -> memref<1x1x4096xf32, #tpu.memory_space<vmem>>
    %dma_start3A_236 = tpu.memref_squeeze %dma_start3A_235 : memref<1x1x4096xf32, #tpu.memory_space<vmem>> -> memref<1x4096xf32, #tpu.memory_space<vmem>>
    %dma_start3A_237 = arith.constant 0 : i32
    %dma_start3A_238 = tpu.memref_slice %arg2[%add3A_231, %dma_start3A_237] : memref<8192x4096xf32, #tpu.memory_space<hbm>> -> memref<1x4096xf32, #tpu.memory_space<hbm>>
    %dma_start3A_239 = arith.constant 0 : i32
    %dma_start3A_240 = arith.constant 0 : i32
    %dma_start3A_241 = tpu.memref_slice %arg5[%dma_start3A_232, %dma_start3A_239, %dma_start3A_240] : memref<16x1x4096xf32, #tpu.memory_space<vmem>> -> memref<1x1x4096xf32, #tpu.memory_space<vmem>>
    %dma_start3A_242 = tpu.memref_squeeze %dma_start3A_241 : memref<1x1x4096xf32, #tpu.memory_space<vmem>> -> memref<1x4096xf32, #tpu.memory_space<vmem>>
    %dma_start3A_243 = arith.constant 0 : i32
    %dma_start3A_244 = tpu.memref_slice %arg2[%add3A_231, %dma_start3A_243] : memref<8192x4096xf32, #tpu.memory_space<hbm>> -> memref<1x4096xf32, #tpu.memory_space<hbm>>
    tpu.enqueue_dma source(%dma_start3A_244 : memref<1x4096xf32, #tpu.memory_space<hbm>>) target(%dma_start3A_242 : memref<1x4096xf32, #tpu.memory_space<vmem>>) target_semaphore(%arg23 : memref<!tpu.dma_semaphore, #tpu.memory_space<semaphore_mem>>)
    %broadcast_in_dim3A_245 = arith.constant 0 : i32
    %broadcast_in_dim3A_246 = vector.broadcast %broadcast_in_dim3A_245 : i32 to vector<16xi32>
    %scan3A = arith.constant 0 : i32
    %scan3A_247 = arith.constant 7 : i32
    %scan3A_248 = arith.addi %scan3A, %scan3A_247 : i32
    %scan3A_249 = arith.constant 1 : i32
    %scan3A_250:2 = scf.for %scan3A_571 = %scan3A to %scan3A_248 step %scan3A_249 iter_args(%scan3A_572 = %broadcast_in_dim3A_5, %scan3A_573 = %broadcast_in_dim3A_246) -> (vector<16xf32>, vector<16xi32>)  : i32 {
      %mul3A_574 = arith.constant 16 : i32
      %mul3A_575 = arith.muli %mul3A_574, %scan3A_571 : i32
      %add3A_576 = arith.constant 0 : i32
      %add3A_577 = arith.addi %mul3A_575, %add3A_576 : i32
      %mul3A_578 = arith.constant 1 : i32
      %mul3A_579 = arith.muli %add3A_577, %mul3A_578 : i32
      %add3A_580 = arith.addi %add3A_4, %mul3A_579 : i32
      %dma_wait3A_581 = arith.constant 0 : i32
      %dma_wait3A_582 = arith.constant 0 : i32
      %dma_wait3A_583 = arith.constant 0 : i32
      %dma_wait3A_584 = tpu.memref_slice %arg5[%dma_wait3A_581, %dma_wait3A_582, %dma_wait3A_583] : memref<16x1x4096xf32, #tpu.memory_space<vmem>> -> memref<1x1x4096xf32, #tpu.memory_space<vmem>>
      %dma_wait3A_585 = tpu.memref_squeeze %dma_wait3A_584 : memref<1x1x4096xf32, #tpu.memory_space<vmem>> -> memref<1x4096xf32, #tpu.memory_space<vmem>>
      %dma_wait3A_586 = arith.constant 0 : i32
      %dma_wait3A_587 = tpu.memref_slice %arg2[%add3A_580, %dma_wait3A_586] : memref<8192x4096xf32, #tpu.memory_space<hbm>> -> memref<1x4096xf32, #tpu.memory_space<hbm>>
      %dma_wait3A_588 = arith.constant 0 : i32
      %dma_wait3A_589 = arith.constant 0 : i32
      %dma_wait3A_590 = tpu.memref_slice %arg5[%dma_wait3A_581, %dma_wait3A_588, %dma_wait3A_589] : memref<16x1x4096xf32, #tpu.memory_space<vmem>> -> memref<1x1x4096xf32, #tpu.memory_space<vmem>>
      %dma_wait3A_591 = tpu.memref_squeeze %dma_wait3A_590 : memref<1x1x4096xf32, #tpu.memory_space<vmem>> -> memref<1x4096xf32, #tpu.memory_space<vmem>>
      %dma_wait3A_592 = arith.constant 0 : i32
      %dma_wait3A_593 = tpu.memref_slice %arg2[%add3A_580, %dma_wait3A_592] : memref<8192x4096xf32, #tpu.memory_space<hbm>> -> memref<1x4096xf32, #tpu.memory_space<hbm>>
      tpu.wait_dma2 semaphore(%arg8 : memref<!tpu.dma_semaphore, #tpu.memory_space<semaphore_mem>>) src(%dma_wait3A_593 : memref<1x4096xf32, #tpu.memory_space<hbm>>) dst(%dma_wait3A_591 : memref<1x4096xf32, #tpu.memory_space<vmem>>)
      %scan3A_594 = arith.constant 0 : i32
      %scan3A_595 = arith.constant 0 : i32
      %scan3A_596 = arith.constant 0 : i32
      %scan3A_597 = arith.constant 32 : i32
      %scan3A_598 = arith.addi %scan3A_596, %scan3A_597 : i32
      %scan3A_599 = arith.constant 1 : i32
      %scan3A_600:4 = scf.for %scan3A_1244 = %scan3A_596 to %scan3A_598 step %scan3A_599 iter_args(%scan3A_1245 = %broadcast_in_dim3A_5, %scan3A_1246 = %broadcast_in_dim3A_5, %scan3A_1247 = %broadcast_in_dim3A_5, %scan3A_1248 = %broadcast_in_dim3A_5) -> (vector<16xf32>, vector<16xf32>, vector<16xf32>, vector<16xf32>)  : i32 {
        %mul3A_1249 = arith.constant 128 : i32
        %mul3A_1250 = arith.muli %scan3A_1244, %mul3A_1249 : i32
        %add3A_1251 = arith.constant 0 : i32
        %add3A_1252 = arith.addi %mul3A_1250, %add3A_1251 : i32
        %get3A = arith.constant 0 : i32
        %get3A_1253 = tpu.memref_slice %arg5[%scan3A_594, %scan3A_595, %get3A] : memref<16x1x4096xf32, #tpu.memory_space<vmem>> -> memref<1x1x4096xf32, #tpu.memory_space<vmem>>
        %get3A_1254 = tpu.memref_squeeze %get3A_1253 : memref<1x1x4096xf32, #tpu.memory_space<vmem>> -> memref<4096xf32, #tpu.memory_space<vmem>>
        %get3A_1255 = arith.index_cast %add3A_1252 : i32 to index
        %get3A_1256 = tpu.vector_load %get3A_1254[%get3A_1255] {strides = array<i32>} : memref<4096xf32, #tpu.memory_space<vmem>>, vector<16xf32>,
        %get3A_1257 = vector.shape_cast %get3A_1256 : vector<16xf32> to vector<16xf32>
        %max3A_1258 = arith.maximumf %scan3A_1245, %get3A_1257 : vector<16xf32>
        %add3A_1259 = arith.constant 16 : i32
        %add3A_1260 = arith.addi %mul3A_1250, %add3A_1259 : i32
        %get3A_1261 = arith.constant 0 : i32
        %get3A_1262 = tpu.memref_slice %arg5[%scan3A_594, %scan3A_595, %get3A_1261] : memref<16x1x4096xf32, #tpu.memory_space<vmem>> -> memref<1x1x4096xf32, #tpu.memory_space<vmem>>
        %get3A_1263 = tpu.memref_squeeze %get3A_1262 : memref<1x1x4096xf32, #tpu.memory_space<vmem>> -> memref<4096xf32, #tpu.memory_space<vmem>>
        %get3A_1264 = arith.index_cast %add3A_1260 : i32 to index
        %get3A_1265 = tpu.vector_load %get3A_1263[%get3A_1264] {strides = array<i32>} : memref<4096xf32, #tpu.memory_space<vmem>>, vector<16xf32>,
        %get3A_1266 = vector.shape_cast %get3A_1265 : vector<16xf32> to vector<16xf32>
        %max3A_1267 = arith.maximumf %scan3A_1246, %get3A_1266 : vector<16xf32>
        %add3A_1268 = arith.constant 32 : i32
        %add3A_1269 = arith.addi %mul3A_1250, %add3A_1268 : i32
        %get3A_1270 = arith.constant 0 : i32
        %get3A_1271 = tpu.memref_slice %arg5[%scan3A_594, %scan3A_595, %get3A_1270] : memref<16x1x4096xf32, #tpu.memory_space<vmem>> -> memref<1x1x4096xf32, #tpu.memory_space<vmem>>
        %get3A_1272 = tpu.memref_squeeze %get3A_1271 : memref<1x1x4096xf32, #tpu.memory_space<vmem>> -> memref<4096xf32, #tpu.memory_space<vmem>>
        %get3A_1273 = arith.index_cast %add3A_1269 : i32 to index
        %get3A_1274 = tpu.vector_load %get3A_1272[%get3A_1273] {strides = array<i32>} : memref<4096xf32, #tpu.memory_space<vmem>>, vector<16xf32>,
        %get3A_1275 = vector.shape_cast %get3A_1274 : vector<16xf32> to vector<16xf32>
        %max3A_1276 = arith.maximumf %scan3A_1247, %get3A_1275 : vector<16xf32>
        %add3A_1277 = arith.constant 48 : i32
        %add3A_1278 = arith.addi %mul3A_1250, %add3A_1277 : i32
        %get3A_1279 = arith.constant 0 : i32
        %get3A_1280 = tpu.memref_slice %arg5[%scan3A_594, %scan3A_595, %get3A_1279] : memref<16x1x4096xf32, #tpu.memory_space<vmem>> -> memref<1x1x4096xf32, #tpu.memory_space<vmem>>
        %get3A_1281 = tpu.memref_squeeze %get3A_1280 : memref<1x1x4096xf32, #tpu.memory_space<vmem>> -> memref<4096xf32, #tpu.memory_space<vmem>>
        %get3A_1282 = arith.index_cast %add3A_1278 : i32 to index
        %get3A_1283 = tpu.vector_load %get3A_1281[%get3A_1282] {strides = array<i32>} : memref<4096xf32, #tpu.memory_space<vmem>>, vector<16xf32>,
        %get3A_1284 = vector.shape_cast %get3A_1283 : vector<16xf32> to vector<16xf32>
        %max3A_1285 = arith.maximumf %scan3A_1248, %get3A_1284 : vector<16xf32>
        %add3A_1286 = arith.constant 64 : i32
        %add3A_1287 = arith.addi %mul3A_1250, %add3A_1286 : i32
        %get3A_1288 = arith.constant 0 : i32
        %get3A_1289 = tpu.memref_slice %arg5[%scan3A_594, %scan3A_595, %get3A_1288] : memref<16x1x4096xf32, #tpu.memory_space<vmem>> -> memref<1x1x4096xf32, #tpu.memory_space<vmem>>
        %get3A_1290 = tpu.memref_squeeze %get3A_1289 : memref<1x1x4096xf32, #tpu.memory_space<vmem>> -> memref<4096xf32, #tpu.memory_space<vmem>>
        %get3A_1291 = arith.index_cast %add3A_1287 : i32 to index
        %get3A_1292 = tpu.vector_load %get3A_1290[%get3A_1291] {strides = array<i32>} : memref<4096xf32, #tpu.memory_space<vmem>>, vector<16xf32>,
        %get3A_1293 = vector.shape_cast %get3A_1292 : vector<16xf32> to vector<16xf32>
        %max3A_1294 = arith.maximumf %max3A_1258, %get3A_1293 : vector<16xf32>
        %add3A_1295 = arith.constant 80 : i32
        %add3A_1296 = arith.addi %mul3A_1250, %add3A_1295 : i32
        %get3A_1297 = arith.constant 0 : i32
        %get3A_1298 = tpu.memref_slice %arg5[%scan3A_594, %scan3A_595, %get3A_1297] : memref<16x1x4096xf32, #tpu.memory_space<vmem>> -> memref<1x1x4096xf32, #tpu.memory_space<vmem>>
        %get3A_1299 = tpu.memref_squeeze %get3A_1298 : memref<1x1x4096xf32, #tpu.memory_space<vmem>> -> memref<4096xf32, #tpu.memory_space<vmem>>
        %get3A_1300 = arith.index_cast %add3A_1296 : i32 to index
        %get3A_1301 = tpu.vector_load %get3A_1299[%get3A_1300] {strides = array<i32>} : memref<4096xf32, #tpu.memory_space<vmem>>, vector<16xf32>,
        %get3A_1302 = vector.shape_cast %get3A_1301 : vector<16xf32> to vector<16xf32>
        %max3A_1303 = arith.maximumf %max3A_1267, %get3A_1302 : vector<16xf32>
        %add3A_1304 = arith.constant 96 : i32
        %add3A_1305 = arith.addi %mul3A_1250, %add3A_1304 : i32
        %get3A_1306 = arith.constant 0 : i32
        %get3A_1307 = tpu.memref_slice %arg5[%scan3A_594, %scan3A_595, %get3A_1306] : memref<16x1x4096xf32, #tpu.memory_space<vmem>> -> memref<1x1x4096xf32, #tpu.memory_space<vmem>>
        %get3A_1308 = tpu.memref_squeeze %get3A_1307 : memref<1x1x4096xf32, #tpu.memory_space<vmem>> -> memref<4096xf32, #tpu.memory_space<vmem>>
        %get3A_1309 = arith.index_cast %add3A_1305 : i32 to index
        %get3A_1310 = tpu.vector_load %get3A_1308[%get3A_1309] {strides = array<i32>} : memref<4096xf32, #tpu.memory_space<vmem>>, vector<16xf32>,
        %get3A_1311 = vector.shape_cast %get3A_1310 : vector<16xf32> to vector<16xf32>
        %max3A_1312 = arith.maximumf %max3A_1276, %get3A_1311 : vector<16xf32>
        %add3A_1313 = arith.constant 112 : i32
        %add3A_1314 = arith.addi %mul3A_1250, %add3A_1313 : i32
        %get3A_1315 = arith.constant 0 : i32
        %get3A_1316 = tpu.memref_slice %arg5[%scan3A_594, %scan3A_595, %get3A_1315] : memref<16x1x4096xf32, #tpu.memory_space<vmem>> -> memref<1x1x4096xf32, #tpu.memory_space<vmem>>
        %get3A_1317 = tpu.memref_squeeze %get3A_1316 : memref<1x1x4096xf32, #tpu.memory_space<vmem>> -> memref<4096xf32, #tpu.memory_space<vmem>>
        %get3A_1318 = arith.index_cast %add3A_1314 : i32 to index
        %get3A_1319 = tpu.vector_load %get3A_1317[%get3A_1318] {strides = array<i32>} : memref<4096xf32, #tpu.memory_space<vmem>>, vector<16xf32>,
        %get3A_1320 = vector.shape_cast %get3A_1319 : vector<16xf32> to vector<16xf32>
        %max3A_1321 = arith.maximumf %max3A_1285, %get3A_1320 : vector<16xf32>
        scf.yield %max3A_1294, %max3A_1303, %max3A_1312, %max3A_1321 : vector<16xf32>, vector<16xf32>, vector<16xf32>, vector<16xf32>
      }
      %scan3A_601 = arith.constant 32 : i32
      %max3A_602 = arith.maximumf %scan3A_600#0, %scan3A_600#2 : vector<16xf32>
      %max3A_603 = arith.maximumf %scan3A_600#1, %scan3A_600#3 : vector<16xf32>
      %max3A_604 = arith.maximumf %max3A_602, %max3A_603 : vector<16xf32>
      %add3A_605 = arith.constant 16 : i32
      %add3A_606 = arith.addi %add3A_577, %add3A_605 : i32
      %lt3A_607 = arith.constant 116 : i32
      %lt3A_608 = arith.cmpi slt, %add3A_606, %lt3A_607 : i32
      %convert_element_type3A = arith.extui %lt3A_608 : i1 to i32
      %cond3A = arith.constant 0 : i32
      %cond3A_609 = arith.cmpi ne, %convert_element_type3A, %cond3A : i32
      scf.if %cond3A_609 {
        %mul3A_1244 = arith.constant 1 : i32
        %mul3A_1245 = arith.muli %add3A_606, %mul3A_1244 : i32
        %add3A_1246 = arith.addi %add3A_4, %mul3A_1245 : i32
        %dma_start3A_1247 = arith.constant 0 : i32
        %dma_start3A_1248 = arith.constant 0 : i32
        %dma_start3A_1249 = arith.constant 0 : i32
        %dma_start3A_1250 = tpu.memref_slice %arg5[%dma_start3A_1247, %dma_start3A_1248, %dma_start3A_1249] : memref<16x1x4096xf32, #tpu.memory_space<vmem>> -> memref<1x1x4096xf32, #tpu.memory_space<vmem>>
        %dma_start3A_1251 = tpu.memref_squeeze %dma_start3A_1250 : memref<1x1x4096xf32, #tpu.memory_space<vmem>> -> memref<1x4096xf32, #tpu.memory_space<vmem>>
        %dma_start3A_1252 = arith.constant 0 : i32
        %dma_start3A_1253 = tpu.memref_slice %arg2[%add3A_1246, %dma_start3A_1252] : memref<8192x4096xf32, #tpu.memory_space<hbm>> -> memref<1x4096xf32, #tpu.memory_space<hbm>>
        %dma_start3A_1254 = arith.constant 0 : i32
        %dma_start3A_1255 = arith.constant 0 : i32
        %dma_start3A_1256 = tpu.memref_slice %arg5[%dma_start3A_1247, %dma_start3A_1254, %dma_start3A_1255] : memref<16x1x4096xf32, #tpu.memory_space<vmem>> -> memref<1x1x4096xf32, #tpu.memory_space<vmem>>
        %dma_start3A_1257 = tpu.memref_squeeze %dma_start3A_1256 : memref<1x1x4096xf32, #tpu.memory_space<vmem>> -> memref<1x4096xf32, #tpu.memory_space<vmem>>
        %dma_start3A_1258 = arith.constant 0 : i32
        %dma_start3A_1259 = tpu.memref_slice %arg2[%add3A_1246, %dma_start3A_1258] : memref<8192x4096xf32, #tpu.memory_space<hbm>> -> memref<1x4096xf32, #tpu.memory_space<hbm>>
        tpu.enqueue_dma source(%dma_start3A_1259 : memref<1x4096xf32, #tpu.memory_space<hbm>>) target(%dma_start3A_1257 : memref<1x4096xf32, #tpu.memory_space<vmem>>) target_semaphore(%arg8 : memref<!tpu.dma_semaphore, #tpu.memory_space<semaphore_mem>>)
      } else {
      }
      %gt3A_610 = arith.cmpf ogt, %max3A_604, %scan3A_572 : vector<16xf32>
      %broadcast_in_dim3A_611 = vector.broadcast %add3A_577 : i32 to vector<16xi32>
      %select_n3A_612 = arith.select %gt3A_610, %broadcast_in_dim3A_611, %scan3A_573 : vector<16xi1>, vector<16xi32>
      %max3A_613 = arith.maximumf %scan3A_572, %max3A_604 : vector<16xf32>
      %mul3A_614 = arith.constant 16 : i32
      %mul3A_615 = arith.muli %mul3A_614, %scan3A_571 : i32
      %add3A_616 = arith.constant 1 : i32
      %add3A_617 = arith.addi %mul3A_615, %add3A_616 : i32
      %mul3A_618 = arith.constant 1 : i32
      %mul3A_619 = arith.muli %add3A_617, %mul3A_618 : i32
      %add3A_620 = arith.addi %add3A_4, %mul3A_619 : i32
      %dma_wait3A_621 = arith.constant 1 : i32
      %dma_wait3A_622 = arith.constant 0 : i32
      %dma_wait3A_623 = arith.constant 0 : i32
      %dma_wait3A_624 = tpu.memref_slice %arg5[%dma_wait3A_621, %dma_wait3A_622, %dma_wait3A_623] : memref<16x1x4096xf32, #tpu.memory_space<vmem>> -> memref<1x1x4096xf32, #tpu.memory_space<vmem>>
      %dma_wait3A_625 = tpu.memref_squeeze %dma_wait3A_624 : memref<1x1x4096xf32, #tpu.memory_space<vmem>> -> memref<1x4096xf32, #tpu.memory_space<vmem>>
      %dma_wait3A_626 = arith.constant 0 : i32
      %dma_wait3A_627 = tpu.memref_slice %arg2[%add3A_620, %dma_wait3A_626] : memref<8192x4096xf32, #tpu.memory_space<hbm>> -> memref<1x4096xf32, #tpu.memory_space<hbm>>
      %dma_wait3A_628 = arith.constant 0 : i32
      %dma_wait3A_629 = arith.constant 0 : i32
      %dma_wait3A_630 = tpu.memref_slice %arg5[%dma_wait3A_621, %dma_wait3A_628, %dma_wait3A_629] : memref<16x1x4096xf32, #tpu.memory_space<vmem>> -> memref<1x1x4096xf32, #tpu.memory_space<vmem>>
      %dma_wait3A_631 = tpu.memref_squeeze %dma_wait3A_630 : memref<1x1x4096xf32, #tpu.memory_space<vmem>> -> memref<1x4096xf32, #tpu.memory_space<vmem>>
      %dma_wait3A_632 = arith.constant 0 : i32
      %dma_wait3A_633 = tpu.memref_slice %arg2[%add3A_620, %dma_wait3A_632] : memref<8192x4096xf32, #tpu.memory_space<hbm>> -> memref<1x4096xf32, #tpu.memory_space<hbm>>
      tpu.wait_dma2 semaphore(%arg9 : memref<!tpu.dma_semaphore, #tpu.memory_space<semaphore_mem>>) src(%dma_wait3A_633 : memref<1x4096xf32, #tpu.memory_space<hbm>>) dst(%dma_wait3A_631 : memref<1x4096xf32, #tpu.memory_space<vmem>>)
      %scan3A_634 = arith.constant 1 : i32
      %scan3A_635 = arith.constant 0 : i32
      %scan3A_636 = arith.constant 0 : i32
      %scan3A_637 = arith.constant 32 : i32
      %scan3A_638 = arith.addi %scan3A_636, %scan3A_637 : i32
      %scan3A_639 = arith.constant 1 : i32
      %scan3A_640:4 = scf.for %scan3A_1244 = %scan3A_636 to %scan3A_638 step %scan3A_639 iter_args(%scan3A_1245 = %broadcast_in_dim3A_5, %scan3A_1246 = %broadcast_in_dim3A_5, %scan3A_1247 = %broadcast_in_dim3A_5, %scan3A_1248 = %broadcast_in_dim3A_5) -> (vector<16xf32>, vector<16xf32>, vector<16xf32>, vector<16xf32>)  : i32 {
        %mul3A_1249 = arith.constant 128 : i32
        %mul3A_1250 = arith.muli %scan3A_1244, %mul3A_1249 : i32
        %add3A_1251 = arith.constant 0 : i32
        %add3A_1252 = arith.addi %mul3A_1250, %add3A_1251 : i32
        %get3A = arith.constant 0 : i32
        %get3A_1253 = tpu.memref_slice %arg5[%scan3A_634, %scan3A_635, %get3A] : memref<16x1x4096xf32, #tpu.memory_space<vmem>> -> memref<1x1x4096xf32, #tpu.memory_space<vmem>>
        %get3A_1254 = tpu.memref_squeeze %get3A_1253 : memref<1x1x4096xf32, #tpu.memory_space<vmem>> -> memref<4096xf32, #tpu.memory_space<vmem>>
        %get3A_1255 = arith.index_cast %add3A_1252 : i32 to index
        %get3A_1256 = tpu.vector_load %get3A_1254[%get3A_1255] {strides = array<i32>} : memref<4096xf32, #tpu.memory_space<vmem>>, vector<16xf32>,
        %get3A_1257 = vector.shape_cast %get3A_1256 : vector<16xf32> to vector<16xf32>
        %max3A_1258 = arith.maximumf %scan3A_1245, %get3A_1257 : vector<16xf32>
        %add3A_1259 = arith.constant 16 : i32
        %add3A_1260 = arith.addi %mul3A_1250, %add3A_1259 : i32
        %get3A_1261 = arith.constant 0 : i32
        %get3A_1262 = tpu.memref_slice %arg5[%scan3A_634, %scan3A_635, %get3A_1261] : memref<16x1x4096xf32, #tpu.memory_space<vmem>> -> memref<1x1x4096xf32, #tpu.memory_space<vmem>>
        %get3A_1263 = tpu.memref_squeeze %get3A_1262 : memref<1x1x4096xf32, #tpu.memory_space<vmem>> -> memref<4096xf32, #tpu.memory_space<vmem>>
        %get3A_1264 = arith.index_cast %add3A_1260 : i32 to index
        %get3A_1265 = tpu.vector_load %get3A_1263[%get3A_1264] {strides = array<i32>} : memref<4096xf32, #tpu.memory_space<vmem>>, vector<16xf32>,
        %get3A_1266 = vector.shape_cast %get3A_1265 : vector<16xf32> to vector<16xf32>
        %max3A_1267 = arith.maximumf %scan3A_1246, %get3A_1266 : vector<16xf32>
        %add3A_1268 = arith.constant 32 : i32
        %add3A_1269 = arith.addi %mul3A_1250, %add3A_1268 : i32
        %get3A_1270 = arith.constant 0 : i32
        %get3A_1271 = tpu.memref_slice %arg5[%scan3A_634, %scan3A_635, %get3A_1270] : memref<16x1x4096xf32, #tpu.memory_space<vmem>> -> memref<1x1x4096xf32, #tpu.memory_space<vmem>>
        %get3A_1272 = tpu.memref_squeeze %get3A_1271 : memref<1x1x4096xf32, #tpu.memory_space<vmem>> -> memref<4096xf32, #tpu.memory_space<vmem>>
        %get3A_1273 = arith.index_cast %add3A_1269 : i32 to index
        %get3A_1274 = tpu.vector_load %get3A_1272[%get3A_1273] {strides = array<i32>} : memref<4096xf32, #tpu.memory_space<vmem>>, vector<16xf32>,
        %get3A_1275 = vector.shape_cast %get3A_1274 : vector<16xf32> to vector<16xf32>
        %max3A_1276 = arith.maximumf %scan3A_1247, %get3A_1275 : vector<16xf32>
        %add3A_1277 = arith.constant 48 : i32
        %add3A_1278 = arith.addi %mul3A_1250, %add3A_1277 : i32
        %get3A_1279 = arith.constant 0 : i32
        %get3A_1280 = tpu.memref_slice %arg5[%scan3A_634, %scan3A_635, %get3A_1279] : memref<16x1x4096xf32, #tpu.memory_space<vmem>> -> memref<1x1x4096xf32, #tpu.memory_space<vmem>>
        %get3A_1281 = tpu.memref_squeeze %get3A_1280 : memref<1x1x4096xf32, #tpu.memory_space<vmem>> -> memref<4096xf32, #tpu.memory_space<vmem>>
        %get3A_1282 = arith.index_cast %add3A_1278 : i32 to index
        %get3A_1283 = tpu.vector_load %get3A_1281[%get3A_1282] {strides = array<i32>} : memref<4096xf32, #tpu.memory_space<vmem>>, vector<16xf32>,
        %get3A_1284 = vector.shape_cast %get3A_1283 : vector<16xf32> to vector<16xf32>
        %max3A_1285 = arith.maximumf %scan3A_1248, %get3A_1284 : vector<16xf32>
        %add3A_1286 = arith.constant 64 : i32
        %add3A_1287 = arith.addi %mul3A_1250, %add3A_1286 : i32
        %get3A_1288 = arith.constant 0 : i32
        %get3A_1289 = tpu.memref_slice %arg5[%scan3A_634, %scan3A_635, %get3A_1288] : memref<16x1x4096xf32, #tpu.memory_space<vmem>> -> memref<1x1x4096xf32, #tpu.memory_space<vmem>>
        %get3A_1290 = tpu.memref_squeeze %get3A_1289 : memref<1x1x4096xf32, #tpu.memory_space<vmem>> -> memref<4096xf32, #tpu.memory_space<vmem>>
        %get3A_1291 = arith.index_cast %add3A_1287 : i32 to index
        %get3A_1292 = tpu.vector_load %get3A_1290[%get3A_1291] {strides = array<i32>} : memref<4096xf32, #tpu.memory_space<vmem>>, vector<16xf32>,
        %get3A_1293 = vector.shape_cast %get3A_1292 : vector<16xf32> to vector<16xf32>
        %max3A_1294 = arith.maximumf %max3A_1258, %get3A_1293 : vector<16xf32>
        %add3A_1295 = arith.constant 80 : i32
        %add3A_1296 = arith.addi %mul3A_1250, %add3A_1295 : i32
        %get3A_1297 = arith.constant 0 : i32
        %get3A_1298 = tpu.memref_slice %arg5[%scan3A_634, %scan3A_635, %get3A_1297] : memref<16x1x4096xf32, #tpu.memory_space<vmem>> -> memref<1x1x4096xf32, #tpu.memory_space<vmem>>
        %get3A_1299 = tpu.memref_squeeze %get3A_1298 : memref<1x1x4096xf32, #tpu.memory_space<vmem>> -> memref<4096xf32, #tpu.memory_space<vmem>>
        %get3A_1300 = arith.index_cast %add3A_1296 : i32 to index
        %get3A_1301 = tpu.vector_load %get3A_1299[%get3A_1300] {strides = array<i32>} : memref<4096xf32, #tpu.memory_space<vmem>>, vector<16xf32>,
        %get3A_1302 = vector.shape_cast %get3A_1301 : vector<16xf32> to vector<16xf32>
        %max3A_1303 = arith.maximumf %max3A_1267, %get3A_1302 : vector<16xf32>
        %add3A_1304 = arith.constant 96 : i32
        %add3A_1305 = arith.addi %mul3A_1250, %add3A_1304 : i32
        %get3A_1306 = arith.constant 0 : i32
        %get3A_1307 = tpu.memref_slice %arg5[%scan3A_634, %scan3A_635, %get3A_1306] : memref<16x1x4096xf32, #tpu.memory_space<vmem>> -> memref<1x1x4096xf32, #tpu.memory_space<vmem>>
        %get3A_1308 = tpu.memref_squeeze %get3A_1307 : memref<1x1x4096xf32, #tpu.memory_space<vmem>> -> memref<4096xf32, #tpu.memory_space<vmem>>
        %get3A_1309 = arith.index_cast %add3A_1305 : i32 to index
        %get3A_1310 = tpu.vector_load %get3A_1308[%get3A_1309] {strides = array<i32>} : memref<4096xf32, #tpu.memory_space<vmem>>, vector<16xf32>,
        %get3A_1311 = vector.shape_cast %get3A_1310 : vector<16xf32> to vector<16xf32>
        %max3A_1312 = arith.maximumf %max3A_1276, %get3A_1311 : vector<16xf32>
        %add3A_1313 = arith.constant 112 : i32
        %add3A_1314 = arith.addi %mul3A_1250, %add3A_1313 : i32
        %get3A_1315 = arith.constant 0 : i32
        %get3A_1316 = tpu.memref_slice %arg5[%scan3A_634, %scan3A_635, %get3A_1315] : memref<16x1x4096xf32, #tpu.memory_space<vmem>> -> memref<1x1x4096xf32, #tpu.memory_space<vmem>>
        %get3A_1317 = tpu.memref_squeeze %get3A_1316 : memref<1x1x4096xf32, #tpu.memory_space<vmem>> -> memref<4096xf32, #tpu.memory_space<vmem>>
        %get3A_1318 = arith.index_cast %add3A_1314 : i32 to index
        %get3A_1319 = tpu.vector_load %get3A_1317[%get3A_1318] {strides = array<i32>} : memref<4096xf32, #tpu.memory_space<vmem>>, vector<16xf32>,
        %get3A_1320 = vector.shape_cast %get3A_1319 : vector<16xf32> to vector<16xf32>
        %max3A_1321 = arith.maximumf %max3A_1285, %get3A_1320 : vector<16xf32>
        scf.yield %max3A_1294, %max3A_1303, %max3A_1312, %max3A_1321 : vector<16xf32>, vector<16xf32>, vector<16xf32>, vector<16xf32>
      }
      %scan3A_641 = arith.constant 32 : i32
      %max3A_642 = arith.maximumf %scan3A_640#0, %scan3A_640#2 : vector<16xf32>
      %max3A_643 = arith.maximumf %scan3A_640#1, %scan3A_640#3 : vector<16xf32>
      %max3A_644 = arith.maximumf %max3A_642, %max3A_643 : vector<16xf32>
      %add3A_645 = arith.constant 16 : i32
      %add3A_646 = arith.addi %add3A_617, %add3A_645 : i32
      %lt3A_647 = arith.constant 116 : i32
      %lt3A_648 = arith.cmpi slt, %add3A_646, %lt3A_647 : i32
      %convert_element_type3A_649 = arith.extui %lt3A_648 : i1 to i32
      %cond3A_650 = arith.constant 0 : i32
      %cond3A_651 = arith.cmpi ne, %convert_element_type3A_649, %cond3A_650 : i32
      scf.if %cond3A_651 {
        %mul3A_1244 = arith.constant 1 : i32
        %mul3A_1245 = arith.muli %add3A_646, %mul3A_1244 : i32
        %add3A_1246 = arith.addi %add3A_4, %mul3A_1245 : i32
        %dma_start3A_1247 = arith.constant 1 : i32
        %dma_start3A_1248 = arith.constant 0 : i32
        %dma_start3A_1249 = arith.constant 0 : i32
        %dma_start3A_1250 = tpu.memref_slice %arg5[%dma_start3A_1247, %dma_start3A_1248, %dma_start3A_1249] : memref<16x1x4096xf32, #tpu.memory_space<vmem>> -> memref<1x1x4096xf32, #tpu.memory_space<vmem>>
        %dma_start3A_1251 = tpu.memref_squeeze %dma_start3A_1250 : memref<1x1x4096xf32, #tpu.memory_space<vmem>> -> memref<1x4096xf32, #tpu.memory_space<vmem>>
        %dma_start3A_1252 = arith.constant 0 : i32
        %dma_start3A_1253 = tpu.memref_slice %arg2[%add3A_1246, %dma_start3A_1252] : memref<8192x4096xf32, #tpu.memory_space<hbm>> -> memref<1x4096xf32, #tpu.memory_space<hbm>>
        %dma_start3A_1254 = arith.constant 0 : i32
        %dma_start3A_1255 = arith.constant 0 : i32
        %dma_start3A_1256 = tpu.memref_slice %arg5[%dma_start3A_1247, %dma_start3A_1254, %dma_start3A_1255] : memref<16x1x4096xf32, #tpu.memory_space<vmem>> -> memref<1x1x4096xf32, #tpu.memory_space<vmem>>
        %dma_start3A_1257 = tpu.memref_squeeze %dma_start3A_1256 : memref<1x1x4096xf32, #tpu.memory_space<vmem>> -> memref<1x4096xf32, #tpu.memory_space<vmem>>
        %dma_start3A_1258 = arith.constant 0 : i32
        %dma_start3A_1259 = tpu.memref_slice %arg2[%add3A_1246, %dma_start3A_1258] : memref<8192x4096xf32, #tpu.memory_space<hbm>> -> memref<1x4096xf32, #tpu.memory_space<hbm>>
        tpu.enqueue_dma source(%dma_start3A_1259 : memref<1x4096xf32, #tpu.memory_space<hbm>>) target(%dma_start3A_1257 : memref<1x4096xf32, #tpu.memory_space<vmem>>) target_semaphore(%arg9 : memref<!tpu.dma_semaphore, #tpu.memory_space<semaphore_mem>>)
      } else {
      }
      %gt3A_652 = arith.cmpf ogt, %max3A_644, %max3A_613 : vector<16xf32>
      %broadcast_in_dim3A_653 = vector.broadcast %add3A_617 : i32 to vector<16xi32>
      %select_n3A_654 = arith.select %gt3A_652, %broadcast_in_dim3A_653, %select_n3A_612 : vector<16xi1>, vector<16xi32>
      %max3A_655 = arith.maximumf %max3A_613, %max3A_644 : vector<16xf32>
      %mul3A_656 = arith.constant 16 : i32
      %mul3A_657 = arith.muli %mul3A_656, %scan3A_571 : i32
      %add3A_658 = arith.constant 2 : i32
      %add3A_659 = arith.addi %mul3A_657, %add3A_658 : i32
      %mul3A_660 = arith.constant 1 : i32
      %mul3A_661 = arith.muli %add3A_659, %mul3A_660 : i32
      %add3A_662 = arith.addi %add3A_4, %mul3A_661 : i32
      %dma_wait3A_663 = arith.constant 2 : i32
      %dma_wait3A_664 = arith.constant 0 : i32
      %dma_wait3A_665 = arith.constant 0 : i32
      %dma_wait3A_666 = tpu.memref_slice %arg5[%dma_wait3A_663, %dma_wait3A_664, %dma_wait3A_665] : memref<16x1x4096xf32, #tpu.memory_space<vmem>> -> memref<1x1x4096xf32, #tpu.memory_space<vmem>>
      %dma_wait3A_667 = tpu.memref_squeeze %dma_wait3A_666 : memref<1x1x4096xf32, #tpu.memory_space<vmem>> -> memref<1x4096xf32, #tpu.memory_space<vmem>>
      %dma_wait3A_668 = arith.constant 0 : i32
      %dma_wait3A_669 = tpu.memref_slice %arg2[%add3A_662, %dma_wait3A_668] : memref<8192x4096xf32, #tpu.memory_space<hbm>> -> memref<1x4096xf32, #tpu.memory_space<hbm>>
      %dma_wait3A_670 = arith.constant 0 : i32
      %dma_wait3A_671 = arith.constant 0 : i32
      %dma_wait3A_672 = tpu.memref_slice %arg5[%dma_wait3A_663, %dma_wait3A_670, %dma_wait3A_671] : memref<16x1x4096xf32, #tpu.memory_space<vmem>> -> memref<1x1x4096xf32, #tpu.memory_space<vmem>>
      %dma_wait3A_673 = tpu.memref_squeeze %dma_wait3A_672 : memref<1x1x4096xf32, #tpu.memory_space<vmem>> -> memref<1x4096xf32, #tpu.memory_space<vmem>>
      %dma_wait3A_674 = arith.constant 0 : i32
      %dma_wait3A_675 = tpu.memref_slice %arg2[%add3A_662, %dma_wait3A_674] : memref<8192x4096xf32, #tpu.memory_space<hbm>> -> memref<1x4096xf32, #tpu.memory_space<hbm>>
      tpu.wait_dma2 semaphore(%arg10 : memref<!tpu.dma_semaphore, #tpu.memory_space<semaphore_mem>>) src(%dma_wait3A_675 : memref<1x4096xf32, #tpu.memory_space<hbm>>) dst(%dma_wait3A_673 : memref<1x4096xf32, #tpu.memory_space<vmem>>)
      %scan3A_676 = arith.constant 2 : i32
      %scan3A_677 = arith.constant 0 : i32
      %scan3A_678 = arith.constant 0 : i32
      %scan3A_679 = arith.constant 32 : i32
      %scan3A_680 = arith.addi %scan3A_678, %scan3A_679 : i32
      %scan3A_681 = arith.constant 1 : i32
      %scan3A_682:4 = scf.for %scan3A_1244 = %scan3A_678 to %scan3A_680 step %scan3A_681 iter_args(%scan3A_1245 = %broadcast_in_dim3A_5, %scan3A_1246 = %broadcast_in_dim3A_5, %scan3A_1247 = %broadcast_in_dim3A_5, %scan3A_1248 = %broadcast_in_dim3A_5) -> (vector<16xf32>, vector<16xf32>, vector<16xf32>, vector<16xf32>)  : i32 {
        %mul3A_1249 = arith.constant 128 : i32
        %mul3A_1250 = arith.muli %scan3A_1244, %mul3A_1249 : i32
        %add3A_1251 = arith.constant 0 : i32
        %add3A_1252 = arith.addi %mul3A_1250, %add3A_1251 : i32
        %get3A = arith.constant 0 : i32
        %get3A_1253 = tpu.memref_slice %arg5[%scan3A_676, %scan3A_677, %get3A] : memref<16x1x4096xf32, #tpu.memory_space<vmem>> -> memref<1x1x4096xf32, #tpu.memory_space<vmem>>
        %get3A_1254 = tpu.memref_squeeze %get3A_1253 : memref<1x1x4096xf32, #tpu.memory_space<vmem>> -> memref<4096xf32, #tpu.memory_space<vmem>>
        %get3A_1255 = arith.index_cast %add3A_1252 : i32 to index
        %get3A_1256 = tpu.vector_load %get3A_1254[%get3A_1255] {strides = array<i32>} : memref<4096xf32, #tpu.memory_space<vmem>>, vector<16xf32>,
        %get3A_1257 = vector.shape_cast %get3A_1256 : vector<16xf32> to vector<16xf32>
        %max3A_1258 = arith.maximumf %scan3A_1245, %get3A_1257 : vector<16xf32>
        %add3A_1259 = arith.constant 16 : i32
        %add3A_1260 = arith.addi %mul3A_1250, %add3A_1259 : i32
        %get3A_1261 = arith.constant 0 : i32
        %get3A_1262 = tpu.memref_slice %arg5[%scan3A_676, %scan3A_677, %get3A_1261] : memref<16x1x4096xf32, #tpu.memory_space<vmem>> -> memref<1x1x4096xf32, #tpu.memory_space<vmem>>
        %get3A_1263 = tpu.memref_squeeze %get3A_1262 : memref<1x1x4096xf32, #tpu.memory_space<vmem>> -> memref<4096xf32, #tpu.memory_space<vmem>>
        %get3A_1264 = arith.index_cast %add3A_1260 : i32 to index
        %get3A_1265 = tpu.vector_load %get3A_1263[%get3A_1264] {strides = array<i32>} : memref<4096xf32, #tpu.memory_space<vmem>>, vector<16xf32>,
        %get3A_1266 = vector.shape_cast %get3A_1265 : vector<16xf32> to vector<16xf32>
        %max3A_1267 = arith.maximumf %scan3A_1246, %get3A_1266 : vector<16xf32>
        %add3A_1268 = arith.constant 32 : i32
        %add3A_1269 = arith.addi %mul3A_1250, %add3A_1268 : i32
        %get3A_1270 = arith.constant 0 : i32
        %get3A_1271 = tpu.memref_slice %arg5[%scan3A_676, %scan3A_677, %get3A_1270] : memref<16x1x4096xf32, #tpu.memory_space<vmem>> -> memref<1x1x4096xf32, #tpu.memory_space<vmem>>
        %get3A_1272 = tpu.memref_squeeze %get3A_1271 : memref<1x1x4096xf32, #tpu.memory_space<vmem>> -> memref<4096xf32, #tpu.memory_space<vmem>>
        %get3A_1273 = arith.index_cast %add3A_1269 : i32 to index
        %get3A_1274 = tpu.vector_load %get3A_1272[%get3A_1273] {strides = array<i32>} : memref<4096xf32, #tpu.memory_space<vmem>>, vector<16xf32>,
        %get3A_1275 = vector.shape_cast %get3A_1274 : vector<16xf32> to vector<16xf32>
        %max3A_1276 = arith.maximumf %scan3A_1247, %get3A_1275 : vector<16xf32>
        %add3A_1277 = arith.constant 48 : i32
        %add3A_1278 = arith.addi %mul3A_1250, %add3A_1277 : i32
        %get3A_1279 = arith.constant 0 : i32
        %get3A_1280 = tpu.memref_slice %arg5[%scan3A_676, %scan3A_677, %get3A_1279] : memref<16x1x4096xf32, #tpu.memory_space<vmem>> -> memref<1x1x4096xf32, #tpu.memory_space<vmem>>
        %get3A_1281 = tpu.memref_squeeze %get3A_1280 : memref<1x1x4096xf32, #tpu.memory_space<vmem>> -> memref<4096xf32, #tpu.memory_space<vmem>>
        %get3A_1282 = arith.index_cast %add3A_1278 : i32 to index
        %get3A_1283 = tpu.vector_load %get3A_1281[%get3A_1282] {strides = array<i32>} : memref<4096xf32, #tpu.memory_space<vmem>>, vector<16xf32>,
        %get3A_1284 = vector.shape_cast %get3A_1283 : vector<16xf32> to vector<16xf32>
        %max3A_1285 = arith.maximumf %scan3A_1248, %get3A_1284 : vector<16xf32>
        %add3A_1286 = arith.constant 64 : i32
        %add3A_1287 = arith.addi %mul3A_1250, %add3A_1286 : i32
        %get3A_1288 = arith.constant 0 : i32
        %get3A_1289 = tpu.memref_slice %arg5[%scan3A_676, %scan3A_677, %get3A_1288] : memref<16x1x4096xf32, #tpu.memory_space<vmem>> -> memref<1x1x4096xf32, #tpu.memory_space<vmem>>
        %get3A_1290 = tpu.memref_squeeze %get3A_1289 : memref<1x1x4096xf32, #tpu.memory_space<vmem>> -> memref<4096xf32, #tpu.memory_space<vmem>>
        %get3A_1291 = arith.index_cast %add3A_1287 : i32 to index
        %get3A_1292 = tpu.vector_load %get3A_1290[%get3A_1291] {strides = array<i32>} : memref<4096xf32, #tpu.memory_space<vmem>>, vector<16xf32>,
        %get3A_1293 = vector.shape_cast %get3A_1292 : vector<16xf32> to vector<16xf32>
        %max3A_1294 = arith.maximumf %max3A_1258, %get3A_1293 : vector<16xf32>
        %add3A_1295 = arith.constant 80 : i32
        %add3A_1296 = arith.addi %mul3A_1250, %add3A_1295 : i32
        %get3A_1297 = arith.constant 0 : i32
        %get3A_1298 = tpu.memref_slice %arg5[%scan3A_676, %scan3A_677, %get3A_1297] : memref<16x1x4096xf32, #tpu.memory_space<vmem>> -> memref<1x1x4096xf32, #tpu.memory_space<vmem>>
        %get3A_1299 = tpu.memref_squeeze %get3A_1298 : memref<1x1x4096xf32, #tpu.memory_space<vmem>> -> memref<4096xf32, #tpu.memory_space<vmem>>
        %get3A_1300 = arith.index_cast %add3A_1296 : i32 to index
        %get3A_1301 = tpu.vector_load %get3A_1299[%get3A_1300] {strides = array<i32>} : memref<4096xf32, #tpu.memory_space<vmem>>, vector<16xf32>,
        %get3A_1302 = vector.shape_cast %get3A_1301 : vector<16xf32> to vector<16xf32>
        %max3A_1303 = arith.maximumf %max3A_1267, %get3A_1302 : vector<16xf32>
        %add3A_1304 = arith.constant 96 : i32
        %add3A_1305 = arith.addi %mul3A_1250, %add3A_1304 : i32
        %get3A_1306 = arith.constant 0 : i32
        %get3A_1307 = tpu.memref_slice %arg5[%scan3A_676, %scan3A_677, %get3A_1306] : memref<16x1x4096xf32, #tpu.memory_space<vmem>> -> memref<1x1x4096xf32, #tpu.memory_space<vmem>>
        %get3A_1308 = tpu.memref_squeeze %get3A_1307 : memref<1x1x4096xf32, #tpu.memory_space<vmem>> -> memref<4096xf32, #tpu.memory_space<vmem>>
        %get3A_1309 = arith.index_cast %add3A_1305 : i32 to index
        %get3A_1310 = tpu.vector_load %get3A_1308[%get3A_1309] {strides = array<i32>} : memref<4096xf32, #tpu.memory_space<vmem>>, vector<16xf32>,
        %get3A_1311 = vector.shape_cast %get3A_1310 : vector<16xf32> to vector<16xf32>
        %max3A_1312 = arith.maximumf %max3A_1276, %get3A_1311 : vector<16xf32>
        %add3A_1313 = arith.constant 112 : i32
        %add3A_1314 = arith.addi %mul3A_1250, %add3A_1313 : i32
        %get3A_1315 = arith.constant 0 : i32
        %get3A_1316 = tpu.memref_slice %arg5[%scan3A_676, %scan3A_677, %get3A_1315] : memref<16x1x4096xf32, #tpu.memory_space<vmem>> -> memref<1x1x4096xf32, #tpu.memory_space<vmem>>
        %get3A_1317 = tpu.memref_squeeze %get3A_1316 : memref<1x1x4096xf32, #tpu.memory_space<vmem>> -> memref<4096xf32, #tpu.memory_space<vmem>>
        %get3A_1318 = arith.index_cast %add3A_1314 : i32 to index
        %get3A_1319 = tpu.vector_load %get3A_1317[%get3A_1318] {strides = array<i32>} : memref<4096xf32, #tpu.memory_space<vmem>>, vector<16xf32>,
        %get3A_1320 = vector.shape_cast %get3A_1319 : vector<16xf32> to vector<16xf32>
        %max3A_1321 = arith.maximumf %max3A_1285, %get3A_1320 : vector<16xf32>
        scf.yield %max3A_1294, %max3A_1303, %max3A_1312, %max3A_1321 : vector<16xf32>, vector<16xf32>, vector<16xf32>, vector<16xf32>
      }
      %scan3A_683 = arith.constant 32 : i32
      %max3A_684 = arith.maximumf %scan3A_682#0, %scan3A_682#2 : vector<16xf32>
      %max3A_685 = arith.maximumf %scan3A_682#1, %scan3A_682#3 : vector<16xf32>
      %max3A_686 = arith.maximumf %max3A_684, %max3A_685 : vector<16xf32>
      %add3A_687 = arith.constant 16 : i32
      %add3A_688 = arith.addi %add3A_659, %add3A_687 : i32
      %lt3A_689 = arith.constant 116 : i32
      %lt3A_690 = arith.cmpi slt, %add3A_688, %lt3A_689 : i32
      %convert_element_type3A_691 = arith.extui %lt3A_690 : i1 to i32
      %cond3A_692 = arith.constant 0 : i32
      %cond3A_693 = arith.cmpi ne, %convert_element_type3A_691, %cond3A_692 : i32
      scf.if %cond3A_693 {
        %mul3A_1244 = arith.constant 1 : i32
        %mul3A_1245 = arith.muli %add3A_688, %mul3A_1244 : i32
        %add3A_1246 = arith.addi %add3A_4, %mul3A_1245 : i32
        %dma_start3A_1247 = arith.constant 2 : i32
        %dma_start3A_1248 = arith.constant 0 : i32
        %dma_start3A_1249 = arith.constant 0 : i32
        %dma_start3A_1250 = tpu.memref_slice %arg5[%dma_start3A_1247, %dma_start3A_1248, %dma_start3A_1249] : memref<16x1x4096xf32, #tpu.memory_space<vmem>> -> memref<1x1x4096xf32, #tpu.memory_space<vmem>>
        %dma_start3A_1251 = tpu.memref_squeeze %dma_start3A_1250 : memref<1x1x4096xf32, #tpu.memory_space<vmem>> -> memref<1x4096xf32, #tpu.memory_space<vmem>>
        %dma_start3A_1252 = arith.constant 0 : i32
        %dma_start3A_1253 = tpu.memref_slice %arg2[%add3A_1246, %dma_start3A_1252] : memref<8192x4096xf32, #tpu.memory_space<hbm>> -> memref<1x4096xf32, #tpu.memory_space<hbm>>
        %dma_start3A_1254 = arith.constant 0 : i32
        %dma_start3A_1255 = arith.constant 0 : i32
        %dma_start3A_1256 = tpu.memref_slice %arg5[%dma_start3A_1247, %dma_start3A_1254, %dma_start3A_1255] : memref<16x1x4096xf32, #tpu.memory_space<vmem>> -> memref<1x1x4096xf32, #tpu.memory_space<vmem>>
        %dma_start3A_1257 = tpu.memref_squeeze %dma_start3A_1256 : memref<1x1x4096xf32, #tpu.memory_space<vmem>> -> memref<1x4096xf32, #tpu.memory_space<vmem>>
        %dma_start3A_1258 = arith.constant 0 : i32
        %dma_start3A_1259 = tpu.memref_slice %arg2[%add3A_1246, %dma_start3A_1258] : memref<8192x4096xf32, #tpu.memory_space<hbm>> -> memref<1x4096xf32, #tpu.memory_space<hbm>>
        tpu.enqueue_dma source(%dma_start3A_1259 : memref<1x4096xf32, #tpu.memory_space<hbm>>) target(%dma_start3A_1257 : memref<1x4096xf32, #tpu.memory_space<vmem>>) target_semaphore(%arg10 : memref<!tpu.dma_semaphore, #tpu.memory_space<semaphore_mem>>)
      } else {
      }
      %gt3A_694 = arith.cmpf ogt, %max3A_686, %max3A_655 : vector<16xf32>
      %broadcast_in_dim3A_695 = vector.broadcast %add3A_659 : i32 to vector<16xi32>
      %select_n3A_696 = arith.select %gt3A_694, %broadcast_in_dim3A_695, %select_n3A_654 : vector<16xi1>, vector<16xi32>
      %max3A_697 = arith.maximumf %max3A_655, %max3A_686 : vector<16xf32>
      %mul3A_698 = arith.constant 16 : i32
      %mul3A_699 = arith.muli %mul3A_698, %scan3A_571 : i32
      %add3A_700 = arith.constant 3 : i32
      %add3A_701 = arith.addi %mul3A_699, %add3A_700 : i32
      %mul3A_702 = arith.constant 1 : i32
      %mul3A_703 = arith.muli %add3A_701, %mul3A_702 : i32
      %add3A_704 = arith.addi %add3A_4, %mul3A_703 : i32
      %dma_wait3A_705 = arith.constant 3 : i32
      %dma_wait3A_706 = arith.constant 0 : i32
      %dma_wait3A_707 = arith.constant 0 : i32
      %dma_wait3A_708 = tpu.memref_slice %arg5[%dma_wait3A_705, %dma_wait3A_706, %dma_wait3A_707] : memref<16x1x4096xf32, #tpu.memory_space<vmem>> -> memref<1x1x4096xf32, #tpu.memory_space<vmem>>
      %dma_wait3A_709 = tpu.memref_squeeze %dma_wait3A_708 : memref<1x1x4096xf32, #tpu.memory_space<vmem>> -> memref<1x4096xf32, #tpu.memory_space<vmem>>
      %dma_wait3A_710 = arith.constant 0 : i32
      %dma_wait3A_711 = tpu.memref_slice %arg2[%add3A_704, %dma_wait3A_710] : memref<8192x4096xf32, #tpu.memory_space<hbm>> -> memref<1x4096xf32, #tpu.memory_space<hbm>>
      %dma_wait3A_712 = arith.constant 0 : i32
      %dma_wait3A_713 = arith.constant 0 : i32
      %dma_wait3A_714 = tpu.memref_slice %arg5[%dma_wait3A_705, %dma_wait3A_712, %dma_wait3A_713] : memref<16x1x4096xf32, #tpu.memory_space<vmem>> -> memref<1x1x4096xf32, #tpu.memory_space<vmem>>
      %dma_wait3A_715 = tpu.memref_squeeze %dma_wait3A_714 : memref<1x1x4096xf32, #tpu.memory_space<vmem>> -> memref<1x4096xf32, #tpu.memory_space<vmem>>
      %dma_wait3A_716 = arith.constant 0 : i32
      %dma_wait3A_717 = tpu.memref_slice %arg2[%add3A_704, %dma_wait3A_716] : memref<8192x4096xf32, #tpu.memory_space<hbm>> -> memref<1x4096xf32, #tpu.memory_space<hbm>>
      tpu.wait_dma2 semaphore(%arg11 : memref<!tpu.dma_semaphore, #tpu.memory_space<semaphore_mem>>) src(%dma_wait3A_717 : memref<1x4096xf32, #tpu.memory_space<hbm>>) dst(%dma_wait3A_715 : memref<1x4096xf32, #tpu.memory_space<vmem>>)
      %scan3A_718 = arith.constant 3 : i32
      %scan3A_719 = arith.constant 0 : i32
      %scan3A_720 = arith.constant 0 : i32
      %scan3A_721 = arith.constant 32 : i32
      %scan3A_722 = arith.addi %scan3A_720, %scan3A_721 : i32
      %scan3A_723 = arith.constant 1 : i32
      %scan3A_724:4 = scf.for %scan3A_1244 = %scan3A_720 to %scan3A_722 step %scan3A_723 iter_args(%scan3A_1245 = %broadcast_in_dim3A_5, %scan3A_1246 = %broadcast_in_dim3A_5, %scan3A_1247 = %broadcast_in_dim3A_5, %scan3A_1248 = %broadcast_in_dim3A_5) -> (vector<16xf32>, vector<16xf32>, vector<16xf32>, vector<16xf32>)  : i32 {
        %mul3A_1249 = arith.constant 128 : i32
        %mul3A_1250 = arith.muli %scan3A_1244, %mul3A_1249 : i32
        %add3A_1251 = arith.constant 0 : i32
        %add3A_1252 = arith.addi %mul3A_1250, %add3A_1251 : i32
        %get3A = arith.constant 0 : i32
        %get3A_1253 = tpu.memref_slice %arg5[%scan3A_718, %scan3A_719, %get3A] : memref<16x1x4096xf32, #tpu.memory_space<vmem>> -> memref<1x1x4096xf32, #tpu.memory_space<vmem>>
        %get3A_1254 = tpu.memref_squeeze %get3A_1253 : memref<1x1x4096xf32, #tpu.memory_space<vmem>> -> memref<4096xf32, #tpu.memory_space<vmem>>
        %get3A_1255 = arith.index_cast %add3A_1252 : i32 to index
        %get3A_1256 = tpu.vector_load %get3A_1254[%get3A_1255] {strides = array<i32>} : memref<4096xf32, #tpu.memory_space<vmem>>, vector<16xf32>,
        %get3A_1257 = vector.shape_cast %get3A_1256 : vector<16xf32> to vector<16xf32>
        %max3A_1258 = arith.maximumf %scan3A_1245, %get3A_1257 : vector<16xf32>
        %add3A_1259 = arith.constant 16 : i32
        %add3A_1260 = arith.addi %mul3A_1250, %add3A_1259 : i32
        %get3A_1261 = arith.constant 0 : i32
        %get3A_1262 = tpu.memref_slice %arg5[%scan3A_718, %scan3A_719, %get3A_1261] : memref<16x1x4096xf32, #tpu.memory_space<vmem>> -> memref<1x1x4096xf32, #tpu.memory_space<vmem>>
        %get3A_1263 = tpu.memref_squeeze %get3A_1262 : memref<1x1x4096xf32, #tpu.memory_space<vmem>> -> memref<4096xf32, #tpu.memory_space<vmem>>
        %get3A_1264 = arith.index_cast %add3A_1260 : i32 to index
        %get3A_1265 = tpu.vector_load %get3A_1263[%get3A_1264] {strides = array<i32>} : memref<4096xf32, #tpu.memory_space<vmem>>, vector<16xf32>,
        %get3A_1266 = vector.shape_cast %get3A_1265 : vector<16xf32> to vector<16xf32>
        %max3A_1267 = arith.maximumf %scan3A_1246, %get3A_1266 : vector<16xf32>
        %add3A_1268 = arith.constant 32 : i32
        %add3A_1269 = arith.addi %mul3A_1250, %add3A_1268 : i32
        %get3A_1270 = arith.constant 0 : i32
        %get3A_1271 = tpu.memref_slice %arg5[%scan3A_718, %scan3A_719, %get3A_1270] : memref<16x1x4096xf32, #tpu.memory_space<vmem>> -> memref<1x1x4096xf32, #tpu.memory_space<vmem>>
        %get3A_1272 = tpu.memref_squeeze %get3A_1271 : memref<1x1x4096xf32, #tpu.memory_space<vmem>> -> memref<4096xf32, #tpu.memory_space<vmem>>
        %get3A_1273 = arith.index_cast %add3A_1269 : i32 to index
        %get3A_1274 = tpu.vector_load %get3A_1272[%get3A_1273] {strides = array<i32>} : memref<4096xf32, #tpu.memory_space<vmem>>, vector<16xf32>,
        %get3A_1275 = vector.shape_cast %get3A_1274 : vector<16xf32> to vector<16xf32>
        %max3A_1276 = arith.maximumf %scan3A_1247, %get3A_1275 : vector<16xf32>
        %add3A_1277 = arith.constant 48 : i32
        %add3A_1278 = arith.addi %mul3A_1250, %add3A_1277 : i32
        %get3A_1279 = arith.constant 0 : i32
        %get3A_1280 = tpu.memref_slice %arg5[%scan3A_718, %scan3A_719, %get3A_1279] : memref<16x1x4096xf32, #tpu.memory_space<vmem>> -> memref<1x1x4096xf32, #tpu.memory_space<vmem>>
        %get3A_1281 = tpu.memref_squeeze %get3A_1280 : memref<1x1x4096xf32, #tpu.memory_space<vmem>> -> memref<4096xf32, #tpu.memory_space<vmem>>
        %get3A_1282 = arith.index_cast %add3A_1278 : i32 to index
        %get3A_1283 = tpu.vector_load %get3A_1281[%get3A_1282] {strides = array<i32>} : memref<4096xf32, #tpu.memory_space<vmem>>, vector<16xf32>,
        %get3A_1284 = vector.shape_cast %get3A_1283 : vector<16xf32> to vector<16xf32>
        %max3A_1285 = arith.maximumf %scan3A_1248, %get3A_1284 : vector<16xf32>
        %add3A_1286 = arith.constant 64 : i32
        %add3A_1287 = arith.addi %mul3A_1250, %add3A_1286 : i32
        %get3A_1288 = arith.constant 0 : i32
        %get3A_1289 = tpu.memref_slice %arg5[%scan3A_718, %scan3A_719, %get3A_1288] : memref<16x1x4096xf32, #tpu.memory_space<vmem>> -> memref<1x1x4096xf32, #tpu.memory_space<vmem>>
        %get3A_1290 = tpu.memref_squeeze %get3A_1289 : memref<1x1x4096xf32, #tpu.memory_space<vmem>> -> memref<4096xf32, #tpu.memory_space<vmem>>
        %get3A_1291 = arith.index_cast %add3A_1287 : i32 to index
        %get3A_1292 = tpu.vector_load %get3A_1290[%get3A_1291] {strides = array<i32>} : memref<4096xf32, #tpu.memory_space<vmem>>, vector<16xf32>,
        %get3A_1293 = vector.shape_cast %get3A_1292 : vector<16xf32> to vector<16xf32>
        %max3A_1294 = arith.maximumf %max3A_1258, %get3A_1293 : vector<16xf32>
        %add3A_1295 = arith.constant 80 : i32
        %add3A_1296 = arith.addi %mul3A_1250, %add3A_1295 : i32
        %get3A_1297 = arith.constant 0 : i32
        %get3A_1298 = tpu.memref_slice %arg5[%scan3A_718, %scan3A_719, %get3A_1297] : memref<16x1x4096xf32, #tpu.memory_space<vmem>> -> memref<1x1x4096xf32, #tpu.memory_space<vmem>>
        %get3A_1299 = tpu.memref_squeeze %get3A_1298 : memref<1x1x4096xf32, #tpu.memory_space<vmem>> -> memref<4096xf32, #tpu.memory_space<vmem>>
        %get3A_1300 = arith.index_cast %add3A_1296 : i32 to index
        %get3A_1301 = tpu.vector_load %get3A_1299[%get3A_1300] {strides = array<i32>} : memref<4096xf32, #tpu.memory_space<vmem>>, vector<16xf32>,
        %get3A_1302 = vector.shape_cast %get3A_1301 : vector<16xf32> to vector<16xf32>
        %max3A_1303 = arith.maximumf %max3A_1267, %get3A_1302 : vector<16xf32>
        %add3A_1304 = arith.constant 96 : i32
        %add3A_1305 = arith.addi %mul3A_1250, %add3A_1304 : i32
        %get3A_1306 = arith.constant 0 : i32
        %get3A_1307 = tpu.memref_slice %arg5[%scan3A_718, %scan3A_719, %get3A_1306] : memref<16x1x4096xf32, #tpu.memory_space<vmem>> -> memref<1x1x4096xf32, #tpu.memory_space<vmem>>
        %get3A_1308 = tpu.memref_squeeze %get3A_1307 : memref<1x1x4096xf32, #tpu.memory_space<vmem>> -> memref<4096xf32, #tpu.memory_space<vmem>>
        %get3A_1309 = arith.index_cast %add3A_1305 : i32 to index
        %get3A_1310 = tpu.vector_load %get3A_1308[%get3A_1309] {strides = array<i32>} : memref<4096xf32, #tpu.memory_space<vmem>>, vector<16xf32>,
        %get3A_1311 = vector.shape_cast %get3A_1310 : vector<16xf32> to vector<16xf32>
        %max3A_1312 = arith.maximumf %max3A_1276, %get3A_1311 : vector<16xf32>
        %add3A_1313 = arith.constant 112 : i32
        %add3A_1314 = arith.addi %mul3A_1250, %add3A_1313 : i32
        %get3A_1315 = arith.constant 0 : i32
        %get3A_1316 = tpu.memref_slice %arg5[%scan3A_718, %scan3A_719, %get3A_1315] : memref<16x1x4096xf32, #tpu.memory_space<vmem>> -> memref<1x1x4096xf32, #tpu.memory_space<vmem>>
        %get3A_1317 = tpu.memref_squeeze %get3A_1316 : memref<1x1x4096xf32, #tpu.memory_space<vmem>> -> memref<4096xf32, #tpu.memory_space<vmem>>
        %get3A_1318 = arith.index_cast %add3A_1314 : i32 to index
        %get3A_1319 = tpu.vector_load %get3A_1317[%get3A_1318] {strides = array<i32>} : memref<4096xf32, #tpu.memory_space<vmem>>, vector<16xf32>,
        %get3A_1320 = vector.shape_cast %get3A_1319 : vector<16xf32> to vector<16xf32>
        %max3A_1321 = arith.maximumf %max3A_1285, %get3A_1320 : vector<16xf32>
        scf.yield %max3A_1294, %max3A_1303, %max3A_1312, %max3A_1321 : vector<16xf32>, vector<16xf32>, vector<16xf32>, vector<16xf32>
      }
      %scan3A_725 = arith.constant 32 : i32
      %max3A_726 = arith.maximumf %scan3A_724#0, %scan3A_724#2 : vector<16xf32>
      %max3A_727 = arith.maximumf %scan3A_724#1, %scan3A_724#3 : vector<16xf32>
      %max3A_728 = arith.maximumf %max3A_726, %max3A_727 : vector<16xf32>
      %add3A_729 = arith.constant 16 : i32
      %add3A_730 = arith.addi %add3A_701, %add3A_729 : i32
      %lt3A_731 = arith.constant 116 : i32
      %lt3A_732 = arith.cmpi slt, %add3A_730, %lt3A_731 : i32
      %convert_element_type3A_733 = arith.extui %lt3A_732 : i1 to i32
      %cond3A_734 = arith.constant 0 : i32
      %cond3A_735 = arith.cmpi ne, %convert_element_type3A_733, %cond3A_734 : i32
      scf.if %cond3A_735 {
        %mul3A_1244 = arith.constant 1 : i32
        %mul3A_1245 = arith.muli %add3A_730, %mul3A_1244 : i32
        %add3A_1246 = arith.addi %add3A_4, %mul3A_1245 : i32
        %dma_start3A_1247 = arith.constant 3 : i32
        %dma_start3A_1248 = arith.constant 0 : i32
        %dma_start3A_1249 = arith.constant 0 : i32
        %dma_start3A_1250 = tpu.memref_slice %arg5[%dma_start3A_1247, %dma_start3A_1248, %dma_start3A_1249] : memref<16x1x4096xf32, #tpu.memory_space<vmem>> -> memref<1x1x4096xf32, #tpu.memory_space<vmem>>
        %dma_start3A_1251 = tpu.memref_squeeze %dma_start3A_1250 : memref<1x1x4096xf32, #tpu.memory_space<vmem>> -> memref<1x4096xf32, #tpu.memory_space<vmem>>
        %dma_start3A_1252 = arith.constant 0 : i32
        %dma_start3A_1253 = tpu.memref_slice %arg2[%add3A_1246, %dma_start3A_1252] : memref<8192x4096xf32, #tpu.memory_space<hbm>> -> memref<1x4096xf32, #tpu.memory_space<hbm>>
        %dma_start3A_1254 = arith.constant 0 : i32
        %dma_start3A_1255 = arith.constant 0 : i32
        %dma_start3A_1256 = tpu.memref_slice %arg5[%dma_start3A_1247, %dma_start3A_1254, %dma_start3A_1255] : memref<16x1x4096xf32, #tpu.memory_space<vmem>> -> memref<1x1x4096xf32, #tpu.memory_space<vmem>>
        %dma_start3A_1257 = tpu.memref_squeeze %dma_start3A_1256 : memref<1x1x4096xf32, #tpu.memory_space<vmem>> -> memref<1x4096xf32, #tpu.memory_space<vmem>>
        %dma_start3A_1258 = arith.constant 0 : i32
        %dma_start3A_1259 = tpu.memref_slice %arg2[%add3A_1246, %dma_start3A_1258] : memref<8192x4096xf32, #tpu.memory_space<hbm>> -> memref<1x4096xf32, #tpu.memory_space<hbm>>
        tpu.enqueue_dma source(%dma_start3A_1259 : memref<1x4096xf32, #tpu.memory_space<hbm>>) target(%dma_start3A_1257 : memref<1x4096xf32, #tpu.memory_space<vmem>>) target_semaphore(%arg11 : memref<!tpu.dma_semaphore, #tpu.memory_space<semaphore_mem>>)
      } else {
      }
      %gt3A_736 = arith.cmpf ogt, %max3A_728, %max3A_697 : vector<16xf32>
      %broadcast_in_dim3A_737 = vector.broadcast %add3A_701 : i32 to vector<16xi32>
      %select_n3A_738 = arith.select %gt3A_736, %broadcast_in_dim3A_737, %select_n3A_696 : vector<16xi1>, vector<16xi32>
      %max3A_739 = arith.maximumf %max3A_697, %max3A_728 : vector<16xf32>
      %mul3A_740 = arith.constant 16 : i32
      %mul3A_741 = arith.muli %mul3A_740, %scan3A_571 : i32
      %add3A_742 = arith.constant 4 : i32
      %add3A_743 = arith.addi %mul3A_741, %add3A_742 : i32
      %mul3A_744 = arith.constant 1 : i32
      %mul3A_745 = arith.muli %add3A_743, %mul3A_744 : i32
      %add3A_746 = arith.addi %add3A_4, %mul3A_745 : i32
      %dma_wait3A_747 = arith.constant 4 : i32
      %dma_wait3A_748 = arith.constant 0 : i32
      %dma_wait3A_749 = arith.constant 0 : i32
      %dma_wait3A_750 = tpu.memref_slice %arg5[%dma_wait3A_747, %dma_wait3A_748, %dma_wait3A_749] : memref<16x1x4096xf32, #tpu.memory_space<vmem>> -> memref<1x1x4096xf32, #tpu.memory_space<vmem>>
      %dma_wait3A_751 = tpu.memref_squeeze %dma_wait3A_750 : memref<1x1x4096xf32, #tpu.memory_space<vmem>> -> memref<1x4096xf32, #tpu.memory_space<vmem>>
      %dma_wait3A_752 = arith.constant 0 : i32
      %dma_wait3A_753 = tpu.memref_slice %arg2[%add3A_746, %dma_wait3A_752] : memref<8192x4096xf32, #tpu.memory_space<hbm>> -> memref<1x4096xf32, #tpu.memory_space<hbm>>
      %dma_wait3A_754 = arith.constant 0 : i32
      %dma_wait3A_755 = arith.constant 0 : i32
      %dma_wait3A_756 = tpu.memref_slice %arg5[%dma_wait3A_747, %dma_wait3A_754, %dma_wait3A_755] : memref<16x1x4096xf32, #tpu.memory_space<vmem>> -> memref<1x1x4096xf32, #tpu.memory_space<vmem>>
      %dma_wait3A_757 = tpu.memref_squeeze %dma_wait3A_756 : memref<1x1x4096xf32, #tpu.memory_space<vmem>> -> memref<1x4096xf32, #tpu.memory_space<vmem>>
      %dma_wait3A_758 = arith.constant 0 : i32
      %dma_wait3A_759 = tpu.memref_slice %arg2[%add3A_746, %dma_wait3A_758] : memref<8192x4096xf32, #tpu.memory_space<hbm>> -> memref<1x4096xf32, #tpu.memory_space<hbm>>
      tpu.wait_dma2 semaphore(%arg12 : memref<!tpu.dma_semaphore, #tpu.memory_space<semaphore_mem>>) src(%dma_wait3A_759 : memref<1x4096xf32, #tpu.memory_space<hbm>>) dst(%dma_wait3A_757 : memref<1x4096xf32, #tpu.memory_space<vmem>>)
      %scan3A_760 = arith.constant 4 : i32
      %scan3A_761 = arith.constant 0 : i32
      %scan3A_762 = arith.constant 0 : i32
      %scan3A_763 = arith.constant 32 : i32
      %scan3A_764 = arith.addi %scan3A_762, %scan3A_763 : i32
      %scan3A_765 = arith.constant 1 : i32
      %scan3A_766:4 = scf.for %scan3A_1244 = %scan3A_762 to %scan3A_764 step %scan3A_765 iter_args(%scan3A_1245 = %broadcast_in_dim3A_5, %scan3A_1246 = %broadcast_in_dim3A_5, %scan3A_1247 = %broadcast_in_dim3A_5, %scan3A_1248 = %broadcast_in_dim3A_5) -> (vector<16xf32>, vector<16xf32>, vector<16xf32>, vector<16xf32>)  : i32 {
        %mul3A_1249 = arith.constant 128 : i32
        %mul3A_1250 = arith.muli %scan3A_1244, %mul3A_1249 : i32
        %add3A_1251 = arith.constant 0 : i32
        %add3A_1252 = arith.addi %mul3A_1250, %add3A_1251 : i32
        %get3A = arith.constant 0 : i32
        %get3A_1253 = tpu.memref_slice %arg5[%scan3A_760, %scan3A_761, %get3A] : memref<16x1x4096xf32, #tpu.memory_space<vmem>> -> memref<1x1x4096xf32, #tpu.memory_space<vmem>>
        %get3A_1254 = tpu.memref_squeeze %get3A_1253 : memref<1x1x4096xf32, #tpu.memory_space<vmem>> -> memref<4096xf32, #tpu.memory_space<vmem>>
        %get3A_1255 = arith.index_cast %add3A_1252 : i32 to index
        %get3A_1256 = tpu.vector_load %get3A_1254[%get3A_1255] {strides = array<i32>} : memref<4096xf32, #tpu.memory_space<vmem>>, vector<16xf32>,
        %get3A_1257 = vector.shape_cast %get3A_1256 : vector<16xf32> to vector<16xf32>
        %max3A_1258 = arith.maximumf %scan3A_1245, %get3A_1257 : vector<16xf32>
        %add3A_1259 = arith.constant 16 : i32
        %add3A_1260 = arith.addi %mul3A_1250, %add3A_1259 : i32
        %get3A_1261 = arith.constant 0 : i32
        %get3A_1262 = tpu.memref_slice %arg5[%scan3A_760, %scan3A_761, %get3A_1261] : memref<16x1x4096xf32, #tpu.memory_space<vmem>> -> memref<1x1x4096xf32, #tpu.memory_space<vmem>>
        %get3A_1263 = tpu.memref_squeeze %get3A_1262 : memref<1x1x4096xf32, #tpu.memory_space<vmem>> -> memref<4096xf32, #tpu.memory_space<vmem>>
        %get3A_1264 = arith.index_cast %add3A_1260 : i32 to index
        %get3A_1265 = tpu.vector_load %get3A_1263[%get3A_1264] {strides = array<i32>} : memref<4096xf32, #tpu.memory_space<vmem>>, vector<16xf32>,
        %get3A_1266 = vector.shape_cast %get3A_1265 : vector<16xf32> to vector<16xf32>
        %max3A_1267 = arith.maximumf %scan3A_1246, %get3A_1266 : vector<16xf32>
        %add3A_1268 = arith.constant 32 : i32
        %add3A_1269 = arith.addi %mul3A_1250, %add3A_1268 : i32
        %get3A_1270 = arith.constant 0 : i32
        %get3A_1271 = tpu.memref_slice %arg5[%scan3A_760, %scan3A_761, %get3A_1270] : memref<16x1x4096xf32, #tpu.memory_space<vmem>> -> memref<1x1x4096xf32, #tpu.memory_space<vmem>>
        %get3A_1272 = tpu.memref_squeeze %get3A_1271 : memref<1x1x4096xf32, #tpu.memory_space<vmem>> -> memref<4096xf32, #tpu.memory_space<vmem>>
        %get3A_1273 = arith.index_cast %add3A_1269 : i32 to index
        %get3A_1274 = tpu.vector_load %get3A_1272[%get3A_1273] {strides = array<i32>} : memref<4096xf32, #tpu.memory_space<vmem>>, vector<16xf32>,
        %get3A_1275 = vector.shape_cast %get3A_1274 : vector<16xf32> to vector<16xf32>
        %max3A_1276 = arith.maximumf %scan3A_1247, %get3A_1275 : vector<16xf32>
        %add3A_1277 = arith.constant 48 : i32
        %add3A_1278 = arith.addi %mul3A_1250, %add3A_1277 : i32
        %get3A_1279 = arith.constant 0 : i32
        %get3A_1280 = tpu.memref_slice %arg5[%scan3A_760, %scan3A_761, %get3A_1279] : memref<16x1x4096xf32, #tpu.memory_space<vmem>> -> memref<1x1x4096xf32, #tpu.memory_space<vmem>>
        %get3A_1281 = tpu.memref_squeeze %get3A_1280 : memref<1x1x4096xf32, #tpu.memory_space<vmem>> -> memref<4096xf32, #tpu.memory_space<vmem>>
        %get3A_1282 = arith.index_cast %add3A_1278 : i32 to index
        %get3A_1283 = tpu.vector_load %get3A_1281[%get3A_1282] {strides = array<i32>} : memref<4096xf32, #tpu.memory_space<vmem>>, vector<16xf32>,
        %get3A_1284 = vector.shape_cast %get3A_1283 : vector<16xf32> to vector<16xf32>
        %max3A_1285 = arith.maximumf %scan3A_1248, %get3A_1284 : vector<16xf32>
        %add3A_1286 = arith.constant 64 : i32
        %add3A_1287 = arith.addi %mul3A_1250, %add3A_1286 : i32
        %get3A_1288 = arith.constant 0 : i32
        %get3A_1289 = tpu.memref_slice %arg5[%scan3A_760, %scan3A_761, %get3A_1288] : memref<16x1x4096xf32, #tpu.memory_space<vmem>> -> memref<1x1x4096xf32, #tpu.memory_space<vmem>>
        %get3A_1290 = tpu.memref_squeeze %get3A_1289 : memref<1x1x4096xf32, #tpu.memory_space<vmem>> -> memref<4096xf32, #tpu.memory_space<vmem>>
        %get3A_1291 = arith.index_cast %add3A_1287 : i32 to index
        %get3A_1292 = tpu.vector_load %get3A_1290[%get3A_1291] {strides = array<i32>} : memref<4096xf32, #tpu.memory_space<vmem>>, vector<16xf32>,
        %get3A_1293 = vector.shape_cast %get3A_1292 : vector<16xf32> to vector<16xf32>
        %max3A_1294 = arith.maximumf %max3A_1258, %get3A_1293 : vector<16xf32>
        %add3A_1295 = arith.constant 80 : i32
        %add3A_1296 = arith.addi %mul3A_1250, %add3A_1295 : i32
        %get3A_1297 = arith.constant 0 : i32
        %get3A_1298 = tpu.memref_slice %arg5[%scan3A_760, %scan3A_761, %get3A_1297] : memref<16x1x4096xf32, #tpu.memory_space<vmem>> -> memref<1x1x4096xf32, #tpu.memory_space<vmem>>
        %get3A_1299 = tpu.memref_squeeze %get3A_1298 : memref<1x1x4096xf32, #tpu.memory_space<vmem>> -> memref<4096xf32, #tpu.memory_space<vmem>>
        %get3A_1300 = arith.index_cast %add3A_1296 : i32 to index
        %get3A_1301 = tpu.vector_load %get3A_1299[%get3A_1300] {strides = array<i32>} : memref<4096xf32, #tpu.memory_space<vmem>>, vector<16xf32>,
        %get3A_1302 = vector.shape_cast %get3A_1301 : vector<16xf32> to vector<16xf32>
        %max3A_1303 = arith.maximumf %max3A_1267, %get3A_1302 : vector<16xf32>
        %add3A_1304 = arith.constant 96 : i32
        %add3A_1305 = arith.addi %mul3A_1250, %add3A_1304 : i32
        %get3A_1306 = arith.constant 0 : i32
        %get3A_1307 = tpu.memref_slice %arg5[%scan3A_760, %scan3A_761, %get3A_1306] : memref<16x1x4096xf32, #tpu.memory_space<vmem>> -> memref<1x1x4096xf32, #tpu.memory_space<vmem>>
        %get3A_1308 = tpu.memref_squeeze %get3A_1307 : memref<1x1x4096xf32, #tpu.memory_space<vmem>> -> memref<4096xf32, #tpu.memory_space<vmem>>
        %get3A_1309 = arith.index_cast %add3A_1305 : i32 to index
        %get3A_1310 = tpu.vector_load %get3A_1308[%get3A_1309] {strides = array<i32>} : memref<4096xf32, #tpu.memory_space<vmem>>, vector<16xf32>,
        %get3A_1311 = vector.shape_cast %get3A_1310 : vector<16xf32> to vector<16xf32>
        %max3A_1312 = arith.maximumf %max3A_1276, %get3A_1311 : vector<16xf32>
        %add3A_1313 = arith.constant 112 : i32
        %add3A_1314 = arith.addi %mul3A_1250, %add3A_1313 : i32
        %get3A_1315 = arith.constant 0 : i32
        %get3A_1316 = tpu.memref_slice %arg5[%scan3A_760, %scan3A_761, %get3A_1315] : memref<16x1x4096xf32, #tpu.memory_space<vmem>> -> memref<1x1x4096xf32, #tpu.memory_space<vmem>>
        %get3A_1317 = tpu.memref_squeeze %get3A_1316 : memref<1x1x4096xf32, #tpu.memory_space<vmem>> -> memref<4096xf32, #tpu.memory_space<vmem>>
        %get3A_1318 = arith.index_cast %add3A_1314 : i32 to index
        %get3A_1319 = tpu.vector_load %get3A_1317[%get3A_1318] {strides = array<i32>} : memref<4096xf32, #tpu.memory_space<vmem>>, vector<16xf32>,
        %get3A_1320 = vector.shape_cast %get3A_1319 : vector<16xf32> to vector<16xf32>
        %max3A_1321 = arith.maximumf %max3A_1285, %get3A_1320 : vector<16xf32>
        scf.yield %max3A_1294, %max3A_1303, %max3A_1312, %max3A_1321 : vector<16xf32>, vector<16xf32>, vector<16xf32>, vector<16xf32>
      }
      %scan3A_767 = arith.constant 32 : i32
      %max3A_768 = arith.maximumf %scan3A_766#0, %scan3A_766#2 : vector<16xf32>
      %max3A_769 = arith.maximumf %scan3A_766#1, %scan3A_766#3 : vector<16xf32>
      %max3A_770 = arith.maximumf %max3A_768, %max3A_769 : vector<16xf32>
      %add3A_771 = arith.constant 16 : i32
      %add3A_772 = arith.addi %add3A_743, %add3A_771 : i32
      %lt3A_773 = arith.constant 116 : i32
      %lt3A_774 = arith.cmpi slt, %add3A_772, %lt3A_773 : i32
      %convert_element_type3A_775 = arith.extui %lt3A_774 : i1 to i32
      %cond3A_776 = arith.constant 0 : i32
      %cond3A_777 = arith.cmpi ne, %convert_element_type3A_775, %cond3A_776 : i32
      scf.if %cond3A_777 {
        %mul3A_1244 = arith.constant 1 : i32
        %mul3A_1245 = arith.muli %add3A_772, %mul3A_1244 : i32
        %add3A_1246 = arith.addi %add3A_4, %mul3A_1245 : i32
        %dma_start3A_1247 = arith.constant 4 : i32
        %dma_start3A_1248 = arith.constant 0 : i32
        %dma_start3A_1249 = arith.constant 0 : i32
        %dma_start3A_1250 = tpu.memref_slice %arg5[%dma_start3A_1247, %dma_start3A_1248, %dma_start3A_1249] : memref<16x1x4096xf32, #tpu.memory_space<vmem>> -> memref<1x1x4096xf32, #tpu.memory_space<vmem>>
        %dma_start3A_1251 = tpu.memref_squeeze %dma_start3A_1250 : memref<1x1x4096xf32, #tpu.memory_space<vmem>> -> memref<1x4096xf32, #tpu.memory_space<vmem>>
        %dma_start3A_1252 = arith.constant 0 : i32
        %dma_start3A_1253 = tpu.memref_slice %arg2[%add3A_1246, %dma_start3A_1252] : memref<8192x4096xf32, #tpu.memory_space<hbm>> -> memref<1x4096xf32, #tpu.memory_space<hbm>>
        %dma_start3A_1254 = arith.constant 0 : i32
        %dma_start3A_1255 = arith.constant 0 : i32
        %dma_start3A_1256 = tpu.memref_slice %arg5[%dma_start3A_1247, %dma_start3A_1254, %dma_start3A_1255] : memref<16x1x4096xf32, #tpu.memory_space<vmem>> -> memref<1x1x4096xf32, #tpu.memory_space<vmem>>
        %dma_start3A_1257 = tpu.memref_squeeze %dma_start3A_1256 : memref<1x1x4096xf32, #tpu.memory_space<vmem>> -> memref<1x4096xf32, #tpu.memory_space<vmem>>
        %dma_start3A_1258 = arith.constant 0 : i32
        %dma_start3A_1259 = tpu.memref_slice %arg2[%add3A_1246, %dma_start3A_1258] : memref<8192x4096xf32, #tpu.memory_space<hbm>> -> memref<1x4096xf32, #tpu.memory_space<hbm>>
        tpu.enqueue_dma source(%dma_start3A_1259 : memref<1x4096xf32, #tpu.memory_space<hbm>>) target(%dma_start3A_1257 : memref<1x4096xf32, #tpu.memory_space<vmem>>) target_semaphore(%arg12 : memref<!tpu.dma_semaphore, #tpu.memory_space<semaphore_mem>>)
      } else {
      }
      %gt3A_778 = arith.cmpf ogt, %max3A_770, %max3A_739 : vector<16xf32>
      %broadcast_in_dim3A_779 = vector.broadcast %add3A_743 : i32 to vector<16xi32>
      %select_n3A_780 = arith.select %gt3A_778, %broadcast_in_dim3A_779, %select_n3A_738 : vector<16xi1>, vector<16xi32>
      %max3A_781 = arith.maximumf %max3A_739, %max3A_770 : vector<16xf32>
      %mul3A_782 = arith.constant 16 : i32
      %mul3A_783 = arith.muli %mul3A_782, %scan3A_571 : i32
      %add3A_784 = arith.constant 5 : i32
      %add3A_785 = arith.addi %mul3A_783, %add3A_784 : i32
      %mul3A_786 = arith.constant 1 : i32
      %mul3A_787 = arith.muli %add3A_785, %mul3A_786 : i32
      %add3A_788 = arith.addi %add3A_4, %mul3A_787 : i32
      %dma_wait3A_789 = arith.constant 5 : i32
      %dma_wait3A_790 = arith.constant 0 : i32
      %dma_wait3A_791 = arith.constant 0 : i32
      %dma_wait3A_792 = tpu.memref_slice %arg5[%dma_wait3A_789, %dma_wait3A_790, %dma_wait3A_791] : memref<16x1x4096xf32, #tpu.memory_space<vmem>> -> memref<1x1x4096xf32, #tpu.memory_space<vmem>>
      %dma_wait3A_793 = tpu.memref_squeeze %dma_wait3A_792 : memref<1x1x4096xf32, #tpu.memory_space<vmem>> -> memref<1x4096xf32, #tpu.memory_space<vmem>>
      %dma_wait3A_794 = arith.constant 0 : i32
      %dma_wait3A_795 = tpu.memref_slice %arg2[%add3A_788, %dma_wait3A_794] : memref<8192x4096xf32, #tpu.memory_space<hbm>> -> memref<1x4096xf32, #tpu.memory_space<hbm>>
      %dma_wait3A_796 = arith.constant 0 : i32
      %dma_wait3A_797 = arith.constant 0 : i32
      %dma_wait3A_798 = tpu.memref_slice %arg5[%dma_wait3A_789, %dma_wait3A_796, %dma_wait3A_797] : memref<16x1x4096xf32, #tpu.memory_space<vmem>> -> memref<1x1x4096xf32, #tpu.memory_space<vmem>>
      %dma_wait3A_799 = tpu.memref_squeeze %dma_wait3A_798 : memref<1x1x4096xf32, #tpu.memory_space<vmem>> -> memref<1x4096xf32, #tpu.memory_space<vmem>>
      %dma_wait3A_800 = arith.constant 0 : i32
      %dma_wait3A_801 = tpu.memref_slice %arg2[%add3A_788, %dma_wait3A_800] : memref<8192x4096xf32, #tpu.memory_space<hbm>> -> memref<1x4096xf32, #tpu.memory_space<hbm>>
      tpu.wait_dma2 semaphore(%arg13 : memref<!tpu.dma_semaphore, #tpu.memory_space<semaphore_mem>>) src(%dma_wait3A_801 : memref<1x4096xf32, #tpu.memory_space<hbm>>) dst(%dma_wait3A_799 : memref<1x4096xf32, #tpu.memory_space<vmem>>)
      %scan3A_802 = arith.constant 5 : i32
      %scan3A_803 = arith.constant 0 : i32
      %scan3A_804 = arith.constant 0 : i32
      %scan3A_805 = arith.constant 32 : i32
      %scan3A_806 = arith.addi %scan3A_804, %scan3A_805 : i32
      %scan3A_807 = arith.constant 1 : i32
      %scan3A_808:4 = scf.for %scan3A_1244 = %scan3A_804 to %scan3A_806 step %scan3A_807 iter_args(%scan3A_1245 = %broadcast_in_dim3A_5, %scan3A_1246 = %broadcast_in_dim3A_5, %scan3A_1247 = %broadcast_in_dim3A_5, %scan3A_1248 = %broadcast_in_dim3A_5) -> (vector<16xf32>, vector<16xf32>, vector<16xf32>, vector<16xf32>)  : i32 {
        %mul3A_1249 = arith.constant 128 : i32
        %mul3A_1250 = arith.muli %scan3A_1244, %mul3A_1249 : i32
        %add3A_1251 = arith.constant 0 : i32
        %add3A_1252 = arith.addi %mul3A_1250, %add3A_1251 : i32
        %get3A = arith.constant 0 : i32
        %get3A_1253 = tpu.memref_slice %arg5[%scan3A_802, %scan3A_803, %get3A] : memref<16x1x4096xf32, #tpu.memory_space<vmem>> -> memref<1x1x4096xf32, #tpu.memory_space<vmem>>
        %get3A_1254 = tpu.memref_squeeze %get3A_1253 : memref<1x1x4096xf32, #tpu.memory_space<vmem>> -> memref<4096xf32, #tpu.memory_space<vmem>>
        %get3A_1255 = arith.index_cast %add3A_1252 : i32 to index
        %get3A_1256 = tpu.vector_load %get3A_1254[%get3A_1255] {strides = array<i32>} : memref<4096xf32, #tpu.memory_space<vmem>>, vector<16xf32>,
        %get3A_1257 = vector.shape_cast %get3A_1256 : vector<16xf32> to vector<16xf32>
        %max3A_1258 = arith.maximumf %scan3A_1245, %get3A_1257 : vector<16xf32>
        %add3A_1259 = arith.constant 16 : i32
        %add3A_1260 = arith.addi %mul3A_1250, %add3A_1259 : i32
        %get3A_1261 = arith.constant 0 : i32
        %get3A_1262 = tpu.memref_slice %arg5[%scan3A_802, %scan3A_803, %get3A_1261] : memref<16x1x4096xf32, #tpu.memory_space<vmem>> -> memref<1x1x4096xf32, #tpu.memory_space<vmem>>
        %get3A_1263 = tpu.memref_squeeze %get3A_1262 : memref<1x1x4096xf32, #tpu.memory_space<vmem>> -> memref<4096xf32, #tpu.memory_space<vmem>>
        %get3A_1264 = arith.index_cast %add3A_1260 : i32 to index
        %get3A_1265 = tpu.vector_load %get3A_1263[%get3A_1264] {strides = array<i32>} : memref<4096xf32, #tpu.memory_space<vmem>>, vector<16xf32>,
        %get3A_1266 = vector.shape_cast %get3A_1265 : vector<16xf32> to vector<16xf32>
        %max3A_1267 = arith.maximumf %scan3A_1246, %get3A_1266 : vector<16xf32>
        %add3A_1268 = arith.constant 32 : i32
        %add3A_1269 = arith.addi %mul3A_1250, %add3A_1268 : i32
        %get3A_1270 = arith.constant 0 : i32
        %get3A_1271 = tpu.memref_slice %arg5[%scan3A_802, %scan3A_803, %get3A_1270] : memref<16x1x4096xf32, #tpu.memory_space<vmem>> -> memref<1x1x4096xf32, #tpu.memory_space<vmem>>
        %get3A_1272 = tpu.memref_squeeze %get3A_1271 : memref<1x1x4096xf32, #tpu.memory_space<vmem>> -> memref<4096xf32, #tpu.memory_space<vmem>>
        %get3A_1273 = arith.index_cast %add3A_1269 : i32 to index
        %get3A_1274 = tpu.vector_load %get3A_1272[%get3A_1273] {strides = array<i32>} : memref<4096xf32, #tpu.memory_space<vmem>>, vector<16xf32>,
        %get3A_1275 = vector.shape_cast %get3A_1274 : vector<16xf32> to vector<16xf32>
        %max3A_1276 = arith.maximumf %scan3A_1247, %get3A_1275 : vector<16xf32>
        %add3A_1277 = arith.constant 48 : i32
        %add3A_1278 = arith.addi %mul3A_1250, %add3A_1277 : i32
        %get3A_1279 = arith.constant 0 : i32
        %get3A_1280 = tpu.memref_slice %arg5[%scan3A_802, %scan3A_803, %get3A_1279] : memref<16x1x4096xf32, #tpu.memory_space<vmem>> -> memref<1x1x4096xf32, #tpu.memory_space<vmem>>
        %get3A_1281 = tpu.memref_squeeze %get3A_1280 : memref<1x1x4096xf32, #tpu.memory_space<vmem>> -> memref<4096xf32, #tpu.memory_space<vmem>>
        %get3A_1282 = arith.index_cast %add3A_1278 : i32 to index
        %get3A_1283 = tpu.vector_load %get3A_1281[%get3A_1282] {strides = array<i32>} : memref<4096xf32, #tpu.memory_space<vmem>>, vector<16xf32>,
        %get3A_1284 = vector.shape_cast %get3A_1283 : vector<16xf32> to vector<16xf32>
        %max3A_1285 = arith.maximumf %scan3A_1248, %get3A_1284 : vector<16xf32>
        %add3A_1286 = arith.constant 64 : i32
        %add3A_1287 = arith.addi %mul3A_1250, %add3A_1286 : i32
        %get3A_1288 = arith.constant 0 : i32
        %get3A_1289 = tpu.memref_slice %arg5[%scan3A_802, %scan3A_803, %get3A_1288] : memref<16x1x4096xf32, #tpu.memory_space<vmem>> -> memref<1x1x4096xf32, #tpu.memory_space<vmem>>
        %get3A_1290 = tpu.memref_squeeze %get3A_1289 : memref<1x1x4096xf32, #tpu.memory_space<vmem>> -> memref<4096xf32, #tpu.memory_space<vmem>>
        %get3A_1291 = arith.index_cast %add3A_1287 : i32 to index
        %get3A_1292 = tpu.vector_load %get3A_1290[%get3A_1291] {strides = array<i32>} : memref<4096xf32, #tpu.memory_space<vmem>>, vector<16xf32>,
        %get3A_1293 = vector.shape_cast %get3A_1292 : vector<16xf32> to vector<16xf32>
        %max3A_1294 = arith.maximumf %max3A_1258, %get3A_1293 : vector<16xf32>
        %add3A_1295 = arith.constant 80 : i32
        %add3A_1296 = arith.addi %mul3A_1250, %add3A_1295 : i32
        %get3A_1297 = arith.constant 0 : i32
        %get3A_1298 = tpu.memref_slice %arg5[%scan3A_802, %scan3A_803, %get3A_1297] : memref<16x1x4096xf32, #tpu.memory_space<vmem>> -> memref<1x1x4096xf32, #tpu.memory_space<vmem>>
        %get3A_1299 = tpu.memref_squeeze %get3A_1298 : memref<1x1x4096xf32, #tpu.memory_space<vmem>> -> memref<4096xf32, #tpu.memory_space<vmem>>
        %get3A_1300 = arith.index_cast %add3A_1296 : i32 to index
        %get3A_1301 = tpu.vector_load %get3A_1299[%get3A_1300] {strides = array<i32>} : memref<4096xf32, #tpu.memory_space<vmem>>, vector<16xf32>,
        %get3A_1302 = vector.shape_cast %get3A_1301 : vector<16xf32> to vector<16xf32>
        %max3A_1303 = arith.maximumf %max3A_1267, %get3A_1302 : vector<16xf32>
        %add3A_1304 = arith.constant 96 : i32
        %add3A_1305 = arith.addi %mul3A_1250, %add3A_1304 : i32
        %get3A_1306 = arith.constant 0 : i32
        %get3A_1307 = tpu.memref_slice %arg5[%scan3A_802, %scan3A_803, %get3A_1306] : memref<16x1x4096xf32, #tpu.memory_space<vmem>> -> memref<1x1x4096xf32, #tpu.memory_space<vmem>>
        %get3A_1308 = tpu.memref_squeeze %get3A_1307 : memref<1x1x4096xf32, #tpu.memory_space<vmem>> -> memref<4096xf32, #tpu.memory_space<vmem>>
        %get3A_1309 = arith.index_cast %add3A_1305 : i32 to index
        %get3A_1310 = tpu.vector_load %get3A_1308[%get3A_1309] {strides = array<i32>} : memref<4096xf32, #tpu.memory_space<vmem>>, vector<16xf32>,
        %get3A_1311 = vector.shape_cast %get3A_1310 : vector<16xf32> to vector<16xf32>
        %max3A_1312 = arith.maximumf %max3A_1276, %get3A_1311 : vector<16xf32>
        %add3A_1313 = arith.constant 112 : i32
        %add3A_1314 = arith.addi %mul3A_1250, %add3A_1313 : i32
        %get3A_1315 = arith.constant 0 : i32
        %get3A_1316 = tpu.memref_slice %arg5[%scan3A_802, %scan3A_803, %get3A_1315] : memref<16x1x4096xf32, #tpu.memory_space<vmem>> -> memref<1x1x4096xf32, #tpu.memory_space<vmem>>
        %get3A_1317 = tpu.memref_squeeze %get3A_1316 : memref<1x1x4096xf32, #tpu.memory_space<vmem>> -> memref<4096xf32, #tpu.memory_space<vmem>>
        %get3A_1318 = arith.index_cast %add3A_1314 : i32 to index
        %get3A_1319 = tpu.vector_load %get3A_1317[%get3A_1318] {strides = array<i32>} : memref<4096xf32, #tpu.memory_space<vmem>>, vector<16xf32>,
        %get3A_1320 = vector.shape_cast %get3A_1319 : vector<16xf32> to vector<16xf32>
        %max3A_1321 = arith.maximumf %max3A_1285, %get3A_1320 : vector<16xf32>
        scf.yield %max3A_1294, %max3A_1303, %max3A_1312, %max3A_1321 : vector<16xf32>, vector<16xf32>, vector<16xf32>, vector<16xf32>
      }
      %scan3A_809 = arith.constant 32 : i32
      %max3A_810 = arith.maximumf %scan3A_808#0, %scan3A_808#2 : vector<16xf32>
      %max3A_811 = arith.maximumf %scan3A_808#1, %scan3A_808#3 : vector<16xf32>
      %max3A_812 = arith.maximumf %max3A_810, %max3A_811 : vector<16xf32>
      %add3A_813 = arith.constant 16 : i32
      %add3A_814 = arith.addi %add3A_785, %add3A_813 : i32
      %lt3A_815 = arith.constant 116 : i32
      %lt3A_816 = arith.cmpi slt, %add3A_814, %lt3A_815 : i32
      %convert_element_type3A_817 = arith.extui %lt3A_816 : i1 to i32
      %cond3A_818 = arith.constant 0 : i32
      %cond3A_819 = arith.cmpi ne, %convert_element_type3A_817, %cond3A_818 : i32
      scf.if %cond3A_819 {
        %mul3A_1244 = arith.constant 1 : i32
        %mul3A_1245 = arith.muli %add3A_814, %mul3A_1244 : i32
        %add3A_1246 = arith.addi %add3A_4, %mul3A_1245 : i32
        %dma_start3A_1247 = arith.constant 5 : i32
        %dma_start3A_1248 = arith.constant 0 : i32
        %dma_start3A_1249 = arith.constant 0 : i32
        %dma_start3A_1250 = tpu.memref_slice %arg5[%dma_start3A_1247, %dma_start3A_1248, %dma_start3A_1249] : memref<16x1x4096xf32, #tpu.memory_space<vmem>> -> memref<1x1x4096xf32, #tpu.memory_space<vmem>>
        %dma_start3A_1251 = tpu.memref_squeeze %dma_start3A_1250 : memref<1x1x4096xf32, #tpu.memory_space<vmem>> -> memref<1x4096xf32, #tpu.memory_space<vmem>>
        %dma_start3A_1252 = arith.constant 0 : i32
        %dma_start3A_1253 = tpu.memref_slice %arg2[%add3A_1246, %dma_start3A_1252] : memref<8192x4096xf32, #tpu.memory_space<hbm>> -> memref<1x4096xf32, #tpu.memory_space<hbm>>
        %dma_start3A_1254 = arith.constant 0 : i32
        %dma_start3A_1255 = arith.constant 0 : i32
        %dma_start3A_1256 = tpu.memref_slice %arg5[%dma_start3A_1247, %dma_start3A_1254, %dma_start3A_1255] : memref<16x1x4096xf32, #tpu.memory_space<vmem>> -> memref<1x1x4096xf32, #tpu.memory_space<vmem>>
        %dma_start3A_1257 = tpu.memref_squeeze %dma_start3A_1256 : memref<1x1x4096xf32, #tpu.memory_space<vmem>> -> memref<1x4096xf32, #tpu.memory_space<vmem>>
        %dma_start3A_1258 = arith.constant 0 : i32
        %dma_start3A_1259 = tpu.memref_slice %arg2[%add3A_1246, %dma_start3A_1258] : memref<8192x4096xf32, #tpu.memory_space<hbm>> -> memref<1x4096xf32, #tpu.memory_space<hbm>>
        tpu.enqueue_dma source(%dma_start3A_1259 : memref<1x4096xf32, #tpu.memory_space<hbm>>) target(%dma_start3A_1257 : memref<1x4096xf32, #tpu.memory_space<vmem>>) target_semaphore(%arg13 : memref<!tpu.dma_semaphore, #tpu.memory_space<semaphore_mem>>)
      } else {
      }
      %gt3A_820 = arith.cmpf ogt, %max3A_812, %max3A_781 : vector<16xf32>
      %broadcast_in_dim3A_821 = vector.broadcast %add3A_785 : i32 to vector<16xi32>
      %select_n3A_822 = arith.select %gt3A_820, %broadcast_in_dim3A_821, %select_n3A_780 : vector<16xi1>, vector<16xi32>
      %max3A_823 = arith.maximumf %max3A_781, %max3A_812 : vector<16xf32>
      %mul3A_824 = arith.constant 16 : i32
      %mul3A_825 = arith.muli %mul3A_824, %scan3A_571 : i32
      %add3A_826 = arith.constant 6 : i32
      %add3A_827 = arith.addi %mul3A_825, %add3A_826 : i32
      %mul3A_828 = arith.constant 1 : i32
      %mul3A_829 = arith.muli %add3A_827, %mul3A_828 : i32
      %add3A_830 = arith.addi %add3A_4, %mul3A_829 : i32
      %dma_wait3A_831 = arith.constant 6 : i32
      %dma_wait3A_832 = arith.constant 0 : i32
      %dma_wait3A_833 = arith.constant 0 : i32
      %dma_wait3A_834 = tpu.memref_slice %arg5[%dma_wait3A_831, %dma_wait3A_832, %dma_wait3A_833] : memref<16x1x4096xf32, #tpu.memory_space<vmem>> -> memref<1x1x4096xf32, #tpu.memory_space<vmem>>
      %dma_wait3A_835 = tpu.memref_squeeze %dma_wait3A_834 : memref<1x1x4096xf32, #tpu.memory_space<vmem>> -> memref<1x4096xf32, #tpu.memory_space<vmem>>
      %dma_wait3A_836 = arith.constant 0 : i32
      %dma_wait3A_837 = tpu.memref_slice %arg2[%add3A_830, %dma_wait3A_836] : memref<8192x4096xf32, #tpu.memory_space<hbm>> -> memref<1x4096xf32, #tpu.memory_space<hbm>>
      %dma_wait3A_838 = arith.constant 0 : i32
      %dma_wait3A_839 = arith.constant 0 : i32
      %dma_wait3A_840 = tpu.memref_slice %arg5[%dma_wait3A_831, %dma_wait3A_838, %dma_wait3A_839] : memref<16x1x4096xf32, #tpu.memory_space<vmem>> -> memref<1x1x4096xf32, #tpu.memory_space<vmem>>
      %dma_wait3A_841 = tpu.memref_squeeze %dma_wait3A_840 : memref<1x1x4096xf32, #tpu.memory_space<vmem>> -> memref<1x4096xf32, #tpu.memory_space<vmem>>
      %dma_wait3A_842 = arith.constant 0 : i32
      %dma_wait3A_843 = tpu.memref_slice %arg2[%add3A_830, %dma_wait3A_842] : memref<8192x4096xf32, #tpu.memory_space<hbm>> -> memref<1x4096xf32, #tpu.memory_space<hbm>>
      tpu.wait_dma2 semaphore(%arg14 : memref<!tpu.dma_semaphore, #tpu.memory_space<semaphore_mem>>) src(%dma_wait3A_843 : memref<1x4096xf32, #tpu.memory_space<hbm>>) dst(%dma_wait3A_841 : memref<1x4096xf32, #tpu.memory_space<vmem>>)
      %scan3A_844 = arith.constant 6 : i32
      %scan3A_845 = arith.constant 0 : i32
      %scan3A_846 = arith.constant 0 : i32
      %scan3A_847 = arith.constant 32 : i32
      %scan3A_848 = arith.addi %scan3A_846, %scan3A_847 : i32
      %scan3A_849 = arith.constant 1 : i32
      %scan3A_850:4 = scf.for %scan3A_1244 = %scan3A_846 to %scan3A_848 step %scan3A_849 iter_args(%scan3A_1245 = %broadcast_in_dim3A_5, %scan3A_1246 = %broadcast_in_dim3A_5, %scan3A_1247 = %broadcast_in_dim3A_5, %scan3A_1248 = %broadcast_in_dim3A_5) -> (vector<16xf32>, vector<16xf32>, vector<16xf32>, vector<16xf32>)  : i32 {
        %mul3A_1249 = arith.constant 128 : i32
        %mul3A_1250 = arith.muli %scan3A_1244, %mul3A_1249 : i32
        %add3A_1251 = arith.constant 0 : i32
        %add3A_1252 = arith.addi %mul3A_1250, %add3A_1251 : i32
        %get3A = arith.constant 0 : i32
        %get3A_1253 = tpu.memref_slice %arg5[%scan3A_844, %scan3A_845, %get3A] : memref<16x1x4096xf32, #tpu.memory_space<vmem>> -> memref<1x1x4096xf32, #tpu.memory_space<vmem>>
        %get3A_1254 = tpu.memref_squeeze %get3A_1253 : memref<1x1x4096xf32, #tpu.memory_space<vmem>> -> memref<4096xf32, #tpu.memory_space<vmem>>
        %get3A_1255 = arith.index_cast %add3A_1252 : i32 to index
        %get3A_1256 = tpu.vector_load %get3A_1254[%get3A_1255] {strides = array<i32>} : memref<4096xf32, #tpu.memory_space<vmem>>, vector<16xf32>,
        %get3A_1257 = vector.shape_cast %get3A_1256 : vector<16xf32> to vector<16xf32>
        %max3A_1258 = arith.maximumf %scan3A_1245, %get3A_1257 : vector<16xf32>
        %add3A_1259 = arith.constant 16 : i32
        %add3A_1260 = arith.addi %mul3A_1250, %add3A_1259 : i32
        %get3A_1261 = arith.constant 0 : i32
        %get3A_1262 = tpu.memref_slice %arg5[%scan3A_844, %scan3A_845, %get3A_1261] : memref<16x1x4096xf32, #tpu.memory_space<vmem>> -> memref<1x1x4096xf32, #tpu.memory_space<vmem>>
        %get3A_1263 = tpu.memref_squeeze %get3A_1262 : memref<1x1x4096xf32, #tpu.memory_space<vmem>> -> memref<4096xf32, #tpu.memory_space<vmem>>
        %get3A_1264 = arith.index_cast %add3A_1260 : i32 to index
        %get3A_1265 = tpu.vector_load %get3A_1263[%get3A_1264] {strides = array<i32>} : memref<4096xf32, #tpu.memory_space<vmem>>, vector<16xf32>,
        %get3A_1266 = vector.shape_cast %get3A_1265 : vector<16xf32> to vector<16xf32>
        %max3A_1267 = arith.maximumf %scan3A_1246, %get3A_1266 : vector<16xf32>
        %add3A_1268 = arith.constant 32 : i32
        %add3A_1269 = arith.addi %mul3A_1250, %add3A_1268 : i32
        %get3A_1270 = arith.constant 0 : i32
        %get3A_1271 = tpu.memref_slice %arg5[%scan3A_844, %scan3A_845, %get3A_1270] : memref<16x1x4096xf32, #tpu.memory_space<vmem>> -> memref<1x1x4096xf32, #tpu.memory_space<vmem>>
        %get3A_1272 = tpu.memref_squeeze %get3A_1271 : memref<1x1x4096xf32, #tpu.memory_space<vmem>> -> memref<4096xf32, #tpu.memory_space<vmem>>
        %get3A_1273 = arith.index_cast %add3A_1269 : i32 to index
        %get3A_1274 = tpu.vector_load %get3A_1272[%get3A_1273] {strides = array<i32>} : memref<4096xf32, #tpu.memory_space<vmem>>, vector<16xf32>,
        %get3A_1275 = vector.shape_cast %get3A_1274 : vector<16xf32> to vector<16xf32>
        %max3A_1276 = arith.maximumf %scan3A_1247, %get3A_1275 : vector<16xf32>
        %add3A_1277 = arith.constant 48 : i32
        %add3A_1278 = arith.addi %mul3A_1250, %add3A_1277 : i32
        %get3A_1279 = arith.constant 0 : i32
        %get3A_1280 = tpu.memref_slice %arg5[%scan3A_844, %scan3A_845, %get3A_1279] : memref<16x1x4096xf32, #tpu.memory_space<vmem>> -> memref<1x1x4096xf32, #tpu.memory_space<vmem>>
        %get3A_1281 = tpu.memref_squeeze %get3A_1280 : memref<1x1x4096xf32, #tpu.memory_space<vmem>> -> memref<4096xf32, #tpu.memory_space<vmem>>
        %get3A_1282 = arith.index_cast %add3A_1278 : i32 to index
        %get3A_1283 = tpu.vector_load %get3A_1281[%get3A_1282] {strides = array<i32>} : memref<4096xf32, #tpu.memory_space<vmem>>, vector<16xf32>,
        %get3A_1284 = vector.shape_cast %get3A_1283 : vector<16xf32> to vector<16xf32>
        %max3A_1285 = arith.maximumf %scan3A_1248, %get3A_1284 : vector<16xf32>
        %add3A_1286 = arith.constant 64 : i32
        %add3A_1287 = arith.addi %mul3A_1250, %add3A_1286 : i32
        %get3A_1288 = arith.constant 0 : i32
        %get3A_1289 = tpu.memref_slice %arg5[%scan3A_844, %scan3A_845, %get3A_1288] : memref<16x1x4096xf32, #tpu.memory_space<vmem>> -> memref<1x1x4096xf32, #tpu.memory_space<vmem>>
        %get3A_1290 = tpu.memref_squeeze %get3A_1289 : memref<1x1x4096xf32, #tpu.memory_space<vmem>> -> memref<4096xf32, #tpu.memory_space<vmem>>
        %get3A_1291 = arith.index_cast %add3A_1287 : i32 to index
        %get3A_1292 = tpu.vector_load %get3A_1290[%get3A_1291] {strides = array<i32>} : memref<4096xf32, #tpu.memory_space<vmem>>, vector<16xf32>,
        %get3A_1293 = vector.shape_cast %get3A_1292 : vector<16xf32> to vector<16xf32>
        %max3A_1294 = arith.maximumf %max3A_1258, %get3A_1293 : vector<16xf32>
        %add3A_1295 = arith.constant 80 : i32
        %add3A_1296 = arith.addi %mul3A_1250, %add3A_1295 : i32
        %get3A_1297 = arith.constant 0 : i32
        %get3A_1298 = tpu.memref_slice %arg5[%scan3A_844, %scan3A_845, %get3A_1297] : memref<16x1x4096xf32, #tpu.memory_space<vmem>> -> memref<1x1x4096xf32, #tpu.memory_space<vmem>>
        %get3A_1299 = tpu.memref_squeeze %get3A_1298 : memref<1x1x4096xf32, #tpu.memory_space<vmem>> -> memref<4096xf32, #tpu.memory_space<vmem>>
        %get3A_1300 = arith.index_cast %add3A_1296 : i32 to index
        %get3A_1301 = tpu.vector_load %get3A_1299[%get3A_1300] {strides = array<i32>} : memref<4096xf32, #tpu.memory_space<vmem>>, vector<16xf32>,
        %get3A_1302 = vector.shape_cast %get3A_1301 : vector<16xf32> to vector<16xf32>
        %max3A_1303 = arith.maximumf %max3A_1267, %get3A_1302 : vector<16xf32>
        %add3A_1304 = arith.constant 96 : i32
        %add3A_1305 = arith.addi %mul3A_1250, %add3A_1304 : i32
        %get3A_1306 = arith.constant 0 : i32
        %get3A_1307 = tpu.memref_slice %arg5[%scan3A_844, %scan3A_845, %get3A_1306] : memref<16x1x4096xf32, #tpu.memory_space<vmem>> -> memref<1x1x4096xf32, #tpu.memory_space<vmem>>
        %get3A_1308 = tpu.memref_squeeze %get3A_1307 : memref<1x1x4096xf32, #tpu.memory_space<vmem>> -> memref<4096xf32, #tpu.memory_space<vmem>>
        %get3A_1309 = arith.index_cast %add3A_1305 : i32 to index
        %get3A_1310 = tpu.vector_load %get3A_1308[%get3A_1309] {strides = array<i32>} : memref<4096xf32, #tpu.memory_space<vmem>>, vector<16xf32>,
        %get3A_1311 = vector.shape_cast %get3A_1310 : vector<16xf32> to vector<16xf32>
        %max3A_1312 = arith.maximumf %max3A_1276, %get3A_1311 : vector<16xf32>
        %add3A_1313 = arith.constant 112 : i32
        %add3A_1314 = arith.addi %mul3A_1250, %add3A_1313 : i32
        %get3A_1315 = arith.constant 0 : i32
        %get3A_1316 = tpu.memref_slice %arg5[%scan3A_844, %scan3A_845, %get3A_1315] : memref<16x1x4096xf32, #tpu.memory_space<vmem>> -> memref<1x1x4096xf32, #tpu.memory_space<vmem>>
        %get3A_1317 = tpu.memref_squeeze %get3A_1316 : memref<1x1x4096xf32, #tpu.memory_space<vmem>> -> memref<4096xf32, #tpu.memory_space<vmem>>
        %get3A_1318 = arith.index_cast %add3A_1314 : i32 to index
        %get3A_1319 = tpu.vector_load %get3A_1317[%get3A_1318] {strides = array<i32>} : memref<4096xf32, #tpu.memory_space<vmem>>, vector<16xf32>,
        %get3A_1320 = vector.shape_cast %get3A_1319 : vector<16xf32> to vector<16xf32>
        %max3A_1321 = arith.maximumf %max3A_1285, %get3A_1320 : vector<16xf32>
        scf.yield %max3A_1294, %max3A_1303, %max3A_1312, %max3A_1321 : vector<16xf32>, vector<16xf32>, vector<16xf32>, vector<16xf32>
      }
      %scan3A_851 = arith.constant 32 : i32
      %max3A_852 = arith.maximumf %scan3A_850#0, %scan3A_850#2 : vector<16xf32>
      %max3A_853 = arith.maximumf %scan3A_850#1, %scan3A_850#3 : vector<16xf32>
      %max3A_854 = arith.maximumf %max3A_852, %max3A_853 : vector<16xf32>
      %add3A_855 = arith.constant 16 : i32
      %add3A_856 = arith.addi %add3A_827, %add3A_855 : i32
      %lt3A_857 = arith.constant 116 : i32
      %lt3A_858 = arith.cmpi slt, %add3A_856, %lt3A_857 : i32
      %convert_element_type3A_859 = arith.extui %lt3A_858 : i1 to i32
      %cond3A_860 = arith.constant 0 : i32
      %cond3A_861 = arith.cmpi ne, %convert_element_type3A_859, %cond3A_860 : i32
      scf.if %cond3A_861 {
        %mul3A_1244 = arith.constant 1 : i32
        %mul3A_1245 = arith.muli %add3A_856, %mul3A_1244 : i32
        %add3A_1246 = arith.addi %add3A_4, %mul3A_1245 : i32
        %dma_start3A_1247 = arith.constant 6 : i32
        %dma_start3A_1248 = arith.constant 0 : i32
        %dma_start3A_1249 = arith.constant 0 : i32
        %dma_start3A_1250 = tpu.memref_slice %arg5[%dma_start3A_1247, %dma_start3A_1248, %dma_start3A_1249] : memref<16x1x4096xf32, #tpu.memory_space<vmem>> -> memref<1x1x4096xf32, #tpu.memory_space<vmem>>
        %dma_start3A_1251 = tpu.memref_squeeze %dma_start3A_1250 : memref<1x1x4096xf32, #tpu.memory_space<vmem>> -> memref<1x4096xf32, #tpu.memory_space<vmem>>
        %dma_start3A_1252 = arith.constant 0 : i32
        %dma_start3A_1253 = tpu.memref_slice %arg2[%add3A_1246, %dma_start3A_1252] : memref<8192x4096xf32, #tpu.memory_space<hbm>> -> memref<1x4096xf32, #tpu.memory_space<hbm>>
        %dma_start3A_1254 = arith.constant 0 : i32
        %dma_start3A_1255 = arith.constant 0 : i32
        %dma_start3A_1256 = tpu.memref_slice %arg5[%dma_start3A_1247, %dma_start3A_1254, %dma_start3A_1255] : memref<16x1x4096xf32, #tpu.memory_space<vmem>> -> memref<1x1x4096xf32, #tpu.memory_space<vmem>>
        %dma_start3A_1257 = tpu.memref_squeeze %dma_start3A_1256 : memref<1x1x4096xf32, #tpu.memory_space<vmem>> -> memref<1x4096xf32, #tpu.memory_space<vmem>>
        %dma_start3A_1258 = arith.constant 0 : i32
        %dma_start3A_1259 = tpu.memref_slice %arg2[%add3A_1246, %dma_start3A_1258] : memref<8192x4096xf32, #tpu.memory_space<hbm>> -> memref<1x4096xf32, #tpu.memory_space<hbm>>
        tpu.enqueue_dma source(%dma_start3A_1259 : memref<1x4096xf32, #tpu.memory_space<hbm>>) target(%dma_start3A_1257 : memref<1x4096xf32, #tpu.memory_space<vmem>>) target_semaphore(%arg14 : memref<!tpu.dma_semaphore, #tpu.memory_space<semaphore_mem>>)
      } else {
      }
      %gt3A_862 = arith.cmpf ogt, %max3A_854, %max3A_823 : vector<16xf32>
      %broadcast_in_dim3A_863 = vector.broadcast %add3A_827 : i32 to vector<16xi32>
      %select_n3A_864 = arith.select %gt3A_862, %broadcast_in_dim3A_863, %select_n3A_822 : vector<16xi1>, vector<16xi32>
      %max3A_865 = arith.maximumf %max3A_823, %max3A_854 : vector<16xf32>
      %mul3A_866 = arith.constant 16 : i32
      %mul3A_867 = arith.muli %mul3A_866, %scan3A_571 : i32
      %add3A_868 = arith.constant 7 : i32
      %add3A_869 = arith.addi %mul3A_867, %add3A_868 : i32
      %mul3A_870 = arith.constant 1 : i32
      %mul3A_871 = arith.muli %add3A_869, %mul3A_870 : i32
      %add3A_872 = arith.addi %add3A_4, %mul3A_871 : i32
      %dma_wait3A_873 = arith.constant 7 : i32
      %dma_wait3A_874 = arith.constant 0 : i32
      %dma_wait3A_875 = arith.constant 0 : i32
      %dma_wait3A_876 = tpu.memref_slice %arg5[%dma_wait3A_873, %dma_wait3A_874, %dma_wait3A_875] : memref<16x1x4096xf32, #tpu.memory_space<vmem>> -> memref<1x1x4096xf32, #tpu.memory_space<vmem>>
      %dma_wait3A_877 = tpu.memref_squeeze %dma_wait3A_876 : memref<1x1x4096xf32, #tpu.memory_space<vmem>> -> memref<1x4096xf32, #tpu.memory_space<vmem>>
      %dma_wait3A_878 = arith.constant 0 : i32
      %dma_wait3A_879 = tpu.memref_slice %arg2[%add3A_872, %dma_wait3A_878] : memref<8192x4096xf32, #tpu.memory_space<hbm>> -> memref<1x4096xf32, #tpu.memory_space<hbm>>
      %dma_wait3A_880 = arith.constant 0 : i32
      %dma_wait3A_881 = arith.constant 0 : i32
      %dma_wait3A_882 = tpu.memref_slice %arg5[%dma_wait3A_873, %dma_wait3A_880, %dma_wait3A_881] : memref<16x1x4096xf32, #tpu.memory_space<vmem>> -> memref<1x1x4096xf32, #tpu.memory_space<vmem>>
      %dma_wait3A_883 = tpu.memref_squeeze %dma_wait3A_882 : memref<1x1x4096xf32, #tpu.memory_space<vmem>> -> memref<1x4096xf32, #tpu.memory_space<vmem>>
      %dma_wait3A_884 = arith.constant 0 : i32
      %dma_wait3A_885 = tpu.memref_slice %arg2[%add3A_872, %dma_wait3A_884] : memref<8192x4096xf32, #tpu.memory_space<hbm>> -> memref<1x4096xf32, #tpu.memory_space<hbm>>
      tpu.wait_dma2 semaphore(%arg15 : memref<!tpu.dma_semaphore, #tpu.memory_space<semaphore_mem>>) src(%dma_wait3A_885 : memref<1x4096xf32, #tpu.memory_space<hbm>>) dst(%dma_wait3A_883 : memref<1x4096xf32, #tpu.memory_space<vmem>>)
      %scan3A_886 = arith.constant 7 : i32
      %scan3A_887 = arith.constant 0 : i32
      %scan3A_888 = arith.constant 0 : i32
      %scan3A_889 = arith.constant 32 : i32
      %scan3A_890 = arith.addi %scan3A_888, %scan3A_889 : i32
      %scan3A_891 = arith.constant 1 : i32
      %scan3A_892:4 = scf.for %scan3A_1244 = %scan3A_888 to %scan3A_890 step %scan3A_891 iter_args(%scan3A_1245 = %broadcast_in_dim3A_5, %scan3A_1246 = %broadcast_in_dim3A_5, %scan3A_1247 = %broadcast_in_dim3A_5, %scan3A_1248 = %broadcast_in_dim3A_5) -> (vector<16xf32>, vector<16xf32>, vector<16xf32>, vector<16xf32>)  : i32 {
        %mul3A_1249 = arith.constant 128 : i32
        %mul3A_1250 = arith.muli %scan3A_1244, %mul3A_1249 : i32
        %add3A_1251 = arith.constant 0 : i32
        %add3A_1252 = arith.addi %mul3A_1250, %add3A_1251 : i32
        %get3A = arith.constant 0 : i32
        %get3A_1253 = tpu.memref_slice %arg5[%scan3A_886, %scan3A_887, %get3A] : memref<16x1x4096xf32, #tpu.memory_space<vmem>> -> memref<1x1x4096xf32, #tpu.memory_space<vmem>>
        %get3A_1254 = tpu.memref_squeeze %get3A_1253 : memref<1x1x4096xf32, #tpu.memory_space<vmem>> -> memref<4096xf32, #tpu.memory_space<vmem>>
        %get3A_1255 = arith.index_cast %add3A_1252 : i32 to index
        %get3A_1256 = tpu.vector_load %get3A_1254[%get3A_1255] {strides = array<i32>} : memref<4096xf32, #tpu.memory_space<vmem>>, vector<16xf32>,
        %get3A_1257 = vector.shape_cast %get3A_1256 : vector<16xf32> to vector<16xf32>
        %max3A_1258 = arith.maximumf %scan3A_1245, %get3A_1257 : vector<16xf32>
        %add3A_1259 = arith.constant 16 : i32
        %add3A_1260 = arith.addi %mul3A_1250, %add3A_1259 : i32
        %get3A_1261 = arith.constant 0 : i32
        %get3A_1262 = tpu.memref_slice %arg5[%scan3A_886, %scan3A_887, %get3A_1261] : memref<16x1x4096xf32, #tpu.memory_space<vmem>> -> memref<1x1x4096xf32, #tpu.memory_space<vmem>>
        %get3A_1263 = tpu.memref_squeeze %get3A_1262 : memref<1x1x4096xf32, #tpu.memory_space<vmem>> -> memref<4096xf32, #tpu.memory_space<vmem>>
        %get3A_1264 = arith.index_cast %add3A_1260 : i32 to index
        %get3A_1265 = tpu.vector_load %get3A_1263[%get3A_1264] {strides = array<i32>} : memref<4096xf32, #tpu.memory_space<vmem>>, vector<16xf32>,
        %get3A_1266 = vector.shape_cast %get3A_1265 : vector<16xf32> to vector<16xf32>
        %max3A_1267 = arith.maximumf %scan3A_1246, %get3A_1266 : vector<16xf32>
        %add3A_1268 = arith.constant 32 : i32
        %add3A_1269 = arith.addi %mul3A_1250, %add3A_1268 : i32
        %get3A_1270 = arith.constant 0 : i32
        %get3A_1271 = tpu.memref_slice %arg5[%scan3A_886, %scan3A_887, %get3A_1270] : memref<16x1x4096xf32, #tpu.memory_space<vmem>> -> memref<1x1x4096xf32, #tpu.memory_space<vmem>>
        %get3A_1272 = tpu.memref_squeeze %get3A_1271 : memref<1x1x4096xf32, #tpu.memory_space<vmem>> -> memref<4096xf32, #tpu.memory_space<vmem>>
        %get3A_1273 = arith.index_cast %add3A_1269 : i32 to index
        %get3A_1274 = tpu.vector_load %get3A_1272[%get3A_1273] {strides = array<i32>} : memref<4096xf32, #tpu.memory_space<vmem>>, vector<16xf32>,
        %get3A_1275 = vector.shape_cast %get3A_1274 : vector<16xf32> to vector<16xf32>
        %max3A_1276 = arith.maximumf %scan3A_1247, %get3A_1275 : vector<16xf32>
        %add3A_1277 = arith.constant 48 : i32
        %add3A_1278 = arith.addi %mul3A_1250, %add3A_1277 : i32
        %get3A_1279 = arith.constant 0 : i32
        %get3A_1280 = tpu.memref_slice %arg5[%scan3A_886, %scan3A_887, %get3A_1279] : memref<16x1x4096xf32, #tpu.memory_space<vmem>> -> memref<1x1x4096xf32, #tpu.memory_space<vmem>>
        %get3A_1281 = tpu.memref_squeeze %get3A_1280 : memref<1x1x4096xf32, #tpu.memory_space<vmem>> -> memref<4096xf32, #tpu.memory_space<vmem>>
        %get3A_1282 = arith.index_cast %add3A_1278 : i32 to index
        %get3A_1283 = tpu.vector_load %get3A_1281[%get3A_1282] {strides = array<i32>} : memref<4096xf32, #tpu.memory_space<vmem>>, vector<16xf32>,
        %get3A_1284 = vector.shape_cast %get3A_1283 : vector<16xf32> to vector<16xf32>
        %max3A_1285 = arith.maximumf %scan3A_1248, %get3A_1284 : vector<16xf32>
        %add3A_1286 = arith.constant 64 : i32
        %add3A_1287 = arith.addi %mul3A_1250, %add3A_1286 : i32
        %get3A_1288 = arith.constant 0 : i32
        %get3A_1289 = tpu.memref_slice %arg5[%scan3A_886, %scan3A_887, %get3A_1288] : memref<16x1x4096xf32, #tpu.memory_space<vmem>> -> memref<1x1x4096xf32, #tpu.memory_space<vmem>>
        %get3A_1290 = tpu.memref_squeeze %get3A_1289 : memref<1x1x4096xf32, #tpu.memory_space<vmem>> -> memref<4096xf32, #tpu.memory_space<vmem>>
        %get3A_1291 = arith.index_cast %add3A_1287 : i32 to index
        %get3A_1292 = tpu.vector_load %get3A_1290[%get3A_1291] {strides = array<i32>} : memref<4096xf32, #tpu.memory_space<vmem>>, vector<16xf32>,
        %get3A_1293 = vector.shape_cast %get3A_1292 : vector<16xf32> to vector<16xf32>
        %max3A_1294 = arith.maximumf %max3A_1258, %get3A_1293 : vector<16xf32>
        %add3A_1295 = arith.constant 80 : i32
        %add3A_1296 = arith.addi %mul3A_1250, %add3A_1295 : i32
        %get3A_1297 = arith.constant 0 : i32
        %get3A_1298 = tpu.memref_slice %arg5[%scan3A_886, %scan3A_887, %get3A_1297] : memref<16x1x4096xf32, #tpu.memory_space<vmem>> -> memref<1x1x4096xf32, #tpu.memory_space<vmem>>
        %get3A_1299 = tpu.memref_squeeze %get3A_1298 : memref<1x1x4096xf32, #tpu.memory_space<vmem>> -> memref<4096xf32, #tpu.memory_space<vmem>>
        %get3A_1300 = arith.index_cast %add3A_1296 : i32 to index
        %get3A_1301 = tpu.vector_load %get3A_1299[%get3A_1300] {strides = array<i32>} : memref<4096xf32, #tpu.memory_space<vmem>>, vector<16xf32>,
        %get3A_1302 = vector.shape_cast %get3A_1301 : vector<16xf32> to vector<16xf32>
        %max3A_1303 = arith.maximumf %max3A_1267, %get3A_1302 : vector<16xf32>
        %add3A_1304 = arith.constant 96 : i32
        %add3A_1305 = arith.addi %mul3A_1250, %add3A_1304 : i32
        %get3A_1306 = arith.constant 0 : i32
        %get3A_1307 = tpu.memref_slice %arg5[%scan3A_886, %scan3A_887, %get3A_1306] : memref<16x1x4096xf32, #tpu.memory_space<vmem>> -> memref<1x1x4096xf32, #tpu.memory_space<vmem>>
        %get3A_1308 = tpu.memref_squeeze %get3A_1307 : memref<1x1x4096xf32, #tpu.memory_space<vmem>> -> memref<4096xf32, #tpu.memory_space<vmem>>
        %get3A_1309 = arith.index_cast %add3A_1305 : i32 to index
        %get3A_1310 = tpu.vector_load %get3A_1308[%get3A_1309] {strides = array<i32>} : memref<4096xf32, #tpu.memory_space<vmem>>, vector<16xf32>,
        %get3A_1311 = vector.shape_cast %get3A_1310 : vector<16xf32> to vector<16xf32>
        %max3A_1312 = arith.maximumf %max3A_1276, %get3A_1311 : vector<16xf32>
        %add3A_1313 = arith.constant 112 : i32
        %add3A_1314 = arith.addi %mul3A_1250, %add3A_1313 : i32
        %get3A_1315 = arith.constant 0 : i32
        %get3A_1316 = tpu.memref_slice %arg5[%scan3A_886, %scan3A_887, %get3A_1315] : memref<16x1x4096xf32, #tpu.memory_space<vmem>> -> memref<1x1x4096xf32, #tpu.memory_space<vmem>>
        %get3A_1317 = tpu.memref_squeeze %get3A_1316 : memref<1x1x4096xf32, #tpu.memory_space<vmem>> -> memref<4096xf32, #tpu.memory_space<vmem>>
        %get3A_1318 = arith.index_cast %add3A_1314 : i32 to index
        %get3A_1319 = tpu.vector_load %get3A_1317[%get3A_1318] {strides = array<i32>} : memref<4096xf32, #tpu.memory_space<vmem>>, vector<16xf32>,
        %get3A_1320 = vector.shape_cast %get3A_1319 : vector<16xf32> to vector<16xf32>
        %max3A_1321 = arith.maximumf %max3A_1285, %get3A_1320 : vector<16xf32>
        scf.yield %max3A_1294, %max3A_1303, %max3A_1312, %max3A_1321 : vector<16xf32>, vector<16xf32>, vector<16xf32>, vector<16xf32>
      }
      %scan3A_893 = arith.constant 32 : i32
      %max3A_894 = arith.maximumf %scan3A_892#0, %scan3A_892#2 : vector<16xf32>
      %max3A_895 = arith.maximumf %scan3A_892#1, %scan3A_892#3 : vector<16xf32>
      %max3A_896 = arith.maximumf %max3A_894, %max3A_895 : vector<16xf32>
      %add3A_897 = arith.constant 16 : i32
      %add3A_898 = arith.addi %add3A_869, %add3A_897 : i32
      %lt3A_899 = arith.constant 116 : i32
      %lt3A_900 = arith.cmpi slt, %add3A_898, %lt3A_899 : i32
      %convert_element_type3A_901 = arith.extui %lt3A_900 : i1 to i32
      %cond3A_902 = arith.constant 0 : i32
      %cond3A_903 = arith.cmpi ne, %convert_element_type3A_901, %cond3A_902 : i32
      scf.if %cond3A_903 {
        %mul3A_1244 = arith.constant 1 : i32
        %mul3A_1245 = arith.muli %add3A_898, %mul3A_1244 : i32
        %add3A_1246 = arith.addi %add3A_4, %mul3A_1245 : i32
        %dma_start3A_1247 = arith.constant 7 : i32
        %dma_start3A_1248 = arith.constant 0 : i32
        %dma_start3A_1249 = arith.constant 0 : i32
        %dma_start3A_1250 = tpu.memref_slice %arg5[%dma_start3A_1247, %dma_start3A_1248, %dma_start3A_1249] : memref<16x1x4096xf32, #tpu.memory_space<vmem>> -> memref<1x1x4096xf32, #tpu.memory_space<vmem>>
        %dma_start3A_1251 = tpu.memref_squeeze %dma_start3A_1250 : memref<1x1x4096xf32, #tpu.memory_space<vmem>> -> memref<1x4096xf32, #tpu.memory_space<vmem>>
        %dma_start3A_1252 = arith.constant 0 : i32
        %dma_start3A_1253 = tpu.memref_slice %arg2[%add3A_1246, %dma_start3A_1252] : memref<8192x4096xf32, #tpu.memory_space<hbm>> -> memref<1x4096xf32, #tpu.memory_space<hbm>>
        %dma_start3A_1254 = arith.constant 0 : i32
        %dma_start3A_1255 = arith.constant 0 : i32
        %dma_start3A_1256 = tpu.memref_slice %arg5[%dma_start3A_1247, %dma_start3A_1254, %dma_start3A_1255] : memref<16x1x4096xf32, #tpu.memory_space<vmem>> -> memref<1x1x4096xf32, #tpu.memory_space<vmem>>
        %dma_start3A_1257 = tpu.memref_squeeze %dma_start3A_1256 : memref<1x1x4096xf32, #tpu.memory_space<vmem>> -> memref<1x4096xf32, #tpu.memory_space<vmem>>
        %dma_start3A_1258 = arith.constant 0 : i32
        %dma_start3A_1259 = tpu.memref_slice %arg2[%add3A_1246, %dma_start3A_1258] : memref<8192x4096xf32, #tpu.memory_space<hbm>> -> memref<1x4096xf32, #tpu.memory_space<hbm>>
        tpu.enqueue_dma source(%dma_start3A_1259 : memref<1x4096xf32, #tpu.memory_space<hbm>>) target(%dma_start3A_1257 : memref<1x4096xf32, #tpu.memory_space<vmem>>) target_semaphore(%arg15 : memref<!tpu.dma_semaphore, #tpu.memory_space<semaphore_mem>>)
      } else {
      }
      %gt3A_904 = arith.cmpf ogt, %max3A_896, %max3A_865 : vector<16xf32>
      %broadcast_in_dim3A_905 = vector.broadcast %add3A_869 : i32 to vector<16xi32>
      %select_n3A_906 = arith.select %gt3A_904, %broadcast_in_dim3A_905, %select_n3A_864 : vector<16xi1>, vector<16xi32>
      %max3A_907 = arith.maximumf %max3A_865, %max3A_896 : vector<16xf32>
      %mul3A_908 = arith.constant 16 : i32
      %mul3A_909 = arith.muli %mul3A_908, %scan3A_571 : i32
      %add3A_910 = arith.constant 8 : i32
      %add3A_911 = arith.addi %mul3A_909, %add3A_910 : i32
      %mul3A_912 = arith.constant 1 : i32
      %mul3A_913 = arith.muli %add3A_911, %mul3A_912 : i32
      %add3A_914 = arith.addi %add3A_4, %mul3A_913 : i32
      %dma_wait3A_915 = arith.constant 8 : i32
      %dma_wait3A_916 = arith.constant 0 : i32
      %dma_wait3A_917 = arith.constant 0 : i32
      %dma_wait3A_918 = tpu.memref_slice %arg5[%dma_wait3A_915, %dma_wait3A_916, %dma_wait3A_917] : memref<16x1x4096xf32, #tpu.memory_space<vmem>> -> memref<1x1x4096xf32, #tpu.memory_space<vmem>>
      %dma_wait3A_919 = tpu.memref_squeeze %dma_wait3A_918 : memref<1x1x4096xf32, #tpu.memory_space<vmem>> -> memref<1x4096xf32, #tpu.memory_space<vmem>>
      %dma_wait3A_920 = arith.constant 0 : i32
      %dma_wait3A_921 = tpu.memref_slice %arg2[%add3A_914, %dma_wait3A_920] : memref<8192x4096xf32, #tpu.memory_space<hbm>> -> memref<1x4096xf32, #tpu.memory_space<hbm>>
      %dma_wait3A_922 = arith.constant 0 : i32
      %dma_wait3A_923 = arith.constant 0 : i32
      %dma_wait3A_924 = tpu.memref_slice %arg5[%dma_wait3A_915, %dma_wait3A_922, %dma_wait3A_923] : memref<16x1x4096xf32, #tpu.memory_space<vmem>> -> memref<1x1x4096xf32, #tpu.memory_space<vmem>>
      %dma_wait3A_925 = tpu.memref_squeeze %dma_wait3A_924 : memref<1x1x4096xf32, #tpu.memory_space<vmem>> -> memref<1x4096xf32, #tpu.memory_space<vmem>>
      %dma_wait3A_926 = arith.constant 0 : i32
      %dma_wait3A_927 = tpu.memref_slice %arg2[%add3A_914, %dma_wait3A_926] : memref<8192x4096xf32, #tpu.memory_space<hbm>> -> memref<1x4096xf32, #tpu.memory_space<hbm>>
      tpu.wait_dma2 semaphore(%arg16 : memref<!tpu.dma_semaphore, #tpu.memory_space<semaphore_mem>>) src(%dma_wait3A_927 : memref<1x4096xf32, #tpu.memory_space<hbm>>) dst(%dma_wait3A_925 : memref<1x4096xf32, #tpu.memory_space<vmem>>)
      %scan3A_928 = arith.constant 8 : i32
      %scan3A_929 = arith.constant 0 : i32
      %scan3A_930 = arith.constant 0 : i32
      %scan3A_931 = arith.constant 32 : i32
      %scan3A_932 = arith.addi %scan3A_930, %scan3A_931 : i32
      %scan3A_933 = arith.constant 1 : i32
      %scan3A_934:4 = scf.for %scan3A_1244 = %scan3A_930 to %scan3A_932 step %scan3A_933 iter_args(%scan3A_1245 = %broadcast_in_dim3A_5, %scan3A_1246 = %broadcast_in_dim3A_5, %scan3A_1247 = %broadcast_in_dim3A_5, %scan3A_1248 = %broadcast_in_dim3A_5) -> (vector<16xf32>, vector<16xf32>, vector<16xf32>, vector<16xf32>)  : i32 {
        %mul3A_1249 = arith.constant 128 : i32
        %mul3A_1250 = arith.muli %scan3A_1244, %mul3A_1249 : i32
        %add3A_1251 = arith.constant 0 : i32
        %add3A_1252 = arith.addi %mul3A_1250, %add3A_1251 : i32
        %get3A = arith.constant 0 : i32
        %get3A_1253 = tpu.memref_slice %arg5[%scan3A_928, %scan3A_929, %get3A] : memref<16x1x4096xf32, #tpu.memory_space<vmem>> -> memref<1x1x4096xf32, #tpu.memory_space<vmem>>
        %get3A_1254 = tpu.memref_squeeze %get3A_1253 : memref<1x1x4096xf32, #tpu.memory_space<vmem>> -> memref<4096xf32, #tpu.memory_space<vmem>>
        %get3A_1255 = arith.index_cast %add3A_1252 : i32 to index
        %get3A_1256 = tpu.vector_load %get3A_1254[%get3A_1255] {strides = array<i32>} : memref<4096xf32, #tpu.memory_space<vmem>>, vector<16xf32>,
        %get3A_1257 = vector.shape_cast %get3A_1256 : vector<16xf32> to vector<16xf32>
        %max3A_1258 = arith.maximumf %scan3A_1245, %get3A_1257 : vector<16xf32>
        %add3A_1259 = arith.constant 16 : i32
        %add3A_1260 = arith.addi %mul3A_1250, %add3A_1259 : i32
        %get3A_1261 = arith.constant 0 : i32
        %get3A_1262 = tpu.memref_slice %arg5[%scan3A_928, %scan3A_929, %get3A_1261] : memref<16x1x4096xf32, #tpu.memory_space<vmem>> -> memref<1x1x4096xf32, #tpu.memory_space<vmem>>
        %get3A_1263 = tpu.memref_squeeze %get3A_1262 : memref<1x1x4096xf32, #tpu.memory_space<vmem>> -> memref<4096xf32, #tpu.memory_space<vmem>>
        %get3A_1264 = arith.index_cast %add3A_1260 : i32 to index
        %get3A_1265 = tpu.vector_load %get3A_1263[%get3A_1264] {strides = array<i32>} : memref<4096xf32, #tpu.memory_space<vmem>>, vector<16xf32>,
        %get3A_1266 = vector.shape_cast %get3A_1265 : vector<16xf32> to vector<16xf32>
        %max3A_1267 = arith.maximumf %scan3A_1246, %get3A_1266 : vector<16xf32>
        %add3A_1268 = arith.constant 32 : i32
        %add3A_1269 = arith.addi %mul3A_1250, %add3A_1268 : i32
        %get3A_1270 = arith.constant 0 : i32
        %get3A_1271 = tpu.memref_slice %arg5[%scan3A_928, %scan3A_929, %get3A_1270] : memref<16x1x4096xf32, #tpu.memory_space<vmem>> -> memref<1x1x4096xf32, #tpu.memory_space<vmem>>
        %get3A_1272 = tpu.memref_squeeze %get3A_1271 : memref<1x1x4096xf32, #tpu.memory_space<vmem>> -> memref<4096xf32, #tpu.memory_space<vmem>>
        %get3A_1273 = arith.index_cast %add3A_1269 : i32 to index
        %get3A_1274 = tpu.vector_load %get3A_1272[%get3A_1273] {strides = array<i32>} : memref<4096xf32, #tpu.memory_space<vmem>>, vector<16xf32>,
        %get3A_1275 = vector.shape_cast %get3A_1274 : vector<16xf32> to vector<16xf32>
        %max3A_1276 = arith.maximumf %scan3A_1247, %get3A_1275 : vector<16xf32>
        %add3A_1277 = arith.constant 48 : i32
        %add3A_1278 = arith.addi %mul3A_1250, %add3A_1277 : i32
        %get3A_1279 = arith.constant 0 : i32
        %get3A_1280 = tpu.memref_slice %arg5[%scan3A_928, %scan3A_929, %get3A_1279] : memref<16x1x4096xf32, #tpu.memory_space<vmem>> -> memref<1x1x4096xf32, #tpu.memory_space<vmem>>
        %get3A_1281 = tpu.memref_squeeze %get3A_1280 : memref<1x1x4096xf32, #tpu.memory_space<vmem>> -> memref<4096xf32, #tpu.memory_space<vmem>>
        %get3A_1282 = arith.index_cast %add3A_1278 : i32 to index
        %get3A_1283 = tpu.vector_load %get3A_1281[%get3A_1282] {strides = array<i32>} : memref<4096xf32, #tpu.memory_space<vmem>>, vector<16xf32>,
        %get3A_1284 = vector.shape_cast %get3A_1283 : vector<16xf32> to vector<16xf32>
        %max3A_1285 = arith.maximumf %scan3A_1248, %get3A_1284 : vector<16xf32>
        %add3A_1286 = arith.constant 64 : i32
        %add3A_1287 = arith.addi %mul3A_1250, %add3A_1286 : i32
        %get3A_1288 = arith.constant 0 : i32
        %get3A_1289 = tpu.memref_slice %arg5[%scan3A_928, %scan3A_929, %get3A_1288] : memref<16x1x4096xf32, #tpu.memory_space<vmem>> -> memref<1x1x4096xf32, #tpu.memory_space<vmem>>
        %get3A_1290 = tpu.memref_squeeze %get3A_1289 : memref<1x1x4096xf32, #tpu.memory_space<vmem>> -> memref<4096xf32, #tpu.memory_space<vmem>>
        %get3A_1291 = arith.index_cast %add3A_1287 : i32 to index
        %get3A_1292 = tpu.vector_load %get3A_1290[%get3A_1291] {strides = array<i32>} : memref<4096xf32, #tpu.memory_space<vmem>>, vector<16xf32>,
        %get3A_1293 = vector.shape_cast %get3A_1292 : vector<16xf32> to vector<16xf32>
        %max3A_1294 = arith.maximumf %max3A_1258, %get3A_1293 : vector<16xf32>
        %add3A_1295 = arith.constant 80 : i32
        %add3A_1296 = arith.addi %mul3A_1250, %add3A_1295 : i32
        %get3A_1297 = arith.constant 0 : i32
        %get3A_1298 = tpu.memref_slice %arg5[%scan3A_928, %scan3A_929, %get3A_1297] : memref<16x1x4096xf32, #tpu.memory_space<vmem>> -> memref<1x1x4096xf32, #tpu.memory_space<vmem>>
        %get3A_1299 = tpu.memref_squeeze %get3A_1298 : memref<1x1x4096xf32, #tpu.memory_space<vmem>> -> memref<4096xf32, #tpu.memory_space<vmem>>
        %get3A_1300 = arith.index_cast %add3A_1296 : i32 to index
        %get3A_1301 = tpu.vector_load %get3A_1299[%get3A_1300] {strides = array<i32>} : memref<4096xf32, #tpu.memory_space<vmem>>, vector<16xf32>,
        %get3A_1302 = vector.shape_cast %get3A_1301 : vector<16xf32> to vector<16xf32>
        %max3A_1303 = arith.maximumf %max3A_1267, %get3A_1302 : vector<16xf32>
        %add3A_1304 = arith.constant 96 : i32
        %add3A_1305 = arith.addi %mul3A_1250, %add3A_1304 : i32
        %get3A_1306 = arith.constant 0 : i32
        %get3A_1307 = tpu.memref_slice %arg5[%scan3A_928, %scan3A_929, %get3A_1306] : memref<16x1x4096xf32, #tpu.memory_space<vmem>> -> memref<1x1x4096xf32, #tpu.memory_space<vmem>>
        %get3A_1308 = tpu.memref_squeeze %get3A_1307 : memref<1x1x4096xf32, #tpu.memory_space<vmem>> -> memref<4096xf32, #tpu.memory_space<vmem>>
        %get3A_1309 = arith.index_cast %add3A_1305 : i32 to index
        %get3A_1310 = tpu.vector_load %get3A_1308[%get3A_1309] {strides = array<i32>} : memref<4096xf32, #tpu.memory_space<vmem>>, vector<16xf32>,
        %get3A_1311 = vector.shape_cast %get3A_1310 : vector<16xf32> to vector<16xf32>
        %max3A_1312 = arith.maximumf %max3A_1276, %get3A_1311 : vector<16xf32>
        %add3A_1313 = arith.constant 112 : i32
        %add3A_1314 = arith.addi %mul3A_1250, %add3A_1313 : i32
        %get3A_1315 = arith.constant 0 : i32
        %get3A_1316 = tpu.memref_slice %arg5[%scan3A_928, %scan3A_929, %get3A_1315] : memref<16x1x4096xf32, #tpu.memory_space<vmem>> -> memref<1x1x4096xf32, #tpu.memory_space<vmem>>
        %get3A_1317 = tpu.memref_squeeze %get3A_1316 : memref<1x1x4096xf32, #tpu.memory_space<vmem>> -> memref<4096xf32, #tpu.memory_space<vmem>>
        %get3A_1318 = arith.index_cast %add3A_1314 : i32 to index
        %get3A_1319 = tpu.vector_load %get3A_1317[%get3A_1318] {strides = array<i32>} : memref<4096xf32, #tpu.memory_space<vmem>>, vector<16xf32>,
        %get3A_1320 = vector.shape_cast %get3A_1319 : vector<16xf32> to vector<16xf32>
        %max3A_1321 = arith.maximumf %max3A_1285, %get3A_1320 : vector<16xf32>
        scf.yield %max3A_1294, %max3A_1303, %max3A_1312, %max3A_1321 : vector<16xf32>, vector<16xf32>, vector<16xf32>, vector<16xf32>
      }
      %scan3A_935 = arith.constant 32 : i32
      %max3A_936 = arith.maximumf %scan3A_934#0, %scan3A_934#2 : vector<16xf32>
      %max3A_937 = arith.maximumf %scan3A_934#1, %scan3A_934#3 : vector<16xf32>
      %max3A_938 = arith.maximumf %max3A_936, %max3A_937 : vector<16xf32>
      %add3A_939 = arith.constant 16 : i32
      %add3A_940 = arith.addi %add3A_911, %add3A_939 : i32
      %lt3A_941 = arith.constant 116 : i32
      %lt3A_942 = arith.cmpi slt, %add3A_940, %lt3A_941 : i32
      %convert_element_type3A_943 = arith.extui %lt3A_942 : i1 to i32
      %cond3A_944 = arith.constant 0 : i32
      %cond3A_945 = arith.cmpi ne, %convert_element_type3A_943, %cond3A_944 : i32
      scf.if %cond3A_945 {
        %mul3A_1244 = arith.constant 1 : i32
        %mul3A_1245 = arith.muli %add3A_940, %mul3A_1244 : i32
        %add3A_1246 = arith.addi %add3A_4, %mul3A_1245 : i32
        %dma_start3A_1247 = arith.constant 8 : i32
        %dma_start3A_1248 = arith.constant 0 : i32
        %dma_start3A_1249 = arith.constant 0 : i32
        %dma_start3A_1250 = tpu.memref_slice %arg5[%dma_start3A_1247, %dma_start3A_1248, %dma_start3A_1249] : memref<16x1x4096xf32, #tpu.memory_space<vmem>> -> memref<1x1x4096xf32, #tpu.memory_space<vmem>>
        %dma_start3A_1251 = tpu.memref_squeeze %dma_start3A_1250 : memref<1x1x4096xf32, #tpu.memory_space<vmem>> -> memref<1x4096xf32, #tpu.memory_space<vmem>>
        %dma_start3A_1252 = arith.constant 0 : i32
        %dma_start3A_1253 = tpu.memref_slice %arg2[%add3A_1246, %dma_start3A_1252] : memref<8192x4096xf32, #tpu.memory_space<hbm>> -> memref<1x4096xf32, #tpu.memory_space<hbm>>
        %dma_start3A_1254 = arith.constant 0 : i32
        %dma_start3A_1255 = arith.constant 0 : i32
        %dma_start3A_1256 = tpu.memref_slice %arg5[%dma_start3A_1247, %dma_start3A_1254, %dma_start3A_1255] : memref<16x1x4096xf32, #tpu.memory_space<vmem>> -> memref<1x1x4096xf32, #tpu.memory_space<vmem>>
        %dma_start3A_1257 = tpu.memref_squeeze %dma_start3A_1256 : memref<1x1x4096xf32, #tpu.memory_space<vmem>> -> memref<1x4096xf32, #tpu.memory_space<vmem>>
        %dma_start3A_1258 = arith.constant 0 : i32
        %dma_start3A_1259 = tpu.memref_slice %arg2[%add3A_1246, %dma_start3A_1258] : memref<8192x4096xf32, #tpu.memory_space<hbm>> -> memref<1x4096xf32, #tpu.memory_space<hbm>>
        tpu.enqueue_dma source(%dma_start3A_1259 : memref<1x4096xf32, #tpu.memory_space<hbm>>) target(%dma_start3A_1257 : memref<1x4096xf32, #tpu.memory_space<vmem>>) target_semaphore(%arg16 : memref<!tpu.dma_semaphore, #tpu.memory_space<semaphore_mem>>)
      } else {
      }
      %gt3A_946 = arith.cmpf ogt, %max3A_938, %max3A_907 : vector<16xf32>
      %broadcast_in_dim3A_947 = vector.broadcast %add3A_911 : i32 to vector<16xi32>
      %select_n3A_948 = arith.select %gt3A_946, %broadcast_in_dim3A_947, %select_n3A_906 : vector<16xi1>, vector<16xi32>
      %max3A_949 = arith.maximumf %max3A_907, %max3A_938 : vector<16xf32>
      %mul3A_950 = arith.constant 16 : i32
      %mul3A_951 = arith.muli %mul3A_950, %scan3A_571 : i32
      %add3A_952 = arith.constant 9 : i32
      %add3A_953 = arith.addi %mul3A_951, %add3A_952 : i32
      %mul3A_954 = arith.constant 1 : i32
      %mul3A_955 = arith.muli %add3A_953, %mul3A_954 : i32
      %add3A_956 = arith.addi %add3A_4, %mul3A_955 : i32
      %dma_wait3A_957 = arith.constant 9 : i32
      %dma_wait3A_958 = arith.constant 0 : i32
      %dma_wait3A_959 = arith.constant 0 : i32
      %dma_wait3A_960 = tpu.memref_slice %arg5[%dma_wait3A_957, %dma_wait3A_958, %dma_wait3A_959] : memref<16x1x4096xf32, #tpu.memory_space<vmem>> -> memref<1x1x4096xf32, #tpu.memory_space<vmem>>
      %dma_wait3A_961 = tpu.memref_squeeze %dma_wait3A_960 : memref<1x1x4096xf32, #tpu.memory_space<vmem>> -> memref<1x4096xf32, #tpu.memory_space<vmem>>
      %dma_wait3A_962 = arith.constant 0 : i32
      %dma_wait3A_963 = tpu.memref_slice %arg2[%add3A_956, %dma_wait3A_962] : memref<8192x4096xf32, #tpu.memory_space<hbm>> -> memref<1x4096xf32, #tpu.memory_space<hbm>>
      %dma_wait3A_964 = arith.constant 0 : i32
      %dma_wait3A_965 = arith.constant 0 : i32
      %dma_wait3A_966 = tpu.memref_slice %arg5[%dma_wait3A_957, %dma_wait3A_964, %dma_wait3A_965] : memref<16x1x4096xf32, #tpu.memory_space<vmem>> -> memref<1x1x4096xf32, #tpu.memory_space<vmem>>
      %dma_wait3A_967 = tpu.memref_squeeze %dma_wait3A_966 : memref<1x1x4096xf32, #tpu.memory_space<vmem>> -> memref<1x4096xf32, #tpu.memory_space<vmem>>
      %dma_wait3A_968 = arith.constant 0 : i32
      %dma_wait3A_969 = tpu.memref_slice %arg2[%add3A_956, %dma_wait3A_968] : memref<8192x4096xf32, #tpu.memory_space<hbm>> -> memref<1x4096xf32, #tpu.memory_space<hbm>>
      tpu.wait_dma2 semaphore(%arg17 : memref<!tpu.dma_semaphore, #tpu.memory_space<semaphore_mem>>) src(%dma_wait3A_969 : memref<1x4096xf32, #tpu.memory_space<hbm>>) dst(%dma_wait3A_967 : memref<1x4096xf32, #tpu.memory_space<vmem>>)
      %scan3A_970 = arith.constant 9 : i32
      %scan3A_971 = arith.constant 0 : i32
      %scan3A_972 = arith.constant 0 : i32
      %scan3A_973 = arith.constant 32 : i32
      %scan3A_974 = arith.addi %scan3A_972, %scan3A_973 : i32
      %scan3A_975 = arith.constant 1 : i32
      %scan3A_976:4 = scf.for %scan3A_1244 = %scan3A_972 to %scan3A_974 step %scan3A_975 iter_args(%scan3A_1245 = %broadcast_in_dim3A_5, %scan3A_1246 = %broadcast_in_dim3A_5, %scan3A_1247 = %broadcast_in_dim3A_5, %scan3A_1248 = %broadcast_in_dim3A_5) -> (vector<16xf32>, vector<16xf32>, vector<16xf32>, vector<16xf32>)  : i32 {
        %mul3A_1249 = arith.constant 128 : i32
        %mul3A_1250 = arith.muli %scan3A_1244, %mul3A_1249 : i32
        %add3A_1251 = arith.constant 0 : i32
        %add3A_1252 = arith.addi %mul3A_1250, %add3A_1251 : i32
        %get3A = arith.constant 0 : i32
        %get3A_1253 = tpu.memref_slice %arg5[%scan3A_970, %scan3A_971, %get3A] : memref<16x1x4096xf32, #tpu.memory_space<vmem>> -> memref<1x1x4096xf32, #tpu.memory_space<vmem>>
        %get3A_1254 = tpu.memref_squeeze %get3A_1253 : memref<1x1x4096xf32, #tpu.memory_space<vmem>> -> memref<4096xf32, #tpu.memory_space<vmem>>
        %get3A_1255 = arith.index_cast %add3A_1252 : i32 to index
        %get3A_1256 = tpu.vector_load %get3A_1254[%get3A_1255] {strides = array<i32>} : memref<4096xf32, #tpu.memory_space<vmem>>, vector<16xf32>,
        %get3A_1257 = vector.shape_cast %get3A_1256 : vector<16xf32> to vector<16xf32>
        %max3A_1258 = arith.maximumf %scan3A_1245, %get3A_1257 : vector<16xf32>
        %add3A_1259 = arith.constant 16 : i32
        %add3A_1260 = arith.addi %mul3A_1250, %add3A_1259 : i32
        %get3A_1261 = arith.constant 0 : i32
        %get3A_1262 = tpu.memref_slice %arg5[%scan3A_970, %scan3A_971, %get3A_1261] : memref<16x1x4096xf32, #tpu.memory_space<vmem>> -> memref<1x1x4096xf32, #tpu.memory_space<vmem>>
        %get3A_1263 = tpu.memref_squeeze %get3A_1262 : memref<1x1x4096xf32, #tpu.memory_space<vmem>> -> memref<4096xf32, #tpu.memory_space<vmem>>
        %get3A_1264 = arith.index_cast %add3A_1260 : i32 to index
        %get3A_1265 = tpu.vector_load %get3A_1263[%get3A_1264] {strides = array<i32>} : memref<4096xf32, #tpu.memory_space<vmem>>, vector<16xf32>,
        %get3A_1266 = vector.shape_cast %get3A_1265 : vector<16xf32> to vector<16xf32>
        %max3A_1267 = arith.maximumf %scan3A_1246, %get3A_1266 : vector<16xf32>
        %add3A_1268 = arith.constant 32 : i32
        %add3A_1269 = arith.addi %mul3A_1250, %add3A_1268 : i32
        %get3A_1270 = arith.constant 0 : i32
        %get3A_1271 = tpu.memref_slice %arg5[%scan3A_970, %scan3A_971, %get3A_1270] : memref<16x1x4096xf32, #tpu.memory_space<vmem>> -> memref<1x1x4096xf32, #tpu.memory_space<vmem>>
        %get3A_1272 = tpu.memref_squeeze %get3A_1271 : memref<1x1x4096xf32, #tpu.memory_space<vmem>> -> memref<4096xf32, #tpu.memory_space<vmem>>
        %get3A_1273 = arith.index_cast %add3A_1269 : i32 to index
        %get3A_1274 = tpu.vector_load %get3A_1272[%get3A_1273] {strides = array<i32>} : memref<4096xf32, #tpu.memory_space<vmem>>, vector<16xf32>,
        %get3A_1275 = vector.shape_cast %get3A_1274 : vector<16xf32> to vector<16xf32>
        %max3A_1276 = arith.maximumf %scan3A_1247, %get3A_1275 : vector<16xf32>
        %add3A_1277 = arith.constant 48 : i32
        %add3A_1278 = arith.addi %mul3A_1250, %add3A_1277 : i32
        %get3A_1279 = arith.constant 0 : i32
        %get3A_1280 = tpu.memref_slice %arg5[%scan3A_970, %scan3A_971, %get3A_1279] : memref<16x1x4096xf32, #tpu.memory_space<vmem>> -> memref<1x1x4096xf32, #tpu.memory_space<vmem>>
        %get3A_1281 = tpu.memref_squeeze %get3A_1280 : memref<1x1x4096xf32, #tpu.memory_space<vmem>> -> memref<4096xf32, #tpu.memory_space<vmem>>
        %get3A_1282 = arith.index_cast %add3A_1278 : i32 to index
        %get3A_1283 = tpu.vector_load %get3A_1281[%get3A_1282] {strides = array<i32>} : memref<4096xf32, #tpu.memory_space<vmem>>, vector<16xf32>,
        %get3A_1284 = vector.shape_cast %get3A_1283 : vector<16xf32> to vector<16xf32>
        %max3A_1285 = arith.maximumf %scan3A_1248, %get3A_1284 : vector<16xf32>
        %add3A_1286 = arith.constant 64 : i32
        %add3A_1287 = arith.addi %mul3A_1250, %add3A_1286 : i32
        %get3A_1288 = arith.constant 0 : i32
        %get3A_1289 = tpu.memref_slice %arg5[%scan3A_970, %scan3A_971, %get3A_1288] : memref<16x1x4096xf32, #tpu.memory_space<vmem>> -> memref<1x1x4096xf32, #tpu.memory_space<vmem>>
        %get3A_1290 = tpu.memref_squeeze %get3A_1289 : memref<1x1x4096xf32, #tpu.memory_space<vmem>> -> memref<4096xf32, #tpu.memory_space<vmem>>
        %get3A_1291 = arith.index_cast %add3A_1287 : i32 to index
        %get3A_1292 = tpu.vector_load %get3A_1290[%get3A_1291] {strides = array<i32>} : memref<4096xf32, #tpu.memory_space<vmem>>, vector<16xf32>,
        %get3A_1293 = vector.shape_cast %get3A_1292 : vector<16xf32> to vector<16xf32>
        %max3A_1294 = arith.maximumf %max3A_1258, %get3A_1293 : vector<16xf32>
        %add3A_1295 = arith.constant 80 : i32
        %add3A_1296 = arith.addi %mul3A_1250, %add3A_1295 : i32
        %get3A_1297 = arith.constant 0 : i32
        %get3A_1298 = tpu.memref_slice %arg5[%scan3A_970, %scan3A_971, %get3A_1297] : memref<16x1x4096xf32, #tpu.memory_space<vmem>> -> memref<1x1x4096xf32, #tpu.memory_space<vmem>>
        %get3A_1299 = tpu.memref_squeeze %get3A_1298 : memref<1x1x4096xf32, #tpu.memory_space<vmem>> -> memref<4096xf32, #tpu.memory_space<vmem>>
        %get3A_1300 = arith.index_cast %add3A_1296 : i32 to index
        %get3A_1301 = tpu.vector_load %get3A_1299[%get3A_1300] {strides = array<i32>} : memref<4096xf32, #tpu.memory_space<vmem>>, vector<16xf32>,
        %get3A_1302 = vector.shape_cast %get3A_1301 : vector<16xf32> to vector<16xf32>
        %max3A_1303 = arith.maximumf %max3A_1267, %get3A_1302 : vector<16xf32>
        %add3A_1304 = arith.constant 96 : i32
        %add3A_1305 = arith.addi %mul3A_1250, %add3A_1304 : i32
        %get3A_1306 = arith.constant 0 : i32
        %get3A_1307 = tpu.memref_slice %arg5[%scan3A_970, %scan3A_971, %get3A_1306] : memref<16x1x4096xf32, #tpu.memory_space<vmem>> -> memref<1x1x4096xf32, #tpu.memory_space<vmem>>
        %get3A_1308 = tpu.memref_squeeze %get3A_1307 : memref<1x1x4096xf32, #tpu.memory_space<vmem>> -> memref<4096xf32, #tpu.memory_space<vmem>>
        %get3A_1309 = arith.index_cast %add3A_1305 : i32 to index
        %get3A_1310 = tpu.vector_load %get3A_1308[%get3A_1309] {strides = array<i32>} : memref<4096xf32, #tpu.memory_space<vmem>>, vector<16xf32>,
        %get3A_1311 = vector.shape_cast %get3A_1310 : vector<16xf32> to vector<16xf32>
        %max3A_1312 = arith.maximumf %max3A_1276, %get3A_1311 : vector<16xf32>
        %add3A_1313 = arith.constant 112 : i32
        %add3A_1314 = arith.addi %mul3A_1250, %add3A_1313 : i32
        %get3A_1315 = arith.constant 0 : i32
        %get3A_1316 = tpu.memref_slice %arg5[%scan3A_970, %scan3A_971, %get3A_1315] : memref<16x1x4096xf32, #tpu.memory_space<vmem>> -> memref<1x1x4096xf32, #tpu.memory_space<vmem>>
        %get3A_1317 = tpu.memref_squeeze %get3A_1316 : memref<1x1x4096xf32, #tpu.memory_space<vmem>> -> memref<4096xf32, #tpu.memory_space<vmem>>
        %get3A_1318 = arith.index_cast %add3A_1314 : i32 to index
        %get3A_1319 = tpu.vector_load %get3A_1317[%get3A_1318] {strides = array<i32>} : memref<4096xf32, #tpu.memory_space<vmem>>, vector<16xf32>,
        %get3A_1320 = vector.shape_cast %get3A_1319 : vector<16xf32> to vector<16xf32>
        %max3A_1321 = arith.maximumf %max3A_1285, %get3A_1320 : vector<16xf32>
        scf.yield %max3A_1294, %max3A_1303, %max3A_1312, %max3A_1321 : vector<16xf32>, vector<16xf32>, vector<16xf32>, vector<16xf32>
      }
      %scan3A_977 = arith.constant 32 : i32
      %max3A_978 = arith.maximumf %scan3A_976#0, %scan3A_976#2 : vector<16xf32>
      %max3A_979 = arith.maximumf %scan3A_976#1, %scan3A_976#3 : vector<16xf32>
      %max3A_980 = arith.maximumf %max3A_978, %max3A_979 : vector<16xf32>
      %add3A_981 = arith.constant 16 : i32
      %add3A_982 = arith.addi %add3A_953, %add3A_981 : i32
      %lt3A_983 = arith.constant 116 : i32
      %lt3A_984 = arith.cmpi slt, %add3A_982, %lt3A_983 : i32
      %convert_element_type3A_985 = arith.extui %lt3A_984 : i1 to i32
      %cond3A_986 = arith.constant 0 : i32
      %cond3A_987 = arith.cmpi ne, %convert_element_type3A_985, %cond3A_986 : i32
      scf.if %cond3A_987 {
        %mul3A_1244 = arith.constant 1 : i32
        %mul3A_1245 = arith.muli %add3A_982, %mul3A_1244 : i32
        %add3A_1246 = arith.addi %add3A_4, %mul3A_1245 : i32
        %dma_start3A_1247 = arith.constant 9 : i32
        %dma_start3A_1248 = arith.constant 0 : i32
        %dma_start3A_1249 = arith.constant 0 : i32
        %dma_start3A_1250 = tpu.memref_slice %arg5[%dma_start3A_1247, %dma_start3A_1248, %dma_start3A_1249] : memref<16x1x4096xf32, #tpu.memory_space<vmem>> -> memref<1x1x4096xf32, #tpu.memory_space<vmem>>
        %dma_start3A_1251 = tpu.memref_squeeze %dma_start3A_1250 : memref<1x1x4096xf32, #tpu.memory_space<vmem>> -> memref<1x4096xf32, #tpu.memory_space<vmem>>
        %dma_start3A_1252 = arith.constant 0 : i32
        %dma_start3A_1253 = tpu.memref_slice %arg2[%add3A_1246, %dma_start3A_1252] : memref<8192x4096xf32, #tpu.memory_space<hbm>> -> memref<1x4096xf32, #tpu.memory_space<hbm>>
        %dma_start3A_1254 = arith.constant 0 : i32
        %dma_start3A_1255 = arith.constant 0 : i32
        %dma_start3A_1256 = tpu.memref_slice %arg5[%dma_start3A_1247, %dma_start3A_1254, %dma_start3A_1255] : memref<16x1x4096xf32, #tpu.memory_space<vmem>> -> memref<1x1x4096xf32, #tpu.memory_space<vmem>>
        %dma_start3A_1257 = tpu.memref_squeeze %dma_start3A_1256 : memref<1x1x4096xf32, #tpu.memory_space<vmem>> -> memref<1x4096xf32, #tpu.memory_space<vmem>>
        %dma_start3A_1258 = arith.constant 0 : i32
        %dma_start3A_1259 = tpu.memref_slice %arg2[%add3A_1246, %dma_start3A_1258] : memref<8192x4096xf32, #tpu.memory_space<hbm>> -> memref<1x4096xf32, #tpu.memory_space<hbm>>
        tpu.enqueue_dma source(%dma_start3A_1259 : memref<1x4096xf32, #tpu.memory_space<hbm>>) target(%dma_start3A_1257 : memref<1x4096xf32, #tpu.memory_space<vmem>>) target_semaphore(%arg17 : memref<!tpu.dma_semaphore, #tpu.memory_space<semaphore_mem>>)
      } else {
      }
      %gt3A_988 = arith.cmpf ogt, %max3A_980, %max3A_949 : vector<16xf32>
      %broadcast_in_dim3A_989 = vector.broadcast %add3A_953 : i32 to vector<16xi32>
      %select_n3A_990 = arith.select %gt3A_988, %broadcast_in_dim3A_989, %select_n3A_948 : vector<16xi1>, vector<16xi32>
      %max3A_991 = arith.maximumf %max3A_949, %max3A_980 : vector<16xf32>
      %mul3A_992 = arith.constant 16 : i32
      %mul3A_993 = arith.muli %mul3A_992, %scan3A_571 : i32
      %add3A_994 = arith.constant 10 : i32
      %add3A_995 = arith.addi %mul3A_993, %add3A_994 : i32
      %mul3A_996 = arith.constant 1 : i32
      %mul3A_997 = arith.muli %add3A_995, %mul3A_996 : i32
      %add3A_998 = arith.addi %add3A_4, %mul3A_997 : i32
      %dma_wait3A_999 = arith.constant 10 : i32
      %dma_wait3A_1000 = arith.constant 0 : i32
      %dma_wait3A_1001 = arith.constant 0 : i32
      %dma_wait3A_1002 = tpu.memref_slice %arg5[%dma_wait3A_999, %dma_wait3A_1000, %dma_wait3A_1001] : memref<16x1x4096xf32, #tpu.memory_space<vmem>> -> memref<1x1x4096xf32, #tpu.memory_space<vmem>>
      %dma_wait3A_1003 = tpu.memref_squeeze %dma_wait3A_1002 : memref<1x1x4096xf32, #tpu.memory_space<vmem>> -> memref<1x4096xf32, #tpu.memory_space<vmem>>
      %dma_wait3A_1004 = arith.constant 0 : i32
      %dma_wait3A_1005 = tpu.memref_slice %arg2[%add3A_998, %dma_wait3A_1004] : memref<8192x4096xf32, #tpu.memory_space<hbm>> -> memref<1x4096xf32, #tpu.memory_space<hbm>>
      %dma_wait3A_1006 = arith.constant 0 : i32
      %dma_wait3A_1007 = arith.constant 0 : i32
      %dma_wait3A_1008 = tpu.memref_slice %arg5[%dma_wait3A_999, %dma_wait3A_1006, %dma_wait3A_1007] : memref<16x1x4096xf32, #tpu.memory_space<vmem>> -> memref<1x1x4096xf32, #tpu.memory_space<vmem>>
      %dma_wait3A_1009 = tpu.memref_squeeze %dma_wait3A_1008 : memref<1x1x4096xf32, #tpu.memory_space<vmem>> -> memref<1x4096xf32, #tpu.memory_space<vmem>>
      %dma_wait3A_1010 = arith.constant 0 : i32
      %dma_wait3A_1011 = tpu.memref_slice %arg2[%add3A_998, %dma_wait3A_1010] : memref<8192x4096xf32, #tpu.memory_space<hbm>> -> memref<1x4096xf32, #tpu.memory_space<hbm>>
      tpu.wait_dma2 semaphore(%arg18 : memref<!tpu.dma_semaphore, #tpu.memory_space<semaphore_mem>>) src(%dma_wait3A_1011 : memref<1x4096xf32, #tpu.memory_space<hbm>>) dst(%dma_wait3A_1009 : memref<1x4096xf32, #tpu.memory_space<vmem>>)
      %scan3A_1012 = arith.constant 10 : i32
      %scan3A_1013 = arith.constant 0 : i32
      %scan3A_1014 = arith.constant 0 : i32
      %scan3A_1015 = arith.constant 32 : i32
      %scan3A_1016 = arith.addi %scan3A_1014, %scan3A_1015 : i32
      %scan3A_1017 = arith.constant 1 : i32
      %scan3A_1018:4 = scf.for %scan3A_1244 = %scan3A_1014 to %scan3A_1016 step %scan3A_1017 iter_args(%scan3A_1245 = %broadcast_in_dim3A_5, %scan3A_1246 = %broadcast_in_dim3A_5, %scan3A_1247 = %broadcast_in_dim3A_5, %scan3A_1248 = %broadcast_in_dim3A_5) -> (vector<16xf32>, vector<16xf32>, vector<16xf32>, vector<16xf32>)  : i32 {
        %mul3A_1249 = arith.constant 128 : i32
        %mul3A_1250 = arith.muli %scan3A_1244, %mul3A_1249 : i32
        %add3A_1251 = arith.constant 0 : i32
        %add3A_1252 = arith.addi %mul3A_1250, %add3A_1251 : i32
        %get3A = arith.constant 0 : i32
        %get3A_1253 = tpu.memref_slice %arg5[%scan3A_1012, %scan3A_1013, %get3A] : memref<16x1x4096xf32, #tpu.memory_space<vmem>> -> memref<1x1x4096xf32, #tpu.memory_space<vmem>>
        %get3A_1254 = tpu.memref_squeeze %get3A_1253 : memref<1x1x4096xf32, #tpu.memory_space<vmem>> -> memref<4096xf32, #tpu.memory_space<vmem>>
        %get3A_1255 = arith.index_cast %add3A_1252 : i32 to index
        %get3A_1256 = tpu.vector_load %get3A_1254[%get3A_1255] {strides = array<i32>} : memref<4096xf32, #tpu.memory_space<vmem>>, vector<16xf32>,
        %get3A_1257 = vector.shape_cast %get3A_1256 : vector<16xf32> to vector<16xf32>
        %max3A_1258 = arith.maximumf %scan3A_1245, %get3A_1257 : vector<16xf32>
        %add3A_1259 = arith.constant 16 : i32
        %add3A_1260 = arith.addi %mul3A_1250, %add3A_1259 : i32
        %get3A_1261 = arith.constant 0 : i32
        %get3A_1262 = tpu.memref_slice %arg5[%scan3A_1012, %scan3A_1013, %get3A_1261] : memref<16x1x4096xf32, #tpu.memory_space<vmem>> -> memref<1x1x4096xf32, #tpu.memory_space<vmem>>
        %get3A_1263 = tpu.memref_squeeze %get3A_1262 : memref<1x1x4096xf32, #tpu.memory_space<vmem>> -> memref<4096xf32, #tpu.memory_space<vmem>>
        %get3A_1264 = arith.index_cast %add3A_1260 : i32 to index
        %get3A_1265 = tpu.vector_load %get3A_1263[%get3A_1264] {strides = array<i32>} : memref<4096xf32, #tpu.memory_space<vmem>>, vector<16xf32>,
        %get3A_1266 = vector.shape_cast %get3A_1265 : vector<16xf32> to vector<16xf32>
        %max3A_1267 = arith.maximumf %scan3A_1246, %get3A_1266 : vector<16xf32>
        %add3A_1268 = arith.constant 32 : i32
        %add3A_1269 = arith.addi %mul3A_1250, %add3A_1268 : i32
        %get3A_1270 = arith.constant 0 : i32
        %get3A_1271 = tpu.memref_slice %arg5[%scan3A_1012, %scan3A_1013, %get3A_1270] : memref<16x1x4096xf32, #tpu.memory_space<vmem>> -> memref<1x1x4096xf32, #tpu.memory_space<vmem>>
        %get3A_1272 = tpu.memref_squeeze %get3A_1271 : memref<1x1x4096xf32, #tpu.memory_space<vmem>> -> memref<4096xf32, #tpu.memory_space<vmem>>
        %get3A_1273 = arith.index_cast %add3A_1269 : i32 to index
        %get3A_1274 = tpu.vector_load %get3A_1272[%get3A_1273] {strides = array<i32>} : memref<4096xf32, #tpu.memory_space<vmem>>, vector<16xf32>,
        %get3A_1275 = vector.shape_cast %get3A_1274 : vector<16xf32> to vector<16xf32>
        %max3A_1276 = arith.maximumf %scan3A_1247, %get3A_1275 : vector<16xf32>
        %add3A_1277 = arith.constant 48 : i32
        %add3A_1278 = arith.addi %mul3A_1250, %add3A_1277 : i32
        %get3A_1279 = arith.constant 0 : i32
        %get3A_1280 = tpu.memref_slice %arg5[%scan3A_1012, %scan3A_1013, %get3A_1279] : memref<16x1x4096xf32, #tpu.memory_space<vmem>> -> memref<1x1x4096xf32, #tpu.memory_space<vmem>>
        %get3A_1281 = tpu.memref_squeeze %get3A_1280 : memref<1x1x4096xf32, #tpu.memory_space<vmem>> -> memref<4096xf32, #tpu.memory_space<vmem>>
        %get3A_1282 = arith.index_cast %add3A_1278 : i32 to index
        %get3A_1283 = tpu.vector_load %get3A_1281[%get3A_1282] {strides = array<i32>} : memref<4096xf32, #tpu.memory_space<vmem>>, vector<16xf32>,
        %get3A_1284 = vector.shape_cast %get3A_1283 : vector<16xf32> to vector<16xf32>
        %max3A_1285 = arith.maximumf %scan3A_1248, %get3A_1284 : vector<16xf32>
        %add3A_1286 = arith.constant 64 : i32
        %add3A_1287 = arith.addi %mul3A_1250, %add3A_1286 : i32
        %get3A_1288 = arith.constant 0 : i32
        %get3A_1289 = tpu.memref_slice %arg5[%scan3A_1012, %scan3A_1013, %get3A_1288] : memref<16x1x4096xf32, #tpu.memory_space<vmem>> -> memref<1x1x4096xf32, #tpu.memory_space<vmem>>
        %get3A_1290 = tpu.memref_squeeze %get3A_1289 : memref<1x1x4096xf32, #tpu.memory_space<vmem>> -> memref<4096xf32, #tpu.memory_space<vmem>>
        %get3A_1291 = arith.index_cast %add3A_1287 : i32 to index
        %get3A_1292 = tpu.vector_load %get3A_1290[%get3A_1291] {strides = array<i32>} : memref<4096xf32, #tpu.memory_space<vmem>>, vector<16xf32>,
        %get3A_1293 = vector.shape_cast %get3A_1292 : vector<16xf32> to vector<16xf32>
        %max3A_1294 = arith.maximumf %max3A_1258, %get3A_1293 : vector<16xf32>
        %add3A_1295 = arith.constant 80 : i32
        %add3A_1296 = arith.addi %mul3A_1250, %add3A_1295 : i32
        %get3A_1297 = arith.constant 0 : i32
        %get3A_1298 = tpu.memref_slice %arg5[%scan3A_1012, %scan3A_1013, %get3A_1297] : memref<16x1x4096xf32, #tpu.memory_space<vmem>> -> memref<1x1x4096xf32, #tpu.memory_space<vmem>>
        %get3A_1299 = tpu.memref_squeeze %get3A_1298 : memref<1x1x4096xf32, #tpu.memory_space<vmem>> -> memref<4096xf32, #tpu.memory_space<vmem>>
        %get3A_1300 = arith.index_cast %add3A_1296 : i32 to index
        %get3A_1301 = tpu.vector_load %get3A_1299[%get3A_1300] {strides = array<i32>} : memref<4096xf32, #tpu.memory_space<vmem>>, vector<16xf32>,
        %get3A_1302 = vector.shape_cast %get3A_1301 : vector<16xf32> to vector<16xf32>
        %max3A_1303 = arith.maximumf %max3A_1267, %get3A_1302 : vector<16xf32>
        %add3A_1304 = arith.constant 96 : i32
        %add3A_1305 = arith.addi %mul3A_1250, %add3A_1304 : i32
        %get3A_1306 = arith.constant 0 : i32
        %get3A_1307 = tpu.memref_slice %arg5[%scan3A_1012, %scan3A_1013, %get3A_1306] : memref<16x1x4096xf32, #tpu.memory_space<vmem>> -> memref<1x1x4096xf32, #tpu.memory_space<vmem>>
        %get3A_1308 = tpu.memref_squeeze %get3A_1307 : memref<1x1x4096xf32, #tpu.memory_space<vmem>> -> memref<4096xf32, #tpu.memory_space<vmem>>
        %get3A_1309 = arith.index_cast %add3A_1305 : i32 to index
        %get3A_1310 = tpu.vector_load %get3A_1308[%get3A_1309] {strides = array<i32>} : memref<4096xf32, #tpu.memory_space<vmem>>, vector<16xf32>,
        %get3A_1311 = vector.shape_cast %get3A_1310 : vector<16xf32> to vector<16xf32>
        %max3A_1312 = arith.maximumf %max3A_1276, %get3A_1311 : vector<16xf32>
        %add3A_1313 = arith.constant 112 : i32
        %add3A_1314 = arith.addi %mul3A_1250, %add3A_1313 : i32
        %get3A_1315 = arith.constant 0 : i32
        %get3A_1316 = tpu.memref_slice %arg5[%scan3A_1012, %scan3A_1013, %get3A_1315] : memref<16x1x4096xf32, #tpu.memory_space<vmem>> -> memref<1x1x4096xf32, #tpu.memory_space<vmem>>
        %get3A_1317 = tpu.memref_squeeze %get3A_1316 : memref<1x1x4096xf32, #tpu.memory_space<vmem>> -> memref<4096xf32, #tpu.memory_space<vmem>>
        %get3A_1318 = arith.index_cast %add3A_1314 : i32 to index
        %get3A_1319 = tpu.vector_load %get3A_1317[%get3A_1318] {strides = array<i32>} : memref<4096xf32, #tpu.memory_space<vmem>>, vector<16xf32>,
        %get3A_1320 = vector.shape_cast %get3A_1319 : vector<16xf32> to vector<16xf32>
        %max3A_1321 = arith.maximumf %max3A_1285, %get3A_1320 : vector<16xf32>
        scf.yield %max3A_1294, %max3A_1303, %max3A_1312, %max3A_1321 : vector<16xf32>, vector<16xf32>, vector<16xf32>, vector<16xf32>
      }
      %scan3A_1019 = arith.constant 32 : i32
      %max3A_1020 = arith.maximumf %scan3A_1018#0, %scan3A_1018#2 : vector<16xf32>
      %max3A_1021 = arith.maximumf %scan3A_1018#1, %scan3A_1018#3 : vector<16xf32>
      %max3A_1022 = arith.maximumf %max3A_1020, %max3A_1021 : vector<16xf32>
      %add3A_1023 = arith.constant 16 : i32
      %add3A_1024 = arith.addi %add3A_995, %add3A_1023 : i32
      %lt3A_1025 = arith.constant 116 : i32
      %lt3A_1026 = arith.cmpi slt, %add3A_1024, %lt3A_1025 : i32
      %convert_element_type3A_1027 = arith.extui %lt3A_1026 : i1 to i32
      %cond3A_1028 = arith.constant 0 : i32
      %cond3A_1029 = arith.cmpi ne, %convert_element_type3A_1027, %cond3A_1028 : i32
      scf.if %cond3A_1029 {
        %mul3A_1244 = arith.constant 1 : i32
        %mul3A_1245 = arith.muli %add3A_1024, %mul3A_1244 : i32
        %add3A_1246 = arith.addi %add3A_4, %mul3A_1245 : i32
        %dma_start3A_1247 = arith.constant 10 : i32
        %dma_start3A_1248 = arith.constant 0 : i32
        %dma_start3A_1249 = arith.constant 0 : i32
        %dma_start3A_1250 = tpu.memref_slice %arg5[%dma_start3A_1247, %dma_start3A_1248, %dma_start3A_1249] : memref<16x1x4096xf32, #tpu.memory_space<vmem>> -> memref<1x1x4096xf32, #tpu.memory_space<vmem>>
        %dma_start3A_1251 = tpu.memref_squeeze %dma_start3A_1250 : memref<1x1x4096xf32, #tpu.memory_space<vmem>> -> memref<1x4096xf32, #tpu.memory_space<vmem>>
        %dma_start3A_1252 = arith.constant 0 : i32
        %dma_start3A_1253 = tpu.memref_slice %arg2[%add3A_1246, %dma_start3A_1252] : memref<8192x4096xf32, #tpu.memory_space<hbm>> -> memref<1x4096xf32, #tpu.memory_space<hbm>>
        %dma_start3A_1254 = arith.constant 0 : i32
        %dma_start3A_1255 = arith.constant 0 : i32
        %dma_start3A_1256 = tpu.memref_slice %arg5[%dma_start3A_1247, %dma_start3A_1254, %dma_start3A_1255] : memref<16x1x4096xf32, #tpu.memory_space<vmem>> -> memref<1x1x4096xf32, #tpu.memory_space<vmem>>
        %dma_start3A_1257 = tpu.memref_squeeze %dma_start3A_1256 : memref<1x1x4096xf32, #tpu.memory_space<vmem>> -> memref<1x4096xf32, #tpu.memory_space<vmem>>
        %dma_start3A_1258 = arith.constant 0 : i32
        %dma_start3A_1259 = tpu.memref_slice %arg2[%add3A_1246, %dma_start3A_1258] : memref<8192x4096xf32, #tpu.memory_space<hbm>> -> memref<1x4096xf32, #tpu.memory_space<hbm>>
        tpu.enqueue_dma source(%dma_start3A_1259 : memref<1x4096xf32, #tpu.memory_space<hbm>>) target(%dma_start3A_1257 : memref<1x4096xf32, #tpu.memory_space<vmem>>) target_semaphore(%arg18 : memref<!tpu.dma_semaphore, #tpu.memory_space<semaphore_mem>>)
      } else {
      }
      %gt3A_1030 = arith.cmpf ogt, %max3A_1022, %max3A_991 : vector<16xf32>
      %broadcast_in_dim3A_1031 = vector.broadcast %add3A_995 : i32 to vector<16xi32>
      %select_n3A_1032 = arith.select %gt3A_1030, %broadcast_in_dim3A_1031, %select_n3A_990 : vector<16xi1>, vector<16xi32>
      %max3A_1033 = arith.maximumf %max3A_991, %max3A_1022 : vector<16xf32>
      %mul3A_1034 = arith.constant 16 : i32
      %mul3A_1035 = arith.muli %mul3A_1034, %scan3A_571 : i32
      %add3A_1036 = arith.constant 11 : i32
      %add3A_1037 = arith.addi %mul3A_1035, %add3A_1036 : i32
      %mul3A_1038 = arith.constant 1 : i32
      %mul3A_1039 = arith.muli %add3A_1037, %mul3A_1038 : i32
      %add3A_1040 = arith.addi %add3A_4, %mul3A_1039 : i32
      %dma_wait3A_1041 = arith.constant 11 : i32
      %dma_wait3A_1042 = arith.constant 0 : i32
      %dma_wait3A_1043 = arith.constant 0 : i32
      %dma_wait3A_1044 = tpu.memref_slice %arg5[%dma_wait3A_1041, %dma_wait3A_1042, %dma_wait3A_1043] : memref<16x1x4096xf32, #tpu.memory_space<vmem>> -> memref<1x1x4096xf32, #tpu.memory_space<vmem>>
      %dma_wait3A_1045 = tpu.memref_squeeze %dma_wait3A_1044 : memref<1x1x4096xf32, #tpu.memory_space<vmem>> -> memref<1x4096xf32, #tpu.memory_space<vmem>>
      %dma_wait3A_1046 = arith.constant 0 : i32
      %dma_wait3A_1047 = tpu.memref_slice %arg2[%add3A_1040, %dma_wait3A_1046] : memref<8192x4096xf32, #tpu.memory_space<hbm>> -> memref<1x4096xf32, #tpu.memory_space<hbm>>
      %dma_wait3A_1048 = arith.constant 0 : i32
      %dma_wait3A_1049 = arith.constant 0 : i32
      %dma_wait3A_1050 = tpu.memref_slice %arg5[%dma_wait3A_1041, %dma_wait3A_1048, %dma_wait3A_1049] : memref<16x1x4096xf32, #tpu.memory_space<vmem>> -> memref<1x1x4096xf32, #tpu.memory_space<vmem>>
      %dma_wait3A_1051 = tpu.memref_squeeze %dma_wait3A_1050 : memref<1x1x4096xf32, #tpu.memory_space<vmem>> -> memref<1x4096xf32, #tpu.memory_space<vmem>>
      %dma_wait3A_1052 = arith.constant 0 : i32
      %dma_wait3A_1053 = tpu.memref_slice %arg2[%add3A_1040, %dma_wait3A_1052] : memref<8192x4096xf32, #tpu.memory_space<hbm>> -> memref<1x4096xf32, #tpu.memory_space<hbm>>
      tpu.wait_dma2 semaphore(%arg19 : memref<!tpu.dma_semaphore, #tpu.memory_space<semaphore_mem>>) src(%dma_wait3A_1053 : memref<1x4096xf32, #tpu.memory_space<hbm>>) dst(%dma_wait3A_1051 : memref<1x4096xf32, #tpu.memory_space<vmem>>)
      %scan3A_1054 = arith.constant 11 : i32
      %scan3A_1055 = arith.constant 0 : i32
      %scan3A_1056 = arith.constant 0 : i32
      %scan3A_1057 = arith.constant 32 : i32
      %scan3A_1058 = arith.addi %scan3A_1056, %scan3A_1057 : i32
      %scan3A_1059 = arith.constant 1 : i32
      %scan3A_1060:4 = scf.for %scan3A_1244 = %scan3A_1056 to %scan3A_1058 step %scan3A_1059 iter_args(%scan3A_1245 = %broadcast_in_dim3A_5, %scan3A_1246 = %broadcast_in_dim3A_5, %scan3A_1247 = %broadcast_in_dim3A_5, %scan3A_1248 = %broadcast_in_dim3A_5) -> (vector<16xf32>, vector<16xf32>, vector<16xf32>, vector<16xf32>)  : i32 {
        %mul3A_1249 = arith.constant 128 : i32
        %mul3A_1250 = arith.muli %scan3A_1244, %mul3A_1249 : i32
        %add3A_1251 = arith.constant 0 : i32
        %add3A_1252 = arith.addi %mul3A_1250, %add3A_1251 : i32
        %get3A = arith.constant 0 : i32
        %get3A_1253 = tpu.memref_slice %arg5[%scan3A_1054, %scan3A_1055, %get3A] : memref<16x1x4096xf32, #tpu.memory_space<vmem>> -> memref<1x1x4096xf32, #tpu.memory_space<vmem>>
        %get3A_1254 = tpu.memref_squeeze %get3A_1253 : memref<1x1x4096xf32, #tpu.memory_space<vmem>> -> memref<4096xf32, #tpu.memory_space<vmem>>
        %get3A_1255 = arith.index_cast %add3A_1252 : i32 to index
        %get3A_1256 = tpu.vector_load %get3A_1254[%get3A_1255] {strides = array<i32>} : memref<4096xf32, #tpu.memory_space<vmem>>, vector<16xf32>,
        %get3A_1257 = vector.shape_cast %get3A_1256 : vector<16xf32> to vector<16xf32>
        %max3A_1258 = arith.maximumf %scan3A_1245, %get3A_1257 : vector<16xf32>
        %add3A_1259 = arith.constant 16 : i32
        %add3A_1260 = arith.addi %mul3A_1250, %add3A_1259 : i32
        %get3A_1261 = arith.constant 0 : i32
        %get3A_1262 = tpu.memref_slice %arg5[%scan3A_1054, %scan3A_1055, %get3A_1261] : memref<16x1x4096xf32, #tpu.memory_space<vmem>> -> memref<1x1x4096xf32, #tpu.memory_space<vmem>>
        %get3A_1263 = tpu.memref_squeeze %get3A_1262 : memref<1x1x4096xf32, #tpu.memory_space<vmem>> -> memref<4096xf32, #tpu.memory_space<vmem>>
        %get3A_1264 = arith.index_cast %add3A_1260 : i32 to index
        %get3A_1265 = tpu.vector_load %get3A_1263[%get3A_1264] {strides = array<i32>} : memref<4096xf32, #tpu.memory_space<vmem>>, vector<16xf32>,
        %get3A_1266 = vector.shape_cast %get3A_1265 : vector<16xf32> to vector<16xf32>
        %max3A_1267 = arith.maximumf %scan3A_1246, %get3A_1266 : vector<16xf32>
        %add3A_1268 = arith.constant 32 : i32
        %add3A_1269 = arith.addi %mul3A_1250, %add3A_1268 : i32
        %get3A_1270 = arith.constant 0 : i32
        %get3A_1271 = tpu.memref_slice %arg5[%scan3A_1054, %scan3A_1055, %get3A_1270] : memref<16x1x4096xf32, #tpu.memory_space<vmem>> -> memref<1x1x4096xf32, #tpu.memory_space<vmem>>
        %get3A_1272 = tpu.memref_squeeze %get3A_1271 : memref<1x1x4096xf32, #tpu.memory_space<vmem>> -> memref<4096xf32, #tpu.memory_space<vmem>>
        %get3A_1273 = arith.index_cast %add3A_1269 : i32 to index
        %get3A_1274 = tpu.vector_load %get3A_1272[%get3A_1273] {strides = array<i32>} : memref<4096xf32, #tpu.memory_space<vmem>>, vector<16xf32>,
        %get3A_1275 = vector.shape_cast %get3A_1274 : vector<16xf32> to vector<16xf32>
        %max3A_1276 = arith.maximumf %scan3A_1247, %get3A_1275 : vector<16xf32>
        %add3A_1277 = arith.constant 48 : i32
        %add3A_1278 = arith.addi %mul3A_1250, %add3A_1277 : i32
        %get3A_1279 = arith.constant 0 : i32
        %get3A_1280 = tpu.memref_slice %arg5[%scan3A_1054, %scan3A_1055, %get3A_1279] : memref<16x1x4096xf32, #tpu.memory_space<vmem>> -> memref<1x1x4096xf32, #tpu.memory_space<vmem>>
        %get3A_1281 = tpu.memref_squeeze %get3A_1280 : memref<1x1x4096xf32, #tpu.memory_space<vmem>> -> memref<4096xf32, #tpu.memory_space<vmem>>
        %get3A_1282 = arith.index_cast %add3A_1278 : i32 to index
        %get3A_1283 = tpu.vector_load %get3A_1281[%get3A_1282] {strides = array<i32>} : memref<4096xf32, #tpu.memory_space<vmem>>, vector<16xf32>,
        %get3A_1284 = vector.shape_cast %get3A_1283 : vector<16xf32> to vector<16xf32>
        %max3A_1285 = arith.maximumf %scan3A_1248, %get3A_1284 : vector<16xf32>
        %add3A_1286 = arith.constant 64 : i32
        %add3A_1287 = arith.addi %mul3A_1250, %add3A_1286 : i32
        %get3A_1288 = arith.constant 0 : i32
        %get3A_1289 = tpu.memref_slice %arg5[%scan3A_1054, %scan3A_1055, %get3A_1288] : memref<16x1x4096xf32, #tpu.memory_space<vmem>> -> memref<1x1x4096xf32, #tpu.memory_space<vmem>>
        %get3A_1290 = tpu.memref_squeeze %get3A_1289 : memref<1x1x4096xf32, #tpu.memory_space<vmem>> -> memref<4096xf32, #tpu.memory_space<vmem>>
        %get3A_1291 = arith.index_cast %add3A_1287 : i32 to index
        %get3A_1292 = tpu.vector_load %get3A_1290[%get3A_1291] {strides = array<i32>} : memref<4096xf32, #tpu.memory_space<vmem>>, vector<16xf32>,
        %get3A_1293 = vector.shape_cast %get3A_1292 : vector<16xf32> to vector<16xf32>
        %max3A_1294 = arith.maximumf %max3A_1258, %get3A_1293 : vector<16xf32>
        %add3A_1295 = arith.constant 80 : i32
        %add3A_1296 = arith.addi %mul3A_1250, %add3A_1295 : i32
        %get3A_1297 = arith.constant 0 : i32
        %get3A_1298 = tpu.memref_slice %arg5[%scan3A_1054, %scan3A_1055, %get3A_1297] : memref<16x1x4096xf32, #tpu.memory_space<vmem>> -> memref<1x1x4096xf32, #tpu.memory_space<vmem>>
        %get3A_1299 = tpu.memref_squeeze %get3A_1298 : memref<1x1x4096xf32, #tpu.memory_space<vmem>> -> memref<4096xf32, #tpu.memory_space<vmem>>
        %get3A_1300 = arith.index_cast %add3A_1296 : i32 to index
        %get3A_1301 = tpu.vector_load %get3A_1299[%get3A_1300] {strides = array<i32>} : memref<4096xf32, #tpu.memory_space<vmem>>, vector<16xf32>,
        %get3A_1302 = vector.shape_cast %get3A_1301 : vector<16xf32> to vector<16xf32>
        %max3A_1303 = arith.maximumf %max3A_1267, %get3A_1302 : vector<16xf32>
        %add3A_1304 = arith.constant 96 : i32
        %add3A_1305 = arith.addi %mul3A_1250, %add3A_1304 : i32
        %get3A_1306 = arith.constant 0 : i32
        %get3A_1307 = tpu.memref_slice %arg5[%scan3A_1054, %scan3A_1055, %get3A_1306] : memref<16x1x4096xf32, #tpu.memory_space<vmem>> -> memref<1x1x4096xf32, #tpu.memory_space<vmem>>
        %get3A_1308 = tpu.memref_squeeze %get3A_1307 : memref<1x1x4096xf32, #tpu.memory_space<vmem>> -> memref<4096xf32, #tpu.memory_space<vmem>>
        %get3A_1309 = arith.index_cast %add3A_1305 : i32 to index
        %get3A_1310 = tpu.vector_load %get3A_1308[%get3A_1309] {strides = array<i32>} : memref<4096xf32, #tpu.memory_space<vmem>>, vector<16xf32>,
        %get3A_1311 = vector.shape_cast %get3A_1310 : vector<16xf32> to vector<16xf32>
        %max3A_1312 = arith.maximumf %max3A_1276, %get3A_1311 : vector<16xf32>
        %add3A_1313 = arith.constant 112 : i32
        %add3A_1314 = arith.addi %mul3A_1250, %add3A_1313 : i32
        %get3A_1315 = arith.constant 0 : i32
        %get3A_1316 = tpu.memref_slice %arg5[%scan3A_1054, %scan3A_1055, %get3A_1315] : memref<16x1x4096xf32, #tpu.memory_space<vmem>> -> memref<1x1x4096xf32, #tpu.memory_space<vmem>>
        %get3A_1317 = tpu.memref_squeeze %get3A_1316 : memref<1x1x4096xf32, #tpu.memory_space<vmem>> -> memref<4096xf32, #tpu.memory_space<vmem>>
        %get3A_1318 = arith.index_cast %add3A_1314 : i32 to index
        %get3A_1319 = tpu.vector_load %get3A_1317[%get3A_1318] {strides = array<i32>} : memref<4096xf32, #tpu.memory_space<vmem>>, vector<16xf32>,
        %get3A_1320 = vector.shape_cast %get3A_1319 : vector<16xf32> to vector<16xf32>
        %max3A_1321 = arith.maximumf %max3A_1285, %get3A_1320 : vector<16xf32>
        scf.yield %max3A_1294, %max3A_1303, %max3A_1312, %max3A_1321 : vector<16xf32>, vector<16xf32>, vector<16xf32>, vector<16xf32>
      }
      %scan3A_1061 = arith.constant 32 : i32
      %max3A_1062 = arith.maximumf %scan3A_1060#0, %scan3A_1060#2 : vector<16xf32>
      %max3A_1063 = arith.maximumf %scan3A_1060#1, %scan3A_1060#3 : vector<16xf32>
      %max3A_1064 = arith.maximumf %max3A_1062, %max3A_1063 : vector<16xf32>
      %add3A_1065 = arith.constant 16 : i32
      %add3A_1066 = arith.addi %add3A_1037, %add3A_1065 : i32
      %lt3A_1067 = arith.constant 116 : i32
      %lt3A_1068 = arith.cmpi slt, %add3A_1066, %lt3A_1067 : i32
      %convert_element_type3A_1069 = arith.extui %lt3A_1068 : i1 to i32
      %cond3A_1070 = arith.constant 0 : i32
      %cond3A_1071 = arith.cmpi ne, %convert_element_type3A_1069, %cond3A_1070 : i32
      scf.if %cond3A_1071 {
        %mul3A_1244 = arith.constant 1 : i32
        %mul3A_1245 = arith.muli %add3A_1066, %mul3A_1244 : i32
        %add3A_1246 = arith.addi %add3A_4, %mul3A_1245 : i32
        %dma_start3A_1247 = arith.constant 11 : i32
        %dma_start3A_1248 = arith.constant 0 : i32
        %dma_start3A_1249 = arith.constant 0 : i32
        %dma_start3A_1250 = tpu.memref_slice %arg5[%dma_start3A_1247, %dma_start3A_1248, %dma_start3A_1249] : memref<16x1x4096xf32, #tpu.memory_space<vmem>> -> memref<1x1x4096xf32, #tpu.memory_space<vmem>>
        %dma_start3A_1251 = tpu.memref_squeeze %dma_start3A_1250 : memref<1x1x4096xf32, #tpu.memory_space<vmem>> -> memref<1x4096xf32, #tpu.memory_space<vmem>>
        %dma_start3A_1252 = arith.constant 0 : i32
        %dma_start3A_1253 = tpu.memref_slice %arg2[%add3A_1246, %dma_start3A_1252] : memref<8192x4096xf32, #tpu.memory_space<hbm>> -> memref<1x4096xf32, #tpu.memory_space<hbm>>
        %dma_start3A_1254 = arith.constant 0 : i32
        %dma_start3A_1255 = arith.constant 0 : i32
        %dma_start3A_1256 = tpu.memref_slice %arg5[%dma_start3A_1247, %dma_start3A_1254, %dma_start3A_1255] : memref<16x1x4096xf32, #tpu.memory_space<vmem>> -> memref<1x1x4096xf32, #tpu.memory_space<vmem>>
        %dma_start3A_1257 = tpu.memref_squeeze %dma_start3A_1256 : memref<1x1x4096xf32, #tpu.memory_space<vmem>> -> memref<1x4096xf32, #tpu.memory_space<vmem>>
        %dma_start3A_1258 = arith.constant 0 : i32
        %dma_start3A_1259 = tpu.memref_slice %arg2[%add3A_1246, %dma_start3A_1258] : memref<8192x4096xf32, #tpu.memory_space<hbm>> -> memref<1x4096xf32, #tpu.memory_space<hbm>>
        tpu.enqueue_dma source(%dma_start3A_1259 : memref<1x4096xf32, #tpu.memory_space<hbm>>) target(%dma_start3A_1257 : memref<1x4096xf32, #tpu.memory_space<vmem>>) target_semaphore(%arg19 : memref<!tpu.dma_semaphore, #tpu.memory_space<semaphore_mem>>)
      } else {
      }
      %gt3A_1072 = arith.cmpf ogt, %max3A_1064, %max3A_1033 : vector<16xf32>
      %broadcast_in_dim3A_1073 = vector.broadcast %add3A_1037 : i32 to vector<16xi32>
      %select_n3A_1074 = arith.select %gt3A_1072, %broadcast_in_dim3A_1073, %select_n3A_1032 : vector<16xi1>, vector<16xi32>
      %max3A_1075 = arith.maximumf %max3A_1033, %max3A_1064 : vector<16xf32>
      %mul3A_1076 = arith.constant 16 : i32
      %mul3A_1077 = arith.muli %mul3A_1076, %scan3A_571 : i32
      %add3A_1078 = arith.constant 12 : i32
      %add3A_1079 = arith.addi %mul3A_1077, %add3A_1078 : i32
      %mul3A_1080 = arith.constant 1 : i32
      %mul3A_1081 = arith.muli %add3A_1079, %mul3A_1080 : i32
      %add3A_1082 = arith.addi %add3A_4, %mul3A_1081 : i32
      %dma_wait3A_1083 = arith.constant 12 : i32
      %dma_wait3A_1084 = arith.constant 0 : i32
      %dma_wait3A_1085 = arith.constant 0 : i32
      %dma_wait3A_1086 = tpu.memref_slice %arg5[%dma_wait3A_1083, %dma_wait3A_1084, %dma_wait3A_1085] : memref<16x1x4096xf32, #tpu.memory_space<vmem>> -> memref<1x1x4096xf32, #tpu.memory_space<vmem>>
      %dma_wait3A_1087 = tpu.memref_squeeze %dma_wait3A_1086 : memref<1x1x4096xf32, #tpu.memory_space<vmem>> -> memref<1x4096xf32, #tpu.memory_space<vmem>>
      %dma_wait3A_1088 = arith.constant 0 : i32
      %dma_wait3A_1089 = tpu.memref_slice %arg2[%add3A_1082, %dma_wait3A_1088] : memref<8192x4096xf32, #tpu.memory_space<hbm>> -> memref<1x4096xf32, #tpu.memory_space<hbm>>
      %dma_wait3A_1090 = arith.constant 0 : i32
      %dma_wait3A_1091 = arith.constant 0 : i32
      %dma_wait3A_1092 = tpu.memref_slice %arg5[%dma_wait3A_1083, %dma_wait3A_1090, %dma_wait3A_1091] : memref<16x1x4096xf32, #tpu.memory_space<vmem>> -> memref<1x1x4096xf32, #tpu.memory_space<vmem>>
      %dma_wait3A_1093 = tpu.memref_squeeze %dma_wait3A_1092 : memref<1x1x4096xf32, #tpu.memory_space<vmem>> -> memref<1x4096xf32, #tpu.memory_space<vmem>>
      %dma_wait3A_1094 = arith.constant 0 : i32
      %dma_wait3A_1095 = tpu.memref_slice %arg2[%add3A_1082, %dma_wait3A_1094] : memref<8192x4096xf32, #tpu.memory_space<hbm>> -> memref<1x4096xf32, #tpu.memory_space<hbm>>
      tpu.wait_dma2 semaphore(%arg20 : memref<!tpu.dma_semaphore, #tpu.memory_space<semaphore_mem>>) src(%dma_wait3A_1095 : memref<1x4096xf32, #tpu.memory_space<hbm>>) dst(%dma_wait3A_1093 : memref<1x4096xf32, #tpu.memory_space<vmem>>)
      %scan3A_1096 = arith.constant 12 : i32
      %scan3A_1097 = arith.constant 0 : i32
      %scan3A_1098 = arith.constant 0 : i32
      %scan3A_1099 = arith.constant 32 : i32
      %scan3A_1100 = arith.addi %scan3A_1098, %scan3A_1099 : i32
      %scan3A_1101 = arith.constant 1 : i32
      %scan3A_1102:4 = scf.for %scan3A_1244 = %scan3A_1098 to %scan3A_1100 step %scan3A_1101 iter_args(%scan3A_1245 = %broadcast_in_dim3A_5, %scan3A_1246 = %broadcast_in_dim3A_5, %scan3A_1247 = %broadcast_in_dim3A_5, %scan3A_1248 = %broadcast_in_dim3A_5) -> (vector<16xf32>, vector<16xf32>, vector<16xf32>, vector<16xf32>)  : i32 {
        %mul3A_1249 = arith.constant 128 : i32
        %mul3A_1250 = arith.muli %scan3A_1244, %mul3A_1249 : i32
        %add3A_1251 = arith.constant 0 : i32
        %add3A_1252 = arith.addi %mul3A_1250, %add3A_1251 : i32
        %get3A = arith.constant 0 : i32
        %get3A_1253 = tpu.memref_slice %arg5[%scan3A_1096, %scan3A_1097, %get3A] : memref<16x1x4096xf32, #tpu.memory_space<vmem>> -> memref<1x1x4096xf32, #tpu.memory_space<vmem>>
        %get3A_1254 = tpu.memref_squeeze %get3A_1253 : memref<1x1x4096xf32, #tpu.memory_space<vmem>> -> memref<4096xf32, #tpu.memory_space<vmem>>
        %get3A_1255 = arith.index_cast %add3A_1252 : i32 to index
        %get3A_1256 = tpu.vector_load %get3A_1254[%get3A_1255] {strides = array<i32>} : memref<4096xf32, #tpu.memory_space<vmem>>, vector<16xf32>,
        %get3A_1257 = vector.shape_cast %get3A_1256 : vector<16xf32> to vector<16xf32>
        %max3A_1258 = arith.maximumf %scan3A_1245, %get3A_1257 : vector<16xf32>
        %add3A_1259 = arith.constant 16 : i32
        %add3A_1260 = arith.addi %mul3A_1250, %add3A_1259 : i32
        %get3A_1261 = arith.constant 0 : i32
        %get3A_1262 = tpu.memref_slice %arg5[%scan3A_1096, %scan3A_1097, %get3A_1261] : memref<16x1x4096xf32, #tpu.memory_space<vmem>> -> memref<1x1x4096xf32, #tpu.memory_space<vmem>>
        %get3A_1263 = tpu.memref_squeeze %get3A_1262 : memref<1x1x4096xf32, #tpu.memory_space<vmem>> -> memref<4096xf32, #tpu.memory_space<vmem>>
        %get3A_1264 = arith.index_cast %add3A_1260 : i32 to index
        %get3A_1265 = tpu.vector_load %get3A_1263[%get3A_1264] {strides = array<i32>} : memref<4096xf32, #tpu.memory_space<vmem>>, vector<16xf32>,
        %get3A_1266 = vector.shape_cast %get3A_1265 : vector<16xf32> to vector<16xf32>
        %max3A_1267 = arith.maximumf %scan3A_1246, %get3A_1266 : vector<16xf32>
        %add3A_1268 = arith.constant 32 : i32
        %add3A_1269 = arith.addi %mul3A_1250, %add3A_1268 : i32
        %get3A_1270 = arith.constant 0 : i32
        %get3A_1271 = tpu.memref_slice %arg5[%scan3A_1096, %scan3A_1097, %get3A_1270] : memref<16x1x4096xf32, #tpu.memory_space<vmem>> -> memref<1x1x4096xf32, #tpu.memory_space<vmem>>
        %get3A_1272 = tpu.memref_squeeze %get3A_1271 : memref<1x1x4096xf32, #tpu.memory_space<vmem>> -> memref<4096xf32, #tpu.memory_space<vmem>>
        %get3A_1273 = arith.index_cast %add3A_1269 : i32 to index
        %get3A_1274 = tpu.vector_load %get3A_1272[%get3A_1273] {strides = array<i32>} : memref<4096xf32, #tpu.memory_space<vmem>>, vector<16xf32>,
        %get3A_1275 = vector.shape_cast %get3A_1274 : vector<16xf32> to vector<16xf32>
        %max3A_1276 = arith.maximumf %scan3A_1247, %get3A_1275 : vector<16xf32>
        %add3A_1277 = arith.constant 48 : i32
        %add3A_1278 = arith.addi %mul3A_1250, %add3A_1277 : i32
        %get3A_1279 = arith.constant 0 : i32
        %get3A_1280 = tpu.memref_slice %arg5[%scan3A_1096, %scan3A_1097, %get3A_1279] : memref<16x1x4096xf32, #tpu.memory_space<vmem>> -> memref<1x1x4096xf32, #tpu.memory_space<vmem>>
        %get3A_1281 = tpu.memref_squeeze %get3A_1280 : memref<1x1x4096xf32, #tpu.memory_space<vmem>> -> memref<4096xf32, #tpu.memory_space<vmem>>
        %get3A_1282 = arith.index_cast %add3A_1278 : i32 to index
        %get3A_1283 = tpu.vector_load %get3A_1281[%get3A_1282] {strides = array<i32>} : memref<4096xf32, #tpu.memory_space<vmem>>, vector<16xf32>,
        %get3A_1284 = vector.shape_cast %get3A_1283 : vector<16xf32> to vector<16xf32>
        %max3A_1285 = arith.maximumf %scan3A_1248, %get3A_1284 : vector<16xf32>
        %add3A_1286 = arith.constant 64 : i32
        %add3A_1287 = arith.addi %mul3A_1250, %add3A_1286 : i32
        %get3A_1288 = arith.constant 0 : i32
        %get3A_1289 = tpu.memref_slice %arg5[%scan3A_1096, %scan3A_1097, %get3A_1288] : memref<16x1x4096xf32, #tpu.memory_space<vmem>> -> memref<1x1x4096xf32, #tpu.memory_space<vmem>>
        %get3A_1290 = tpu.memref_squeeze %get3A_1289 : memref<1x1x4096xf32, #tpu.memory_space<vmem>> -> memref<4096xf32, #tpu.memory_space<vmem>>
        %get3A_1291 = arith.index_cast %add3A_1287 : i32 to index
        %get3A_1292 = tpu.vector_load %get3A_1290[%get3A_1291] {strides = array<i32>} : memref<4096xf32, #tpu.memory_space<vmem>>, vector<16xf32>,
        %get3A_1293 = vector.shape_cast %get3A_1292 : vector<16xf32> to vector<16xf32>
        %max3A_1294 = arith.maximumf %max3A_1258, %get3A_1293 : vector<16xf32>
        %add3A_1295 = arith.constant 80 : i32
        %add3A_1296 = arith.addi %mul3A_1250, %add3A_1295 : i32
        %get3A_1297 = arith.constant 0 : i32
        %get3A_1298 = tpu.memref_slice %arg5[%scan3A_1096, %scan3A_1097, %get3A_1297] : memref<16x1x4096xf32, #tpu.memory_space<vmem>> -> memref<1x1x4096xf32, #tpu.memory_space<vmem>>
        %get3A_1299 = tpu.memref_squeeze %get3A_1298 : memref<1x1x4096xf32, #tpu.memory_space<vmem>> -> memref<4096xf32, #tpu.memory_space<vmem>>
        %get3A_1300 = arith.index_cast %add3A_1296 : i32 to index
        %get3A_1301 = tpu.vector_load %get3A_1299[%get3A_1300] {strides = array<i32>} : memref<4096xf32, #tpu.memory_space<vmem>>, vector<16xf32>,
        %get3A_1302 = vector.shape_cast %get3A_1301 : vector<16xf32> to vector<16xf32>
        %max3A_1303 = arith.maximumf %max3A_1267, %get3A_1302 : vector<16xf32>
        %add3A_1304 = arith.constant 96 : i32
        %add3A_1305 = arith.addi %mul3A_1250, %add3A_1304 : i32
        %get3A_1306 = arith.constant 0 : i32
        %get3A_1307 = tpu.memref_slice %arg5[%scan3A_1096, %scan3A_1097, %get3A_1306] : memref<16x1x4096xf32, #tpu.memory_space<vmem>> -> memref<1x1x4096xf32, #tpu.memory_space<vmem>>
        %get3A_1308 = tpu.memref_squeeze %get3A_1307 : memref<1x1x4096xf32, #tpu.memory_space<vmem>> -> memref<4096xf32, #tpu.memory_space<vmem>>
        %get3A_1309 = arith.index_cast %add3A_1305 : i32 to index
        %get3A_1310 = tpu.vector_load %get3A_1308[%get3A_1309] {strides = array<i32>} : memref<4096xf32, #tpu.memory_space<vmem>>, vector<16xf32>,
        %get3A_1311 = vector.shape_cast %get3A_1310 : vector<16xf32> to vector<16xf32>
        %max3A_1312 = arith.maximumf %max3A_1276, %get3A_1311 : vector<16xf32>
        %add3A_1313 = arith.constant 112 : i32
        %add3A_1314 = arith.addi %mul3A_1250, %add3A_1313 : i32
        %get3A_1315 = arith.constant 0 : i32
        %get3A_1316 = tpu.memref_slice %arg5[%scan3A_1096, %scan3A_1097, %get3A_1315] : memref<16x1x4096xf32, #tpu.memory_space<vmem>> -> memref<1x1x4096xf32, #tpu.memory_space<vmem>>
        %get3A_1317 = tpu.memref_squeeze %get3A_1316 : memref<1x1x4096xf32, #tpu.memory_space<vmem>> -> memref<4096xf32, #tpu.memory_space<vmem>>
        %get3A_1318 = arith.index_cast %add3A_1314 : i32 to index
        %get3A_1319 = tpu.vector_load %get3A_1317[%get3A_1318] {strides = array<i32>} : memref<4096xf32, #tpu.memory_space<vmem>>, vector<16xf32>,
        %get3A_1320 = vector.shape_cast %get3A_1319 : vector<16xf32> to vector<16xf32>
        %max3A_1321 = arith.maximumf %max3A_1285, %get3A_1320 : vector<16xf32>
        scf.yield %max3A_1294, %max3A_1303, %max3A_1312, %max3A_1321 : vector<16xf32>, vector<16xf32>, vector<16xf32>, vector<16xf32>
      }
      %scan3A_1103 = arith.constant 32 : i32
      %max3A_1104 = arith.maximumf %scan3A_1102#0, %scan3A_1102#2 : vector<16xf32>
      %max3A_1105 = arith.maximumf %scan3A_1102#1, %scan3A_1102#3 : vector<16xf32>
      %max3A_1106 = arith.maximumf %max3A_1104, %max3A_1105 : vector<16xf32>
      %add3A_1107 = arith.constant 16 : i32
      %add3A_1108 = arith.addi %add3A_1079, %add3A_1107 : i32
      %lt3A_1109 = arith.constant 116 : i32
      %lt3A_1110 = arith.cmpi slt, %add3A_1108, %lt3A_1109 : i32
      %convert_element_type3A_1111 = arith.extui %lt3A_1110 : i1 to i32
      %cond3A_1112 = arith.constant 0 : i32
      %cond3A_1113 = arith.cmpi ne, %convert_element_type3A_1111, %cond3A_1112 : i32
      scf.if %cond3A_1113 {
        %mul3A_1244 = arith.constant 1 : i32
        %mul3A_1245 = arith.muli %add3A_1108, %mul3A_1244 : i32
        %add3A_1246 = arith.addi %add3A_4, %mul3A_1245 : i32
        %dma_start3A_1247 = arith.constant 12 : i32
        %dma_start3A_1248 = arith.constant 0 : i32
        %dma_start3A_1249 = arith.constant 0 : i32
        %dma_start3A_1250 = tpu.memref_slice %arg5[%dma_start3A_1247, %dma_start3A_1248, %dma_start3A_1249] : memref<16x1x4096xf32, #tpu.memory_space<vmem>> -> memref<1x1x4096xf32, #tpu.memory_space<vmem>>
        %dma_start3A_1251 = tpu.memref_squeeze %dma_start3A_1250 : memref<1x1x4096xf32, #tpu.memory_space<vmem>> -> memref<1x4096xf32, #tpu.memory_space<vmem>>
        %dma_start3A_1252 = arith.constant 0 : i32
        %dma_start3A_1253 = tpu.memref_slice %arg2[%add3A_1246, %dma_start3A_1252] : memref<8192x4096xf32, #tpu.memory_space<hbm>> -> memref<1x4096xf32, #tpu.memory_space<hbm>>
        %dma_start3A_1254 = arith.constant 0 : i32
        %dma_start3A_1255 = arith.constant 0 : i32
        %dma_start3A_1256 = tpu.memref_slice %arg5[%dma_start3A_1247, %dma_start3A_1254, %dma_start3A_1255] : memref<16x1x4096xf32, #tpu.memory_space<vmem>> -> memref<1x1x4096xf32, #tpu.memory_space<vmem>>
        %dma_start3A_1257 = tpu.memref_squeeze %dma_start3A_1256 : memref<1x1x4096xf32, #tpu.memory_space<vmem>> -> memref<1x4096xf32, #tpu.memory_space<vmem>>
        %dma_start3A_1258 = arith.constant 0 : i32
        %dma_start3A_1259 = tpu.memref_slice %arg2[%add3A_1246, %dma_start3A_1258] : memref<8192x4096xf32, #tpu.memory_space<hbm>> -> memref<1x4096xf32, #tpu.memory_space<hbm>>
        tpu.enqueue_dma source(%dma_start3A_1259 : memref<1x4096xf32, #tpu.memory_space<hbm>>) target(%dma_start3A_1257 : memref<1x4096xf32, #tpu.memory_space<vmem>>) target_semaphore(%arg20 : memref<!tpu.dma_semaphore, #tpu.memory_space<semaphore_mem>>)
      } else {
      }
      %gt3A_1114 = arith.cmpf ogt, %max3A_1106, %max3A_1075 : vector<16xf32>
      %broadcast_in_dim3A_1115 = vector.broadcast %add3A_1079 : i32 to vector<16xi32>
      %select_n3A_1116 = arith.select %gt3A_1114, %broadcast_in_dim3A_1115, %select_n3A_1074 : vector<16xi1>, vector<16xi32>
      %max3A_1117 = arith.maximumf %max3A_1075, %max3A_1106 : vector<16xf32>
      %mul3A_1118 = arith.constant 16 : i32
      %mul3A_1119 = arith.muli %mul3A_1118, %scan3A_571 : i32
      %add3A_1120 = arith.constant 13 : i32
      %add3A_1121 = arith.addi %mul3A_1119, %add3A_1120 : i32
      %mul3A_1122 = arith.constant 1 : i32
      %mul3A_1123 = arith.muli %add3A_1121, %mul3A_1122 : i32
      %add3A_1124 = arith.addi %add3A_4, %mul3A_1123 : i32
      %dma_wait3A_1125 = arith.constant 13 : i32
      %dma_wait3A_1126 = arith.constant 0 : i32
      %dma_wait3A_1127 = arith.constant 0 : i32
      %dma_wait3A_1128 = tpu.memref_slice %arg5[%dma_wait3A_1125, %dma_wait3A_1126, %dma_wait3A_1127] : memref<16x1x4096xf32, #tpu.memory_space<vmem>> -> memref<1x1x4096xf32, #tpu.memory_space<vmem>>
      %dma_wait3A_1129 = tpu.memref_squeeze %dma_wait3A_1128 : memref<1x1x4096xf32, #tpu.memory_space<vmem>> -> memref<1x4096xf32, #tpu.memory_space<vmem>>
      %dma_wait3A_1130 = arith.constant 0 : i32
      %dma_wait3A_1131 = tpu.memref_slice %arg2[%add3A_1124, %dma_wait3A_1130] : memref<8192x4096xf32, #tpu.memory_space<hbm>> -> memref<1x4096xf32, #tpu.memory_space<hbm>>
      %dma_wait3A_1132 = arith.constant 0 : i32
      %dma_wait3A_1133 = arith.constant 0 : i32
      %dma_wait3A_1134 = tpu.memref_slice %arg5[%dma_wait3A_1125, %dma_wait3A_1132, %dma_wait3A_1133] : memref<16x1x4096xf32, #tpu.memory_space<vmem>> -> memref<1x1x4096xf32, #tpu.memory_space<vmem>>
      %dma_wait3A_1135 = tpu.memref_squeeze %dma_wait3A_1134 : memref<1x1x4096xf32, #tpu.memory_space<vmem>> -> memref<1x4096xf32, #tpu.memory_space<vmem>>
      %dma_wait3A_1136 = arith.constant 0 : i32
      %dma_wait3A_1137 = tpu.memref_slice %arg2[%add3A_1124, %dma_wait3A_1136] : memref<8192x4096xf32, #tpu.memory_space<hbm>> -> memref<1x4096xf32, #tpu.memory_space<hbm>>
      tpu.wait_dma2 semaphore(%arg21 : memref<!tpu.dma_semaphore, #tpu.memory_space<semaphore_mem>>) src(%dma_wait3A_1137 : memref<1x4096xf32, #tpu.memory_space<hbm>>) dst(%dma_wait3A_1135 : memref<1x4096xf32, #tpu.memory_space<vmem>>)
      %scan3A_1138 = arith.constant 13 : i32
      %scan3A_1139 = arith.constant 0 : i32
      %scan3A_1140 = arith.constant 0 : i32
      %scan3A_1141 = arith.constant 32 : i32
      %scan3A_1142 = arith.addi %scan3A_1140, %scan3A_1141 : i32
      %scan3A_1143 = arith.constant 1 : i32
      %scan3A_1144:4 = scf.for %scan3A_1244 = %scan3A_1140 to %scan3A_1142 step %scan3A_1143 iter_args(%scan3A_1245 = %broadcast_in_dim3A_5, %scan3A_1246 = %broadcast_in_dim3A_5, %scan3A_1247 = %broadcast_in_dim3A_5, %scan3A_1248 = %broadcast_in_dim3A_5) -> (vector<16xf32>, vector<16xf32>, vector<16xf32>, vector<16xf32>)  : i32 {
        %mul3A_1249 = arith.constant 128 : i32
        %mul3A_1250 = arith.muli %scan3A_1244, %mul3A_1249 : i32
        %add3A_1251 = arith.constant 0 : i32
        %add3A_1252 = arith.addi %mul3A_1250, %add3A_1251 : i32
        %get3A = arith.constant 0 : i32
        %get3A_1253 = tpu.memref_slice %arg5[%scan3A_1138, %scan3A_1139, %get3A] : memref<16x1x4096xf32, #tpu.memory_space<vmem>> -> memref<1x1x4096xf32, #tpu.memory_space<vmem>>
        %get3A_1254 = tpu.memref_squeeze %get3A_1253 : memref<1x1x4096xf32, #tpu.memory_space<vmem>> -> memref<4096xf32, #tpu.memory_space<vmem>>
        %get3A_1255 = arith.index_cast %add3A_1252 : i32 to index
        %get3A_1256 = tpu.vector_load %get3A_1254[%get3A_1255] {strides = array<i32>} : memref<4096xf32, #tpu.memory_space<vmem>>, vector<16xf32>,
        %get3A_1257 = vector.shape_cast %get3A_1256 : vector<16xf32> to vector<16xf32>
        %max3A_1258 = arith.maximumf %scan3A_1245, %get3A_1257 : vector<16xf32>
        %add3A_1259 = arith.constant 16 : i32
        %add3A_1260 = arith.addi %mul3A_1250, %add3A_1259 : i32
        %get3A_1261 = arith.constant 0 : i32
        %get3A_1262 = tpu.memref_slice %arg5[%scan3A_1138, %scan3A_1139, %get3A_1261] : memref<16x1x4096xf32, #tpu.memory_space<vmem>> -> memref<1x1x4096xf32, #tpu.memory_space<vmem>>
        %get3A_1263 = tpu.memref_squeeze %get3A_1262 : memref<1x1x4096xf32, #tpu.memory_space<vmem>> -> memref<4096xf32, #tpu.memory_space<vmem>>
        %get3A_1264 = arith.index_cast %add3A_1260 : i32 to index
        %get3A_1265 = tpu.vector_load %get3A_1263[%get3A_1264] {strides = array<i32>} : memref<4096xf32, #tpu.memory_space<vmem>>, vector<16xf32>,
        %get3A_1266 = vector.shape_cast %get3A_1265 : vector<16xf32> to vector<16xf32>
        %max3A_1267 = arith.maximumf %scan3A_1246, %get3A_1266 : vector<16xf32>
        %add3A_1268 = arith.constant 32 : i32
        %add3A_1269 = arith.addi %mul3A_1250, %add3A_1268 : i32
        %get3A_1270 = arith.constant 0 : i32
        %get3A_1271 = tpu.memref_slice %arg5[%scan3A_1138, %scan3A_1139, %get3A_1270] : memref<16x1x4096xf32, #tpu.memory_space<vmem>> -> memref<1x1x4096xf32, #tpu.memory_space<vmem>>
        %get3A_1272 = tpu.memref_squeeze %get3A_1271 : memref<1x1x4096xf32, #tpu.memory_space<vmem>> -> memref<4096xf32, #tpu.memory_space<vmem>>
        %get3A_1273 = arith.index_cast %add3A_1269 : i32 to index
        %get3A_1274 = tpu.vector_load %get3A_1272[%get3A_1273] {strides = array<i32>} : memref<4096xf32, #tpu.memory_space<vmem>>, vector<16xf32>,
        %get3A_1275 = vector.shape_cast %get3A_1274 : vector<16xf32> to vector<16xf32>
        %max3A_1276 = arith.maximumf %scan3A_1247, %get3A_1275 : vector<16xf32>
        %add3A_1277 = arith.constant 48 : i32
        %add3A_1278 = arith.addi %mul3A_1250, %add3A_1277 : i32
        %get3A_1279 = arith.constant 0 : i32
        %get3A_1280 = tpu.memref_slice %arg5[%scan3A_1138, %scan3A_1139, %get3A_1279] : memref<16x1x4096xf32, #tpu.memory_space<vmem>> -> memref<1x1x4096xf32, #tpu.memory_space<vmem>>
        %get3A_1281 = tpu.memref_squeeze %get3A_1280 : memref<1x1x4096xf32, #tpu.memory_space<vmem>> -> memref<4096xf32, #tpu.memory_space<vmem>>
        %get3A_1282 = arith.index_cast %add3A_1278 : i32 to index
        %get3A_1283 = tpu.vector_load %get3A_1281[%get3A_1282] {strides = array<i32>} : memref<4096xf32, #tpu.memory_space<vmem>>, vector<16xf32>,
        %get3A_1284 = vector.shape_cast %get3A_1283 : vector<16xf32> to vector<16xf32>
        %max3A_1285 = arith.maximumf %scan3A_1248, %get3A_1284 : vector<16xf32>
        %add3A_1286 = arith.constant 64 : i32
        %add3A_1287 = arith.addi %mul3A_1250, %add3A_1286 : i32
        %get3A_1288 = arith.constant 0 : i32
        %get3A_1289 = tpu.memref_slice %arg5[%scan3A_1138, %scan3A_1139, %get3A_1288] : memref<16x1x4096xf32, #tpu.memory_space<vmem>> -> memref<1x1x4096xf32, #tpu.memory_space<vmem>>
        %get3A_1290 = tpu.memref_squeeze %get3A_1289 : memref<1x1x4096xf32, #tpu.memory_space<vmem>> -> memref<4096xf32, #tpu.memory_space<vmem>>
        %get3A_1291 = arith.index_cast %add3A_1287 : i32 to index
        %get3A_1292 = tpu.vector_load %get3A_1290[%get3A_1291] {strides = array<i32>} : memref<4096xf32, #tpu.memory_space<vmem>>, vector<16xf32>,
        %get3A_1293 = vector.shape_cast %get3A_1292 : vector<16xf32> to vector<16xf32>
        %max3A_1294 = arith.maximumf %max3A_1258, %get3A_1293 : vector<16xf32>
        %add3A_1295 = arith.constant 80 : i32
        %add3A_1296 = arith.addi %mul3A_1250, %add3A_1295 : i32
        %get3A_1297 = arith.constant 0 : i32
        %get3A_1298 = tpu.memref_slice %arg5[%scan3A_1138, %scan3A_1139, %get3A_1297] : memref<16x1x4096xf32, #tpu.memory_space<vmem>> -> memref<1x1x4096xf32, #tpu.memory_space<vmem>>
        %get3A_1299 = tpu.memref_squeeze %get3A_1298 : memref<1x1x4096xf32, #tpu.memory_space<vmem>> -> memref<4096xf32, #tpu.memory_space<vmem>>
        %get3A_1300 = arith.index_cast %add3A_1296 : i32 to index
        %get3A_1301 = tpu.vector_load %get3A_1299[%get3A_1300] {strides = array<i32>} : memref<4096xf32, #tpu.memory_space<vmem>>, vector<16xf32>,
        %get3A_1302 = vector.shape_cast %get3A_1301 : vector<16xf32> to vector<16xf32>
        %max3A_1303 = arith.maximumf %max3A_1267, %get3A_1302 : vector<16xf32>
        %add3A_1304 = arith.constant 96 : i32
        %add3A_1305 = arith.addi %mul3A_1250, %add3A_1304 : i32
        %get3A_1306 = arith.constant 0 : i32
        %get3A_1307 = tpu.memref_slice %arg5[%scan3A_1138, %scan3A_1139, %get3A_1306] : memref<16x1x4096xf32, #tpu.memory_space<vmem>> -> memref<1x1x4096xf32, #tpu.memory_space<vmem>>
        %get3A_1308 = tpu.memref_squeeze %get3A_1307 : memref<1x1x4096xf32, #tpu.memory_space<vmem>> -> memref<4096xf32, #tpu.memory_space<vmem>>
        %get3A_1309 = arith.index_cast %add3A_1305 : i32 to index
        %get3A_1310 = tpu.vector_load %get3A_1308[%get3A_1309] {strides = array<i32>} : memref<4096xf32, #tpu.memory_space<vmem>>, vector<16xf32>,
        %get3A_1311 = vector.shape_cast %get3A_1310 : vector<16xf32> to vector<16xf32>
        %max3A_1312 = arith.maximumf %max3A_1276, %get3A_1311 : vector<16xf32>
        %add3A_1313 = arith.constant 112 : i32
        %add3A_1314 = arith.addi %mul3A_1250, %add3A_1313 : i32
        %get3A_1315 = arith.constant 0 : i32
        %get3A_1316 = tpu.memref_slice %arg5[%scan3A_1138, %scan3A_1139, %get3A_1315] : memref<16x1x4096xf32, #tpu.memory_space<vmem>> -> memref<1x1x4096xf32, #tpu.memory_space<vmem>>
        %get3A_1317 = tpu.memref_squeeze %get3A_1316 : memref<1x1x4096xf32, #tpu.memory_space<vmem>> -> memref<4096xf32, #tpu.memory_space<vmem>>
        %get3A_1318 = arith.index_cast %add3A_1314 : i32 to index
        %get3A_1319 = tpu.vector_load %get3A_1317[%get3A_1318] {strides = array<i32>} : memref<4096xf32, #tpu.memory_space<vmem>>, vector<16xf32>,
        %get3A_1320 = vector.shape_cast %get3A_1319 : vector<16xf32> to vector<16xf32>
        %max3A_1321 = arith.maximumf %max3A_1285, %get3A_1320 : vector<16xf32>
        scf.yield %max3A_1294, %max3A_1303, %max3A_1312, %max3A_1321 : vector<16xf32>, vector<16xf32>, vector<16xf32>, vector<16xf32>
      }
      %scan3A_1145 = arith.constant 32 : i32
      %max3A_1146 = arith.maximumf %scan3A_1144#0, %scan3A_1144#2 : vector<16xf32>
      %max3A_1147 = arith.maximumf %scan3A_1144#1, %scan3A_1144#3 : vector<16xf32>
      %max3A_1148 = arith.maximumf %max3A_1146, %max3A_1147 : vector<16xf32>
      %add3A_1149 = arith.constant 16 : i32
      %add3A_1150 = arith.addi %add3A_1121, %add3A_1149 : i32
      %lt3A_1151 = arith.constant 116 : i32
      %lt3A_1152 = arith.cmpi slt, %add3A_1150, %lt3A_1151 : i32
      %convert_element_type3A_1153 = arith.extui %lt3A_1152 : i1 to i32
      %cond3A_1154 = arith.constant 0 : i32
      %cond3A_1155 = arith.cmpi ne, %convert_element_type3A_1153, %cond3A_1154 : i32
      scf.if %cond3A_1155 {
        %mul3A_1244 = arith.constant 1 : i32
        %mul3A_1245 = arith.muli %add3A_1150, %mul3A_1244 : i32
        %add3A_1246 = arith.addi %add3A_4, %mul3A_1245 : i32
        %dma_start3A_1247 = arith.constant 13 : i32
        %dma_start3A_1248 = arith.constant 0 : i32
        %dma_start3A_1249 = arith.constant 0 : i32
        %dma_start3A_1250 = tpu.memref_slice %arg5[%dma_start3A_1247, %dma_start3A_1248, %dma_start3A_1249] : memref<16x1x4096xf32, #tpu.memory_space<vmem>> -> memref<1x1x4096xf32, #tpu.memory_space<vmem>>
        %dma_start3A_1251 = tpu.memref_squeeze %dma_start3A_1250 : memref<1x1x4096xf32, #tpu.memory_space<vmem>> -> memref<1x4096xf32, #tpu.memory_space<vmem>>
        %dma_start3A_1252 = arith.constant 0 : i32
        %dma_start3A_1253 = tpu.memref_slice %arg2[%add3A_1246, %dma_start3A_1252] : memref<8192x4096xf32, #tpu.memory_space<hbm>> -> memref<1x4096xf32, #tpu.memory_space<hbm>>
        %dma_start3A_1254 = arith.constant 0 : i32
        %dma_start3A_1255 = arith.constant 0 : i32
        %dma_start3A_1256 = tpu.memref_slice %arg5[%dma_start3A_1247, %dma_start3A_1254, %dma_start3A_1255] : memref<16x1x4096xf32, #tpu.memory_space<vmem>> -> memref<1x1x4096xf32, #tpu.memory_space<vmem>>
        %dma_start3A_1257 = tpu.memref_squeeze %dma_start3A_1256 : memref<1x1x4096xf32, #tpu.memory_space<vmem>> -> memref<1x4096xf32, #tpu.memory_space<vmem>>
        %dma_start3A_1258 = arith.constant 0 : i32
        %dma_start3A_1259 = tpu.memref_slice %arg2[%add3A_1246, %dma_start3A_1258] : memref<8192x4096xf32, #tpu.memory_space<hbm>> -> memref<1x4096xf32, #tpu.memory_space<hbm>>
        tpu.enqueue_dma source(%dma_start3A_1259 : memref<1x4096xf32, #tpu.memory_space<hbm>>) target(%dma_start3A_1257 : memref<1x4096xf32, #tpu.memory_space<vmem>>) target_semaphore(%arg21 : memref<!tpu.dma_semaphore, #tpu.memory_space<semaphore_mem>>)
      } else {
      }
      %gt3A_1156 = arith.cmpf ogt, %max3A_1148, %max3A_1117 : vector<16xf32>
      %broadcast_in_dim3A_1157 = vector.broadcast %add3A_1121 : i32 to vector<16xi32>
      %select_n3A_1158 = arith.select %gt3A_1156, %broadcast_in_dim3A_1157, %select_n3A_1116 : vector<16xi1>, vector<16xi32>
      %max3A_1159 = arith.maximumf %max3A_1117, %max3A_1148 : vector<16xf32>
      %mul3A_1160 = arith.constant 16 : i32
      %mul3A_1161 = arith.muli %mul3A_1160, %scan3A_571 : i32
      %add3A_1162 = arith.constant 14 : i32
      %add3A_1163 = arith.addi %mul3A_1161, %add3A_1162 : i32
      %mul3A_1164 = arith.constant 1 : i32
      %mul3A_1165 = arith.muli %add3A_1163, %mul3A_1164 : i32
      %add3A_1166 = arith.addi %add3A_4, %mul3A_1165 : i32
      %dma_wait3A_1167 = arith.constant 14 : i32
      %dma_wait3A_1168 = arith.constant 0 : i32
      %dma_wait3A_1169 = arith.constant 0 : i32
      %dma_wait3A_1170 = tpu.memref_slice %arg5[%dma_wait3A_1167, %dma_wait3A_1168, %dma_wait3A_1169] : memref<16x1x4096xf32, #tpu.memory_space<vmem>> -> memref<1x1x4096xf32, #tpu.memory_space<vmem>>
      %dma_wait3A_1171 = tpu.memref_squeeze %dma_wait3A_1170 : memref<1x1x4096xf32, #tpu.memory_space<vmem>> -> memref<1x4096xf32, #tpu.memory_space<vmem>>
      %dma_wait3A_1172 = arith.constant 0 : i32
      %dma_wait3A_1173 = tpu.memref_slice %arg2[%add3A_1166, %dma_wait3A_1172] : memref<8192x4096xf32, #tpu.memory_space<hbm>> -> memref<1x4096xf32, #tpu.memory_space<hbm>>
      %dma_wait3A_1174 = arith.constant 0 : i32
      %dma_wait3A_1175 = arith.constant 0 : i32
      %dma_wait3A_1176 = tpu.memref_slice %arg5[%dma_wait3A_1167, %dma_wait3A_1174, %dma_wait3A_1175] : memref<16x1x4096xf32, #tpu.memory_space<vmem>> -> memref<1x1x4096xf32, #tpu.memory_space<vmem>>
      %dma_wait3A_1177 = tpu.memref_squeeze %dma_wait3A_1176 : memref<1x1x4096xf32, #tpu.memory_space<vmem>> -> memref<1x4096xf32, #tpu.memory_space<vmem>>
      %dma_wait3A_1178 = arith.constant 0 : i32
      %dma_wait3A_1179 = tpu.memref_slice %arg2[%add3A_1166, %dma_wait3A_1178] : memref<8192x4096xf32, #tpu.memory_space<hbm>> -> memref<1x4096xf32, #tpu.memory_space<hbm>>
      tpu.wait_dma2 semaphore(%arg22 : memref<!tpu.dma_semaphore, #tpu.memory_space<semaphore_mem>>) src(%dma_wait3A_1179 : memref<1x4096xf32, #tpu.memory_space<hbm>>) dst(%dma_wait3A_1177 : memref<1x4096xf32, #tpu.memory_space<vmem>>)
      %scan3A_1180 = arith.constant 14 : i32
      %scan3A_1181 = arith.constant 0 : i32
      %scan3A_1182 = arith.constant 0 : i32
      %scan3A_1183 = arith.constant 32 : i32
      %scan3A_1184 = arith.addi %scan3A_1182, %scan3A_1183 : i32
      %scan3A_1185 = arith.constant 1 : i32
      %scan3A_1186:4 = scf.for %scan3A_1244 = %scan3A_1182 to %scan3A_1184 step %scan3A_1185 iter_args(%scan3A_1245 = %broadcast_in_dim3A_5, %scan3A_1246 = %broadcast_in_dim3A_5, %scan3A_1247 = %broadcast_in_dim3A_5, %scan3A_1248 = %broadcast_in_dim3A_5) -> (vector<16xf32>, vector<16xf32>, vector<16xf32>, vector<16xf32>)  : i32 {
        %mul3A_1249 = arith.constant 128 : i32
        %mul3A_1250 = arith.muli %scan3A_1244, %mul3A_1249 : i32
        %add3A_1251 = arith.constant 0 : i32
        %add3A_1252 = arith.addi %mul3A_1250, %add3A_1251 : i32
        %get3A = arith.constant 0 : i32
        %get3A_1253 = tpu.memref_slice %arg5[%scan3A_1180, %scan3A_1181, %get3A] : memref<16x1x4096xf32, #tpu.memory_space<vmem>> -> memref<1x1x4096xf32, #tpu.memory_space<vmem>>
        %get3A_1254 = tpu.memref_squeeze %get3A_1253 : memref<1x1x4096xf32, #tpu.memory_space<vmem>> -> memref<4096xf32, #tpu.memory_space<vmem>>
        %get3A_1255 = arith.index_cast %add3A_1252 : i32 to index
        %get3A_1256 = tpu.vector_load %get3A_1254[%get3A_1255] {strides = array<i32>} : memref<4096xf32, #tpu.memory_space<vmem>>, vector<16xf32>,
        %get3A_1257 = vector.shape_cast %get3A_1256 : vector<16xf32> to vector<16xf32>
        %max3A_1258 = arith.maximumf %scan3A_1245, %get3A_1257 : vector<16xf32>
        %add3A_1259 = arith.constant 16 : i32
        %add3A_1260 = arith.addi %mul3A_1250, %add3A_1259 : i32
        %get3A_1261 = arith.constant 0 : i32
        %get3A_1262 = tpu.memref_slice %arg5[%scan3A_1180, %scan3A_1181, %get3A_1261] : memref<16x1x4096xf32, #tpu.memory_space<vmem>> -> memref<1x1x4096xf32, #tpu.memory_space<vmem>>
        %get3A_1263 = tpu.memref_squeeze %get3A_1262 : memref<1x1x4096xf32, #tpu.memory_space<vmem>> -> memref<4096xf32, #tpu.memory_space<vmem>>
        %get3A_1264 = arith.index_cast %add3A_1260 : i32 to index
        %get3A_1265 = tpu.vector_load %get3A_1263[%get3A_1264] {strides = array<i32>} : memref<4096xf32, #tpu.memory_space<vmem>>, vector<16xf32>,
        %get3A_1266 = vector.shape_cast %get3A_1265 : vector<16xf32> to vector<16xf32>
        %max3A_1267 = arith.maximumf %scan3A_1246, %get3A_1266 : vector<16xf32>
        %add3A_1268 = arith.constant 32 : i32
        %add3A_1269 = arith.addi %mul3A_1250, %add3A_1268 : i32
        %get3A_1270 = arith.constant 0 : i32
        %get3A_1271 = tpu.memref_slice %arg5[%scan3A_1180, %scan3A_1181, %get3A_1270] : memref<16x1x4096xf32, #tpu.memory_space<vmem>> -> memref<1x1x4096xf32, #tpu.memory_space<vmem>>
        %get3A_1272 = tpu.memref_squeeze %get3A_1271 : memref<1x1x4096xf32, #tpu.memory_space<vmem>> -> memref<4096xf32, #tpu.memory_space<vmem>>
        %get3A_1273 = arith.index_cast %add3A_1269 : i32 to index
        %get3A_1274 = tpu.vector_load %get3A_1272[%get3A_1273] {strides = array<i32>} : memref<4096xf32, #tpu.memory_space<vmem>>, vector<16xf32>,
        %get3A_1275 = vector.shape_cast %get3A_1274 : vector<16xf32> to vector<16xf32>
        %max3A_1276 = arith.maximumf %scan3A_1247, %get3A_1275 : vector<16xf32>
        %add3A_1277 = arith.constant 48 : i32
        %add3A_1278 = arith.addi %mul3A_1250, %add3A_1277 : i32
        %get3A_1279 = arith.constant 0 : i32
        %get3A_1280 = tpu.memref_slice %arg5[%scan3A_1180, %scan3A_1181, %get3A_1279] : memref<16x1x4096xf32, #tpu.memory_space<vmem>> -> memref<1x1x4096xf32, #tpu.memory_space<vmem>>
        %get3A_1281 = tpu.memref_squeeze %get3A_1280 : memref<1x1x4096xf32, #tpu.memory_space<vmem>> -> memref<4096xf32, #tpu.memory_space<vmem>>
        %get3A_1282 = arith.index_cast %add3A_1278 : i32 to index
        %get3A_1283 = tpu.vector_load %get3A_1281[%get3A_1282] {strides = array<i32>} : memref<4096xf32, #tpu.memory_space<vmem>>, vector<16xf32>,
        %get3A_1284 = vector.shape_cast %get3A_1283 : vector<16xf32> to vector<16xf32>
        %max3A_1285 = arith.maximumf %scan3A_1248, %get3A_1284 : vector<16xf32>
        %add3A_1286 = arith.constant 64 : i32
        %add3A_1287 = arith.addi %mul3A_1250, %add3A_1286 : i32
        %get3A_1288 = arith.constant 0 : i32
        %get3A_1289 = tpu.memref_slice %arg5[%scan3A_1180, %scan3A_1181, %get3A_1288] : memref<16x1x4096xf32, #tpu.memory_space<vmem>> -> memref<1x1x4096xf32, #tpu.memory_space<vmem>>
        %get3A_1290 = tpu.memref_squeeze %get3A_1289 : memref<1x1x4096xf32, #tpu.memory_space<vmem>> -> memref<4096xf32, #tpu.memory_space<vmem>>
        %get3A_1291 = arith.index_cast %add3A_1287 : i32 to index
        %get3A_1292 = tpu.vector_load %get3A_1290[%get3A_1291] {strides = array<i32>} : memref<4096xf32, #tpu.memory_space<vmem>>, vector<16xf32>,
        %get3A_1293 = vector.shape_cast %get3A_1292 : vector<16xf32> to vector<16xf32>
        %max3A_1294 = arith.maximumf %max3A_1258, %get3A_1293 : vector<16xf32>
        %add3A_1295 = arith.constant 80 : i32
        %add3A_1296 = arith.addi %mul3A_1250, %add3A_1295 : i32
        %get3A_1297 = arith.constant 0 : i32
        %get3A_1298 = tpu.memref_slice %arg5[%scan3A_1180, %scan3A_1181, %get3A_1297] : memref<16x1x4096xf32, #tpu.memory_space<vmem>> -> memref<1x1x4096xf32, #tpu.memory_space<vmem>>
        %get3A_1299 = tpu.memref_squeeze %get3A_1298 : memref<1x1x4096xf32, #tpu.memory_space<vmem>> -> memref<4096xf32, #tpu.memory_space<vmem>>
        %get3A_1300 = arith.index_cast %add3A_1296 : i32 to index
        %get3A_1301 = tpu.vector_load %get3A_1299[%get3A_1300] {strides = array<i32>} : memref<4096xf32, #tpu.memory_space<vmem>>, vector<16xf32>,
        %get3A_1302 = vector.shape_cast %get3A_1301 : vector<16xf32> to vector<16xf32>
        %max3A_1303 = arith.maximumf %max3A_1267, %get3A_1302 : vector<16xf32>
        %add3A_1304 = arith.constant 96 : i32
        %add3A_1305 = arith.addi %mul3A_1250, %add3A_1304 : i32
        %get3A_1306 = arith.constant 0 : i32
        %get3A_1307 = tpu.memref_slice %arg5[%scan3A_1180, %scan3A_1181, %get3A_1306] : memref<16x1x4096xf32, #tpu.memory_space<vmem>> -> memref<1x1x4096xf32, #tpu.memory_space<vmem>>
        %get3A_1308 = tpu.memref_squeeze %get3A_1307 : memref<1x1x4096xf32, #tpu.memory_space<vmem>> -> memref<4096xf32, #tpu.memory_space<vmem>>
        %get3A_1309 = arith.index_cast %add3A_1305 : i32 to index
        %get3A_1310 = tpu.vector_load %get3A_1308[%get3A_1309] {strides = array<i32>} : memref<4096xf32, #tpu.memory_space<vmem>>, vector<16xf32>,
        %get3A_1311 = vector.shape_cast %get3A_1310 : vector<16xf32> to vector<16xf32>
        %max3A_1312 = arith.maximumf %max3A_1276, %get3A_1311 : vector<16xf32>
        %add3A_1313 = arith.constant 112 : i32
        %add3A_1314 = arith.addi %mul3A_1250, %add3A_1313 : i32
        %get3A_1315 = arith.constant 0 : i32
        %get3A_1316 = tpu.memref_slice %arg5[%scan3A_1180, %scan3A_1181, %get3A_1315] : memref<16x1x4096xf32, #tpu.memory_space<vmem>> -> memref<1x1x4096xf32, #tpu.memory_space<vmem>>
        %get3A_1317 = tpu.memref_squeeze %get3A_1316 : memref<1x1x4096xf32, #tpu.memory_space<vmem>> -> memref<4096xf32, #tpu.memory_space<vmem>>
        %get3A_1318 = arith.index_cast %add3A_1314 : i32 to index
        %get3A_1319 = tpu.vector_load %get3A_1317[%get3A_1318] {strides = array<i32>} : memref<4096xf32, #tpu.memory_space<vmem>>, vector<16xf32>,
        %get3A_1320 = vector.shape_cast %get3A_1319 : vector<16xf32> to vector<16xf32>
        %max3A_1321 = arith.maximumf %max3A_1285, %get3A_1320 : vector<16xf32>
        scf.yield %max3A_1294, %max3A_1303, %max3A_1312, %max3A_1321 : vector<16xf32>, vector<16xf32>, vector<16xf32>, vector<16xf32>
      }
      %scan3A_1187 = arith.constant 32 : i32
      %max3A_1188 = arith.maximumf %scan3A_1186#0, %scan3A_1186#2 : vector<16xf32>
      %max3A_1189 = arith.maximumf %scan3A_1186#1, %scan3A_1186#3 : vector<16xf32>
      %max3A_1190 = arith.maximumf %max3A_1188, %max3A_1189 : vector<16xf32>
      %add3A_1191 = arith.constant 16 : i32
      %add3A_1192 = arith.addi %add3A_1163, %add3A_1191 : i32
      %lt3A_1193 = arith.constant 116 : i32
      %lt3A_1194 = arith.cmpi slt, %add3A_1192, %lt3A_1193 : i32
      %convert_element_type3A_1195 = arith.extui %lt3A_1194 : i1 to i32
      %cond3A_1196 = arith.constant 0 : i32
      %cond3A_1197 = arith.cmpi ne, %convert_element_type3A_1195, %cond3A_1196 : i32
      scf.if %cond3A_1197 {
        %mul3A_1244 = arith.constant 1 : i32
        %mul3A_1245 = arith.muli %add3A_1192, %mul3A_1244 : i32
        %add3A_1246 = arith.addi %add3A_4, %mul3A_1245 : i32
        %dma_start3A_1247 = arith.constant 14 : i32
        %dma_start3A_1248 = arith.constant 0 : i32
        %dma_start3A_1249 = arith.constant 0 : i32
        %dma_start3A_1250 = tpu.memref_slice %arg5[%dma_start3A_1247, %dma_start3A_1248, %dma_start3A_1249] : memref<16x1x4096xf32, #tpu.memory_space<vmem>> -> memref<1x1x4096xf32, #tpu.memory_space<vmem>>
        %dma_start3A_1251 = tpu.memref_squeeze %dma_start3A_1250 : memref<1x1x4096xf32, #tpu.memory_space<vmem>> -> memref<1x4096xf32, #tpu.memory_space<vmem>>
        %dma_start3A_1252 = arith.constant 0 : i32
        %dma_start3A_1253 = tpu.memref_slice %arg2[%add3A_1246, %dma_start3A_1252] : memref<8192x4096xf32, #tpu.memory_space<hbm>> -> memref<1x4096xf32, #tpu.memory_space<hbm>>
        %dma_start3A_1254 = arith.constant 0 : i32
        %dma_start3A_1255 = arith.constant 0 : i32
        %dma_start3A_1256 = tpu.memref_slice %arg5[%dma_start3A_1247, %dma_start3A_1254, %dma_start3A_1255] : memref<16x1x4096xf32, #tpu.memory_space<vmem>> -> memref<1x1x4096xf32, #tpu.memory_space<vmem>>
        %dma_start3A_1257 = tpu.memref_squeeze %dma_start3A_1256 : memref<1x1x4096xf32, #tpu.memory_space<vmem>> -> memref<1x4096xf32, #tpu.memory_space<vmem>>
        %dma_start3A_1258 = arith.constant 0 : i32
        %dma_start3A_1259 = tpu.memref_slice %arg2[%add3A_1246, %dma_start3A_1258] : memref<8192x4096xf32, #tpu.memory_space<hbm>> -> memref<1x4096xf32, #tpu.memory_space<hbm>>
        tpu.enqueue_dma source(%dma_start3A_1259 : memref<1x4096xf32, #tpu.memory_space<hbm>>) target(%dma_start3A_1257 : memref<1x4096xf32, #tpu.memory_space<vmem>>) target_semaphore(%arg22 : memref<!tpu.dma_semaphore, #tpu.memory_space<semaphore_mem>>)
      } else {
      }
      %gt3A_1198 = arith.cmpf ogt, %max3A_1190, %max3A_1159 : vector<16xf32>
      %broadcast_in_dim3A_1199 = vector.broadcast %add3A_1163 : i32 to vector<16xi32>
      %select_n3A_1200 = arith.select %gt3A_1198, %broadcast_in_dim3A_1199, %select_n3A_1158 : vector<16xi1>, vector<16xi32>
      %max3A_1201 = arith.maximumf %max3A_1159, %max3A_1190 : vector<16xf32>
      %mul3A_1202 = arith.constant 16 : i32
      %mul3A_1203 = arith.muli %mul3A_1202, %scan3A_571 : i32
      %add3A_1204 = arith.constant 15 : i32
      %add3A_1205 = arith.addi %mul3A_1203, %add3A_1204 : i32
      %mul3A_1206 = arith.constant 1 : i32
      %mul3A_1207 = arith.muli %add3A_1205, %mul3A_1206 : i32
      %add3A_1208 = arith.addi %add3A_4, %mul3A_1207 : i32
      %dma_wait3A_1209 = arith.constant 15 : i32
      %dma_wait3A_1210 = arith.constant 0 : i32
      %dma_wait3A_1211 = arith.constant 0 : i32
      %dma_wait3A_1212 = tpu.memref_slice %arg5[%dma_wait3A_1209, %dma_wait3A_1210, %dma_wait3A_1211] : memref<16x1x4096xf32, #tpu.memory_space<vmem>> -> memref<1x1x4096xf32, #tpu.memory_space<vmem>>
      %dma_wait3A_1213 = tpu.memref_squeeze %dma_wait3A_1212 : memref<1x1x4096xf32, #tpu.memory_space<vmem>> -> memref<1x4096xf32, #tpu.memory_space<vmem>>
      %dma_wait3A_1214 = arith.constant 0 : i32
      %dma_wait3A_1215 = tpu.memref_slice %arg2[%add3A_1208, %dma_wait3A_1214] : memref<8192x4096xf32, #tpu.memory_space<hbm>> -> memref<1x4096xf32, #tpu.memory_space<hbm>>
      %dma_wait3A_1216 = arith.constant 0 : i32
      %dma_wait3A_1217 = arith.constant 0 : i32
      %dma_wait3A_1218 = tpu.memref_slice %arg5[%dma_wait3A_1209, %dma_wait3A_1216, %dma_wait3A_1217] : memref<16x1x4096xf32, #tpu.memory_space<vmem>> -> memref<1x1x4096xf32, #tpu.memory_space<vmem>>
      %dma_wait3A_1219 = tpu.memref_squeeze %dma_wait3A_1218 : memref<1x1x4096xf32, #tpu.memory_space<vmem>> -> memref<1x4096xf32, #tpu.memory_space<vmem>>
      %dma_wait3A_1220 = arith.constant 0 : i32
      %dma_wait3A_1221 = tpu.memref_slice %arg2[%add3A_1208, %dma_wait3A_1220] : memref<8192x4096xf32, #tpu.memory_space<hbm>> -> memref<1x4096xf32, #tpu.memory_space<hbm>>
      tpu.wait_dma2 semaphore(%arg23 : memref<!tpu.dma_semaphore, #tpu.memory_space<semaphore_mem>>) src(%dma_wait3A_1221 : memref<1x4096xf32, #tpu.memory_space<hbm>>) dst(%dma_wait3A_1219 : memref<1x4096xf32, #tpu.memory_space<vmem>>)
      %scan3A_1222 = arith.constant 15 : i32
      %scan3A_1223 = arith.constant 0 : i32
      %scan3A_1224 = arith.constant 0 : i32
      %scan3A_1225 = arith.constant 32 : i32
      %scan3A_1226 = arith.addi %scan3A_1224, %scan3A_1225 : i32
      %scan3A_1227 = arith.constant 1 : i32
      %scan3A_1228:4 = scf.for %scan3A_1244 = %scan3A_1224 to %scan3A_1226 step %scan3A_1227 iter_args(%scan3A_1245 = %broadcast_in_dim3A_5, %scan3A_1246 = %broadcast_in_dim3A_5, %scan3A_1247 = %broadcast_in_dim3A_5, %scan3A_1248 = %broadcast_in_dim3A_5) -> (vector<16xf32>, vector<16xf32>, vector<16xf32>, vector<16xf32>)  : i32 {
        %mul3A_1249 = arith.constant 128 : i32
        %mul3A_1250 = arith.muli %scan3A_1244, %mul3A_1249 : i32
        %add3A_1251 = arith.constant 0 : i32
        %add3A_1252 = arith.addi %mul3A_1250, %add3A_1251 : i32
        %get3A = arith.constant 0 : i32
        %get3A_1253 = tpu.memref_slice %arg5[%scan3A_1222, %scan3A_1223, %get3A] : memref<16x1x4096xf32, #tpu.memory_space<vmem>> -> memref<1x1x4096xf32, #tpu.memory_space<vmem>>
        %get3A_1254 = tpu.memref_squeeze %get3A_1253 : memref<1x1x4096xf32, #tpu.memory_space<vmem>> -> memref<4096xf32, #tpu.memory_space<vmem>>
        %get3A_1255 = arith.index_cast %add3A_1252 : i32 to index
        %get3A_1256 = tpu.vector_load %get3A_1254[%get3A_1255] {strides = array<i32>} : memref<4096xf32, #tpu.memory_space<vmem>>, vector<16xf32>,
        %get3A_1257 = vector.shape_cast %get3A_1256 : vector<16xf32> to vector<16xf32>
        %max3A_1258 = arith.maximumf %scan3A_1245, %get3A_1257 : vector<16xf32>
        %add3A_1259 = arith.constant 16 : i32
        %add3A_1260 = arith.addi %mul3A_1250, %add3A_1259 : i32
        %get3A_1261 = arith.constant 0 : i32
        %get3A_1262 = tpu.memref_slice %arg5[%scan3A_1222, %scan3A_1223, %get3A_1261] : memref<16x1x4096xf32, #tpu.memory_space<vmem>> -> memref<1x1x4096xf32, #tpu.memory_space<vmem>>
        %get3A_1263 = tpu.memref_squeeze %get3A_1262 : memref<1x1x4096xf32, #tpu.memory_space<vmem>> -> memref<4096xf32, #tpu.memory_space<vmem>>
        %get3A_1264 = arith.index_cast %add3A_1260 : i32 to index
        %get3A_1265 = tpu.vector_load %get3A_1263[%get3A_1264] {strides = array<i32>} : memref<4096xf32, #tpu.memory_space<vmem>>, vector<16xf32>,
        %get3A_1266 = vector.shape_cast %get3A_1265 : vector<16xf32> to vector<16xf32>
        %max3A_1267 = arith.maximumf %scan3A_1246, %get3A_1266 : vector<16xf32>
        %add3A_1268 = arith.constant 32 : i32
        %add3A_1269 = arith.addi %mul3A_1250, %add3A_1268 : i32
        %get3A_1270 = arith.constant 0 : i32
        %get3A_1271 = tpu.memref_slice %arg5[%scan3A_1222, %scan3A_1223, %get3A_1270] : memref<16x1x4096xf32, #tpu.memory_space<vmem>> -> memref<1x1x4096xf32, #tpu.memory_space<vmem>>
        %get3A_1272 = tpu.memref_squeeze %get3A_1271 : memref<1x1x4096xf32, #tpu.memory_space<vmem>> -> memref<4096xf32, #tpu.memory_space<vmem>>
        %get3A_1273 = arith.index_cast %add3A_1269 : i32 to index
        %get3A_1274 = tpu.vector_load %get3A_1272[%get3A_1273] {strides = array<i32>} : memref<4096xf32, #tpu.memory_space<vmem>>, vector<16xf32>,
        %get3A_1275 = vector.shape_cast %get3A_1274 : vector<16xf32> to vector<16xf32>
        %max3A_1276 = arith.maximumf %scan3A_1247, %get3A_1275 : vector<16xf32>
        %add3A_1277 = arith.constant 48 : i32
        %add3A_1278 = arith.addi %mul3A_1250, %add3A_1277 : i32
        %get3A_1279 = arith.constant 0 : i32
        %get3A_1280 = tpu.memref_slice %arg5[%scan3A_1222, %scan3A_1223, %get3A_1279] : memref<16x1x4096xf32, #tpu.memory_space<vmem>> -> memref<1x1x4096xf32, #tpu.memory_space<vmem>>
        %get3A_1281 = tpu.memref_squeeze %get3A_1280 : memref<1x1x4096xf32, #tpu.memory_space<vmem>> -> memref<4096xf32, #tpu.memory_space<vmem>>
        %get3A_1282 = arith.index_cast %add3A_1278 : i32 to index
        %get3A_1283 = tpu.vector_load %get3A_1281[%get3A_1282] {strides = array<i32>} : memref<4096xf32, #tpu.memory_space<vmem>>, vector<16xf32>,
        %get3A_1284 = vector.shape_cast %get3A_1283 : vector<16xf32> to vector<16xf32>
        %max3A_1285 = arith.maximumf %scan3A_1248, %get3A_1284 : vector<16xf32>
        %add3A_1286 = arith.constant 64 : i32
        %add3A_1287 = arith.addi %mul3A_1250, %add3A_1286 : i32
        %get3A_1288 = arith.constant 0 : i32
        %get3A_1289 = tpu.memref_slice %arg5[%scan3A_1222, %scan3A_1223, %get3A_1288] : memref<16x1x4096xf32, #tpu.memory_space<vmem>> -> memref<1x1x4096xf32, #tpu.memory_space<vmem>>
        %get3A_1290 = tpu.memref_squeeze %get3A_1289 : memref<1x1x4096xf32, #tpu.memory_space<vmem>> -> memref<4096xf32, #tpu.memory_space<vmem>>
        %get3A_1291 = arith.index_cast %add3A_1287 : i32 to index
        %get3A_1292 = tpu.vector_load %get3A_1290[%get3A_1291] {strides = array<i32>} : memref<4096xf32, #tpu.memory_space<vmem>>, vector<16xf32>,
        %get3A_1293 = vector.shape_cast %get3A_1292 : vector<16xf32> to vector<16xf32>
        %max3A_1294 = arith.maximumf %max3A_1258, %get3A_1293 : vector<16xf32>
        %add3A_1295 = arith.constant 80 : i32
        %add3A_1296 = arith.addi %mul3A_1250, %add3A_1295 : i32
        %get3A_1297 = arith.constant 0 : i32
        %get3A_1298 = tpu.memref_slice %arg5[%scan3A_1222, %scan3A_1223, %get3A_1297] : memref<16x1x4096xf32, #tpu.memory_space<vmem>> -> memref<1x1x4096xf32, #tpu.memory_space<vmem>>
        %get3A_1299 = tpu.memref_squeeze %get3A_1298 : memref<1x1x4096xf32, #tpu.memory_space<vmem>> -> memref<4096xf32, #tpu.memory_space<vmem>>
        %get3A_1300 = arith.index_cast %add3A_1296 : i32 to index
        %get3A_1301 = tpu.vector_load %get3A_1299[%get3A_1300] {strides = array<i32>} : memref<4096xf32, #tpu.memory_space<vmem>>, vector<16xf32>,
        %get3A_1302 = vector.shape_cast %get3A_1301 : vector<16xf32> to vector<16xf32>
        %max3A_1303 = arith.maximumf %max3A_1267, %get3A_1302 : vector<16xf32>
        %add3A_1304 = arith.constant 96 : i32
        %add3A_1305 = arith.addi %mul3A_1250, %add3A_1304 : i32
        %get3A_1306 = arith.constant 0 : i32
        %get3A_1307 = tpu.memref_slice %arg5[%scan3A_1222, %scan3A_1223, %get3A_1306] : memref<16x1x4096xf32, #tpu.memory_space<vmem>> -> memref<1x1x4096xf32, #tpu.memory_space<vmem>>
        %get3A_1308 = tpu.memref_squeeze %get3A_1307 : memref<1x1x4096xf32, #tpu.memory_space<vmem>> -> memref<4096xf32, #tpu.memory_space<vmem>>
        %get3A_1309 = arith.index_cast %add3A_1305 : i32 to index
        %get3A_1310 = tpu.vector_load %get3A_1308[%get3A_1309] {strides = array<i32>} : memref<4096xf32, #tpu.memory_space<vmem>>, vector<16xf32>,
        %get3A_1311 = vector.shape_cast %get3A_1310 : vector<16xf32> to vector<16xf32>
        %max3A_1312 = arith.maximumf %max3A_1276, %get3A_1311 : vector<16xf32>
        %add3A_1313 = arith.constant 112 : i32
        %add3A_1314 = arith.addi %mul3A_1250, %add3A_1313 : i32
        %get3A_1315 = arith.constant 0 : i32
        %get3A_1316 = tpu.memref_slice %arg5[%scan3A_1222, %scan3A_1223, %get3A_1315] : memref<16x1x4096xf32, #tpu.memory_space<vmem>> -> memref<1x1x4096xf32, #tpu.memory_space<vmem>>
        %get3A_1317 = tpu.memref_squeeze %get3A_1316 : memref<1x1x4096xf32, #tpu.memory_space<vmem>> -> memref<4096xf32, #tpu.memory_space<vmem>>
        %get3A_1318 = arith.index_cast %add3A_1314 : i32 to index
        %get3A_1319 = tpu.vector_load %get3A_1317[%get3A_1318] {strides = array<i32>} : memref<4096xf32, #tpu.memory_space<vmem>>, vector<16xf32>,
        %get3A_1320 = vector.shape_cast %get3A_1319 : vector<16xf32> to vector<16xf32>
        %max3A_1321 = arith.maximumf %max3A_1285, %get3A_1320 : vector<16xf32>
        scf.yield %max3A_1294, %max3A_1303, %max3A_1312, %max3A_1321 : vector<16xf32>, vector<16xf32>, vector<16xf32>, vector<16xf32>
      }
      %scan3A_1229 = arith.constant 32 : i32
      %max3A_1230 = arith.maximumf %scan3A_1228#0, %scan3A_1228#2 : vector<16xf32>
      %max3A_1231 = arith.maximumf %scan3A_1228#1, %scan3A_1228#3 : vector<16xf32>
      %max3A_1232 = arith.maximumf %max3A_1230, %max3A_1231 : vector<16xf32>
      %add3A_1233 = arith.constant 16 : i32
      %add3A_1234 = arith.addi %add3A_1205, %add3A_1233 : i32
      %lt3A_1235 = arith.constant 116 : i32
      %lt3A_1236 = arith.cmpi slt, %add3A_1234, %lt3A_1235 : i32
      %convert_element_type3A_1237 = arith.extui %lt3A_1236 : i1 to i32
      %cond3A_1238 = arith.constant 0 : i32
      %cond3A_1239 = arith.cmpi ne, %convert_element_type3A_1237, %cond3A_1238 : i32
      scf.if %cond3A_1239 {
        %mul3A_1244 = arith.constant 1 : i32
        %mul3A_1245 = arith.muli %add3A_1234, %mul3A_1244 : i32
        %add3A_1246 = arith.addi %add3A_4, %mul3A_1245 : i32
        %dma_start3A_1247 = arith.constant 15 : i32
        %dma_start3A_1248 = arith.constant 0 : i32
        %dma_start3A_1249 = arith.constant 0 : i32
        %dma_start3A_1250 = tpu.memref_slice %arg5[%dma_start3A_1247, %dma_start3A_1248, %dma_start3A_1249] : memref<16x1x4096xf32, #tpu.memory_space<vmem>> -> memref<1x1x4096xf32, #tpu.memory_space<vmem>>
        %dma_start3A_1251 = tpu.memref_squeeze %dma_start3A_1250 : memref<1x1x4096xf32, #tpu.memory_space<vmem>> -> memref<1x4096xf32, #tpu.memory_space<vmem>>
        %dma_start3A_1252 = arith.constant 0 : i32
        %dma_start3A_1253 = tpu.memref_slice %arg2[%add3A_1246, %dma_start3A_1252] : memref<8192x4096xf32, #tpu.memory_space<hbm>> -> memref<1x4096xf32, #tpu.memory_space<hbm>>
        %dma_start3A_1254 = arith.constant 0 : i32
        %dma_start3A_1255 = arith.constant 0 : i32
        %dma_start3A_1256 = tpu.memref_slice %arg5[%dma_start3A_1247, %dma_start3A_1254, %dma_start3A_1255] : memref<16x1x4096xf32, #tpu.memory_space<vmem>> -> memref<1x1x4096xf32, #tpu.memory_space<vmem>>
        %dma_start3A_1257 = tpu.memref_squeeze %dma_start3A_1256 : memref<1x1x4096xf32, #tpu.memory_space<vmem>> -> memref<1x4096xf32, #tpu.memory_space<vmem>>
        %dma_start3A_1258 = arith.constant 0 : i32
        %dma_start3A_1259 = tpu.memref_slice %arg2[%add3A_1246, %dma_start3A_1258] : memref<8192x4096xf32, #tpu.memory_space<hbm>> -> memref<1x4096xf32, #tpu.memory_space<hbm>>
        tpu.enqueue_dma source(%dma_start3A_1259 : memref<1x4096xf32, #tpu.memory_space<hbm>>) target(%dma_start3A_1257 : memref<1x4096xf32, #tpu.memory_space<vmem>>) target_semaphore(%arg23 : memref<!tpu.dma_semaphore, #tpu.memory_space<semaphore_mem>>)
      } else {
      }
      %gt3A_1240 = arith.cmpf ogt, %max3A_1232, %max3A_1201 : vector<16xf32>
      %broadcast_in_dim3A_1241 = vector.broadcast %add3A_1205 : i32 to vector<16xi32>
      %select_n3A_1242 = arith.select %gt3A_1240, %broadcast_in_dim3A_1241, %select_n3A_1200 : vector<16xi1>, vector<16xi32>
      %max3A_1243 = arith.maximumf %max3A_1201, %max3A_1232 : vector<16xf32>
      scf.yield %max3A_1243, %select_n3A_1242 : vector<16xf32>, vector<16xi32>
    }
    %scan3A_251 = arith.constant 7 : i32
    %add3A_252 = arith.constant 112 : i32
    %add3A_253 = arith.addi %add3A_4, %add3A_252 : i32
    %dma_wait3A = arith.constant 0 : i32
    %dma_wait3A_254 = arith.constant 0 : i32
    %dma_wait3A_255 = arith.constant 0 : i32
    %dma_wait3A_256 = tpu.memref_slice %arg5[%dma_wait3A, %dma_wait3A_254, %dma_wait3A_255] : memref<16x1x4096xf32, #tpu.memory_space<vmem>> -> memref<1x1x4096xf32, #tpu.memory_space<vmem>>
    %dma_wait3A_257 = tpu.memref_squeeze %dma_wait3A_256 : memref<1x1x4096xf32, #tpu.memory_space<vmem>> -> memref<1x4096xf32, #tpu.memory_space<vmem>>
    %dma_wait3A_258 = arith.constant 0 : i32
    %dma_wait3A_259 = tpu.memref_slice %arg2[%add3A_253, %dma_wait3A_258] : memref<8192x4096xf32, #tpu.memory_space<hbm>> -> memref<1x4096xf32, #tpu.memory_space<hbm>>
    %dma_wait3A_260 = arith.constant 0 : i32
    %dma_wait3A_261 = arith.constant 0 : i32
    %dma_wait3A_262 = tpu.memref_slice %arg5[%dma_wait3A, %dma_wait3A_260, %dma_wait3A_261] : memref<16x1x4096xf32, #tpu.memory_space<vmem>> -> memref<1x1x4096xf32, #tpu.memory_space<vmem>>
    %dma_wait3A_263 = tpu.memref_squeeze %dma_wait3A_262 : memref<1x1x4096xf32, #tpu.memory_space<vmem>> -> memref<1x4096xf32, #tpu.memory_space<vmem>>
    %dma_wait3A_264 = arith.constant 0 : i32
    %dma_wait3A_265 = tpu.memref_slice %arg2[%add3A_253, %dma_wait3A_264] : memref<8192x4096xf32, #tpu.memory_space<hbm>> -> memref<1x4096xf32, #tpu.memory_space<hbm>>
    tpu.wait_dma2 semaphore(%arg8 : memref<!tpu.dma_semaphore, #tpu.memory_space<semaphore_mem>>) src(%dma_wait3A_265 : memref<1x4096xf32, #tpu.memory_space<hbm>>) dst(%dma_wait3A_263 : memref<1x4096xf32, #tpu.memory_space<vmem>>)
    %scan3A_266 = arith.constant 0 : i32
    %scan3A_267 = arith.constant 0 : i32
    %scan3A_268 = arith.constant 0 : i32
    %scan3A_269 = arith.constant 32 : i32
    %scan3A_270 = arith.addi %scan3A_268, %scan3A_269 : i32
    %scan3A_271 = arith.constant 1 : i32
    %scan3A_272:4 = scf.for %scan3A_571 = %scan3A_268 to %scan3A_270 step %scan3A_271 iter_args(%scan3A_572 = %broadcast_in_dim3A_5, %scan3A_573 = %broadcast_in_dim3A_5, %scan3A_574 = %broadcast_in_dim3A_5, %scan3A_575 = %broadcast_in_dim3A_5) -> (vector<16xf32>, vector<16xf32>, vector<16xf32>, vector<16xf32>)  : i32 {
      %mul3A_576 = arith.constant 128 : i32
      %mul3A_577 = arith.muli %scan3A_571, %mul3A_576 : i32
      %add3A_578 = arith.constant 0 : i32
      %add3A_579 = arith.addi %mul3A_577, %add3A_578 : i32
      %get3A = arith.constant 0 : i32
      %get3A_580 = tpu.memref_slice %arg5[%scan3A_266, %scan3A_267, %get3A] : memref<16x1x4096xf32, #tpu.memory_space<vmem>> -> memref<1x1x4096xf32, #tpu.memory_space<vmem>>
      %get3A_581 = tpu.memref_squeeze %get3A_580 : memref<1x1x4096xf32, #tpu.memory_space<vmem>> -> memref<4096xf32, #tpu.memory_space<vmem>>
      %get3A_582 = arith.index_cast %add3A_579 : i32 to index
      %get3A_583 = tpu.vector_load %get3A_581[%get3A_582] {strides = array<i32>} : memref<4096xf32, #tpu.memory_space<vmem>>, vector<16xf32>,
      %get3A_584 = vector.shape_cast %get3A_583 : vector<16xf32> to vector<16xf32>
      %max3A_585 = arith.maximumf %scan3A_572, %get3A_584 : vector<16xf32>
      %add3A_586 = arith.constant 16 : i32
      %add3A_587 = arith.addi %mul3A_577, %add3A_586 : i32
      %get3A_588 = arith.constant 0 : i32
      %get3A_589 = tpu.memref_slice %arg5[%scan3A_266, %scan3A_267, %get3A_588] : memref<16x1x4096xf32, #tpu.memory_space<vmem>> -> memref<1x1x4096xf32, #tpu.memory_space<vmem>>
      %get3A_590 = tpu.memref_squeeze %get3A_589 : memref<1x1x4096xf32, #tpu.memory_space<vmem>> -> memref<4096xf32, #tpu.memory_space<vmem>>
      %get3A_591 = arith.index_cast %add3A_587 : i32 to index
      %get3A_592 = tpu.vector_load %get3A_590[%get3A_591] {strides = array<i32>} : memref<4096xf32, #tpu.memory_space<vmem>>, vector<16xf32>,
      %get3A_593 = vector.shape_cast %get3A_592 : vector<16xf32> to vector<16xf32>
      %max3A_594 = arith.maximumf %scan3A_573, %get3A_593 : vector<16xf32>
      %add3A_595 = arith.constant 32 : i32
      %add3A_596 = arith.addi %mul3A_577, %add3A_595 : i32
      %get3A_597 = arith.constant 0 : i32
      %get3A_598 = tpu.memref_slice %arg5[%scan3A_266, %scan3A_267, %get3A_597] : memref<16x1x4096xf32, #tpu.memory_space<vmem>> -> memref<1x1x4096xf32, #tpu.memory_space<vmem>>
      %get3A_599 = tpu.memref_squeeze %get3A_598 : memref<1x1x4096xf32, #tpu.memory_space<vmem>> -> memref<4096xf32, #tpu.memory_space<vmem>>
      %get3A_600 = arith.index_cast %add3A_596 : i32 to index
      %get3A_601 = tpu.vector_load %get3A_599[%get3A_600] {strides = array<i32>} : memref<4096xf32, #tpu.memory_space<vmem>>, vector<16xf32>,
      %get3A_602 = vector.shape_cast %get3A_601 : vector<16xf32> to vector<16xf32>
      %max3A_603 = arith.maximumf %scan3A_574, %get3A_602 : vector<16xf32>
      %add3A_604 = arith.constant 48 : i32
      %add3A_605 = arith.addi %mul3A_577, %add3A_604 : i32
      %get3A_606 = arith.constant 0 : i32
      %get3A_607 = tpu.memref_slice %arg5[%scan3A_266, %scan3A_267, %get3A_606] : memref<16x1x4096xf32, #tpu.memory_space<vmem>> -> memref<1x1x4096xf32, #tpu.memory_space<vmem>>
      %get3A_608 = tpu.memref_squeeze %get3A_607 : memref<1x1x4096xf32, #tpu.memory_space<vmem>> -> memref<4096xf32, #tpu.memory_space<vmem>>
      %get3A_609 = arith.index_cast %add3A_605 : i32 to index
      %get3A_610 = tpu.vector_load %get3A_608[%get3A_609] {strides = array<i32>} : memref<4096xf32, #tpu.memory_space<vmem>>, vector<16xf32>,
      %get3A_611 = vector.shape_cast %get3A_610 : vector<16xf32> to vector<16xf32>
      %max3A_612 = arith.maximumf %scan3A_575, %get3A_611 : vector<16xf32>
      %add3A_613 = arith.constant 64 : i32
      %add3A_614 = arith.addi %mul3A_577, %add3A_613 : i32
      %get3A_615 = arith.constant 0 : i32
      %get3A_616 = tpu.memref_slice %arg5[%scan3A_266, %scan3A_267, %get3A_615] : memref<16x1x4096xf32, #tpu.memory_space<vmem>> -> memref<1x1x4096xf32, #tpu.memory_space<vmem>>
      %get3A_617 = tpu.memref_squeeze %get3A_616 : memref<1x1x4096xf32, #tpu.memory_space<vmem>> -> memref<4096xf32, #tpu.memory_space<vmem>>
      %get3A_618 = arith.index_cast %add3A_614 : i32 to index
      %get3A_619 = tpu.vector_load %get3A_617[%get3A_618] {strides = array<i32>} : memref<4096xf32, #tpu.memory_space<vmem>>, vector<16xf32>,
      %get3A_620 = vector.shape_cast %get3A_619 : vector<16xf32> to vector<16xf32>
      %max3A_621 = arith.maximumf %max3A_585, %get3A_620 : vector<16xf32>
      %add3A_622 = arith.constant 80 : i32
      %add3A_623 = arith.addi %mul3A_577, %add3A_622 : i32
      %get3A_624 = arith.constant 0 : i32
      %get3A_625 = tpu.memref_slice %arg5[%scan3A_266, %scan3A_267, %get3A_624] : memref<16x1x4096xf32, #tpu.memory_space<vmem>> -> memref<1x1x4096xf32, #tpu.memory_space<vmem>>
      %get3A_626 = tpu.memref_squeeze %get3A_625 : memref<1x1x4096xf32, #tpu.memory_space<vmem>> -> memref<4096xf32, #tpu.memory_space<vmem>>
      %get3A_627 = arith.index_cast %add3A_623 : i32 to index
      %get3A_628 = tpu.vector_load %get3A_626[%get3A_627] {strides = array<i32>} : memref<4096xf32, #tpu.memory_space<vmem>>, vector<16xf32>,
      %get3A_629 = vector.shape_cast %get3A_628 : vector<16xf32> to vector<16xf32>
      %max3A_630 = arith.maximumf %max3A_594, %get3A_629 : vector<16xf32>
      %add3A_631 = arith.constant 96 : i32
      %add3A_632 = arith.addi %mul3A_577, %add3A_631 : i32
      %get3A_633 = arith.constant 0 : i32
      %get3A_634 = tpu.memref_slice %arg5[%scan3A_266, %scan3A_267, %get3A_633] : memref<16x1x4096xf32, #tpu.memory_space<vmem>> -> memref<1x1x4096xf32, #tpu.memory_space<vmem>>
      %get3A_635 = tpu.memref_squeeze %get3A_634 : memref<1x1x4096xf32, #tpu.memory_space<vmem>> -> memref<4096xf32, #tpu.memory_space<vmem>>
      %get3A_636 = arith.index_cast %add3A_632 : i32 to index
      %get3A_637 = tpu.vector_load %get3A_635[%get3A_636] {strides = array<i32>} : memref<4096xf32, #tpu.memory_space<vmem>>, vector<16xf32>,
      %get3A_638 = vector.shape_cast %get3A_637 : vector<16xf32> to vector<16xf32>
      %max3A_639 = arith.maximumf %max3A_603, %get3A_638 : vector<16xf32>
      %add3A_640 = arith.constant 112 : i32
      %add3A_641 = arith.addi %mul3A_577, %add3A_640 : i32
      %get3A_642 = arith.constant 0 : i32
      %get3A_643 = tpu.memref_slice %arg5[%scan3A_266, %scan3A_267, %get3A_642] : memref<16x1x4096xf32, #tpu.memory_space<vmem>> -> memref<1x1x4096xf32, #tpu.memory_space<vmem>>
      %get3A_644 = tpu.memref_squeeze %get3A_643 : memref<1x1x4096xf32, #tpu.memory_space<vmem>> -> memref<4096xf32, #tpu.memory_space<vmem>>
      %get3A_645 = arith.index_cast %add3A_641 : i32 to index
      %get3A_646 = tpu.vector_load %get3A_644[%get3A_645] {strides = array<i32>} : memref<4096xf32, #tpu.memory_space<vmem>>, vector<16xf32>,
      %get3A_647 = vector.shape_cast %get3A_646 : vector<16xf32> to vector<16xf32>
      %max3A_648 = arith.maximumf %max3A_612, %get3A_647 : vector<16xf32>
      scf.yield %max3A_621, %max3A_630, %max3A_639, %max3A_648 : vector<16xf32>, vector<16xf32>, vector<16xf32>, vector<16xf32>
    }
    %scan3A_273 = arith.constant 32 : i32
    %max3A = arith.maximumf %scan3A_272#0, %scan3A_272#2 : vector<16xf32>
    %max3A_274 = arith.maximumf %scan3A_272#1, %scan3A_272#3 : vector<16xf32>
    %max3A_275 = arith.maximumf %max3A, %max3A_274 : vector<16xf32>
    %gt3A = arith.cmpf ogt, %max3A_275, %scan3A_250#0 : vector<16xf32>
    %jit3A = arith.constant 112 : i32
    %broadcast_in_dim3A_276 = vector.broadcast %jit3A : i32 to vector<16xi32>
    %select_n3A = arith.select %gt3A, %broadcast_in_dim3A_276, %scan3A_250#1 : vector<16xi1>, vector<16xi32>
    %max3A_277 = arith.maximumf %scan3A_250#0, %max3A_275 : vector<16xf32>
    %add3A_278 = arith.constant 113 : i32
    %add3A_279 = arith.addi %add3A_4, %add3A_278 : i32
    %dma_wait3A_280 = arith.constant 1 : i32
    %dma_wait3A_281 = arith.constant 0 : i32
    %dma_wait3A_282 = arith.constant 0 : i32
    %dma_wait3A_283 = tpu.memref_slice %arg5[%dma_wait3A_280, %dma_wait3A_281, %dma_wait3A_282] : memref<16x1x4096xf32, #tpu.memory_space<vmem>> -> memref<1x1x4096xf32, #tpu.memory_space<vmem>>
    %dma_wait3A_284 = tpu.memref_squeeze %dma_wait3A_283 : memref<1x1x4096xf32, #tpu.memory_space<vmem>> -> memref<1x4096xf32, #tpu.memory_space<vmem>>
    %dma_wait3A_285 = arith.constant 0 : i32
    %dma_wait3A_286 = tpu.memref_slice %arg2[%add3A_279, %dma_wait3A_285] : memref<8192x4096xf32, #tpu.memory_space<hbm>> -> memref<1x4096xf32, #tpu.memory_space<hbm>>
    %dma_wait3A_287 = arith.constant 0 : i32
    %dma_wait3A_288 = arith.constant 0 : i32
    %dma_wait3A_289 = tpu.memref_slice %arg5[%dma_wait3A_280, %dma_wait3A_287, %dma_wait3A_288] : memref<16x1x4096xf32, #tpu.memory_space<vmem>> -> memref<1x1x4096xf32, #tpu.memory_space<vmem>>
    %dma_wait3A_290 = tpu.memref_squeeze %dma_wait3A_289 : memref<1x1x4096xf32, #tpu.memory_space<vmem>> -> memref<1x4096xf32, #tpu.memory_space<vmem>>
    %dma_wait3A_291 = arith.constant 0 : i32
    %dma_wait3A_292 = tpu.memref_slice %arg2[%add3A_279, %dma_wait3A_291] : memref<8192x4096xf32, #tpu.memory_space<hbm>> -> memref<1x4096xf32, #tpu.memory_space<hbm>>
    tpu.wait_dma2 semaphore(%arg9 : memref<!tpu.dma_semaphore, #tpu.memory_space<semaphore_mem>>) src(%dma_wait3A_292 : memref<1x4096xf32, #tpu.memory_space<hbm>>) dst(%dma_wait3A_290 : memref<1x4096xf32, #tpu.memory_space<vmem>>)
    %scan3A_293 = arith.constant 1 : i32
    %scan3A_294 = arith.constant 0 : i32
    %scan3A_295 = arith.constant 0 : i32
    %scan3A_296 = arith.constant 32 : i32
    %scan3A_297 = arith.addi %scan3A_295, %scan3A_296 : i32
    %scan3A_298 = arith.constant 1 : i32
    %scan3A_299:4 = scf.for %scan3A_571 = %scan3A_295 to %scan3A_297 step %scan3A_298 iter_args(%scan3A_572 = %broadcast_in_dim3A_5, %scan3A_573 = %broadcast_in_dim3A_5, %scan3A_574 = %broadcast_in_dim3A_5, %scan3A_575 = %broadcast_in_dim3A_5) -> (vector<16xf32>, vector<16xf32>, vector<16xf32>, vector<16xf32>)  : i32 {
      %mul3A_576 = arith.constant 128 : i32
      %mul3A_577 = arith.muli %scan3A_571, %mul3A_576 : i32
      %add3A_578 = arith.constant 0 : i32
      %add3A_579 = arith.addi %mul3A_577, %add3A_578 : i32
      %get3A = arith.constant 0 : i32
      %get3A_580 = tpu.memref_slice %arg5[%scan3A_293, %scan3A_294, %get3A] : memref<16x1x4096xf32, #tpu.memory_space<vmem>> -> memref<1x1x4096xf32, #tpu.memory_space<vmem>>
      %get3A_581 = tpu.memref_squeeze %get3A_580 : memref<1x1x4096xf32, #tpu.memory_space<vmem>> -> memref<4096xf32, #tpu.memory_space<vmem>>
      %get3A_582 = arith.index_cast %add3A_579 : i32 to index
      %get3A_583 = tpu.vector_load %get3A_581[%get3A_582] {strides = array<i32>} : memref<4096xf32, #tpu.memory_space<vmem>>, vector<16xf32>,
      %get3A_584 = vector.shape_cast %get3A_583 : vector<16xf32> to vector<16xf32>
      %max3A_585 = arith.maximumf %scan3A_572, %get3A_584 : vector<16xf32>
      %add3A_586 = arith.constant 16 : i32
      %add3A_587 = arith.addi %mul3A_577, %add3A_586 : i32
      %get3A_588 = arith.constant 0 : i32
      %get3A_589 = tpu.memref_slice %arg5[%scan3A_293, %scan3A_294, %get3A_588] : memref<16x1x4096xf32, #tpu.memory_space<vmem>> -> memref<1x1x4096xf32, #tpu.memory_space<vmem>>
      %get3A_590 = tpu.memref_squeeze %get3A_589 : memref<1x1x4096xf32, #tpu.memory_space<vmem>> -> memref<4096xf32, #tpu.memory_space<vmem>>
      %get3A_591 = arith.index_cast %add3A_587 : i32 to index
      %get3A_592 = tpu.vector_load %get3A_590[%get3A_591] {strides = array<i32>} : memref<4096xf32, #tpu.memory_space<vmem>>, vector<16xf32>,
      %get3A_593 = vector.shape_cast %get3A_592 : vector<16xf32> to vector<16xf32>
      %max3A_594 = arith.maximumf %scan3A_573, %get3A_593 : vector<16xf32>
      %add3A_595 = arith.constant 32 : i32
      %add3A_596 = arith.addi %mul3A_577, %add3A_595 : i32
      %get3A_597 = arith.constant 0 : i32
      %get3A_598 = tpu.memref_slice %arg5[%scan3A_293, %scan3A_294, %get3A_597] : memref<16x1x4096xf32, #tpu.memory_space<vmem>> -> memref<1x1x4096xf32, #tpu.memory_space<vmem>>
      %get3A_599 = tpu.memref_squeeze %get3A_598 : memref<1x1x4096xf32, #tpu.memory_space<vmem>> -> memref<4096xf32, #tpu.memory_space<vmem>>
      %get3A_600 = arith.index_cast %add3A_596 : i32 to index
      %get3A_601 = tpu.vector_load %get3A_599[%get3A_600] {strides = array<i32>} : memref<4096xf32, #tpu.memory_space<vmem>>, vector<16xf32>,
      %get3A_602 = vector.shape_cast %get3A_601 : vector<16xf32> to vector<16xf32>
      %max3A_603 = arith.maximumf %scan3A_574, %get3A_602 : vector<16xf32>
      %add3A_604 = arith.constant 48 : i32
      %add3A_605 = arith.addi %mul3A_577, %add3A_604 : i32
      %get3A_606 = arith.constant 0 : i32
      %get3A_607 = tpu.memref_slice %arg5[%scan3A_293, %scan3A_294, %get3A_606] : memref<16x1x4096xf32, #tpu.memory_space<vmem>> -> memref<1x1x4096xf32, #tpu.memory_space<vmem>>
      %get3A_608 = tpu.memref_squeeze %get3A_607 : memref<1x1x4096xf32, #tpu.memory_space<vmem>> -> memref<4096xf32, #tpu.memory_space<vmem>>
      %get3A_609 = arith.index_cast %add3A_605 : i32 to index
      %get3A_610 = tpu.vector_load %get3A_608[%get3A_609] {strides = array<i32>} : memref<4096xf32, #tpu.memory_space<vmem>>, vector<16xf32>,
      %get3A_611 = vector.shape_cast %get3A_610 : vector<16xf32> to vector<16xf32>
      %max3A_612 = arith.maximumf %scan3A_575, %get3A_611 : vector<16xf32>
      %add3A_613 = arith.constant 64 : i32
      %add3A_614 = arith.addi %mul3A_577, %add3A_613 : i32
      %get3A_615 = arith.constant 0 : i32
      %get3A_616 = tpu.memref_slice %arg5[%scan3A_293, %scan3A_294, %get3A_615] : memref<16x1x4096xf32, #tpu.memory_space<vmem>> -> memref<1x1x4096xf32, #tpu.memory_space<vmem>>
      %get3A_617 = tpu.memref_squeeze %get3A_616 : memref<1x1x4096xf32, #tpu.memory_space<vmem>> -> memref<4096xf32, #tpu.memory_space<vmem>>
      %get3A_618 = arith.index_cast %add3A_614 : i32 to index
      %get3A_619 = tpu.vector_load %get3A_617[%get3A_618] {strides = array<i32>} : memref<4096xf32, #tpu.memory_space<vmem>>, vector<16xf32>,
      %get3A_620 = vector.shape_cast %get3A_619 : vector<16xf32> to vector<16xf32>
      %max3A_621 = arith.maximumf %max3A_585, %get3A_620 : vector<16xf32>
      %add3A_622 = arith.constant 80 : i32
      %add3A_623 = arith.addi %mul3A_577, %add3A_622 : i32
      %get3A_624 = arith.constant 0 : i32
      %get3A_625 = tpu.memref_slice %arg5[%scan3A_293, %scan3A_294, %get3A_624] : memref<16x1x4096xf32, #tpu.memory_space<vmem>> -> memref<1x1x4096xf32, #tpu.memory_space<vmem>>
      %get3A_626 = tpu.memref_squeeze %get3A_625 : memref<1x1x4096xf32, #tpu.memory_space<vmem>> -> memref<4096xf32, #tpu.memory_space<vmem>>
      %get3A_627 = arith.index_cast %add3A_623 : i32 to index
      %get3A_628 = tpu.vector_load %get3A_626[%get3A_627] {strides = array<i32>} : memref<4096xf32, #tpu.memory_space<vmem>>, vector<16xf32>,
      %get3A_629 = vector.shape_cast %get3A_628 : vector<16xf32> to vector<16xf32>
      %max3A_630 = arith.maximumf %max3A_594, %get3A_629 : vector<16xf32>
      %add3A_631 = arith.constant 96 : i32
      %add3A_632 = arith.addi %mul3A_577, %add3A_631 : i32
      %get3A_633 = arith.constant 0 : i32
      %get3A_634 = tpu.memref_slice %arg5[%scan3A_293, %scan3A_294, %get3A_633] : memref<16x1x4096xf32, #tpu.memory_space<vmem>> -> memref<1x1x4096xf32, #tpu.memory_space<vmem>>
      %get3A_635 = tpu.memref_squeeze %get3A_634 : memref<1x1x4096xf32, #tpu.memory_space<vmem>> -> memref<4096xf32, #tpu.memory_space<vmem>>
      %get3A_636 = arith.index_cast %add3A_632 : i32 to index
      %get3A_637 = tpu.vector_load %get3A_635[%get3A_636] {strides = array<i32>} : memref<4096xf32, #tpu.memory_space<vmem>>, vector<16xf32>,
      %get3A_638 = vector.shape_cast %get3A_637 : vector<16xf32> to vector<16xf32>
      %max3A_639 = arith.maximumf %max3A_603, %get3A_638 : vector<16xf32>
      %add3A_640 = arith.constant 112 : i32
      %add3A_641 = arith.addi %mul3A_577, %add3A_640 : i32
      %get3A_642 = arith.constant 0 : i32
      %get3A_643 = tpu.memref_slice %arg5[%scan3A_293, %scan3A_294, %get3A_642] : memref<16x1x4096xf32, #tpu.memory_space<vmem>> -> memref<1x1x4096xf32, #tpu.memory_space<vmem>>
      %get3A_644 = tpu.memref_squeeze %get3A_643 : memref<1x1x4096xf32, #tpu.memory_space<vmem>> -> memref<4096xf32, #tpu.memory_space<vmem>>
      %get3A_645 = arith.index_cast %add3A_641 : i32 to index
      %get3A_646 = tpu.vector_load %get3A_644[%get3A_645] {strides = array<i32>} : memref<4096xf32, #tpu.memory_space<vmem>>, vector<16xf32>,
      %get3A_647 = vector.shape_cast %get3A_646 : vector<16xf32> to vector<16xf32>
      %max3A_648 = arith.maximumf %max3A_612, %get3A_647 : vector<16xf32>
      scf.yield %max3A_621, %max3A_630, %max3A_639, %max3A_648 : vector<16xf32>, vector<16xf32>, vector<16xf32>, vector<16xf32>
    }
    %scan3A_300 = arith.constant 32 : i32
    %max3A_301 = arith.maximumf %scan3A_299#0, %scan3A_299#2 : vector<16xf32>
    %max3A_302 = arith.maximumf %scan3A_299#1, %scan3A_299#3 : vector<16xf32>
    %max3A_303 = arith.maximumf %max3A_301, %max3A_302 : vector<16xf32>
    %gt3A_304 = arith.cmpf ogt, %max3A_303, %max3A_277 : vector<16xf32>
    %jit3A_305 = arith.constant 113 : i32
    %broadcast_in_dim3A_306 = vector.broadcast %jit3A_305 : i32 to vector<16xi32>
    %select_n3A_307 = arith.select %gt3A_304, %broadcast_in_dim3A_306, %select_n3A : vector<16xi1>, vector<16xi32>
    %max3A_308 = arith.maximumf %max3A_277, %max3A_303 : vector<16xf32>
    %add3A_309 = arith.constant 114 : i32
    %add3A_310 = arith.addi %add3A_4, %add3A_309 : i32
    %dma_wait3A_311 = arith.constant 2 : i32
    %dma_wait3A_312 = arith.constant 0 : i32
    %dma_wait3A_313 = arith.constant 0 : i32
    %dma_wait3A_314 = tpu.memref_slice %arg5[%dma_wait3A_311, %dma_wait3A_312, %dma_wait3A_313] : memref<16x1x4096xf32, #tpu.memory_space<vmem>> -> memref<1x1x4096xf32, #tpu.memory_space<vmem>>
    %dma_wait3A_315 = tpu.memref_squeeze %dma_wait3A_314 : memref<1x1x4096xf32, #tpu.memory_space<vmem>> -> memref<1x4096xf32, #tpu.memory_space<vmem>>
    %dma_wait3A_316 = arith.constant 0 : i32
    %dma_wait3A_317 = tpu.memref_slice %arg2[%add3A_310, %dma_wait3A_316] : memref<8192x4096xf32, #tpu.memory_space<hbm>> -> memref<1x4096xf32, #tpu.memory_space<hbm>>
    %dma_wait3A_318 = arith.constant 0 : i32
    %dma_wait3A_319 = arith.constant 0 : i32
    %dma_wait3A_320 = tpu.memref_slice %arg5[%dma_wait3A_311, %dma_wait3A_318, %dma_wait3A_319] : memref<16x1x4096xf32, #tpu.memory_space<vmem>> -> memref<1x1x4096xf32, #tpu.memory_space<vmem>>
    %dma_wait3A_321 = tpu.memref_squeeze %dma_wait3A_320 : memref<1x1x4096xf32, #tpu.memory_space<vmem>> -> memref<1x4096xf32, #tpu.memory_space<vmem>>
    %dma_wait3A_322 = arith.constant 0 : i32
    %dma_wait3A_323 = tpu.memref_slice %arg2[%add3A_310, %dma_wait3A_322] : memref<8192x4096xf32, #tpu.memory_space<hbm>> -> memref<1x4096xf32, #tpu.memory_space<hbm>>
    tpu.wait_dma2 semaphore(%arg10 : memref<!tpu.dma_semaphore, #tpu.memory_space<semaphore_mem>>) src(%dma_wait3A_323 : memref<1x4096xf32, #tpu.memory_space<hbm>>) dst(%dma_wait3A_321 : memref<1x4096xf32, #tpu.memory_space<vmem>>)
    %scan3A_324 = arith.constant 2 : i32
    %scan3A_325 = arith.constant 0 : i32
    %scan3A_326 = arith.constant 0 : i32
    %scan3A_327 = arith.constant 32 : i32
    %scan3A_328 = arith.addi %scan3A_326, %scan3A_327 : i32
    %scan3A_329 = arith.constant 1 : i32
    %scan3A_330:4 = scf.for %scan3A_571 = %scan3A_326 to %scan3A_328 step %scan3A_329 iter_args(%scan3A_572 = %broadcast_in_dim3A_5, %scan3A_573 = %broadcast_in_dim3A_5, %scan3A_574 = %broadcast_in_dim3A_5, %scan3A_575 = %broadcast_in_dim3A_5) -> (vector<16xf32>, vector<16xf32>, vector<16xf32>, vector<16xf32>)  : i32 {
      %mul3A_576 = arith.constant 128 : i32
      %mul3A_577 = arith.muli %scan3A_571, %mul3A_576 : i32
      %add3A_578 = arith.constant 0 : i32
      %add3A_579 = arith.addi %mul3A_577, %add3A_578 : i32
      %get3A = arith.constant 0 : i32
      %get3A_580 = tpu.memref_slice %arg5[%scan3A_324, %scan3A_325, %get3A] : memref<16x1x4096xf32, #tpu.memory_space<vmem>> -> memref<1x1x4096xf32, #tpu.memory_space<vmem>>
      %get3A_581 = tpu.memref_squeeze %get3A_580 : memref<1x1x4096xf32, #tpu.memory_space<vmem>> -> memref<4096xf32, #tpu.memory_space<vmem>>
      %get3A_582 = arith.index_cast %add3A_579 : i32 to index
      %get3A_583 = tpu.vector_load %get3A_581[%get3A_582] {strides = array<i32>} : memref<4096xf32, #tpu.memory_space<vmem>>, vector<16xf32>,
      %get3A_584 = vector.shape_cast %get3A_583 : vector<16xf32> to vector<16xf32>
      %max3A_585 = arith.maximumf %scan3A_572, %get3A_584 : vector<16xf32>
      %add3A_586 = arith.constant 16 : i32
      %add3A_587 = arith.addi %mul3A_577, %add3A_586 : i32
      %get3A_588 = arith.constant 0 : i32
      %get3A_589 = tpu.memref_slice %arg5[%scan3A_324, %scan3A_325, %get3A_588] : memref<16x1x4096xf32, #tpu.memory_space<vmem>> -> memref<1x1x4096xf32, #tpu.memory_space<vmem>>
      %get3A_590 = tpu.memref_squeeze %get3A_589 : memref<1x1x4096xf32, #tpu.memory_space<vmem>> -> memref<4096xf32, #tpu.memory_space<vmem>>
      %get3A_591 = arith.index_cast %add3A_587 : i32 to index
      %get3A_592 = tpu.vector_load %get3A_590[%get3A_591] {strides = array<i32>} : memref<4096xf32, #tpu.memory_space<vmem>>, vector<16xf32>,
      %get3A_593 = vector.shape_cast %get3A_592 : vector<16xf32> to vector<16xf32>
      %max3A_594 = arith.maximumf %scan3A_573, %get3A_593 : vector<16xf32>
      %add3A_595 = arith.constant 32 : i32
      %add3A_596 = arith.addi %mul3A_577, %add3A_595 : i32
      %get3A_597 = arith.constant 0 : i32
      %get3A_598 = tpu.memref_slice %arg5[%scan3A_324, %scan3A_325, %get3A_597] : memref<16x1x4096xf32, #tpu.memory_space<vmem>> -> memref<1x1x4096xf32, #tpu.memory_space<vmem>>
      %get3A_599 = tpu.memref_squeeze %get3A_598 : memref<1x1x4096xf32, #tpu.memory_space<vmem>> -> memref<4096xf32, #tpu.memory_space<vmem>>
      %get3A_600 = arith.index_cast %add3A_596 : i32 to index
      %get3A_601 = tpu.vector_load %get3A_599[%get3A_600] {strides = array<i32>} : memref<4096xf32, #tpu.memory_space<vmem>>, vector<16xf32>,
      %get3A_602 = vector.shape_cast %get3A_601 : vector<16xf32> to vector<16xf32>
      %max3A_603 = arith.maximumf %scan3A_574, %get3A_602 : vector<16xf32>
      %add3A_604 = arith.constant 48 : i32
      %add3A_605 = arith.addi %mul3A_577, %add3A_604 : i32
      %get3A_606 = arith.constant 0 : i32
      %get3A_607 = tpu.memref_slice %arg5[%scan3A_324, %scan3A_325, %get3A_606] : memref<16x1x4096xf32, #tpu.memory_space<vmem>> -> memref<1x1x4096xf32, #tpu.memory_space<vmem>>
      %get3A_608 = tpu.memref_squeeze %get3A_607 : memref<1x1x4096xf32, #tpu.memory_space<vmem>> -> memref<4096xf32, #tpu.memory_space<vmem>>
      %get3A_609 = arith.index_cast %add3A_605 : i32 to index
      %get3A_610 = tpu.vector_load %get3A_608[%get3A_609] {strides = array<i32>} : memref<4096xf32, #tpu.memory_space<vmem>>, vector<16xf32>,
      %get3A_611 = vector.shape_cast %get3A_610 : vector<16xf32> to vector<16xf32>
      %max3A_612 = arith.maximumf %scan3A_575, %get3A_611 : vector<16xf32>
      %add3A_613 = arith.constant 64 : i32
      %add3A_614 = arith.addi %mul3A_577, %add3A_613 : i32
      %get3A_615 = arith.constant 0 : i32
      %get3A_616 = tpu.memref_slice %arg5[%scan3A_324, %scan3A_325, %get3A_615] : memref<16x1x4096xf32, #tpu.memory_space<vmem>> -> memref<1x1x4096xf32, #tpu.memory_space<vmem>>
      %get3A_617 = tpu.memref_squeeze %get3A_616 : memref<1x1x4096xf32, #tpu.memory_space<vmem>> -> memref<4096xf32, #tpu.memory_space<vmem>>
      %get3A_618 = arith.index_cast %add3A_614 : i32 to index
      %get3A_619 = tpu.vector_load %get3A_617[%get3A_618] {strides = array<i32>} : memref<4096xf32, #tpu.memory_space<vmem>>, vector<16xf32>,
      %get3A_620 = vector.shape_cast %get3A_619 : vector<16xf32> to vector<16xf32>
      %max3A_621 = arith.maximumf %max3A_585, %get3A_620 : vector<16xf32>
      %add3A_622 = arith.constant 80 : i32
      %add3A_623 = arith.addi %mul3A_577, %add3A_622 : i32
      %get3A_624 = arith.constant 0 : i32
      %get3A_625 = tpu.memref_slice %arg5[%scan3A_324, %scan3A_325, %get3A_624] : memref<16x1x4096xf32, #tpu.memory_space<vmem>> -> memref<1x1x4096xf32, #tpu.memory_space<vmem>>
      %get3A_626 = tpu.memref_squeeze %get3A_625 : memref<1x1x4096xf32, #tpu.memory_space<vmem>> -> memref<4096xf32, #tpu.memory_space<vmem>>
      %get3A_627 = arith.index_cast %add3A_623 : i32 to index
      %get3A_628 = tpu.vector_load %get3A_626[%get3A_627] {strides = array<i32>} : memref<4096xf32, #tpu.memory_space<vmem>>, vector<16xf32>,
      %get3A_629 = vector.shape_cast %get3A_628 : vector<16xf32> to vector<16xf32>
      %max3A_630 = arith.maximumf %max3A_594, %get3A_629 : vector<16xf32>
      %add3A_631 = arith.constant 96 : i32
      %add3A_632 = arith.addi %mul3A_577, %add3A_631 : i32
      %get3A_633 = arith.constant 0 : i32
      %get3A_634 = tpu.memref_slice %arg5[%scan3A_324, %scan3A_325, %get3A_633] : memref<16x1x4096xf32, #tpu.memory_space<vmem>> -> memref<1x1x4096xf32, #tpu.memory_space<vmem>>
      %get3A_635 = tpu.memref_squeeze %get3A_634 : memref<1x1x4096xf32, #tpu.memory_space<vmem>> -> memref<4096xf32, #tpu.memory_space<vmem>>
      %get3A_636 = arith.index_cast %add3A_632 : i32 to index
      %get3A_637 = tpu.vector_load %get3A_635[%get3A_636] {strides = array<i32>} : memref<4096xf32, #tpu.memory_space<vmem>>, vector<16xf32>,
      %get3A_638 = vector.shape_cast %get3A_637 : vector<16xf32> to vector<16xf32>
      %max3A_639 = arith.maximumf %max3A_603, %get3A_638 : vector<16xf32>
      %add3A_640 = arith.constant 112 : i32
      %add3A_641 = arith.addi %mul3A_577, %add3A_640 : i32
      %get3A_642 = arith.constant 0 : i32
      %get3A_643 = tpu.memref_slice %arg5[%scan3A_324, %scan3A_325, %get3A_642] : memref<16x1x4096xf32, #tpu.memory_space<vmem>> -> memref<1x1x4096xf32, #tpu.memory_space<vmem>>
      %get3A_644 = tpu.memref_squeeze %get3A_643 : memref<1x1x4096xf32, #tpu.memory_space<vmem>> -> memref<4096xf32, #tpu.memory_space<vmem>>
      %get3A_645 = arith.index_cast %add3A_641 : i32 to index
      %get3A_646 = tpu.vector_load %get3A_644[%get3A_645] {strides = array<i32>} : memref<4096xf32, #tpu.memory_space<vmem>>, vector<16xf32>,
      %get3A_647 = vector.shape_cast %get3A_646 : vector<16xf32> to vector<16xf32>
      %max3A_648 = arith.maximumf %max3A_612, %get3A_647 : vector<16xf32>
      scf.yield %max3A_621, %max3A_630, %max3A_639, %max3A_648 : vector<16xf32>, vector<16xf32>, vector<16xf32>, vector<16xf32>
    }
    %scan3A_331 = arith.constant 32 : i32
    %max3A_332 = arith.maximumf %scan3A_330#0, %scan3A_330#2 : vector<16xf32>
    %max3A_333 = arith.maximumf %scan3A_330#1, %scan3A_330#3 : vector<16xf32>
    %max3A_334 = arith.maximumf %max3A_332, %max3A_333 : vector<16xf32>
    %gt3A_335 = arith.cmpf ogt, %max3A_334, %max3A_308 : vector<16xf32>
    %jit3A_336 = arith.constant 114 : i32
    %broadcast_in_dim3A_337 = vector.broadcast %jit3A_336 : i32 to vector<16xi32>
    %select_n3A_338 = arith.select %gt3A_335, %broadcast_in_dim3A_337, %select_n3A_307 : vector<16xi1>, vector<16xi32>
    %max3A_339 = arith.maximumf %max3A_308, %max3A_334 : vector<16xf32>
    %add3A_340 = arith.constant 115 : i32
    %add3A_341 = arith.addi %add3A_4, %add3A_340 : i32
    %dma_wait3A_342 = arith.constant 3 : i32
    %dma_wait3A_343 = arith.constant 0 : i32
    %dma_wait3A_344 = arith.constant 0 : i32
    %dma_wait3A_345 = tpu.memref_slice %arg5[%dma_wait3A_342, %dma_wait3A_343, %dma_wait3A_344] : memref<16x1x4096xf32, #tpu.memory_space<vmem>> -> memref<1x1x4096xf32, #tpu.memory_space<vmem>>
    %dma_wait3A_346 = tpu.memref_squeeze %dma_wait3A_345 : memref<1x1x4096xf32, #tpu.memory_space<vmem>> -> memref<1x4096xf32, #tpu.memory_space<vmem>>
    %dma_wait3A_347 = arith.constant 0 : i32
    %dma_wait3A_348 = tpu.memref_slice %arg2[%add3A_341, %dma_wait3A_347] : memref<8192x4096xf32, #tpu.memory_space<hbm>> -> memref<1x4096xf32, #tpu.memory_space<hbm>>
    %dma_wait3A_349 = arith.constant 0 : i32
    %dma_wait3A_350 = arith.constant 0 : i32
    %dma_wait3A_351 = tpu.memref_slice %arg5[%dma_wait3A_342, %dma_wait3A_349, %dma_wait3A_350] : memref<16x1x4096xf32, #tpu.memory_space<vmem>> -> memref<1x1x4096xf32, #tpu.memory_space<vmem>>
    %dma_wait3A_352 = tpu.memref_squeeze %dma_wait3A_351 : memref<1x1x4096xf32, #tpu.memory_space<vmem>> -> memref<1x4096xf32, #tpu.memory_space<vmem>>
    %dma_wait3A_353 = arith.constant 0 : i32
    %dma_wait3A_354 = tpu.memref_slice %arg2[%add3A_341, %dma_wait3A_353] : memref<8192x4096xf32, #tpu.memory_space<hbm>> -> memref<1x4096xf32, #tpu.memory_space<hbm>>
    tpu.wait_dma2 semaphore(%arg11 : memref<!tpu.dma_semaphore, #tpu.memory_space<semaphore_mem>>) src(%dma_wait3A_354 : memref<1x4096xf32, #tpu.memory_space<hbm>>) dst(%dma_wait3A_352 : memref<1x4096xf32, #tpu.memory_space<vmem>>)
    %scan3A_355 = arith.constant 3 : i32
    %scan3A_356 = arith.constant 0 : i32
    %scan3A_357 = arith.constant 0 : i32
    %scan3A_358 = arith.constant 32 : i32
    %scan3A_359 = arith.addi %scan3A_357, %scan3A_358 : i32
    %scan3A_360 = arith.constant 1 : i32
    %scan3A_361:4 = scf.for %scan3A_571 = %scan3A_357 to %scan3A_359 step %scan3A_360 iter_args(%scan3A_572 = %broadcast_in_dim3A_5, %scan3A_573 = %broadcast_in_dim3A_5, %scan3A_574 = %broadcast_in_dim3A_5, %scan3A_575 = %broadcast_in_dim3A_5) -> (vector<16xf32>, vector<16xf32>, vector<16xf32>, vector<16xf32>)  : i32 {
      %mul3A_576 = arith.constant 128 : i32
      %mul3A_577 = arith.muli %scan3A_571, %mul3A_576 : i32
      %add3A_578 = arith.constant 0 : i32
      %add3A_579 = arith.addi %mul3A_577, %add3A_578 : i32
      %get3A = arith.constant 0 : i32
      %get3A_580 = tpu.memref_slice %arg5[%scan3A_355, %scan3A_356, %get3A] : memref<16x1x4096xf32, #tpu.memory_space<vmem>> -> memref<1x1x4096xf32, #tpu.memory_space<vmem>>
      %get3A_581 = tpu.memref_squeeze %get3A_580 : memref<1x1x4096xf32, #tpu.memory_space<vmem>> -> memref<4096xf32, #tpu.memory_space<vmem>>
      %get3A_582 = arith.index_cast %add3A_579 : i32 to index
      %get3A_583 = tpu.vector_load %get3A_581[%get3A_582] {strides = array<i32>} : memref<4096xf32, #tpu.memory_space<vmem>>, vector<16xf32>,
      %get3A_584 = vector.shape_cast %get3A_583 : vector<16xf32> to vector<16xf32>
      %max3A_585 = arith.maximumf %scan3A_572, %get3A_584 : vector<16xf32>
      %add3A_586 = arith.constant 16 : i32
      %add3A_587 = arith.addi %mul3A_577, %add3A_586 : i32
      %get3A_588 = arith.constant 0 : i32
      %get3A_589 = tpu.memref_slice %arg5[%scan3A_355, %scan3A_356, %get3A_588] : memref<16x1x4096xf32, #tpu.memory_space<vmem>> -> memref<1x1x4096xf32, #tpu.memory_space<vmem>>
      %get3A_590 = tpu.memref_squeeze %get3A_589 : memref<1x1x4096xf32, #tpu.memory_space<vmem>> -> memref<4096xf32, #tpu.memory_space<vmem>>
      %get3A_591 = arith.index_cast %add3A_587 : i32 to index
      %get3A_592 = tpu.vector_load %get3A_590[%get3A_591] {strides = array<i32>} : memref<4096xf32, #tpu.memory_space<vmem>>, vector<16xf32>,
      %get3A_593 = vector.shape_cast %get3A_592 : vector<16xf32> to vector<16xf32>
      %max3A_594 = arith.maximumf %scan3A_573, %get3A_593 : vector<16xf32>
      %add3A_595 = arith.constant 32 : i32
      %add3A_596 = arith.addi %mul3A_577, %add3A_595 : i32
      %get3A_597 = arith.constant 0 : i32
      %get3A_598 = tpu.memref_slice %arg5[%scan3A_355, %scan3A_356, %get3A_597] : memref<16x1x4096xf32, #tpu.memory_space<vmem>> -> memref<1x1x4096xf32, #tpu.memory_space<vmem>>
      %get3A_599 = tpu.memref_squeeze %get3A_598 : memref<1x1x4096xf32, #tpu.memory_space<vmem>> -> memref<4096xf32, #tpu.memory_space<vmem>>
      %get3A_600 = arith.index_cast %add3A_596 : i32 to index
      %get3A_601 = tpu.vector_load %get3A_599[%get3A_600] {strides = array<i32>} : memref<4096xf32, #tpu.memory_space<vmem>>, vector<16xf32>,
      %get3A_602 = vector.shape_cast %get3A_601 : vector<16xf32> to vector<16xf32>
      %max3A_603 = arith.maximumf %scan3A_574, %get3A_602 : vector<16xf32>
      %add3A_604 = arith.constant 48 : i32
      %add3A_605 = arith.addi %mul3A_577, %add3A_604 : i32
      %get3A_606 = arith.constant 0 : i32
      %get3A_607 = tpu.memref_slice %arg5[%scan3A_355, %scan3A_356, %get3A_606] : memref<16x1x4096xf32, #tpu.memory_space<vmem>> -> memref<1x1x4096xf32, #tpu.memory_space<vmem>>
      %get3A_608 = tpu.memref_squeeze %get3A_607 : memref<1x1x4096xf32, #tpu.memory_space<vmem>> -> memref<4096xf32, #tpu.memory_space<vmem>>
      %get3A_609 = arith.index_cast %add3A_605 : i32 to index
      %get3A_610 = tpu.vector_load %get3A_608[%get3A_609] {strides = array<i32>} : memref<4096xf32, #tpu.memory_space<vmem>>, vector<16xf32>,
      %get3A_611 = vector.shape_cast %get3A_610 : vector<16xf32> to vector<16xf32>
      %max3A_612 = arith.maximumf %scan3A_575, %get3A_611 : vector<16xf32>
      %add3A_613 = arith.constant 64 : i32
      %add3A_614 = arith.addi %mul3A_577, %add3A_613 : i32
      %get3A_615 = arith.constant 0 : i32
      %get3A_616 = tpu.memref_slice %arg5[%scan3A_355, %scan3A_356, %get3A_615] : memref<16x1x4096xf32, #tpu.memory_space<vmem>> -> memref<1x1x4096xf32, #tpu.memory_space<vmem>>
      %get3A_617 = tpu.memref_squeeze %get3A_616 : memref<1x1x4096xf32, #tpu.memory_space<vmem>> -> memref<4096xf32, #tpu.memory_space<vmem>>
      %get3A_618 = arith.index_cast %add3A_614 : i32 to index
      %get3A_619 = tpu.vector_load %get3A_617[%get3A_618] {strides = array<i32>} : memref<4096xf32, #tpu.memory_space<vmem>>, vector<16xf32>,
      %get3A_620 = vector.shape_cast %get3A_619 : vector<16xf32> to vector<16xf32>
      %max3A_621 = arith.maximumf %max3A_585, %get3A_620 : vector<16xf32>
      %add3A_622 = arith.constant 80 : i32
      %add3A_623 = arith.addi %mul3A_577, %add3A_622 : i32
      %get3A_624 = arith.constant 0 : i32
      %get3A_625 = tpu.memref_slice %arg5[%scan3A_355, %scan3A_356, %get3A_624] : memref<16x1x4096xf32, #tpu.memory_space<vmem>> -> memref<1x1x4096xf32, #tpu.memory_space<vmem>>
      %get3A_626 = tpu.memref_squeeze %get3A_625 : memref<1x1x4096xf32, #tpu.memory_space<vmem>> -> memref<4096xf32, #tpu.memory_space<vmem>>
      %get3A_627 = arith.index_cast %add3A_623 : i32 to index
      %get3A_628 = tpu.vector_load %get3A_626[%get3A_627] {strides = array<i32>} : memref<4096xf32, #tpu.memory_space<vmem>>, vector<16xf32>,
      %get3A_629 = vector.shape_cast %get3A_628 : vector<16xf32> to vector<16xf32>
      %max3A_630 = arith.maximumf %max3A_594, %get3A_629 : vector<16xf32>
      %add3A_631 = arith.constant 96 : i32
      %add3A_632 = arith.addi %mul3A_577, %add3A_631 : i32
      %get3A_633 = arith.constant 0 : i32
      %get3A_634 = tpu.memref_slice %arg5[%scan3A_355, %scan3A_356, %get3A_633] : memref<16x1x4096xf32, #tpu.memory_space<vmem>> -> memref<1x1x4096xf32, #tpu.memory_space<vmem>>
      %get3A_635 = tpu.memref_squeeze %get3A_634 : memref<1x1x4096xf32, #tpu.memory_space<vmem>> -> memref<4096xf32, #tpu.memory_space<vmem>>
      %get3A_636 = arith.index_cast %add3A_632 : i32 to index
      %get3A_637 = tpu.vector_load %get3A_635[%get3A_636] {strides = array<i32>} : memref<4096xf32, #tpu.memory_space<vmem>>, vector<16xf32>,
      %get3A_638 = vector.shape_cast %get3A_637 : vector<16xf32> to vector<16xf32>
      %max3A_639 = arith.maximumf %max3A_603, %get3A_638 : vector<16xf32>
      %add3A_640 = arith.constant 112 : i32
      %add3A_641 = arith.addi %mul3A_577, %add3A_640 : i32
      %get3A_642 = arith.constant 0 : i32
      %get3A_643 = tpu.memref_slice %arg5[%scan3A_355, %scan3A_356, %get3A_642] : memref<16x1x4096xf32, #tpu.memory_space<vmem>> -> memref<1x1x4096xf32, #tpu.memory_space<vmem>>
      %get3A_644 = tpu.memref_squeeze %get3A_643 : memref<1x1x4096xf32, #tpu.memory_space<vmem>> -> memref<4096xf32, #tpu.memory_space<vmem>>
      %get3A_645 = arith.index_cast %add3A_641 : i32 to index
      %get3A_646 = tpu.vector_load %get3A_644[%get3A_645] {strides = array<i32>} : memref<4096xf32, #tpu.memory_space<vmem>>, vector<16xf32>,
      %get3A_647 = vector.shape_cast %get3A_646 : vector<16xf32> to vector<16xf32>
      %max3A_648 = arith.maximumf %max3A_612, %get3A_647 : vector<16xf32>
      scf.yield %max3A_621, %max3A_630, %max3A_639, %max3A_648 : vector<16xf32>, vector<16xf32>, vector<16xf32>, vector<16xf32>
    }
    %scan3A_362 = arith.constant 32 : i32
    %max3A_363 = arith.maximumf %scan3A_361#0, %scan3A_361#2 : vector<16xf32>
    %max3A_364 = arith.maximumf %scan3A_361#1, %scan3A_361#3 : vector<16xf32>
    %max3A_365 = arith.maximumf %max3A_363, %max3A_364 : vector<16xf32>
    %gt3A_366 = arith.cmpf ogt, %max3A_365, %max3A_339 : vector<16xf32>
    %jit3A_367 = arith.constant 115 : i32
    %broadcast_in_dim3A_368 = vector.broadcast %jit3A_367 : i32 to vector<16xi32>
    %select_n3A_369 = arith.select %gt3A_366, %broadcast_in_dim3A_368, %select_n3A_338 : vector<16xi1>, vector<16xi32>
    %max3A_370 = arith.maximumf %max3A_339, %max3A_365 : vector<16xf32>
    %xor3A = arith.constant 8 : i32
    %xor3A_371 = vector.broadcast %xor3A : i32 to vector<16xi32>
    %xor3A_372 = arith.xori %iota3A, %xor3A_371 : vector<16xi32>
    %lt3A = arith.constant 0 : i32
    %lt3A_373 = vector.broadcast %lt3A : i32 to vector<16xi32>
    %lt3A_374 = arith.cmpi slt, %xor3A_372, %lt3A_373 : vector<16xi32>
    %add3A_375 = arith.constant 16 : i32
    %add3A_376 = vector.broadcast %add3A_375 : i32 to vector<16xi32>
    %add3A_377 = arith.addi %xor3A_372, %add3A_376 : vector<16xi32>
    %select_n3A_378 = arith.select %lt3A_374, %add3A_377, %xor3A_372 : vector<16xi1>, vector<16xi32>
    %broadcast_in_dim3A_379 = vector.shape_cast %select_n3A_378 : vector<16xi32> to vector<16x1xi32>
    %gather3A = vector.shape_cast %broadcast_in_dim3A_379 : vector<16x1xi32> to vector<16xi32>
    %gather3A_380 = tpu.dynamic_gather %max3A_370[%gather3A] in [0] : vector<16xf32>, vector<16xi32> -> vector<16xf32>
    %max3A_381 = arith.maximumf %max3A_370, %gather3A_380 : vector<16xf32>
    %xor3A_382 = arith.constant 4 : i32
    %xor3A_383 = vector.broadcast %xor3A_382 : i32 to vector<16xi32>
    %xor3A_384 = arith.xori %iota3A, %xor3A_383 : vector<16xi32>
    %lt3A_385 = arith.constant 0 : i32
    %lt3A_386 = vector.broadcast %lt3A_385 : i32 to vector<16xi32>
    %lt3A_387 = arith.cmpi slt, %xor3A_384, %lt3A_386 : vector<16xi32>
    %add3A_388 = arith.constant 16 : i32
    %add3A_389 = vector.broadcast %add3A_388 : i32 to vector<16xi32>
    %add3A_390 = arith.addi %xor3A_384, %add3A_389 : vector<16xi32>
    %select_n3A_391 = arith.select %lt3A_387, %add3A_390, %xor3A_384 : vector<16xi1>, vector<16xi32>
    %broadcast_in_dim3A_392 = vector.shape_cast %select_n3A_391 : vector<16xi32> to vector<16x1xi32>
    %gather3A_393 = vector.shape_cast %broadcast_in_dim3A_392 : vector<16x1xi32> to vector<16xi32>
    %gather3A_394 = tpu.dynamic_gather %max3A_381[%gather3A_393] in [0] : vector<16xf32>, vector<16xi32> -> vector<16xf32>
    %max3A_395 = arith.maximumf %max3A_381, %gather3A_394 : vector<16xf32>
    %xor3A_396 = arith.constant 2 : i32
    %xor3A_397 = vector.broadcast %xor3A_396 : i32 to vector<16xi32>
    %xor3A_398 = arith.xori %iota3A, %xor3A_397 : vector<16xi32>
    %lt3A_399 = arith.constant 0 : i32
    %lt3A_400 = vector.broadcast %lt3A_399 : i32 to vector<16xi32>
    %lt3A_401 = arith.cmpi slt, %xor3A_398, %lt3A_400 : vector<16xi32>
    %add3A_402 = arith.constant 16 : i32
    %add3A_403 = vector.broadcast %add3A_402 : i32 to vector<16xi32>
    %add3A_404 = arith.addi %xor3A_398, %add3A_403 : vector<16xi32>
    %select_n3A_405 = arith.select %lt3A_401, %add3A_404, %xor3A_398 : vector<16xi1>, vector<16xi32>
    %broadcast_in_dim3A_406 = vector.shape_cast %select_n3A_405 : vector<16xi32> to vector<16x1xi32>
    %gather3A_407 = vector.shape_cast %broadcast_in_dim3A_406 : vector<16x1xi32> to vector<16xi32>
    %gather3A_408 = tpu.dynamic_gather %max3A_395[%gather3A_407] in [0] : vector<16xf32>, vector<16xi32> -> vector<16xf32>
    %max3A_409 = arith.maximumf %max3A_395, %gather3A_408 : vector<16xf32>
    %xor3A_410 = arith.constant 1 : i32
    %xor3A_411 = vector.broadcast %xor3A_410 : i32 to vector<16xi32>
    %xor3A_412 = arith.xori %iota3A, %xor3A_411 : vector<16xi32>
    %lt3A_413 = arith.constant 0 : i32
    %lt3A_414 = vector.broadcast %lt3A_413 : i32 to vector<16xi32>
    %lt3A_415 = arith.cmpi slt, %xor3A_412, %lt3A_414 : vector<16xi32>
    %add3A_416 = arith.constant 16 : i32
    %add3A_417 = vector.broadcast %add3A_416 : i32 to vector<16xi32>
    %add3A_418 = arith.addi %xor3A_412, %add3A_417 : vector<16xi32>
    %select_n3A_419 = arith.select %lt3A_415, %add3A_418, %xor3A_412 : vector<16xi1>, vector<16xi32>
    %broadcast_in_dim3A_420 = vector.shape_cast %select_n3A_419 : vector<16xi32> to vector<16x1xi32>
    %gather3A_421 = vector.shape_cast %broadcast_in_dim3A_420 : vector<16x1xi32> to vector<16xi32>
    %gather3A_422 = tpu.dynamic_gather %max3A_409[%gather3A_421] in [0] : vector<16xf32>, vector<16xi32> -> vector<16xf32>
    %max3A_423 = arith.maximumf %max3A_409, %gather3A_422 : vector<16xf32>
    %slice3A = vector.extract_strided_slice %max3A_423 {offsets = [0], sizes = [1], strides = [1]} : vector<16xf32> to vector<1xf32>
    %squeeze3A = vector.extract %slice3A[0] : f32 from vector<1xf32>
    %broadcast_in_dim3A_424 = vector.broadcast %squeeze3A : f32 to vector<16xf32>
    %eq3A = arith.cmpf oeq, %max3A_370, %broadcast_in_dim3A_424 : vector<16xf32>
    %jit3A_425 = arith.constant 2147483647 : i32
    %broadcast_in_dim3A_426 = vector.broadcast %jit3A_425 : i32 to vector<16xi32>
    %select_n3A_427 = arith.select %eq3A, %select_n3A_369, %broadcast_in_dim3A_426 : vector<16xi1>, vector<16xi32>
    %xor3A_428 = arith.constant 8 : i32
    %xor3A_429 = vector.broadcast %xor3A_428 : i32 to vector<16xi32>
    %xor3A_430 = arith.xori %iota3A, %xor3A_429 : vector<16xi32>
    %lt3A_431 = arith.constant 0 : i32
    %lt3A_432 = vector.broadcast %lt3A_431 : i32 to vector<16xi32>
    %lt3A_433 = arith.cmpi slt, %xor3A_430, %lt3A_432 : vector<16xi32>
    %add3A_434 = arith.constant 16 : i32
    %add3A_435 = vector.broadcast %add3A_434 : i32 to vector<16xi32>
    %add3A_436 = arith.addi %xor3A_430, %add3A_435 : vector<16xi32>
    %select_n3A_437 = arith.select %lt3A_433, %add3A_436, %xor3A_430 : vector<16xi1>, vector<16xi32>
    %broadcast_in_dim3A_438 = vector.shape_cast %select_n3A_437 : vector<16xi32> to vector<16x1xi32>
    %gather3A_439 = vector.shape_cast %broadcast_in_dim3A_438 : vector<16x1xi32> to vector<16xi32>
    %gather3A_440 = tpu.dynamic_gather %select_n3A_427[%gather3A_439] in [0] : vector<16xi32>, vector<16xi32> -> vector<16xi32>
    %min3A = arith.minsi %select_n3A_427, %gather3A_440 : vector<16xi32>
    %xor3A_441 = arith.constant 4 : i32
    %xor3A_442 = vector.broadcast %xor3A_441 : i32 to vector<16xi32>
    %xor3A_443 = arith.xori %iota3A, %xor3A_442 : vector<16xi32>
    %lt3A_444 = arith.constant 0 : i32
    %lt3A_445 = vector.broadcast %lt3A_444 : i32 to vector<16xi32>
    %lt3A_446 = arith.cmpi slt, %xor3A_443, %lt3A_445 : vector<16xi32>
    %add3A_447 = arith.constant 16 : i32
    %add3A_448 = vector.broadcast %add3A_447 : i32 to vector<16xi32>
    %add3A_449 = arith.addi %xor3A_443, %add3A_448 : vector<16xi32>
    %select_n3A_450 = arith.select %lt3A_446, %add3A_449, %xor3A_443 : vector<16xi1>, vector<16xi32>
    %broadcast_in_dim3A_451 = vector.shape_cast %select_n3A_450 : vector<16xi32> to vector<16x1xi32>
    %gather3A_452 = vector.shape_cast %broadcast_in_dim3A_451 : vector<16x1xi32> to vector<16xi32>
    %gather3A_453 = tpu.dynamic_gather %min3A[%gather3A_452] in [0] : vector<16xi32>, vector<16xi32> -> vector<16xi32>
    %min3A_454 = arith.minsi %min3A, %gather3A_453 : vector<16xi32>
    %xor3A_455 = arith.constant 2 : i32
    %xor3A_456 = vector.broadcast %xor3A_455 : i32 to vector<16xi32>
    %xor3A_457 = arith.xori %iota3A, %xor3A_456 : vector<16xi32>
    %lt3A_458 = arith.constant 0 : i32
    %lt3A_459 = vector.broadcast %lt3A_458 : i32 to vector<16xi32>
    %lt3A_460 = arith.cmpi slt, %xor3A_457, %lt3A_459 : vector<16xi32>
    %add3A_461 = arith.constant 16 : i32
    %add3A_462 = vector.broadcast %add3A_461 : i32 to vector<16xi32>
    %add3A_463 = arith.addi %xor3A_457, %add3A_462 : vector<16xi32>
    %select_n3A_464 = arith.select %lt3A_460, %add3A_463, %xor3A_457 : vector<16xi1>, vector<16xi32>
    %broadcast_in_dim3A_465 = vector.shape_cast %select_n3A_464 : vector<16xi32> to vector<16x1xi32>
    %gather3A_466 = vector.shape_cast %broadcast_in_dim3A_465 : vector<16x1xi32> to vector<16xi32>
    %gather3A_467 = tpu.dynamic_gather %min3A_454[%gather3A_466] in [0] : vector<16xi32>, vector<16xi32> -> vector<16xi32>
    %min3A_468 = arith.minsi %min3A_454, %gather3A_467 : vector<16xi32>
    %xor3A_469 = arith.constant 1 : i32
    %xor3A_470 = vector.broadcast %xor3A_469 : i32 to vector<16xi32>
    %xor3A_471 = arith.xori %iota3A, %xor3A_470 : vector<16xi32>
    %lt3A_472 = arith.constant 0 : i32
    %lt3A_473 = vector.broadcast %lt3A_472 : i32 to vector<16xi32>
    %lt3A_474 = arith.cmpi slt, %xor3A_471, %lt3A_473 : vector<16xi32>
    %add3A_475 = arith.constant 16 : i32
    %add3A_476 = vector.broadcast %add3A_475 : i32 to vector<16xi32>
    %add3A_477 = arith.addi %xor3A_471, %add3A_476 : vector<16xi32>
    %select_n3A_478 = arith.select %lt3A_474, %add3A_477, %xor3A_471 : vector<16xi1>, vector<16xi32>
    %broadcast_in_dim3A_479 = vector.shape_cast %select_n3A_478 : vector<16xi32> to vector<16x1xi32>
    %gather3A_480 = vector.shape_cast %broadcast_in_dim3A_479 : vector<16x1xi32> to vector<16xi32>
    %gather3A_481 = tpu.dynamic_gather %min3A_468[%gather3A_480] in [0] : vector<16xi32>, vector<16xi32> -> vector<16xi32>
    %min3A_482 = arith.minsi %min3A_468, %gather3A_481 : vector<16xi32>
    %slice3A_483 = vector.extract_strided_slice %min3A_482 {offsets = [0], sizes = [1], strides = [1]} : vector<16xi32> to vector<1xi32>
    %squeeze3A_484 = vector.extract %slice3A_483[0] : i32 from vector<1xi32>
    %mul3A_485 = arith.constant 1 : i32
    %mul3A_486 = arith.muli %squeeze3A_484, %mul3A_485 : i32
    %add3A_487 = arith.addi %add3A_4, %mul3A_486 : i32
    %run_scoped3A = arith.constant 0 : i32
    "tpu.region"() ({
      %run_scoped3A_571 = tpu.sem_alloc : memref<!tpu.dma_semaphore, #tpu.memory_space<semaphore_mem>>
      %dma_start3A_572 = arith.constant 0 : i32
      %dma_start3A_573 = arith.constant 0 : i32
      %dma_start3A_574 = tpu.memref_slice %arg5[%run_scoped3A, %dma_start3A_572, %dma_start3A_573] : memref<16x1x4096xf32, #tpu.memory_space<vmem>> -> memref<1x1x4096xf32, #tpu.memory_space<vmem>>
      %dma_start3A_575 = tpu.memref_squeeze %dma_start3A_574 : memref<1x1x4096xf32, #tpu.memory_space<vmem>> -> memref<1x4096xf32, #tpu.memory_space<vmem>>
      %dma_start3A_576 = arith.constant 0 : i32
      %dma_start3A_577 = tpu.memref_slice %arg2[%add3A_487, %dma_start3A_576] : memref<8192x4096xf32, #tpu.memory_space<hbm>> -> memref<1x4096xf32, #tpu.memory_space<hbm>>
      %dma_start3A_578 = arith.constant 0 : i32
      %dma_start3A_579 = arith.constant 0 : i32
      %dma_start3A_580 = tpu.memref_slice %arg5[%run_scoped3A, %dma_start3A_578, %dma_start3A_579] : memref<16x1x4096xf32, #tpu.memory_space<vmem>> -> memref<1x1x4096xf32, #tpu.memory_space<vmem>>
      %dma_start3A_581 = tpu.memref_squeeze %dma_start3A_580 : memref<1x1x4096xf32, #tpu.memory_space<vmem>> -> memref<1x4096xf32, #tpu.memory_space<vmem>>
      %dma_start3A_582 = arith.constant 0 : i32
      %dma_start3A_583 = tpu.memref_slice %arg2[%add3A_487, %dma_start3A_582] : memref<8192x4096xf32, #tpu.memory_space<hbm>> -> memref<1x4096xf32, #tpu.memory_space<hbm>>
      tpu.enqueue_dma source(%dma_start3A_583 : memref<1x4096xf32, #tpu.memory_space<hbm>>) target(%dma_start3A_581 : memref<1x4096xf32, #tpu.memory_space<vmem>>) target_semaphore(%run_scoped3A_571 : memref<!tpu.dma_semaphore, #tpu.memory_space<semaphore_mem>>)
      %dma_wait3A_584 = arith.constant 0 : i32
      %dma_wait3A_585 = arith.constant 0 : i32
      %dma_wait3A_586 = tpu.memref_slice %arg5[%run_scoped3A, %dma_wait3A_584, %dma_wait3A_585] : memref<16x1x4096xf32, #tpu.memory_space<vmem>> -> memref<1x1x4096xf32, #tpu.memory_space<vmem>>
      %dma_wait3A_587 = tpu.memref_squeeze %dma_wait3A_586 : memref<1x1x4096xf32, #tpu.memory_space<vmem>> -> memref<1x4096xf32, #tpu.memory_space<vmem>>
      %dma_wait3A_588 = arith.constant 0 : i32
      %dma_wait3A_589 = tpu.memref_slice %arg2[%add3A_487, %dma_wait3A_588] : memref<8192x4096xf32, #tpu.memory_space<hbm>> -> memref<1x4096xf32, #tpu.memory_space<hbm>>
      %dma_wait3A_590 = arith.constant 0 : i32
      %dma_wait3A_591 = arith.constant 0 : i32
      %dma_wait3A_592 = tpu.memref_slice %arg5[%run_scoped3A, %dma_wait3A_590, %dma_wait3A_591] : memref<16x1x4096xf32, #tpu.memory_space<vmem>> -> memref<1x1x4096xf32, #tpu.memory_space<vmem>>
      %dma_wait3A_593 = tpu.memref_squeeze %dma_wait3A_592 : memref<1x1x4096xf32, #tpu.memory_space<vmem>> -> memref<1x4096xf32, #tpu.memory_space<vmem>>
      %dma_wait3A_594 = arith.constant 0 : i32
      %dma_wait3A_595 = tpu.memref_slice %arg2[%add3A_487, %dma_wait3A_594] : memref<8192x4096xf32, #tpu.memory_space<hbm>> -> memref<1x4096xf32, #tpu.memory_space<hbm>>
      tpu.wait_dma2 semaphore(%run_scoped3A_571 : memref<!tpu.dma_semaphore, #tpu.memory_space<semaphore_mem>>) src(%dma_wait3A_595 : memref<1x4096xf32, #tpu.memory_space<hbm>>) dst(%dma_wait3A_593 : memref<1x4096xf32, #tpu.memory_space<vmem>>)
      tpu.yield
    }) : () -> ()
    %broadcast_in_dim3A_488 = vector.broadcast %squeeze3A : f32 to vector<16xf32>
    %broadcast_in_dim3A_489 = arith.constant 2147483647 : i32
    %broadcast_in_dim3A_490 = vector.broadcast %broadcast_in_dim3A_489 : i32 to vector<16xi32>
    %add3A_491 = arith.constant 0 : i32
    %add3A_492 = arith.addi %add3A_487, %add3A_491 : i32
    %mul3A_493 = arith.constant 4096 : i32
    %mul3A_494 = arith.muli %add3A_492, %mul3A_493 : i32
    %scan3A_495 = arith.constant 0 : i32
    %scan3A_496 = arith.constant 0 : i32
    %scan3A_497 = arith.constant 0 : i32
    %scan3A_498 = arith.constant 32 : i32
    %scan3A_499 = arith.addi %scan3A_497, %scan3A_498 : i32
    %scan3A_500 = arith.constant 1 : i32
    %scan3A_501:2 = scf.for %scan3A_571 = %scan3A_497 to %scan3A_499 step %scan3A_500 iter_args(%scan3A_572 = %broadcast_in_dim3A_490, %scan3A_573 = %broadcast_in_dim3A_490) -> (vector<16xi32>, vector<16xi32>)  : i32 {
      %mul3A_574 = arith.constant 128 : i32
      %mul3A_575 = arith.muli %scan3A_571, %mul3A_574 : i32
      %add3A_576 = arith.constant 0 : i32
      %add3A_577 = arith.addi %mul3A_575, %add3A_576 : i32
      %get3A = arith.constant 0 : i32
      %get3A_578 = tpu.memref_slice %arg5[%scan3A_495, %scan3A_496, %get3A] : memref<16x1x4096xf32, #tpu.memory_space<vmem>> -> memref<1x1x4096xf32, #tpu.memory_space<vmem>>
      %get3A_579 = tpu.memref_squeeze %get3A_578 : memref<1x1x4096xf32, #tpu.memory_space<vmem>> -> memref<4096xf32, #tpu.memory_space<vmem>>
      %get3A_580 = arith.index_cast %add3A_577 : i32 to index
      %get3A_581 = tpu.vector_load %get3A_579[%get3A_580] {strides = array<i32>} : memref<4096xf32, #tpu.memory_space<vmem>>, vector<16xf32>,
      %get3A_582 = vector.shape_cast %get3A_581 : vector<16xf32> to vector<16xf32>
      %add3A_583 = arith.addi %mul3A_494, %mul3A_575 : i32
      %add3A_584 = arith.constant 0 : i32
      %add3A_585 = arith.addi %add3A_583, %add3A_584 : i32
      %add3A_586 = vector.broadcast %add3A_585 : i32 to vector<16xi32>
      %add3A_587 = arith.addi %iota3A, %add3A_586 : vector<16xi32>
      %eq3A_588 = arith.cmpf oeq, %get3A_582, %broadcast_in_dim3A_488 : vector<16xf32>
      %jit3A_589 = arith.constant 2147483647 : i32
      %broadcast_in_dim3A_590 = vector.broadcast %jit3A_589 : i32 to vector<16xi32>
      %select_n3A_591 = arith.select %eq3A_588, %add3A_587, %broadcast_in_dim3A_590 : vector<16xi1>, vector<16xi32>
      %min3A_592 = arith.minsi %scan3A_572, %select_n3A_591 : vector<16xi32>
      %add3A_593 = arith.constant 16 : i32
      %add3A_594 = arith.addi %mul3A_575, %add3A_593 : i32
      %get3A_595 = arith.constant 0 : i32
      %get3A_596 = tpu.memref_slice %arg5[%scan3A_495, %scan3A_496, %get3A_595] : memref<16x1x4096xf32, #tpu.memory_space<vmem>> -> memref<1x1x4096xf32, #tpu.memory_space<vmem>>
      %get3A_597 = tpu.memref_squeeze %get3A_596 : memref<1x1x4096xf32, #tpu.memory_space<vmem>> -> memref<4096xf32, #tpu.memory_space<vmem>>
      %get3A_598 = arith.index_cast %add3A_594 : i32 to index
      %get3A_599 = tpu.vector_load %get3A_597[%get3A_598] {strides = array<i32>} : memref<4096xf32, #tpu.memory_space<vmem>>, vector<16xf32>,
      %get3A_600 = vector.shape_cast %get3A_599 : vector<16xf32> to vector<16xf32>
      %add3A_601 = arith.addi %mul3A_494, %mul3A_575 : i32
      %add3A_602 = arith.constant 16 : i32
      %add3A_603 = arith.addi %add3A_601, %add3A_602 : i32
      %add3A_604 = vector.broadcast %add3A_603 : i32 to vector<16xi32>
      %add3A_605 = arith.addi %iota3A, %add3A_604 : vector<16xi32>
      %eq3A_606 = arith.cmpf oeq, %get3A_600, %broadcast_in_dim3A_488 : vector<16xf32>
      %jit3A_607 = arith.constant 2147483647 : i32
      %broadcast_in_dim3A_608 = vector.broadcast %jit3A_607 : i32 to vector<16xi32>
      %select_n3A_609 = arith.select %eq3A_606, %add3A_605, %broadcast_in_dim3A_608 : vector<16xi1>, vector<16xi32>
      %min3A_610 = arith.minsi %scan3A_573, %select_n3A_609 : vector<16xi32>
      %add3A_611 = arith.constant 32 : i32
      %add3A_612 = arith.addi %mul3A_575, %add3A_611 : i32
      %get3A_613 = arith.constant 0 : i32
      %get3A_614 = tpu.memref_slice %arg5[%scan3A_495, %scan3A_496, %get3A_613] : memref<16x1x4096xf32, #tpu.memory_space<vmem>> -> memref<1x1x4096xf32, #tpu.memory_space<vmem>>
      %get3A_615 = tpu.memref_squeeze %get3A_614 : memref<1x1x4096xf32, #tpu.memory_space<vmem>> -> memref<4096xf32, #tpu.memory_space<vmem>>
      %get3A_616 = arith.index_cast %add3A_612 : i32 to index
      %get3A_617 = tpu.vector_load %get3A_615[%get3A_616] {strides = array<i32>} : memref<4096xf32, #tpu.memory_space<vmem>>, vector<16xf32>,
      %get3A_618 = vector.shape_cast %get3A_617 : vector<16xf32> to vector<16xf32>
      %add3A_619 = arith.addi %mul3A_494, %mul3A_575 : i32
      %add3A_620 = arith.constant 32 : i32
      %add3A_621 = arith.addi %add3A_619, %add3A_620 : i32
      %add3A_622 = vector.broadcast %add3A_621 : i32 to vector<16xi32>
      %add3A_623 = arith.addi %iota3A, %add3A_622 : vector<16xi32>
      %eq3A_624 = arith.cmpf oeq, %get3A_618, %broadcast_in_dim3A_488 : vector<16xf32>
      %jit3A_625 = arith.constant 2147483647 : i32
      %broadcast_in_dim3A_626 = vector.broadcast %jit3A_625 : i32 to vector<16xi32>
      %select_n3A_627 = arith.select %eq3A_624, %add3A_623, %broadcast_in_dim3A_626 : vector<16xi1>, vector<16xi32>
      %min3A_628 = arith.minsi %min3A_592, %select_n3A_627 : vector<16xi32>
      %add3A_629 = arith.constant 48 : i32
      %add3A_630 = arith.addi %mul3A_575, %add3A_629 : i32
      %get3A_631 = arith.constant 0 : i32
      %get3A_632 = tpu.memref_slice %arg5[%scan3A_495, %scan3A_496, %get3A_631] : memref<16x1x4096xf32, #tpu.memory_space<vmem>> -> memref<1x1x4096xf32, #tpu.memory_space<vmem>>
      %get3A_633 = tpu.memref_squeeze %get3A_632 : memref<1x1x4096xf32, #tpu.memory_space<vmem>> -> memref<4096xf32, #tpu.memory_space<vmem>>
      %get3A_634 = arith.index_cast %add3A_630 : i32 to index
      %get3A_635 = tpu.vector_load %get3A_633[%get3A_634] {strides = array<i32>} : memref<4096xf32, #tpu.memory_space<vmem>>, vector<16xf32>,
      %get3A_636 = vector.shape_cast %get3A_635 : vector<16xf32> to vector<16xf32>
      %add3A_637 = arith.addi %mul3A_494, %mul3A_575 : i32
      %add3A_638 = arith.constant 48 : i32
      %add3A_639 = arith.addi %add3A_637, %add3A_638 : i32
      %add3A_640 = vector.broadcast %add3A_639 : i32 to vector<16xi32>
      %add3A_641 = arith.addi %iota3A, %add3A_640 : vector<16xi32>
      %eq3A_642 = arith.cmpf oeq, %get3A_636, %broadcast_in_dim3A_488 : vector<16xf32>
      %jit3A_643 = arith.constant 2147483647 : i32
      %broadcast_in_dim3A_644 = vector.broadcast %jit3A_643 : i32 to vector<16xi32>
      %select_n3A_645 = arith.select %eq3A_642, %add3A_641, %broadcast_in_dim3A_644 : vector<16xi1>, vector<16xi32>
      %min3A_646 = arith.minsi %min3A_610, %select_n3A_645 : vector<16xi32>
      %add3A_647 = arith.constant 64 : i32
      %add3A_648 = arith.addi %mul3A_575, %add3A_647 : i32
      %get3A_649 = arith.constant 0 : i32
      %get3A_650 = tpu.memref_slice %arg5[%scan3A_495, %scan3A_496, %get3A_649] : memref<16x1x4096xf32, #tpu.memory_space<vmem>> -> memref<1x1x4096xf32, #tpu.memory_space<vmem>>
      %get3A_651 = tpu.memref_squeeze %get3A_650 : memref<1x1x4096xf32, #tpu.memory_space<vmem>> -> memref<4096xf32, #tpu.memory_space<vmem>>
      %get3A_652 = arith.index_cast %add3A_648 : i32 to index
      %get3A_653 = tpu.vector_load %get3A_651[%get3A_652] {strides = array<i32>} : memref<4096xf32, #tpu.memory_space<vmem>>, vector<16xf32>,
      %get3A_654 = vector.shape_cast %get3A_653 : vector<16xf32> to vector<16xf32>
      %add3A_655 = arith.addi %mul3A_494, %mul3A_575 : i32
      %add3A_656 = arith.constant 64 : i32
      %add3A_657 = arith.addi %add3A_655, %add3A_656 : i32
      %add3A_658 = vector.broadcast %add3A_657 : i32 to vector<16xi32>
      %add3A_659 = arith.addi %iota3A, %add3A_658 : vector<16xi32>
      %eq3A_660 = arith.cmpf oeq, %get3A_654, %broadcast_in_dim3A_488 : vector<16xf32>
      %jit3A_661 = arith.constant 2147483647 : i32
      %broadcast_in_dim3A_662 = vector.broadcast %jit3A_661 : i32 to vector<16xi32>
      %select_n3A_663 = arith.select %eq3A_660, %add3A_659, %broadcast_in_dim3A_662 : vector<16xi1>, vector<16xi32>
      %min3A_664 = arith.minsi %min3A_628, %select_n3A_663 : vector<16xi32>
      %add3A_665 = arith.constant 80 : i32
      %add3A_666 = arith.addi %mul3A_575, %add3A_665 : i32
      %get3A_667 = arith.constant 0 : i32
      %get3A_668 = tpu.memref_slice %arg5[%scan3A_495, %scan3A_496, %get3A_667] : memref<16x1x4096xf32, #tpu.memory_space<vmem>> -> memref<1x1x4096xf32, #tpu.memory_space<vmem>>
      %get3A_669 = tpu.memref_squeeze %get3A_668 : memref<1x1x4096xf32, #tpu.memory_space<vmem>> -> memref<4096xf32, #tpu.memory_space<vmem>>
      %get3A_670 = arith.index_cast %add3A_666 : i32 to index
      %get3A_671 = tpu.vector_load %get3A_669[%get3A_670] {strides = array<i32>} : memref<4096xf32, #tpu.memory_space<vmem>>, vector<16xf32>,
      %get3A_672 = vector.shape_cast %get3A_671 : vector<16xf32> to vector<16xf32>
      %add3A_673 = arith.addi %mul3A_494, %mul3A_575 : i32
      %add3A_674 = arith.constant 80 : i32
      %add3A_675 = arith.addi %add3A_673, %add3A_674 : i32
      %add3A_676 = vector.broadcast %add3A_675 : i32 to vector<16xi32>
      %add3A_677 = arith.addi %iota3A, %add3A_676 : vector<16xi32>
      %eq3A_678 = arith.cmpf oeq, %get3A_672, %broadcast_in_dim3A_488 : vector<16xf32>
      %jit3A_679 = arith.constant 2147483647 : i32
      %broadcast_in_dim3A_680 = vector.broadcast %jit3A_679 : i32 to vector<16xi32>
      %select_n3A_681 = arith.select %eq3A_678, %add3A_677, %broadcast_in_dim3A_680 : vector<16xi1>, vector<16xi32>
      %min3A_682 = arith.minsi %min3A_646, %select_n3A_681 : vector<16xi32>
      %add3A_683 = arith.constant 96 : i32
      %add3A_684 = arith.addi %mul3A_575, %add3A_683 : i32
      %get3A_685 = arith.constant 0 : i32
      %get3A_686 = tpu.memref_slice %arg5[%scan3A_495, %scan3A_496, %get3A_685] : memref<16x1x4096xf32, #tpu.memory_space<vmem>> -> memref<1x1x4096xf32, #tpu.memory_space<vmem>>
      %get3A_687 = tpu.memref_squeeze %get3A_686 : memref<1x1x4096xf32, #tpu.memory_space<vmem>> -> memref<4096xf32, #tpu.memory_space<vmem>>
      %get3A_688 = arith.index_cast %add3A_684 : i32 to index
      %get3A_689 = tpu.vector_load %get3A_687[%get3A_688] {strides = array<i32>} : memref<4096xf32, #tpu.memory_space<vmem>>, vector<16xf32>,
      %get3A_690 = vector.shape_cast %get3A_689 : vector<16xf32> to vector<16xf32>
      %add3A_691 = arith.addi %mul3A_494, %mul3A_575 : i32
      %add3A_692 = arith.constant 96 : i32
      %add3A_693 = arith.addi %add3A_691, %add3A_692 : i32
      %add3A_694 = vector.broadcast %add3A_693 : i32 to vector<16xi32>
      %add3A_695 = arith.addi %iota3A, %add3A_694 : vector<16xi32>
      %eq3A_696 = arith.cmpf oeq, %get3A_690, %broadcast_in_dim3A_488 : vector<16xf32>
      %jit3A_697 = arith.constant 2147483647 : i32
      %broadcast_in_dim3A_698 = vector.broadcast %jit3A_697 : i32 to vector<16xi32>
      %select_n3A_699 = arith.select %eq3A_696, %add3A_695, %broadcast_in_dim3A_698 : vector<16xi1>, vector<16xi32>
      %min3A_700 = arith.minsi %min3A_664, %select_n3A_699 : vector<16xi32>
      %add3A_701 = arith.constant 112 : i32
      %add3A_702 = arith.addi %mul3A_575, %add3A_701 : i32
      %get3A_703 = arith.constant 0 : i32
      %get3A_704 = tpu.memref_slice %arg5[%scan3A_495, %scan3A_496, %get3A_703] : memref<16x1x4096xf32, #tpu.memory_space<vmem>> -> memref<1x1x4096xf32, #tpu.memory_space<vmem>>
      %get3A_705 = tpu.memref_squeeze %get3A_704 : memref<1x1x4096xf32, #tpu.memory_space<vmem>> -> memref<4096xf32, #tpu.memory_space<vmem>>
      %get3A_706 = arith.index_cast %add3A_702 : i32 to index
      %get3A_707 = tpu.vector_load %get3A_705[%get3A_706] {strides = array<i32>} : memref<4096xf32, #tpu.memory_space<vmem>>, vector<16xf32>,
      %get3A_708 = vector.shape_cast %get3A_707 : vector<16xf32> to vector<16xf32>
      %add3A_709 = arith.addi %mul3A_494, %mul3A_575 : i32
      %add3A_710 = arith.constant 112 : i32
      %add3A_711 = arith.addi %add3A_709, %add3A_710 : i32
      %add3A_712 = vector.broadcast %add3A_711 : i32 to vector<16xi32>
      %add3A_713 = arith.addi %iota3A, %add3A_712 : vector<16xi32>
      %eq3A_714 = arith.cmpf oeq, %get3A_708, %broadcast_in_dim3A_488 : vector<16xf32>
      %jit3A_715 = arith.constant 2147483647 : i32
      %broadcast_in_dim3A_716 = vector.broadcast %jit3A_715 : i32 to vector<16xi32>
      %select_n3A_717 = arith.select %eq3A_714, %add3A_713, %broadcast_in_dim3A_716 : vector<16xi1>, vector<16xi32>
      %min3A_718 = arith.minsi %min3A_682, %select_n3A_717 : vector<16xi32>
      scf.yield %min3A_700, %min3A_718 : vector<16xi32>, vector<16xi32>
    }
    %scan3A_502 = arith.constant 32 : i32
    %min3A_503 = arith.minsi %scan3A_501#0, %scan3A_501#1 : vector<16xi32>
    %xor3A_504 = arith.constant 8 : i32
    %xor3A_505 = vector.broadcast %xor3A_504 : i32 to vector<16xi32>
    %xor3A_506 = arith.xori %iota3A, %xor3A_505 : vector<16xi32>
    %lt3A_507 = arith.constant 0 : i32
    %lt3A_508 = vector.broadcast %lt3A_507 : i32 to vector<16xi32>
    %lt3A_509 = arith.cmpi slt, %xor3A_506, %lt3A_508 : vector<16xi32>
    %add3A_510 = arith.constant 16 : i32
    %add3A_511 = vector.broadcast %add3A_510 : i32 to vector<16xi32>
    %add3A_512 = arith.addi %xor3A_506, %add3A_511 : vector<16xi32>
    %select_n3A_513 = arith.select %lt3A_509, %add3A_512, %xor3A_506 : vector<16xi1>, vector<16xi32>
    %broadcast_in_dim3A_514 = vector.shape_cast %select_n3A_513 : vector<16xi32> to vector<16x1xi32>
    %gather3A_515 = vector.shape_cast %broadcast_in_dim3A_514 : vector<16x1xi32> to vector<16xi32>
    %gather3A_516 = tpu.dynamic_gather %min3A_503[%gather3A_515] in [0] : vector<16xi32>, vector<16xi32> -> vector<16xi32>
    %min3A_517 = arith.minsi %min3A_503, %gather3A_516 : vector<16xi32>
    %xor3A_518 = arith.constant 4 : i32
    %xor3A_519 = vector.broadcast %xor3A_518 : i32 to vector<16xi32>
    %xor3A_520 = arith.xori %iota3A, %xor3A_519 : vector<16xi32>
    %lt3A_521 = arith.constant 0 : i32
    %lt3A_522 = vector.broadcast %lt3A_521 : i32 to vector<16xi32>
    %lt3A_523 = arith.cmpi slt, %xor3A_520, %lt3A_522 : vector<16xi32>
    %add3A_524 = arith.constant 16 : i32
    %add3A_525 = vector.broadcast %add3A_524 : i32 to vector<16xi32>
    %add3A_526 = arith.addi %xor3A_520, %add3A_525 : vector<16xi32>
    %select_n3A_527 = arith.select %lt3A_523, %add3A_526, %xor3A_520 : vector<16xi1>, vector<16xi32>
    %broadcast_in_dim3A_528 = vector.shape_cast %select_n3A_527 : vector<16xi32> to vector<16x1xi32>
    %gather3A_529 = vector.shape_cast %broadcast_in_dim3A_528 : vector<16x1xi32> to vector<16xi32>
    %gather3A_530 = tpu.dynamic_gather %min3A_517[%gather3A_529] in [0] : vector<16xi32>, vector<16xi32> -> vector<16xi32>
    %min3A_531 = arith.minsi %min3A_517, %gather3A_530 : vector<16xi32>
    %xor3A_532 = arith.constant 2 : i32
    %xor3A_533 = vector.broadcast %xor3A_532 : i32 to vector<16xi32>
    %xor3A_534 = arith.xori %iota3A, %xor3A_533 : vector<16xi32>
    %lt3A_535 = arith.constant 0 : i32
    %lt3A_536 = vector.broadcast %lt3A_535 : i32 to vector<16xi32>
    %lt3A_537 = arith.cmpi slt, %xor3A_534, %lt3A_536 : vector<16xi32>
    %add3A_538 = arith.constant 16 : i32
    %add3A_539 = vector.broadcast %add3A_538 : i32 to vector<16xi32>
    %add3A_540 = arith.addi %xor3A_534, %add3A_539 : vector<16xi32>
    %select_n3A_541 = arith.select %lt3A_537, %add3A_540, %xor3A_534 : vector<16xi1>, vector<16xi32>
    %broadcast_in_dim3A_542 = vector.shape_cast %select_n3A_541 : vector<16xi32> to vector<16x1xi32>
    %gather3A_543 = vector.shape_cast %broadcast_in_dim3A_542 : vector<16x1xi32> to vector<16xi32>
    %gather3A_544 = tpu.dynamic_gather %min3A_531[%gather3A_543] in [0] : vector<16xi32>, vector<16xi32> -> vector<16xi32>
    %min3A_545 = arith.minsi %min3A_531, %gather3A_544 : vector<16xi32>
    %xor3A_546 = arith.constant 1 : i32
    %xor3A_547 = vector.broadcast %xor3A_546 : i32 to vector<16xi32>
    %xor3A_548 = arith.xori %iota3A, %xor3A_547 : vector<16xi32>
    %lt3A_549 = arith.constant 0 : i32
    %lt3A_550 = vector.broadcast %lt3A_549 : i32 to vector<16xi32>
    %lt3A_551 = arith.cmpi slt, %xor3A_548, %lt3A_550 : vector<16xi32>
    %add3A_552 = arith.constant 16 : i32
    %add3A_553 = vector.broadcast %add3A_552 : i32 to vector<16xi32>
    %add3A_554 = arith.addi %xor3A_548, %add3A_553 : vector<16xi32>
    %select_n3A_555 = arith.select %lt3A_551, %add3A_554, %xor3A_548 : vector<16xi1>, vector<16xi32>
    %broadcast_in_dim3A_556 = vector.shape_cast %select_n3A_555 : vector<16xi32> to vector<16x1xi32>
    %gather3A_557 = vector.shape_cast %broadcast_in_dim3A_556 : vector<16x1xi32> to vector<16xi32>
    %gather3A_558 = tpu.dynamic_gather %min3A_545[%gather3A_557] in [0] : vector<16xi32>, vector<16xi32> -> vector<16xi32>
    %min3A_559 = arith.minsi %min3A_545, %gather3A_558 : vector<16xi32>
    %slice3A_560 = vector.extract_strided_slice %min3A_559 {offsets = [0], sizes = [1], strides = [1]} : vector<16xi32> to vector<1xi32>
    %squeeze3A_561 = vector.extract %slice3A_560[0] : i32 from vector<1xi32>
    %broadcast_in_dim3A_562 = vector.broadcast %squeeze3A : f32 to vector<16xf32>
    %swap3A = arith.constant 0 : index
    %swap3A_563 = tpu.vector_load %arg6[%swap3A] {strides = array<i32>} : memref<16xf32, #tpu.memory_space<vmem>>, vector<16xf32>,
    %swap3A_564 = vector.shape_cast %swap3A_563 : vector<16xf32> to vector<16xf32>
    %swap3A_565 = vector.shape_cast %broadcast_in_dim3A_562 : vector<16xf32> to vector<16xf32>
    tpu.vector_store %arg6[%swap3A], %swap3A_565 {strides = array<i32>} : memref<16xf32, #tpu.memory_space<vmem>>, vector<16xf32>,
    %broadcast_in_dim3A_566 = vector.broadcast %squeeze3A_561 : i32 to vector<16xi32>
    %swap3A_567 = arith.constant 0 : index
    %swap3A_568 = tpu.vector_load %arg7[%swap3A_567] {strides = array<i32>} : memref<16xi32, #tpu.memory_space<vmem>>, vector<16xi32>,
    %swap3A_569 = vector.shape_cast %swap3A_568 : vector<16xi32> to vector<16xi32>
    %swap3A_570 = vector.shape_cast %broadcast_in_dim3A_566 : vector<16xi32> to vector<16xi32>
    tpu.vector_store %arg7[%swap3A_567], %swap3A_570 {strides = array<i32>} : memref<16xi32, #tpu.memory_space<vmem>>, vector<16xi32>,
    "tpu.region"() ({
      %run_scoped3A_571 = tpu.sem_alloc : memref<!tpu.dma_semaphore, #tpu.memory_space<semaphore_mem>>
      %dma_start3A_572 = arith.constant 0 : i32
      %dma_start3A_573 = tpu.memref_slice %arg3[%add3A, %dma_start3A_572] : memref<32x16xf32, #tpu.memory_space<hbm>> -> memref<1x16xf32, #tpu.memory_space<hbm>>
      %dma_start3A_574 = tpu.memref_squeeze %dma_start3A_573 : memref<1x16xf32, #tpu.memory_space<hbm>> -> memref<16xf32, #tpu.memory_space<hbm>>
      %dma_start3A_575 = arith.constant 0 : i32
      %dma_start3A_576 = tpu.memref_slice %arg3[%add3A, %dma_start3A_575] : memref<32x16xf32, #tpu.memory_space<hbm>> -> memref<1x16xf32, #tpu.memory_space<hbm>>
      %dma_start3A_577 = tpu.memref_squeeze %dma_start3A_576 : memref<1x16xf32, #tpu.memory_space<hbm>> -> memref<16xf32, #tpu.memory_space<hbm>>
      tpu.enqueue_dma source(%arg6 : memref<16xf32, #tpu.memory_space<vmem>>) target(%dma_start3A_577 : memref<16xf32, #tpu.memory_space<hbm>>) target_semaphore(%run_scoped3A_571 : memref<!tpu.dma_semaphore, #tpu.memory_space<semaphore_mem>>)
      %dma_wait3A_578 = arith.constant 0 : i32
      %dma_wait3A_579 = tpu.memref_slice %arg3[%add3A, %dma_wait3A_578] : memref<32x16xf32, #tpu.memory_space<hbm>> -> memref<1x16xf32, #tpu.memory_space<hbm>>
      %dma_wait3A_580 = tpu.memref_squeeze %dma_wait3A_579 : memref<1x16xf32, #tpu.memory_space<hbm>> -> memref<16xf32, #tpu.memory_space<hbm>>
      %dma_wait3A_581 = arith.constant 0 : i32
      %dma_wait3A_582 = tpu.memref_slice %arg3[%add3A, %dma_wait3A_581] : memref<32x16xf32, #tpu.memory_space<hbm>> -> memref<1x16xf32, #tpu.memory_space<hbm>>
      %dma_wait3A_583 = tpu.memref_squeeze %dma_wait3A_582 : memref<1x16xf32, #tpu.memory_space<hbm>> -> memref<16xf32, #tpu.memory_space<hbm>>
      tpu.wait_dma2 semaphore(%run_scoped3A_571 : memref<!tpu.dma_semaphore, #tpu.memory_space<semaphore_mem>>) src(%arg6 : memref<16xf32, #tpu.memory_space<vmem>>) dst(%dma_wait3A_583 : memref<16xf32, #tpu.memory_space<hbm>>)
      tpu.yield
    }) : () -> ()
    "tpu.region"() ({
      %run_scoped3A_571 = tpu.sem_alloc : memref<!tpu.dma_semaphore, #tpu.memory_space<semaphore_mem>>
      %dma_start3A_572 = arith.constant 0 : i32
      %dma_start3A_573 = tpu.memref_slice %arg4[%add3A, %dma_start3A_572] : memref<32x16xi32, #tpu.memory_space<hbm>> -> memref<1x16xi32, #tpu.memory_space<hbm>>
      %dma_start3A_574 = tpu.memref_squeeze %dma_start3A_573 : memref<1x16xi32, #tpu.memory_space<hbm>> -> memref<16xi32, #tpu.memory_space<hbm>>
      %dma_start3A_575 = arith.constant 0 : i32
      %dma_start3A_576 = tpu.memref_slice %arg4[%add3A, %dma_start3A_575] : memref<32x16xi32, #tpu.memory_space<hbm>> -> memref<1x16xi32, #tpu.memory_space<hbm>>
      %dma_start3A_577 = tpu.memref_squeeze %dma_start3A_576 : memref<1x16xi32, #tpu.memory_space<hbm>> -> memref<16xi32, #tpu.memory_space<hbm>>
      tpu.enqueue_dma source(%arg7 : memref<16xi32, #tpu.memory_space<vmem>>) target(%dma_start3A_577 : memref<16xi32, #tpu.memory_space<hbm>>) target_semaphore(%run_scoped3A_571 : memref<!tpu.dma_semaphore, #tpu.memory_space<semaphore_mem>>)
      %dma_wait3A_578 = arith.constant 0 : i32
      %dma_wait3A_579 = tpu.memref_slice %arg4[%add3A, %dma_wait3A_578] : memref<32x16xi32, #tpu.memory_space<hbm>> -> memref<1x16xi32, #tpu.memory_space<hbm>>
      %dma_wait3A_580 = tpu.memref_squeeze %dma_wait3A_579 : memref<1x16xi32, #tpu.memory_space<hbm>> -> memref<16xi32, #tpu.memory_space<hbm>>
      %dma_wait3A_581 = arith.constant 0 : i32
      %dma_wait3A_582 = tpu.memref_slice %arg4[%add3A, %dma_wait3A_581] : memref<32x16xi32, #tpu.memory_space<hbm>> -> memref<1x16xi32, #tpu.memory_space<hbm>>
      %dma_wait3A_583 = tpu.memref_squeeze %dma_wait3A_582 : memref<1x16xi32, #tpu.memory_space<hbm>> -> memref<16xi32, #tpu.memory_space<hbm>>
      tpu.wait_dma2 semaphore(%run_scoped3A_571 : memref<!tpu.dma_semaphore, #tpu.memory_space<semaphore_mem>>) src(%arg7 : memref<16xi32, #tpu.memory_space<vmem>>) dst(%dma_wait3A_583 : memref<16xi32, #tpu.memory_space<hbm>>)
      tpu.yield
    }) : () -> ()
    return
  }
}

module attributes {stable_mosaic.version = 14 : i64} {
  func.func @_tc_partial_body(%arg0: i32, %arg1: memref<560x4096xf32, #tpu.memory_space<vmem>>, %arg2: memref<1xf32, #tpu.memory_space<smem>>, %arg3: memref<1xi32, #tpu.memory_space<smem>>, %arg4: memref<1xf32, #tpu.memory_space<smem>>, %arg5: memref<1xi32, #tpu.memory_space<smem>>) attributes {dimension_semantics = [#tpu.dimension_semantics<arbitrary>], iteration_bounds = array<i64: 8>, scalar_prefetch = 0 : i64, scratch_operands = 2 : i64, tpu.core_type = #tpu.core_type<tc>, window_params = [{transform_indices = @transform_0, window_bounds = array<i64: 560, 4096>}, {transform_indices = @transform_1, window_bounds = array<i64: 1>}, {transform_indices = @transform_2, window_bounds = array<i64: 1>}]} {
    %eq3A = arith.constant 0 : i32
    %eq3A_0 = arith.cmpi eq, %arg0, %eq3A : i32
    %convert_element_type3A = arith.extui %eq3A_0 : i1 to i32
    %cond3A = arith.constant 0 : i32
    %cond3A_1 = arith.cmpi ne, %convert_element_type3A, %cond3A : i32
    scf.if %cond3A_1 {
      %swap3A = arith.constant 0xFF800000 : f32
      %swap3A_18 = arith.constant 0 : index
      %swap3A_19 = memref.load %arg4[%swap3A_18] : memref<1xf32, #tpu.memory_space<smem>>
      memref.store %swap3A, %arg4[%swap3A_18] : memref<1xf32, #tpu.memory_space<smem>>
      %swap3A_20 = arith.constant 0 : i32
      %swap3A_21 = arith.constant 0 : index
      %swap3A_22 = memref.load %arg5[%swap3A_21] : memref<1xi32, #tpu.memory_space<smem>>
      memref.store %swap3A_20, %arg5[%swap3A_21] : memref<1xi32, #tpu.memory_space<smem>>
    } else {
    }
    %get3A = arith.constant 0 : index
    %get3A_2 = arith.constant 0 : index
    %get3A_3 = vector.load %arg1[%get3A, %get3A_2] : memref<560x4096xf32, #tpu.memory_space<vmem>>, vector<560x4096xf32>
    %reduce_max3A = vector.shape_cast %get3A_3 : vector<560x4096xf32> to vector<1x560x4096xf32>
    %reduce_max3A_4 = arith.constant dense<0xFF800000> : vector<1xf32>
    %reduce_max3A_5 = vector.multi_reduction <maximumf>, %reduce_max3A, %reduce_max3A_4 [1, 2] : vector<1x560x4096xf32> to vector<1xf32>
    %reduce_max3A_6 = vector.shape_cast %reduce_max3A_5 : vector<1xf32> to vector<1x1x1xf32>
    %reduce_max3A_7 = vector.extract %reduce_max3A_6[0, 0, 0] : f32 from vector<1x1x1xf32>
    %get3A_8 = arith.constant 0 : index
    %get3A_9 = memref.load %arg4[%get3A_8] : memref<1xf32, #tpu.memory_space<smem>>
    %gt3A = arith.cmpf ogt, %reduce_max3A_7, %get3A_9 : f32
    %convert_element_type3A_10 = arith.extui %gt3A : i1 to i32
    %cond3A_11 = arith.constant 0 : i32
    %cond3A_12 = arith.cmpi ne, %convert_element_type3A_10, %cond3A_11 : i32
    scf.if %cond3A_12 {
      %reduce_max3A_18 = arith.constant dense<0xFF800000> : vector<560xf32>
      %reduce_max3A_19 = vector.multi_reduction <maximumf>, %get3A_3, %reduce_max3A_18 [1] : vector<560x4096xf32> to vector<560xf32>
      %iota3A = tpu.iota {dimensions = array<i32: 1>} : vector<1x560xi32>
      %iota3A_20 = vector.shape_cast %iota3A : vector<1x560xi32> to vector<560xi32>
      %eq3A_21 = vector.broadcast %reduce_max3A_7 : f32 to vector<560xf32>
      %eq3A_22 = arith.cmpf oeq, %reduce_max3A_19, %eq3A_21 : vector<560xf32>
      %jit3A = arith.constant 2147483647 : i32
      %broadcast_in_dim3A = vector.broadcast %jit3A : i32 to vector<560xi32>
      %select_n3A = arith.select %eq3A_22, %iota3A_20, %broadcast_in_dim3A : vector<560xi1>, vector<560xi32>
      %reduce_min3A = vector.shape_cast %select_n3A : vector<560xi32> to vector<1x560xi32>
      %reduce_min3A_23 = arith.constant dense<2147483647> : vector<1xi32>
      %reduce_min3A_24 = vector.multi_reduction <minsi>, %reduce_min3A, %reduce_min3A_23 [1] : vector<1x560xi32> to vector<1xi32>
      %reduce_min3A_25 = vector.shape_cast %reduce_min3A_24 : vector<1xi32> to vector<1x1xi32>
      %reduce_min3A_26 = vector.extract %reduce_min3A_25[0, 0] : i32 from vector<1x1xi32>
      %get3A_27 = arith.index_cast %reduce_min3A_26 : i32 to index
      %get3A_28 = arith.constant 0 : index
      %get3A_29 = vector.load %arg1[%get3A_27, %get3A_28] : memref<560x4096xf32, #tpu.memory_space<vmem>>, vector<1x4096xf32>
      %iota3A_30 = tpu.iota {dimensions = array<i32: 1>} : vector<1x4096xi32>
      %eq3A_31 = vector.broadcast %reduce_max3A_7 : f32 to vector<1x4096xf32>
      %eq3A_32 = arith.cmpf oeq, %get3A_29, %eq3A_31 : vector<1x4096xf32>
      %jit3A_33 = arith.constant 2147483647 : i32
      %broadcast_in_dim3A_34 = vector.broadcast %jit3A_33 : i32 to vector<1x4096xi32>
      %select_n3A_35 = arith.select %eq3A_32, %iota3A_30, %broadcast_in_dim3A_34 : vector<1x4096xi1>, vector<1x4096xi32>
      %reduce_min3A_36 = vector.shape_cast %select_n3A_35 : vector<1x4096xi32> to vector<1x1x4096xi32>
      %reduce_min3A_37 = arith.constant dense<2147483647> : vector<1xi32>
      %reduce_min3A_38 = vector.multi_reduction <minsi>, %reduce_min3A_36, %reduce_min3A_37 [1, 2] : vector<1x1x4096xi32> to vector<1xi32>
      %reduce_min3A_39 = vector.shape_cast %reduce_min3A_38 : vector<1xi32> to vector<1x1x1xi32>
      %reduce_min3A_40 = vector.extract %reduce_min3A_39[0, 0, 0] : i32 from vector<1x1x1xi32>
      %swap3A = arith.constant 0 : index
      %swap3A_41 = memref.load %arg4[%swap3A] : memref<1xf32, #tpu.memory_space<smem>>
      memref.store %reduce_max3A_7, %arg4[%swap3A] : memref<1xf32, #tpu.memory_space<smem>>
      %mul3A = arith.constant 560 : i32
      %mul3A_42 = arith.muli %arg0, %mul3A : i32
      %add3A = arith.addi %mul3A_42, %reduce_min3A_26 : i32
      %mul3A_43 = arith.constant 4096 : i32
      %mul3A_44 = arith.muli %add3A, %mul3A_43 : i32
      %add3A_45 = arith.addi %mul3A_44, %reduce_min3A_40 : i32
      %swap3A_46 = arith.constant 0 : index
      %swap3A_47 = memref.load %arg5[%swap3A_46] : memref<1xi32, #tpu.memory_space<smem>>
      memref.store %add3A_45, %arg5[%swap3A_46] : memref<1xi32, #tpu.memory_space<smem>>
    } else {
    }
    %eq3A_13 = arith.constant 7 : i32
    %eq3A_14 = arith.cmpi eq, %arg0, %eq3A_13 : i32
    %convert_element_type3A_15 = arith.extui %eq3A_14 : i1 to i32
    %cond3A_16 = arith.constant 0 : i32
    %cond3A_17 = arith.cmpi ne, %convert_element_type3A_15, %cond3A_16 : i32
    scf.if %cond3A_17 {
      %get3A_18 = arith.constant 0 : index
      %get3A_19 = memref.load %arg4[%get3A_18] : memref<1xf32, #tpu.memory_space<smem>>
      %swap3A = arith.constant 0 : index
      %swap3A_20 = memref.load %arg2[%swap3A] : memref<1xf32, #tpu.memory_space<smem>>
      memref.store %get3A_19, %arg2[%swap3A] : memref<1xf32, #tpu.memory_space<smem>>
      %get3A_21 = arith.constant 0 : index
      %get3A_22 = memref.load %arg5[%get3A_21] : memref<1xi32, #tpu.memory_space<smem>>
      %swap3A_23 = arith.constant 0 : index
      %swap3A_24 = memref.load %arg3[%swap3A_23] : memref<1xi32, #tpu.memory_space<smem>>
      memref.store %get3A_22, %arg3[%swap3A_23] : memref<1xi32, #tpu.memory_space<smem>>
    } else {
    }
    return
  }
  func.func @transform_0(%arg0: i32) -> (i32, i32) {
    %c0_i32 = arith.constant 0 : i32
    %c0_i32_0 = arith.constant 0 : i32
    return %arg0, %c0_i32 : i32, i32
  }
  func.func @transform_1(%arg0: i32) -> i32 {
    %c0_i32 = arith.constant 0 : i32
    %c0_i32_0 = arith.constant 0 : i32
    return %c0_i32 : i32
  }
  func.func @transform_2(%arg0: i32) -> i32 {
    %c0_i32 = arith.constant 0 : i32
    %c0_i32_0 = arith.constant 0 : i32
    return %c0_i32 : i32
  }
}

module attributes {stable_mosaic.version = 14 : i64} {
  func.func @_combine_body(%arg0: memref<32x16xf32, #tpu.memory_space<vmem>>, %arg1: memref<32x16xi32, #tpu.memory_space<vmem>>, %arg2: memref<1xf32, #tpu.memory_space<smem>>, %arg3: memref<1xi32, #tpu.memory_space<smem>>, %arg4: memref<2xi32, #tpu.memory_space<smem>>) attributes {dimension_semantics = [], scalar_prefetch = 0 : i64, scratch_operands = 0 : i64, tpu.core_type = #tpu.core_type<tc>} {
    %get3A = arith.constant 0 : index
    %get3A_0 = arith.constant 0 : index
    %get3A_1 = vector.load %arg0[%get3A, %get3A_0] : memref<32x16xf32, #tpu.memory_space<vmem>>, vector<32x16xf32>
    %get3A_2 = arith.constant 0 : index
    %get3A_3 = arith.constant 0 : index
    %get3A_4 = vector.load %arg1[%get3A_2, %get3A_3] : memref<32x16xi32, #tpu.memory_space<vmem>>, vector<32x16xi32>
    %reduce_max3A = vector.shape_cast %get3A_1 : vector<32x16xf32> to vector<1x32x16xf32>
    %reduce_max3A_5 = arith.constant dense<0xFF800000> : vector<1xf32>
    %reduce_max3A_6 = vector.multi_reduction <maximumf>, %reduce_max3A, %reduce_max3A_5 [1, 2] : vector<1x32x16xf32> to vector<1xf32>
    %reduce_max3A_7 = vector.shape_cast %reduce_max3A_6 : vector<1xf32> to vector<1x1x1xf32>
    %reduce_max3A_8 = vector.extract %reduce_max3A_7[0, 0, 0] : f32 from vector<1x1x1xf32>
    %get3A_9 = arith.constant 0 : index
    %get3A_10 = memref.load %arg2[%get3A_9] : memref<1xf32, #tpu.memory_space<smem>>
    %max3A = arith.maximumf %reduce_max3A_8, %get3A_10 : f32
    %eq3A = vector.broadcast %max3A : f32 to vector<32x16xf32>
    %eq3A_11 = arith.cmpf oeq, %get3A_1, %eq3A : vector<32x16xf32>
    %jit3A = arith.constant 2147483647 : i32
    %broadcast_in_dim3A = vector.broadcast %jit3A : i32 to vector<32x16xi32>
    %select_n3A = arith.select %eq3A_11, %get3A_4, %broadcast_in_dim3A : vector<32x16xi1>, vector<32x16xi32>
    %reduce_min3A = vector.shape_cast %select_n3A : vector<32x16xi32> to vector<1x32x16xi32>
    %reduce_min3A_12 = arith.constant dense<2147483647> : vector<1xi32>
    %reduce_min3A_13 = vector.multi_reduction <minsi>, %reduce_min3A, %reduce_min3A_12 [1, 2] : vector<1x32x16xi32> to vector<1xi32>
    %reduce_min3A_14 = vector.shape_cast %reduce_min3A_13 : vector<1xi32> to vector<1x1x1xi32>
    %reduce_min3A_15 = vector.extract %reduce_min3A_14[0, 0, 0] : i32 from vector<1x1x1xi32>
    %get3A_16 = arith.constant 0 : index
    %get3A_17 = memref.load %arg2[%get3A_16] : memref<1xf32, #tpu.memory_space<smem>>
    %eq3A_18 = arith.cmpf oeq, %get3A_17, %max3A : f32
    %get3A_19 = arith.constant 0 : index
    %get3A_20 = memref.load %arg3[%get3A_19] : memref<1xi32, #tpu.memory_space<smem>>
    %jit3A_21 = arith.constant 2147483647 : i32
    %select_n3A_22 = arith.select %eq3A_18, %get3A_20, %jit3A_21 : i32
    %min3A = arith.minsi %reduce_min3A_15, %select_n3A_22 : i32
    %jit3A_23 = arith.constant 8192 : i32
    %div3A = arith.divsi %min3A, %jit3A_23 : i32
    %sign3A = arith.constant 0 : i32
    %sign3A_24 = arith.cmpi sgt, %min3A, %sign3A : i32
    %sign3A_25 = arith.extui %sign3A_24 : i1 to i32
    %sign3A_26 = arith.constant 0 : i32
    %sign3A_27 = arith.cmpi slt, %min3A, %sign3A_26 : i32
    %sign3A_28 = arith.extui %sign3A_27 : i1 to i32
    %sign3A_29 = arith.subi %sign3A_25, %sign3A_28 : i32
    %sign3A_30 = arith.constant 0 : i32
    %sign3A_31 = arith.cmpi sgt, %jit3A_23, %sign3A_30 : i32
    %sign3A_32 = arith.extui %sign3A_31 : i1 to i32
    %sign3A_33 = arith.constant 0 : i32
    %sign3A_34 = arith.cmpi slt, %jit3A_23, %sign3A_33 : i32
    %sign3A_35 = arith.extui %sign3A_34 : i1 to i32
    %sign3A_36 = arith.subi %sign3A_32, %sign3A_35 : i32
    %ne3A = arith.cmpi ne, %sign3A_29, %sign3A_36 : i32
    %rem3A = arith.remsi %min3A, %jit3A_23 : i32
    %ne3A_37 = arith.constant 0 : i32
    %ne3A_38 = arith.cmpi ne, %rem3A, %ne3A_37 : i32
    %and3A = arith.andi %ne3A, %ne3A_38 : i1
    %sub3A = arith.constant 1 : i32
    %sub3A_39 = arith.subi %div3A, %sub3A : i32
    %select_n3A_40 = arith.select %and3A, %sub3A_39, %div3A : i32
    %swap3A = arith.constant 0 : index
    %swap3A_41 = memref.load %arg4[%swap3A] : memref<2xi32, #tpu.memory_space<smem>>
    memref.store %select_n3A_40, %arg4[%swap3A] : memref<2xi32, #tpu.memory_space<smem>>
    %jit3A_42 = arith.constant 4096 : i32
    %eq3A_43 = arith.constant 0 : i32
    %eq3A_44 = arith.cmpi eq, %jit3A_42, %eq3A_43 : i32
    %jit3A_45 = arith.constant 1 : i32
    %select_n3A_46 = arith.select %eq3A_44, %jit3A_45, %jit3A_42 : i32
    %rem3A_47 = arith.remsi %min3A, %select_n3A_46 : i32
    %ne3A_48 = arith.constant 0 : i32
    %ne3A_49 = arith.cmpi ne, %rem3A_47, %ne3A_48 : i32
    %lt3A = arith.constant 0 : i32
    %lt3A_50 = arith.cmpi slt, %rem3A_47, %lt3A : i32
    %lt3A_51 = arith.constant 0 : i32
    %lt3A_52 = arith.cmpi slt, %select_n3A_46, %lt3A_51 : i32
    %ne3A_53 = arith.xori %lt3A_50, %lt3A_52 : i1
    %and3A_54 = arith.andi %ne3A_53, %ne3A_49 : i1
    %add3A = arith.addi %rem3A_47, %select_n3A_46 : i32
    %select_n3A_55 = arith.select %and3A_54, %add3A, %rem3A_47 : i32
    %swap3A_56 = arith.constant 1 : index
    %swap3A_57 = memref.load %arg4[%swap3A_56] : memref<2xi32, #tpu.memory_space<smem>>
    memref.store %select_n3A_55, %arg4[%swap3A_56] : memref<2xi32, #tpu.memory_space<smem>>
    return
  }
}

</mosaic_0001>

<sc_bundles>
// kernel: kernel.5.cloned.1.call-start
scs
__scs_entry_jumppad:
0x0: {  	(pc) =	sbr.rel $0x88, $3  }
0x1: {  	(tag) =	ssettag $0x0;
	lr =	simm.s32 $0x1  }
0x2: {  	[smem:$0x3FA0] =	sst lr;
	_ =	strace $0xD0000000  }
0x3: {  	_ = 	snop  }
0x4: {  	_ = 	snop  }
0x5: {  	_ = 	snop  }
0x6: {  	_ = 	snop  }
0x7: {  	_ = 	snop  }
__scs_overlays_trampoline_lowered:
0x8: {  	[smem:$0x3FAF] =	sst s0  }
0x9: {  	[smem:$0x3FB0] =	sst s1  }
0xa: {  	[smem:$0x3FB1] =	sst s2  }
0xb: {  	[smem:$0x3FB2] =	sst s3  }
0xc: {  	[smem:$0x3FB3] =	sst s4  }
0xd: {  	[smem:$0x3FB4] =	sst s5  }
0xe: {  	[smem:$0x3FB5] =	sst s6  }
0xf: {  	[smem:$0x3FB6] =	sst s7  }
0x10: {  	[smem:$0x3FB7] =	sst s8  }
0x11: {  	[smem:$0x3FB8] =	sst s9;
	s0 =	simm.s32 @!p0 $0x0  }
0x12: {  	s1 =	sld [smem:$0x3F9E];
	s0 =	simm.s32 @p0 $0x1  }
0x13: {  	[smem:$0x3FB9] =	sst s0;
	s0 =	simm.s32 @!p1 $0x0  }
0x14: {  	s2 =	sld [smem:$0x3F9D];
	s0 =	simm.s32 @p1 $0x1  }
0x15: {  	[smem:$0x3FBA] =	sst s0;
	s0 =	simm.s32 @!p2 $0x0  }
0x16: {  	s3 =	sld [smem:$0x3FDB];
	s0 =	simm.s32 @p2 $0x1  }
0x17: {  	s4 =	simm.s32 $0x1BF5;
	[smem:$0x3FBC] =	sst s0  }
0x18: {  	s0 =	sld [smem:$0x3F9F];
	_ =	swait.ge [sflag:s4], $0x0  }
0x19: {  	s7 =	sld [smem:$0x3FA0]  }
0x1a: {  	s8 =	sadd.s32 $0xFFFFE003, lr  }
0x1b: {  	s9 =	sadd.s32 $0xFFFFFEF7, lr;
	s5 =	simm.s32 $0xFFFFFFFF;
	p2 =	slt.u32 s8, $0xFFFFF086  }
0x1c: {  	p1 =	slt.u32 s9, $0xF7A;
	s5 =	simm.s32 @!p2 $0x0  }
0x1d: {  	s5 =	simm.s32 @p1 $0x1;
	p0 =	seq.s32 s7, s2  }
0x1e: {  	s7 =	smul.u32 @!p0 $0xF7A, s2;
	p2 =	seq.s32 @!p0 s5, $0x0  }
0x1f: {  	s9 =	smul.u32 $0xF7A, s1;
	s8 =	simm.s32 @!p0 $0x1BF5;
	p2 =	por !p2, p0  }
0x20: {  	[sflag:s8] =	ssyncset.s32 @!p0 $0xFFFFF086;
	s6 =	sadd.s32 @!p0 s3, s7;
	s7 =	simm.s32 @!p0 $0x108  }
0x21: {  	s3 =	sadd.s32 s3, s9;
	s6 =	sadd.s32 @!p0 $0x88, s6;
	s7 =	simm.s32 @p2 $0x1082  }
0x22: {  	[simem:s7], [sflag:s8] =	dma.local @!p0 [hbm:s6], $0xF7A  }
0x23: {  	s9 =	sor.u32 $0xD0000000, s2;
	s6 =	simm.s32 $0x108;
	_ =	swait.ge @!p0 [sflag:s8], $0x0  }
0x24: {  	s3 =	sadd.s32 $0x88, s3;
	s6 =	simm.s32 @!p1 $0x1082;
	[sflag:s4] =	ssyncset.s32 $0xFFFFF086  }
0x25: {  	[simem:s6], [sflag:s4] =	dma.local [hbm:s3], $0xF7A  }
0x26: {  	[smem:$0x3FA0] =	sst s1;
	(tag) =	ssettag s2;
	_ =	strace s9  }
0x27: {  	s1 =	sld [smem:$0x3FB0]  }
0x28: {  	s2 =	sld [smem:$0x3FB1]  }
0x29: {  	s4 =	sld [smem:$0x3FB3]  }
0x2a: {  	p0 =	seq.s32 s5, $0x0;
	s5 =	sld [smem:$0x3FB4]  }
0x2b: {  	s6 =	sld [smem:$0x3FB5]  }
0x2c: {  	s7 =	sld [smem:$0x3FB6]  }
0x2d: {  	s3 =	simm.s32 $0x108;
	s8 =	sld [smem:$0x3FB7]  }
0x2e: {  	s3 =	simm.s32 @!p0 $0x1082;
	s9 =	sld [smem:$0x3FB8]  }
0x2f: {  	lr =	sadd.s32 s0, s3;
	s0 =	sld [smem:$0x3FAF]  }
0x30: {  	s3 =	sld [smem:$0x3FB2]  }
0x31: {  	[smem:$0x3FBB] =	sst s10  }
0x32: {  	s10 =	sld [smem:$0x3FB9];
	_ =	sdelay $0x3  }
0x33: {  	p0 =	seq.s32 s10, $0x1;
	s10 =	sld [smem:$0x3FBB];
	_ =	sdelay $0x3  }
0x34: {  	[smem:$0x3FBB] =	sst s10  }
0x35: {  	s10 =	sld [smem:$0x3FBA];
	_ =	sdelay $0x3  }
0x36: {  	p1 =	seq.s32 s10, $0x1;
	s10 =	sld [smem:$0x3FBB];
	_ =	sdelay $0x3  }
0x37: {  	[smem:$0x3FBB] =	sst s10  }
0x38: {  	s10 =	sld [smem:$0x3FBC]  }
0x39: {  	_ = 	snop;
	(pc) =	sbr.ind lr, $3  }
0x3a: {  	_ = 	snop  }
0x3b: {  	_ = 	snop  }
0x3c: {  	p2 =	seq.s32 s10, $0x1;
	s10 =	sld [smem:$0x3FBB]  }
0x3d: {  	_ =	shalt  }
0x3e: {  	_ =	shalt  }
0x3f: {  	_ =	shalt  }
0x40: {  	_ =	shalt  }
0x41: {  	_ =	shalt  }
0x42: {  	_ =	shalt  }
0x43: {  	_ =	shalt  }
0x44: {  	_ =	shalt  }
0x45: {  	_ =	shalt  }
0x46: {  	_ =	shalt  }
0x47: {  	_ =	shalt  }
0x48: {  	_ =	shalt  }
0x49: {  	_ =	shalt  }
0x4a: {  	_ =	shalt  }
0x4b: {  	_ =	shalt  }
0x4c: {  	_ =	shalt  }
0x4d: {  	_ =	shalt  }
0x4e: {  	_ =	shalt  }
0x4f: {  	_ =	shalt  }
0x50: {  	_ =	shalt  }
0x51: {  	_ =	shalt  }
0x52: {  	_ =	shalt  }
0x53: {  	_ =	shalt  }
0x54: {  	_ =	shalt  }
0x55: {  	_ =	shalt  }
0x56: {  	_ =	shalt  }
0x57: {  	_ =	shalt  }
0x58: {  	_ =	shalt  }
0x59: {  	_ =	shalt  }
0x5a: {  	_ =	shalt  }
0x5b: {  	_ =	shalt  }
0x5c: {  	_ =	shalt  }
0x5d: {  	_ =	shalt  }
0x5e: {  	_ =	shalt  }
0x5f: {  	_ =	shalt  }
0x60: {  	_ =	shalt  }
0x61: {  	_ =	shalt  }
0x62: {  	_ =	shalt  }
0x63: {  	_ =	shalt  }
0x64: {  	_ =	shalt  }
0x65: {  	_ =	shalt  }
0x66: {  	_ =	shalt  }
0x67: {  	_ =	shalt  }
0x68: {  	_ =	shalt  }
0x69: {  	_ =	shalt  }
0x6a: {  	_ =	shalt  }
0x6b: {  	_ =	shalt  }
0x6c: {  	_ =	shalt  }
0x6d: {  	_ =	shalt  }
0x6e: {  	_ =	shalt  }
0x6f: {  	_ =	shalt  }
0x70: {  	_ =	shalt  }
0x71: {  	_ =	shalt  }
0x72: {  	_ =	shalt  }
0x73: {  	_ =	shalt  }
0x74: {  	_ =	shalt  }
0x75: {  	_ =	shalt  }
0x76: {  	_ =	shalt  }
0x77: {  	_ =	shalt  }
0x78: {  	_ =	shalt  }
0x79: {  	_ =	shalt  }
0x7a: {  	_ =	shalt  }
0x7b: {  	_ =	shalt  }
0x7c: {  	_ =	shalt  }
0x7d: {  	_ =	shalt  }
0x7e: {  	_ =	shalt  }
0x7f: {  	_ =	shalt  }
0x80: {  	_ =	shalt  }
0x81: {  	_ =	shalt  }
0x82: {  	_ =	shalt  }
0x83: {  	_ =	shalt  }
0x84: {  	_ =	shalt  }
0x85: {  	_ =	shalt  }
0x86: {  	_ =	shalt  }
0x87: {  	_ =	shalt  }
.Lfunc_end0:
.L_simem_size_0:
called_computation_lowered:
.L_overlay_start_0:
0x88: {  	s2 =	sld [smem:$0x3FD9]  }
0x89: {  	s3 =	sld [smem:$0x3FFE];
	_ =	sdelay $0x1  }
0x8a: {  	s1 =	srdreg.scid  }
0x8b: {  	s0 =	sand.u32 $0x1, s1  }
0x8c: {  	s17 =	sshll.u32 s0, $0xA;
	s2 =	sadd.s32 s3, s2  }
0x8d: {  	s2 =	sadd.s32 s2, s17  }
0x8e: {  	[smem:$0x3FC7] =	sst s2  }
0x8f: {  	_ = 	snop  }
0x90: {  	s2 =	sld [smem:$0x3FC9];
	(tm) =	ssettm $0x1  }
0x91: {  	s18 =	sld [smem:$0x3FFB];
	_ =	sdelay $0x3  }
0x92: {  	_ =	strace s18  }
0x93: {  	s3 =	sld [smem:$0x3FFC];
	_ =	sdelay $0x3  }
0x94: {  	_ =	strace s3  }
0x95: {  	s3 =	sld [smem:$0x3FFD];
	_ =	sdelay $0x3  }
0x96: {  	_ =	strace s3  }
0x97: {  	_ =	strace $0x8FFFFFFF  }
0x98: {  	s19 =	sld [smem:$0x3FDB];
	_ =	sdelay $0x1  }
0x99: {  	s4 =	simm.s32 $_scs_section_size  }
0x9a: {  	s5 =	simm.s32 $_size__tile_overlayer_lowered;
	s6 =	simm.s32 $_tile_overlayer_lowered  }
0x9b: {  	s22 =	simm.s32 $0x1BFF;
	s21 =	sshll.u32 s6, $0x1;
	s3 =	sadd.s32 s4, s19  }
0x9c: {  	s7 =	simm.s32 $0x0;
	s20 =	sshll.u32 s5, $0x1;
	s5 =	sadd.s32 s21, s3  }
0x9d: {  	[timem:s7], [sflag:s22] =	dma.local [hbm:s5], s20  }
0x9e: {  	_ =	swait.ge [sflag:s22], s20  }
0x9f: {  	s4 =	ssub.s32 $0x0, s20;
	[sflag:s22] =	ssyncset.done $0x0  }
0xa0: {  	[sflag:s22] =	ssyncadd.s32 s4;
	_ =	sdelay $0x1  }
0xa1: {  	s23 =	simm.s32 $0x1B8B  }
0xa2: {  	_ =	swait.ge [sflag:s23], $0x1  }
0xa3: {  	[sflag:s23] =	ssyncset.done $0x0  }
0xa4: {  	s25 =	simm.s32 $0x1B8E;
	s24 =	sld [smem:$0x3FFE];
	[sflag:s23] =	ssyncadd.s32 $0xFFFFFFFF  }
0xa5: {  	s26 =	simm.s32 $execute0_lowered;
	[smem:$0x3FD2] =	sst s25  }
0xa6: {  	s5 =	sshll.u32 s26, $0x1;
	_ =	strace $0x80000046;
	[dreg:$0x1] =	wrdreg $0xFFFFFFFF  }
0xa7: {  	s28 =	simm.s32 $_size_execute0_lowered;
	s3 =	sadd.s32 s3, s5;
	[dreg:$0x0] =	wrdreg $0x0  }
0xa8: {  	s5 =	sshll.u32 s28, $0x1;
	[dreg:$0x2] =	wrdreg s3  }
0xa9: {  	[dreg:$0x3] =	wrdreg s5  }
0xaa: {  	[dreg:$0x4] =	wrdreg $0xC0  }
0xab: {  	_ =	task [dreg:s7], $0x5FFFF  }
0xac: {  	[dreg:$0x1] =	wrdreg $0xFFFFFFFF  }
0xad: {  	[dreg:$0x0] =	wrdreg $0x60  }
0xae: {  	[dreg:$0x2] =	wrdreg s2  }
0xaf: {  	[dreg:$0x3] =	wrdreg s24  }
0xb0: {  	[dreg:$0x4] =	wrdreg $0x9  }
0xb1: {  	_ =	task.clear_ibuf [dreg:s7], $0x5FFFF;
	_ =	strace $0x90000046  }
0xb2: {  	s29 =	simm.s32 $0x9;
	_ =	strace $0x80000048  }
0xb3: {  	_ =	swait.ge [sflag:s29], $0x1  }
0xb4: {  	[sflag:s29] =	ssyncadd.s32 $0xFFFFFFFF  }
0xb5: {  	_ =	strace $0x90000048  }
0xb6: {  	_ =	sfence  }
0xb7: {  	s30 =	sld [smem:$0x0];
	_ =	sdelay $0x2  }
0xb8: {  	s31 =	sshll.u32 s1, $0xD;
	s1 =	sshrl.u32 s1, $0x2  }
0xb9: {  	s3 =	sand.u32 $0x4000, s31;
	s1 =	sadd.s32 s1, s30  }
0xba: {  	s0 =	sor.u32 s3, s0;
	s1 =	sshll.u32 s1, $0x11  }
0xbb: {  	s0 =	sor.u32 s1, s0  }
0xbc: {  	s0 =	sadd.s32 $0x8F2B, s0  }
0xbd: {  	[sflag:s0] =	ssyncadd.remote.s32 $0x1  }
0xbe: {  	_ =	sfence.sel $0xFFFF  }
0xbf: {  	[dreg:$0x0] =	wrdreg $0xFFFFFFFF;
	(pc) =	sbr.abs _section_cstart, $3  }
0xc0: {  	[dreg:$0x1] =	wrdreg $0xFFFFFFFF  }
0xc1: {  	_ =	task.clear_ibuf [dreg:s7], $0x2FFFF;
	_ =	strace $0x9FFFFFFF  }
0xc2: {  	(tm) =	ssettm $0x7FFFFFFF  }
0xc3: {  	_ =	shalt  }
tec
execute0_lowered:
.L_overlay_start_1:
0x0: {  	(tag) =	ssettag $0x1  }
0x1: {  	s0 =	srdreg.scid;
	s1 =	rddreg [dreg:$0x0]  }
0x2: {  	s13 =	stileid.u32;
	s3 =	rddreg [dreg:$0x1]  }
0x3: {  	s16 =	simm.s32 $0x0;
	s0 =	sand.u32 $0x1, s0;
	s2 =	sshll.u32 s13, $0x1  }
0x4: {  	[smem:$0x7FF] =	sst s16;
	s5 =	sor.u32 s0, s2  }
0x5: {  	s6 =	ssub.s32 $0x2, s0;
	s8 =	sshll.u32 s0, $0x9;
	s2 =	smul.u32 $0x74, s5  }
0x6: {  	s4 =	sshll.u32 s5, $0x4;
	s12 =	sshrl.u32 s6, $0x1;
	s5 =	smul.u32 $0x74000, s5  }
0x7: {  	s3 =	sadd.s32 s4, s3;
	s6 =	ssub.s32 s6, s12;
	s7 =	sadd.s32 $0x1180, s2  }
0x8: {  	s9 =	sadd.s32 $0x1181, s2;
	s10 =	sadd.s32 $0x1182, s2;
	s18 =	sadd.s32 $0x1183, s2  }
0x9: {  	s20 =	sadd.s32 $0x1184, s2;
	s23 =	sadd.s32 $0x1185, s2;
	s25 =	sadd.s32 $0x1186, s2  }
0xa: {  	s12 =	sadd.s32 $0x1187, s2;
	s31 =	sadd.s32 $0x1189, s2;
	s5 =	sand.u32 $0xFF8000, s5  }
0xb: {  	[dreg:$0x3] =	wrdreg s7;
	s7 =	sshll.u32 s7, $0xC;
	s14 =	sshll.u32 s9, $0x4  }
0xc: {  	s9 =	sshll.u32 s9, $0x9;
	s11 =	sshll.u32 s10, $0x4;
	s15 =	sshll.u32 s10, $0x9  }
0xd: {  	s19 =	sshll.u32 s18, $0x9;
	s10 =	sshll.u32 s18, $0x4;
	s21 =	sshll.u32 s20, $0x4  }
0xe: {  	s24 =	sshll.u32 s23, $0x9;
	s26 =	sshll.u32 s25, $0x4;
	s29 =	sshll.u32 s12, $0x4  }
0xf: {  	s30 =	sshll.u32 s12, $0x9;
	s5 =	sor.u32 s8, s5;
	s12 =	sadd.s32 $0x118A, s2  }
0x10: {  	s7 =	sand.u32 $0x3FF8000, s7;
	s9 =	sand.u32 $0x7FF000, s9;
	s17 =	sand.u32 $0x60, s11  }
0x11: {  	s10 =	sand.u32 $0x70, s10;
	s11 =	sand.u32 $0x40, s21;
	s21 =	sadd.s32 $0x118D, s2  }
0x12: {  	s5 =	sadd.s32 $0x1188000, s5;
	s4 =	sor.u32 s8, s7;
	s7 =	sand.u32 $0x50, s14  }
0x13: {  	s10 =	sadd.s32 s1, s10;
	s11 =	sadd.s32 s1, s11;
	s7 =	sadd.s32 s1, s7  }
0x14: {  	s14 =	sshll.u32 s12, $0x9;
	s7 =	sadd.s32 s9, s7;
	s9 =	sadd.s32 s1, s17  }
0x15: {  	[dreg:$0x4] =	wrdreg s7;
	s7 =	sand.u32 $0x7FF000, s15;
	s15 =	sadd.s32 $0x118B, s2  }
0x16: {  	s7 =	sadd.s32 s7, s9;
	s9 =	sshll.u32 s20, $0x9;
	s17 =	sshll.u32 s15, $0x4  }
0x17: {  	[dreg:$0x5] =	wrdreg s7;
	s7 =	sand.u32 $0x7FF000, s19;
	s9 =	sand.u32 $0x7FF000, s9  }
0x18: {  	s19 =	sadd.s32 $0x118C, s2;
	s7 =	sadd.s32 s7, s10;
	s22 =	sadd.s32 s9, s11  }
0x19: {  	s9 =	sand.u32 $0x7FF000, s24;
	s10 =	sshll.u32 s25, $0x9;
	[dreg:$0x6] =	wrdreg s7  }
0x1a: {  	s11 =	sand.u32 $0x60, s26;
	s20 =	sshll.u32 s19, $0x9;
	[dreg:$0x7] =	wrdreg s22  }
0x1b: {  	s7 =	sshll.u32 s23, $0x4;
	s10 =	sand.u32 $0x7FF000, s10;
	s11 =	sadd.s32 s1, s11  }
0x1c: {  	s22 =	sshll.u32 s21, $0x4;
	s23 =	sadd.s32 $0x118E, s2;
	s7 =	sand.u32 $0x50, s7  }
0x1d: {  	s28 =	sadd.s32 s10, s11;
	s11 =	sshll.u32 s31, $0x9;
	s10 =	sand.u32 $0x70, s17  }
0x1e: {  	s25 =	sshll.u32 s23, $0x4;
	s26 =	sshll.u32 s23, $0x9;
	s7 =	sadd.s32 s1, s7  }
0x1f: {  	[dreg:$0x9] =	wrdreg s28;
	s8 =	sand.u32 $0x7FF000, s11;
	s7 =	sadd.s32 s9, s7  }
0x20: {  	s10 =	sadd.s32 s1, s10;
	[dreg:$0x8] =	wrdreg s7;
	s7 =	sand.u32 $0x70, s29  }
0x21: {  	s28 =	sadd.s32 $0x118F, s2;
	s9 =	sand.u32 $0x7FF000, s30;
	s7 =	sadd.s32 s1, s7  }
0x22: {  	s30 =	smul.u32 $0xE8000, s13;
	s7 =	sadd.s32 s9, s7;
	s9 =	sshll.u32 s31, $0x4  }
0x23: {  	s31 =	smul.u32 $0x74000, s0;
	[dreg:$0xa] =	wrdreg s7;
	s7 =	sand.u32 $0x50, s9  }
0x24: {  	s29 =	sshll.u32 s28, $0x4;
	s9 =	sshll.u32 s12, $0x4;
	s7 =	sadd.s32 s1, s7  }
0x25: {  	s9 =	sand.u32 $0x60, s9;
	s13 =	sadd.s32 s31, s30;
	s7 =	sadd.s32 s8, s7  }
0x26: {  	s8 =	sshll.u32 s15, $0x9;
	s9 =	sadd.s32 s1, s9;
	[dreg:$0x12] =	wrdreg s13  }
0x27: {  	[dreg:$0xb] =	wrdreg s7;
	s7 =	sand.u32 $0x7FF000, s14;
	s8 =	sand.u32 $0x7FF000, s8  }
0x28: {  	s7 =	sadd.s32 s7, s9;
	s18 =	sadd.s32 s8, s10;
	s8 =	sand.u32 $0x7FF000, s20  }
0x29: {  	s9 =	sshll.u32 s21, $0x9;
	s10 =	sand.u32 $0x50, s22;
	[dreg:$0xc] =	wrdreg s7  }
0x2a: {  	s7 =	sshll.u32 s19, $0x4;
	s9 =	sand.u32 $0x7FF000, s9;
	s10 =	sadd.s32 s1, s10  }
0x2b: {  	[dreg:$0xd] =	wrdreg s18;
	s7 =	sand.u32 $0x40, s7;
	s24 =	sadd.s32 s9, s10  }
0x2c: {  	s9 =	sshll.u32 s28, $0x9;
	s10 =	sand.u32 $0x70, s29;
	s7 =	sadd.s32 s1, s7  }
0x2d: {  	[dreg:$0xf] =	wrdreg s24;
	s9 =	sand.u32 $0x7FF000, s9;
	s7 =	sadd.s32 s8, s7  }
0x2e: {  	s10 =	sadd.s32 s1, s10;
	[dreg:$0xe] =	wrdreg s7;
	s7 =	sand.u32 $0x60, s25  }
0x2f: {  	s8 =	sand.u32 $0x7FF000, s26;
	s10 =	sadd.s32 s9, s10;
	s7 =	sadd.s32 s1, s7  }
0x30: {  	s4 =	sshrl.u32 s4, $0x3;
	[dreg:$0x11] =	wrdreg s10;
	s7 =	sadd.s32 s8, s7  }
0x31: {  	s5 =	sshrl.u32 s5, $0x3;
	s4 =	sadd.s32 s1, s4;
	[dreg:$0x10] =	wrdreg s7  }
0x32: {  	s14 =	sadd.s32 s1, s5;
	_ =	strace $0x80000047;
	[dreg:$0x13] =	wrdreg s4  }
0x33: {  	s15 =	sadd.s32 $0x1192, s2;
	[dreg:$0x14] =	wrdreg s14  }
0x34: {  	s17 =	sadd.s32 $0x1194, s2;
	[dreg:$0x16] =	wrdreg s15  }
0x35: {  	s18 =	sadd.s32 $0x1195, s2;
	[dreg:$0x17] =	wrdreg s17  }
0x36: {  	s23 =	sadd.s32 $0x119A, s2;
	s19 =	sadd.s32 $0x1196, s2;
	[dreg:$0x18] =	wrdreg s18  }
0x37: {  	s11 =	simm.s32 $0x400;
	s20 =	sadd.s32 $0x1197, s2;
	[dreg:$0x19] =	wrdreg s19  }
0x38: {  	s0 =	sshll.u32 s0, $0x6;
	s21 =	sadd.s32 $0x1198, s2;
	[dreg:$0x1a] =	wrdreg s20  }
0x39: {  	v0 =	vimm.s32 $0x76543210;
	v1 =	vimm.s32 $0xFEDCBA98;
	s12 =	simm.s32 $0xB;
	s30 =	sadd.s32 $0x1000, s3;
	[dreg:$0x1b] =	wrdreg s21  }
0x3a: {  	v2 =	vimm.s32 $0xBA98FEDC;
	v3 =	vimm.s32 $0x32107654;
	s31 =	smax.u32 s6, $0x1;
	s24 =	sadd.s32 $0x119C, s2;
	[dreg:$0x1c] =	wrdreg s23  }
0x3b: {  	v4 =	vimm.s32 $0xDCFE98BA;
	v5 =	vimm.s32 $0x54761032;
	s6 =	simm.s32 $0x7;
	s25 =	sadd.s32 $0x119D, s2;
	[dreg:$0x1d] =	wrdreg s24  }
0x3c: {  	v6 =	vimm.s32 $0xEFCDAB89;
	v7 =	vimm.s32 $0x67452301;
	s13 =	simm.s32 $0xC;
	s26 =	sadd.s32 $0x119E, s2;
	[dreg:$0x1e] =	wrdreg s25  }
0x3d: {  	v1 =	vunpack.c.l.s4.s8 v1;
	v0 =	vunpack.c.l.s4.s8 v0;
	v2 =	vunpack.c.l.s4.s8 v2;
	s5 =	sadd.s32 $0x1190, s2;
	s28 =	sadd.s32 $0x119F, s2;
	[dreg:$0x1f] =	wrdreg s26  }
0x3e: {  	v3 =	vunpack.c.l.s4.s8 v3;
	v4 =	vunpack.c.l.s4.s8 v4;
	v5 =	vunpack.c.l.s4.s8 v5;
	s22 =	sadd.s32 s1, s0;
	s29 =	sadd.s32 $0xE00, s3;
	[smem:$0x7FA] =	sst s28  }
0x3f: {  	v6 =	vunpack.c.l.s4.s8 v6;
	v7 =	vunpack.c.l.s4.s8 v7;
	v1 =	vunpack.c.0.s8.s32 v1;
	s3 =	simm.s32 $0x80;
	s9 =	sadd.s32 $0x10, s22;
	[smem:$0x7FB] =	sst s29  }
0x40: {  	v2 =	vunpack.c.0.s8.s32 v2;
	v3 =	vunpack.c.0.s8.s32 v3;
	v4 =	vunpack.c.0.s8.s32 v4;
	s10 =	sadd.s32 $0x30, s22;
	s2 =	simm.s32 $0xA;
	[smem:$0x7FC] =	sst s30  }
0x41: {  	v5 =	vunpack.c.0.s8.s32 v5;
	v6 =	vunpack.c.0.s8.s32 v6;
	v7 =	vunpack.c.0.s8.s32 v7;
	s8 =	simm.s32 $0x9;
	s7 =	simm.s32 $0x8;
	[smem:$0x7FD] =	sst s31  }
0x42: {  	v8 =	vunpack.c.0.s8.s32 v0;
	v0 =	vcombine.low v3, v2;
	s15 =	simm.s32 $0x1;
	s17 =	simm.s32 $0x2;
	s18 =	simm.s32 $0x3  }
0x43: {  	v3 =	vand.u32 $0xF, v1;
	v1 =	vcombine.low v5, v4;
	v2 =	vcombine.low v7, v6;
	s19 =	simm.s32 $0x4;
	s20 =	simm.s32 $0x5;
	s21 =	simm.s32 $0x6  }
0x44: {  	v7 =	vlaneseq.u32;
	v3 =	vcombine.low v3, v8;
	s14 =	simm.s32 $0xD;
	s23 =	simm.s32 $0xE;
	s24 =	simm.s32 $0xF  }
0x45: {  	v4 =	vand.u32 $0xF, v0;
	v5 =	vand.u32 $0xF, v1;
	v6 =	vand.u32 $0xF, v2;
	s25 =	simm.s32 $0x10;
	s26 =	simm.s32 $0x0;
	[dreg:$0x15] =	wrdreg s5  }
.LBB2_1:
0x46: {  	[smem:$0x7F9] =	sst s26  }
0x47: {  	s0 =	rddreg [dreg:$0x13]  }
0x48: {  	[tilespmem:s16], [sflag:$0x1] =	stream.strided.gather [hbm4b:s0+s3], $0x1000, s11, s3, $0x38;
	[tilespmem:$0x10100] =	vst v63  }
0x49: {  	s26 =	rddreg [dreg:$0x4];
	s4 =	simm.s32 $0x1000  }
0x4a: {  	[tilespmem:s4], [sflag:$0x2] =	stream.strided.gather [hbm4b:s26+s3], $0x1000, s11, s3, $0x38;
	[tilespmem:$0x10100] =	vst v63  }
0x4b: {  	s28 =	rddreg [dreg:$0x5];
	s29 =	simm.s32 $0x2000  }
0x4c: {  	[tilespmem:s29], [sflag:$0x3] =	stream.strided.gather [hbm4b:s28+s3], $0x1000, s11, s3, $0x38;
	[tilespmem:$0x10100] =	vst v63  }
0x4d: {  	s30 =	rddreg [dreg:$0x6];
	s31 =	simm.s32 $0x3000  }
0x4e: {  	[tilespmem:s31], [sflag:$0x4] =	stream.strided.gather [hbm4b:s30+s3], $0x1000, s11, s3, $0x38;
	[tilespmem:$0x10100] =	vst v63  }
0x4f: {  	s16 =	rddreg [dreg:$0x7];
	s26 =	simm.s32 $0x4000  }
0x50: {  	[tilespmem:s26], [sflag:$0x5] =	stream.strided.gather [hbm4b:s16+s3], $0x1000, s11, s3, $0x38;
	[tilespmem:$0x10100] =	vst v63  }
0x51: {  	s28 =	rddreg [dreg:$0x8];
	s29 =	simm.s32 $0x5000  }
0x52: {  	[tilespmem:s29], [sflag:$0x6] =	stream.strided.gather [hbm4b:s28+s3], $0x1000, s11, s3, $0x38;
	[tilespmem:$0x10100] =	vst v63  }
0x53: {  	s30 =	rddreg [dreg:$0x9];
	s31 =	simm.s32 $0x6000  }
0x54: {  	[tilespmem:s31], [sflag:$0x7] =	stream.strided.gather [hbm4b:s30+s3], $0x1000, s11, s3, $0x38;
	[tilespmem:$0x10100] =	vst v63  }
0x55: {  	s16 =	rddreg [dreg:$0xa];
	s26 =	simm.s32 $0x7000  }
0x56: {  	[tilespmem:s26], [sflag:$0x8] =	stream.strided.gather [hbm4b:s16+s3], $0x1000, s11, s3, $0x38;
	[tilespmem:$0x10100] =	vst v63  }
0x57: {  	s28 =	rddreg [dreg:$0x14];
	s29 =	simm.s32 $0x8000  }
0x58: {  	[tilespmem:s29], [sflag:$0x9] =	stream.strided.gather [hbm4b:s28+s3], $0x1000, s11, s3, $0x38;
	[tilespmem:$0x10100] =	vst v63  }
0x59: {  	s30 =	rddreg [dreg:$0xb];
	s31 =	simm.s32 $0x9000  }
0x5a: {  	[tilespmem:s31], [sflag:$0xA] =	stream.strided.gather [hbm4b:s30+s3], $0x1000, s11, s3, $0x38;
	[tilespmem:$0x10100] =	vst v63  }
0x5b: {  	s16 =	rddreg [dreg:$0xc];
	s26 =	simm.s32 $0xA000  }
0x5c: {  	[tilespmem:s26], [sflag:$0xB] =	stream.strided.gather [hbm4b:s16+s3], $0x1000, s11, s3, $0x38;
	[tilespmem:$0x10100] =	vst v63  }
0x5d: {  	s28 =	rddreg [dreg:$0xd];
	s29 =	simm.s32 $0xB000  }
0x5e: {  	[tilespmem:s29], [sflag:$0xC] =	stream.strided.gather [hbm4b:s28+s3], $0x1000, s11, s3, $0x38;
	[tilespmem:$0x10100] =	vst v63  }
0x5f: {  	s30 =	rddreg [dreg:$0xe];
	s31 =	simm.s32 $0xC000  }
0x60: {  	[tilespmem:s31], [sflag:$0xD] =	stream.strided.gather [hbm4b:s30+s3], $0x1000, s11, s3, $0x38;
	[tilespmem:$0x10100] =	vst v63  }
0x61: {  	s16 =	rddreg [dreg:$0xf];
	s26 =	simm.s32 $0xD000  }
0x62: {  	[tilespmem:s26], [sflag:$0xE] =	stream.strided.gather [hbm4b:s16+s3], $0x1000, s11, s3, $0x38;
	[tilespmem:$0x10100] =	vst v63  }
0x63: {  	s28 =	rddreg [dreg:$0x10];
	s29 =	simm.s32 $0xE000  }
0x64: {  	[tilespmem:s29], [sflag:$0xF] =	stream.strided.gather [hbm4b:s28+s3], $0x1000, s11, s3, $0x38;
	[tilespmem:$0x10100] =	vst v63  }
0x65: {  	s30 =	rddreg [dreg:$0x11];
	s31 =	simm.s32 $0xF000;
	s26 =	simm.s32 $0x0  }
0x66: {  	v9 =	vimm.f32 $-Inf;
	v8 =	vimm.s32 $0x0;
	[tilespmem:s31], [sflag:$0x10] =	stream.strided.gather [hbm4b:s30+s3], $0x1000, s11, s3, $0x38;
	[tilespmem:$0x10100] =	vst v63  }
.LBB2_2:
0x67: {  	_ =	swait.ge [sflag:s15], $0x1000  }
0x68: {  	[sflag:s15] =	ssyncset.done $0x0  }
0x69: {  	s16 =	simm.s32 $0x0;
	[sflag:s15] =	ssyncadd.s32 $0xFFFFF000  }
0x6a: {  	v21 =	vld [tilespmem:s16+$0x40]  }
0x6b: {  	v11 =	vld [tilespmem:s16+$0x50]  }
0x6c: {  	v12 =	vld [tilespmem:s16+$0x60]  }
0x6d: {  	v14 =	vld [tilespmem:s16+$0x0]  }
0x6e: {  	v10 =	vimm.f32 $-Inf;
	v13 =	vld [tilespmem:s16+$0x10]  }
0x6f: {  	s28 =	simm.s32 $0x200;
	v16 =	vimm.f32 $-Inf;
	v18 =	vimm.f32 $-Inf;
	v20 =	vimm.f32 $-Inf;
	v19 =	vld [tilespmem:s16+$0x20]  }
.LBB2_3:
0x70: {  	p0 =	sne.s32 s28, $0x3E00;
	v15 =	vld [tilespmem:s16+$0x30];
	v17 =	vmov v11  }
0x71: {  	v22 =	vld [tilespmem:s16+$0x70];
	s16 =	sshra.s32 s28, $0x2;
	v23 =	vmov v12  }
0x72: {  	v24 =	vld [tilespmem:s16+$0x40]  }
.Ltmp0:
0x73: {  	v10 =	vmax.f32 v10, v14;
	v11 =	vld [tilespmem:s16+$0x50];
	(pc) =	sbr.rel @p0 .LBB2_3-.Ltmp0, $4  }
0x74: {  	v10 =	vmax.f32 v10, v21;
	v12 =	vld [tilespmem:s16+$0x60]  }
0x75: {  	v16 =	vmax.f32 v16, v13;
	v18 =	vmax.f32 v18, v19;
	v14 =	vld [tilespmem:s16+$0x0];
	v15 =	vmax.f32 v20, v15  }
0x76: {  	v16 =	vmax.f32 v16, v17;
	v18 =	vmax.f32 v18, v23;
	v13 =	vld [tilespmem:s16+$0x10];
	v20 =	vmax.f32 v15, v22  }
0x77: {  	s28 =	sadd.s32 $0x200, s28;
	v19 =	vld [tilespmem:s16+$0x20];
	v21 =	vmov v24  }
0x78: {  	s28 =	sshll.u32 s26, $0x4  }
0x79: {  	s29 =	sadd.s32 s28, s5  }
0x7a: {  	s29 =	sshll.u32 s29, $0x9  }
0x7b: {  	s29 =	sand.u32 $0xFFFF000, s29  }
0x7c: {  	v22 =	vld [tilespmem:s16+$0x30];
	s30 =	simm.s32 $0x0;
	s31 =	sadd.s32 s29, s22  }
0x7d: {  	v23 =	vld [tilespmem:s16+$0x70];
	[tilespmem:s30], [sflag:$0x1] =	stream.strided.gather [hbm4b:s31+s3], $0x1000, s11, s3, $0x38  }
0x7e: {  	_ =	swait.ge [sflag:s17], $0x1000  }
0x7f: {  	[sflag:s17] =	ssyncset.done $0x0  }
0x80: {  	s16 =	simm.s32 $0x0;
	[sflag:s17] =	ssyncadd.s32 $0xFFFFF000  }
0x81: {  	v17 =	vld [tilespmem:s16+$0x1040]  }
0x82: {  	v15 =	vld [tilespmem:s16+$0x1050]  }
0x83: {  	v24 =	vimm.f32 $-Inf;
	v10 =	vmax.f32 v10, v14;
	v13 =	vmax.f32 v16, v13;
	v16 =	vld [tilespmem:s16+$0x1060]  }
0x84: {  	v10 =	vmax.f32 v10, v21;
	v21 =	vimm.f32 $-Inf;
	v18 =	vmax.f32 v18, v19;
	v14 =	vld [tilespmem:s16+$0x1000]  }
0x85: {  	v11 =	vmax.f32 v13, v11;
	v19 =	vmax.f32 v20, v22;
	v12 =	vmax.f32 v18, v12;
	v20 =	vld [tilespmem:s16+$0x1010]  }
0x86: {  	s30 =	simm.s32 $0x200;
	v13 =	vmax.f32 v19, v23;
	v19 =	vimm.f32 $-Inf;
	v23 =	vimm.f32 $-Inf;
	v22 =	vld [tilespmem:s16+$0x1020]  }
.LBB2_5:
0x87: {  	p0 =	sne.s32 s30, $0x3E00;
	v18 =	vld [tilespmem:s16+$0x1030];
	v25 =	vmov v15  }
0x88: {  	v26 =	vld [tilespmem:s16+$0x1070];
	s16 =	sshra.s32 s30, $0x2;
	v27 =	vmov v16  }
0x89: {  	v28 =	vld [tilespmem:s16+$0x1040]  }
.Ltmp1:
0x8a: {  	v14 =	vmax.f32 v19, v14;
	v15 =	vld [tilespmem:s16+$0x1050];
	(pc) =	sbr.rel @p0 .LBB2_5-.Ltmp1, $4  }
0x8b: {  	v19 =	vmax.f32 v14, v17;
	v16 =	vld [tilespmem:s16+$0x1060]  }
0x8c: {  	v29 =	vmax.f32 v24, v20;
	v21 =	vmax.f32 v21, v22;
	v14 =	vld [tilespmem:s16+$0x1000];
	v18 =	vmax.f32 v23, v18  }
0x8d: {  	v24 =	vmax.f32 v29, v25;
	v21 =	vmax.f32 v21, v27;
	v20 =	vld [tilespmem:s16+$0x1010];
	v23 =	vmax.f32 v18, v26  }
0x8e: {  	s30 =	sadd.s32 $0x200, s30;
	v22 =	vld [tilespmem:s16+$0x1020];
	v17 =	vmov v28  }
0x8f: {  	v25 =	vld [tilespmem:s16+$0x1030];
	s31 =	sadd.s32 s29, s9;
	s0 =	simm.s32 $0x1000  }
0x90: {  	v26 =	vld [tilespmem:s16+$0x1070];
	[tilespmem:s0], [sflag:$0x2] =	stream.strided.gather [hbm4b:s31+s3], $0x1000, s11, s3, $0x38  }
0x91: {  	_ =	swait.ge [sflag:s18], $0x1000  }
0x92: {  	[sflag:s18] =	ssyncset.done $0x0  }
0x93: {  	s16 =	simm.s32 $0x0;
	[sflag:s18] =	ssyncadd.s32 $0xFFFFF000  }
0x94: {  	v18 =	vld [tilespmem:s16+$0x2040]  }
0x95: {  	v14 =	vmax.f32 v19, v14;
	v19 =	vld [tilespmem:s16+$0x2050]  }
0x96: {  	v14 =	vmax.f32 v14, v17;
	v17 =	vmax.f32 v24, v20;
	v20 =	vld [tilespmem:s16+$0x2060]  }
0x97: {  	v27 =	vimm.f32 $-Inf;
	v24 =	vimm.f32 $-Inf;
	v22 =	vmax.f32 v21, v22;
	v21 =	vld [tilespmem:s16+$0x2000]  }
0x98: {  	v15 =	vmax.f32 v17, v15;
	v23 =	vmax.f32 v23, v25;
	v16 =	vmax.f32 v22, v16;
	v22 =	vld [tilespmem:s16+$0x2010]  }
0x99: {  	s30 =	simm.s32 $0x200;
	v25 =	vimm.f32 $-Inf;
	v17 =	vmax.f32 v23, v26;
	v23 =	vimm.f32 $-Inf;
	v26 =	vld [tilespmem:s16+$0x2020]  }
.LBB2_7:
0x9a: {  	p0 =	sne.s32 s30, $0x3E00;
	v28 =	vld [tilespmem:s16+$0x2030];
	v29 =	vmov v19  }
0x9b: {  	v30 =	vld [tilespmem:s16+$0x2070];
	s16 =	sshra.s32 s30, $0x2;
	v31 =	vmov v20  }
0x9c: {  	v32 =	vld [tilespmem:s16+$0x2040]  }
.Ltmp2:
0x9d: {  	v21 =	vmax.f32 v23, v21;
	v19 =	vld [tilespmem:s16+$0x2050];
	(pc) =	sbr.rel @p0 .LBB2_7-.Ltmp2, $4  }
0x9e: {  	v23 =	vmax.f32 v21, v18;
	v20 =	vld [tilespmem:s16+$0x2060]  }
0x9f: {  	v33 =	vmax.f32 v24, v22;
	v25 =	vmax.f32 v25, v26;
	v21 =	vld [tilespmem:s16+$0x2000];
	v26 =	vmax.f32 v27, v28  }
0xa0: {  	v24 =	vmax.f32 v33, v29;
	v25 =	vmax.f32 v25, v31;
	v22 =	vld [tilespmem:s16+$0x2010];
	v27 =	vmax.f32 v26, v30  }
0xa1: {  	s30 =	sadd.s32 $0x200, s30;
	v26 =	vld [tilespmem:s16+$0x2020];
	v18 =	vmov v32  }
0xa2: {  	s0 =	rddreg [dreg:$0x16]  }
0xa3: {  	s30 =	sadd.s32 s28, s0  }
0xa4: {  	s31 =	sshll.u32 s30, $0x4  }
0xa5: {  	s30 =	sshll.u32 s30, $0x9;
	s31 =	sand.u32 $0x60, s31  }
0xa6: {  	s30 =	sand.u32 $0xFFFF000, s30;
	s31 =	sadd.s32 s1, s31  }
0xa7: {  	v29 =	vld [tilespmem:s16+$0x2030];
	s4 =	sadd.s32 s30, s31;
	s31 =	simm.s32 $0x2000  }
0xa8: {  	v30 =	vld [tilespmem:s16+$0x2070];
	[tilespmem:s31], [sflag:$0x3] =	stream.strided.gather [hbm4b:s4+s3], $0x1000, s11, s3, $0x38  }
0xa9: {  	_ =	swait.ge [sflag:s19], $0x1000  }
0xaa: {  	[sflag:s19] =	ssyncset.done $0x0  }
0xab: {  	s16 =	simm.s32 $0x0;
	[sflag:s19] =	ssyncadd.s32 $0xFFFFF000  }
0xac: {  	v28 =	vld [tilespmem:s16+$0x3040]  }
0xad: {  	v21 =	vmax.f32 v23, v21;
	v23 =	vld [tilespmem:s16+$0x3050]  }
0xae: {  	v18 =	vmax.f32 v21, v18;
	v21 =	vmax.f32 v24, v22;
	v24 =	vld [tilespmem:s16+$0x3060]  }
0xaf: {  	v32 =	vimm.f32 $-Inf;
	v25 =	vmax.f32 v25, v26;
	v19 =	vmax.f32 v21, v19;
	v22 =	vld [tilespmem:s16+$0x3000]  }
0xb0: {  	v26 =	vmax.f32 v27, v29;
	v20 =	vmax.f32 v25, v20;
	v27 =	vimm.f32 $-Inf;
	v25 =	vld [tilespmem:s16+$0x3010]  }
0xb1: {  	s30 =	simm.s32 $0x200;
	v21 =	vmax.f32 v26, v30;
	v26 =	vimm.f32 $-Inf;
	v30 =	vimm.f32 $-Inf;
	v31 =	vld [tilespmem:s16+$0x3020]  }
.LBB2_9:
0xb2: {  	p0 =	sne.s32 s30, $0x3E00;
	v29 =	vld [tilespmem:s16+$0x3030];
	v33 =	vmov v23  }
0xb3: {  	v34 =	vld [tilespmem:s16+$0x3070];
	s16 =	sshra.s32 s30, $0x2;
	v35 =	vmov v24  }
0xb4: {  	v36 =	vld [tilespmem:s16+$0x3040]  }
.Ltmp3:
0xb5: {  	v22 =	vmax.f32 v26, v22;
	v23 =	vld [tilespmem:s16+$0x3050];
	(pc) =	sbr.rel @p0 .LBB2_9-.Ltmp3, $4  }
0xb6: {  	v26 =	vmax.f32 v22, v28;
	v24 =	vld [tilespmem:s16+$0x3060]  }
0xb7: {  	v27 =	vmax.f32 v27, v25;
	v37 =	vmax.f32 v30, v31;
	v22 =	vld [tilespmem:s16+$0x3000];
	v29 =	vmax.f32 v32, v29  }
0xb8: {  	v27 =	vmax.f32 v27, v33;
	v30 =	vmax.f32 v37, v35;
	v25 =	vld [tilespmem:s16+$0x3010];
	v32 =	vmax.f32 v29, v34  }
0xb9: {  	s30 =	sadd.s32 $0x200, s30;
	v31 =	vld [tilespmem:s16+$0x3020];
	v28 =	vmov v36  }
0xba: {  	v33 =	vld [tilespmem:s16+$0x3030];
	s31 =	sadd.s32 s29, s10;
	s0 =	simm.s32 $0x3000  }
0xbb: {  	v34 =	vld [tilespmem:s16+$0x3070];
	[tilespmem:s0], [sflag:$0x4] =	stream.strided.gather [hbm4b:s31+s3], $0x1000, s11, s3, $0x38  }
0xbc: {  	_ =	swait.ge [sflag:s20], $0x1000  }
0xbd: {  	[sflag:s20] =	ssyncset.done $0x0  }
0xbe: {  	s29 =	simm.s32 $0x0;
	[sflag:s20] =	ssyncadd.s32 $0xFFFFF000  }
0xbf: {  	v29 =	vld [tilespmem:s29+$0x4040]  }
0xc0: {  	v22 =	vmax.f32 v26, v22;
	v26 =	vld [tilespmem:s29+$0x4050]  }
0xc1: {  	v35 =	vimm.f32 $-Inf;
	v25 =	vmax.f32 v27, v25;
	v27 =	vld [tilespmem:s29+$0x4060]  }
0xc2: {  	v22 =	vmax.f32 v22, v28;
	v28 =	vmax.f32 v30, v31;
	v30 =	vmax.f32 v32, v33;
	v31 =	vld [tilespmem:s29+$0x4000]  }
0xc3: {  	v23 =	vmax.f32 v25, v23;
	v24 =	vmax.f32 v28, v24;
	v25 =	vmax.f32 v30, v34;
	v30 =	vld [tilespmem:s29+$0x4010]  }
0xc4: {  	s16 =	simm.s32 $0x200;
	v32 =	vimm.f32 $-Inf;
	v33 =	vimm.f32 $-Inf;
	v28 =	vimm.f32 $-Inf;
	v34 =	vld [tilespmem:s29+$0x4020]  }
.LBB2_11:
0xc5: {  	p0 =	sne.s32 s16, $0x3E00;
	v36 =	vld [tilespmem:s29+$0x4030];
	v37 =	vmov v26  }
0xc6: {  	v38 =	vld [tilespmem:s29+$0x4070];
	s29 =	sshra.s32 s16, $0x2;
	v39 =	vmov v27  }
0xc7: {  	v40 =	vld [tilespmem:s29+$0x4040]  }
.Ltmp4:
0xc8: {  	v31 =	vmax.f32 v32, v31;
	v26 =	vld [tilespmem:s29+$0x4050];
	(pc) =	sbr.rel @p0 .LBB2_11-.Ltmp4, $4  }
0xc9: {  	v32 =	vmax.f32 v31, v29;
	v27 =	vld [tilespmem:s29+$0x4060]  }
0xca: {  	v41 =	vmax.f32 v35, v30;
	v33 =	vmax.f32 v33, v34;
	v31 =	vld [tilespmem:s29+$0x4000];
	v28 =	vmax.f32 v28, v36  }
0xcb: {  	v35 =	vmax.f32 v41, v37;
	v33 =	vmax.f32 v33, v39;
	v30 =	vld [tilespmem:s29+$0x4010];
	v28 =	vmax.f32 v28, v38  }
0xcc: {  	s16 =	sadd.s32 $0x200, s16;
	v34 =	vld [tilespmem:s29+$0x4020];
	v29 =	vmov v40  }
0xcd: {  	p0 =	seq.s32 s26, $0x6;
	s0 =	rddreg [dreg:$0x17]  }
0xce: {  	s16 =	sadd.s32 @!p0 s28, s0  }
0xcf: {  	s30 =	sshll.u32 @!p0 s16, $0x4  }
0xd0: {  	v36 =	vld [tilespmem:s29+$0x4030];
	v10 =	vmax.f32 v10, v12;
	v11 =	vmax.f32 v11, v13;
	v13 =	vmax.f32 v15, v17;
	s16 =	sshll.u32 @!p0 s16, $0x9;
	s30 =	sand.u32 @!p0 $0x40, s30  }
0xd1: {  	v12 =	vld [tilespmem:s29+$0x4070];
	v17 =	vmax.f32 v23, v25;
	v10 =	vmax.f32 v10, v11;
	v11 =	vmax.f32 v14, v16;
	s29 =	simm.s32 @!p0 $0x80;
	s16 =	sand.u32 @!p0 $0xFFFF000, s16;
	s30 =	sadd.s32 @!p0 s1, s30  }
0xd2: {  	s31 =	simm.s32 @!p0 $0x4000;
	v31 =	vmax.f32 v32, v31;
	vm0 =	vgt.f32 v10, v9;
	v9 =	vmax.f32 v9, v10;
	s16 =	sadd.s32 @!p0 s16, s30;
	s30 =	simm.s32 @!p0 $0x400  }
0xd3: {  	v10 =	vmax.f32 v11, v13;
	v11 =	vmax.f32 v19, v21;
	v19 =	vimm.f32 $-Inf;
	[tilespmem:s31], [sflag:$0x5] =	stream.strided.gather @!p0 [hbm4b:s16+s29], $0x1000, s30, s29, $0x38;
	[tilespmem:$0x10100] =	vst v63  }
0xd4: {  	v29 =	vmax.f32 v31, v29;
	v30 =	vmax.f32 v35, v30;
	v8 =	vsel vm0, s28, v8;
	_ =	swait.ge [sflag:s21], $0x1000  }
0xd5: {  	vm13 =	vgt.f32 v10, v9;
	v9 =	vmax.f32 v9, v10;
	v10 =	vmax.f32 v18, v20;
	[sflag:s21] =	ssyncset.done $0x0  }
0xd6: {  	v20 =	vimm.f32 $-Inf;
	v63 =	vmax.f32 v33, v34;
	v15 =	vmax.f32 v30, v26;
	s29 =	simm.s32 $0x0;
	[sflag:s21] =	ssyncadd.s32 $0xFFFFF000  }
0xd7: {  	v10 =	vmax.f32 v10, v11;
	v11 =	vmax.f32 v22, v24;
	v14 =	vmax.f32 v28, v36;
	v13 =	vld [tilespmem:s29+$0x5040]  }
0xd8: {  	s0 =	sor.u32 $0x1, s28;
	vm14 =	vgt.f32 v10, v9;
	v9 =	vmax.f32 v9, v10;
	v10 =	vmax.f32 v11, v17;
	v11 =	vld [tilespmem:s29+$0x5050]  }
0xd9: {  	s4 =	sor.u32 $0x2, s28;
	v8 =	vsel vm13, s0, v8;
	v16 =	vmax.f32 v63, v27;
	v14 =	vmax.f32 v14, v12;
	v12 =	vld [tilespmem:s29+$0x5060]  }
0xda: {  	v8 =	vsel vm14, s4, v8;
	v16 =	vmax.f32 v29, v16;
	v14 =	vmax.f32 v15, v14;
	v15 =	vld [tilespmem:s29+$0x5000]  }
0xdb: {  	s31 =	sor.u32 $0x3, s28;
	vm15 =	vgt.f32 v10, v9;
	v9 =	vmax.f32 v9, v10;
	v10 =	vmax.f32 v16, v14;
	v14 =	vld [tilespmem:s29+$0x5010]  }
0xdc: {  	v17 =	vimm.f32 $-Inf;
	s30 =	sor.u32 $0x4, s28;
	s16 =	simm.s32 $0x200;
	v8 =	vsel vm15, s31, v8;
	v16 =	vimm.f32 $-Inf;
	v18 =	vld [tilespmem:s29+$0x5020]  }
.LBB2_13:
0xdd: {  	p1 =	sne.s32 s16, $0x3E00;
	v21 =	vld [tilespmem:s29+$0x5030];
	v22 =	vmov v11  }
0xde: {  	v23 =	vld [tilespmem:s29+$0x5070];
	s29 =	sshra.s32 s16, $0x2;
	v24 =	vmov v12  }
0xdf: {  	v25 =	vld [tilespmem:s29+$0x5040]  }
.Ltmp5:
0xe0: {  	v15 =	vmax.f32 v16, v15;
	v11 =	vld [tilespmem:s29+$0x5050];
	(pc) =	sbr.rel @p1 .LBB2_13-.Ltmp5, $4  }
0xe1: {  	v16 =	vmax.f32 v15, v13;
	v12 =	vld [tilespmem:s29+$0x5060]  }
0xe2: {  	v26 =	vmax.f32 v20, v14;
	v17 =	vmax.f32 v17, v18;
	v15 =	vld [tilespmem:s29+$0x5000];
	v18 =	vmax.f32 v19, v21  }
0xe3: {  	v20 =	vmax.f32 v26, v22;
	v17 =	vmax.f32 v17, v24;
	v14 =	vld [tilespmem:s29+$0x5010];
	v19 =	vmax.f32 v18, v23  }
0xe4: {  	s16 =	sadd.s32 $0x200, s16;
	v18 =	vld [tilespmem:s29+$0x5020];
	v13 =	vmov v25  }
0xe5: {  	s0 =	rddreg [dreg:$0x18]  }
0xe6: {  	s16 =	sadd.s32 @!p0 s28, s0  }
0xe7: {  	s31 =	sshll.u32 @!p0 s16, $0x4  }
0xe8: {  	v21 =	vld [tilespmem:s29+$0x5030];
	s16 =	sshll.u32 @!p0 s16, $0x9;
	s31 =	sand.u32 @!p0 $0x50, s31  }
0xe9: {  	v22 =	vld [tilespmem:s29+$0x5070];
	s29 =	simm.s32 @!p0 $0x80;
	s16 =	sand.u32 @!p0 $0xFFFF000, s16;
	s31 =	sadd.s32 @!p0 s1, s31  }
0xea: {  	s0 =	simm.s32 @!p0 $0x5000;
	s16 =	sadd.s32 @!p0 s16, s31;
	s31 =	simm.s32 @!p0 $0x400  }
0xeb: {  	[tilespmem:s0], [sflag:$0x6] =	stream.strided.gather @!p0 [hbm4b:s16+s29], $0x1000, s31, s29, $0x38;
	[tilespmem:$0x10100] =	vst v63  }
0xec: {  	_ =	swait.ge [sflag:s6], $0x1000  }
0xed: {  	[sflag:s6] =	ssyncset.done $0x0  }
0xee: {  	v15 =	vmax.f32 v16, v15;
	s31 =	simm.s32 $0x0;
	[sflag:s6] =	ssyncadd.s32 $0xFFFFF000  }
0xef: {  	v15 =	vmax.f32 v15, v13;
	v14 =	vmax.f32 v20, v14;
	v13 =	vld [tilespmem:s31+$0x6040]  }
0xf0: {  	v16 =	vmax.f32 v17, v18;
	v14 =	vmax.f32 v14, v11;
	v17 =	vmax.f32 v19, v21;
	v11 =	vld [tilespmem:s31+$0x6050]  }
0xf1: {  	vm0 =	vgt.f32 v10, v9;
	v16 =	vmax.f32 v16, v12;
	v17 =	vmax.f32 v17, v22;
	v12 =	vld [tilespmem:s31+$0x6060]  }
0xf2: {  	v9 =	vmax.f32 v9, v10;
	v16 =	vmax.f32 v15, v16;
	v14 =	vmax.f32 v14, v17;
	v15 =	vld [tilespmem:s31+$0x6000]  }
0xf3: {  	v8 =	vsel vm0, s30, v8;
	v20 =	vimm.f32 $-Inf;
	v10 =	vmax.f32 v16, v14;
	v14 =	vld [tilespmem:s31+$0x6010]  }
0xf4: {  	v19 =	vimm.f32 $-Inf;
	s29 =	sor.u32 $0x5, s28;
	s16 =	simm.s32 $0x200;
	v17 =	vimm.f32 $-Inf;
	v16 =	vimm.f32 $-Inf;
	v18 =	vld [tilespmem:s31+$0x6020]  }
.LBB2_15:
0xf5: {  	p1 =	sne.s32 s16, $0x3E00;
	v21 =	vld [tilespmem:s31+$0x6030];
	v22 =	vmov v11  }
0xf6: {  	v23 =	vld [tilespmem:s31+$0x6070];
	s31 =	sshra.s32 s16, $0x2;
	v24 =	vmov v12  }
0xf7: {  	v25 =	vld [tilespmem:s31+$0x6040]  }
.Ltmp6:
0xf8: {  	v15 =	vmax.f32 v16, v15;
	v11 =	vld [tilespmem:s31+$0x6050];
	(pc) =	sbr.rel @p1 .LBB2_15-.Ltmp6, $4  }
0xf9: {  	v16 =	vmax.f32 v15, v13;
	v12 =	vld [tilespmem:s31+$0x6060]  }
0xfa: {  	v26 =	vmax.f32 v20, v14;
	v17 =	vmax.f32 v17, v18;
	v15 =	vld [tilespmem:s31+$0x6000];
	v18 =	vmax.f32 v19, v21  }
0xfb: {  	v20 =	vmax.f32 v26, v22;
	v17 =	vmax.f32 v17, v24;
	v14 =	vld [tilespmem:s31+$0x6010];
	v19 =	vmax.f32 v18, v23  }
0xfc: {  	s16 =	sadd.s32 $0x200, s16;
	v18 =	vld [tilespmem:s31+$0x6020];
	v13 =	vmov v25  }
0xfd: {  	s0 =	rddreg [dreg:$0x19]  }
0xfe: {  	s0 =	sadd.s32 @!p0 s28, s0  }
0xff: {  	s16 =	sshll.u32 @!p0 s0, $0x4  }
0x100: {  	s0 =	sshll.u32 @!p0 s0, $0x9;
	s16 =	sand.u32 @!p0 $0x60, s16  }
0x101: {  	v21 =	vld [tilespmem:s31+$0x6030];
	s30 =	simm.s32 @!p0 $0x400;
	s0 =	sand.u32 @!p0 $0xFFFF000, s0;
	s16 =	sadd.s32 @!p0 s1, s16  }
0x102: {  	v22 =	vld [tilespmem:s31+$0x6070];
	s31 =	simm.s32 @!p0 $0x6000;
	s0 =	sadd.s32 @!p0 s0, s16;
	s16 =	simm.s32 @!p0 $0x80  }
0x103: {  	[tilespmem:s31], [sflag:$0x7] =	stream.strided.gather @!p0 [hbm4b:s0+s16], $0x1000, s30, s16, $0x38;
	[tilespmem:$0x10100] =	vst v63  }
0x104: {  	_ =	swait.ge [sflag:s7], $0x1000  }
0x105: {  	[sflag:s7] =	ssyncset.done $0x0  }
0x106: {  	v15 =	vmax.f32 v16, v15;
	s30 =	simm.s32 $0x0;
	[sflag:s7] =	ssyncadd.s32 $0xFFFFF000  }
0x107: {  	v15 =	vmax.f32 v15, v13;
	v14 =	vmax.f32 v20, v14;
	v13 =	vld [tilespmem:s30+$0x7040]  }
0x108: {  	v16 =	vmax.f32 v17, v18;
	v14 =	vmax.f32 v14, v11;
	v17 =	vmax.f32 v19, v21;
	v11 =	vld [tilespmem:s30+$0x7050]  }
0x109: {  	vm0 =	vgt.f32 v10, v9;
	v16 =	vmax.f32 v16, v12;
	v17 =	vmax.f32 v17, v22;
	v12 =	vld [tilespmem:s30+$0x7060]  }
0x10a: {  	v9 =	vmax.f32 v9, v10;
	v16 =	vmax.f32 v15, v16;
	v14 =	vmax.f32 v14, v17;
	v15 =	vld [tilespmem:s30+$0x7000]  }
0x10b: {  	v8 =	vsel vm0, s29, v8;
	v20 =	vimm.f32 $-Inf;
	v10 =	vmax.f32 v16, v14;
	v14 =	vld [tilespmem:s30+$0x7010]  }
0x10c: {  	s29 =	sor.u32 $0x6, s28;
	v19 =	vimm.f32 $-Inf;
	s16 =	simm.s32 $0x200;
	v17 =	vimm.f32 $-Inf;
	v16 =	vimm.f32 $-Inf;
	v18 =	vld [tilespmem:s30+$0x7020]  }
.LBB2_17:
0x10d: {  	p1 =	sne.s32 s16, $0x3E00;
	v21 =	vld [tilespmem:s30+$0x7030];
	v22 =	vmov v11  }
0x10e: {  	v23 =	vld [tilespmem:s30+$0x7070];
	s30 =	sshra.s32 s16, $0x2;
	v24 =	vmov v12  }
0x10f: {  	v25 =	vld [tilespmem:s30+$0x7040]  }
.Ltmp7:
0x110: {  	v15 =	vmax.f32 v16, v15;
	v11 =	vld [tilespmem:s30+$0x7050];
	(pc) =	sbr.rel @p1 .LBB2_17-.Ltmp7, $4  }
0x111: {  	v16 =	vmax.f32 v15, v13;
	v12 =	vld [tilespmem:s30+$0x7060]  }
0x112: {  	v26 =	vmax.f32 v20, v14;
	v17 =	vmax.f32 v17, v18;
	v15 =	vld [tilespmem:s30+$0x7000];
	v18 =	vmax.f32 v19, v21  }
0x113: {  	v20 =	vmax.f32 v26, v22;
	v17 =	vmax.f32 v17, v24;
	v14 =	vld [tilespmem:s30+$0x7010];
	v19 =	vmax.f32 v18, v23  }
0x114: {  	s16 =	sadd.s32 $0x200, s16;
	v18 =	vld [tilespmem:s30+$0x7020];
	v13 =	vmov v25  }
0x115: {  	s0 =	rddreg [dreg:$0x1a]  }
0x116: {  	s0 =	sadd.s32 @!p0 s28, s0  }
0x117: {  	s16 =	sshll.u32 @!p0 s0, $0x4  }
0x118: {  	v21 =	vld [tilespmem:s30+$0x7030];
	s0 =	sshll.u32 @!p0 s0, $0x9;
	s16 =	sand.u32 @!p0 $0x70, s16  }
0x119: {  	v22 =	vld [tilespmem:s30+$0x7070];
	s30 =	simm.s32 @!p0 $0x400;
	s0 =	sand.u32 @!p0 $0xFFFF000, s0;
	s16 =	sadd.s32 @!p0 s1, s16  }
0x11a: {  	s31 =	simm.s32 @!p0 $0x7000;
	s0 =	sadd.s32 @!p0 s0, s16;
	s16 =	simm.s32 @!p0 $0x80  }
0x11b: {  	[tilespmem:s31], [sflag:$0x8] =	stream.strided.gather @!p0 [hbm4b:s0+s16], $0x1000, s30, s16, $0x38;
	[tilespmem:$0x10100] =	vst v63  }
0x11c: {  	_ =	swait.ge [sflag:s8], $0x1000  }
0x11d: {  	[sflag:s8] =	ssyncset.done $0x0  }
0x11e: {  	v15 =	vmax.f32 v16, v15;
	s31 =	simm.s32 $0x0;
	[sflag:s8] =	ssyncadd.s32 $0xFFFFF000  }
0x11f: {  	v15 =	vmax.f32 v15, v13;
	v14 =	vmax.f32 v20, v14;
	v13 =	vld [tilespmem:s31+$0x8040]  }
0x120: {  	v16 =	vmax.f32 v17, v18;
	v14 =	vmax.f32 v14, v11;
	v17 =	vmax.f32 v19, v21;
	v11 =	vld [tilespmem:s31+$0x8050]  }
0x121: {  	vm0 =	vgt.f32 v10, v9;
	v16 =	vmax.f32 v16, v12;
	v17 =	vmax.f32 v17, v22;
	v12 =	vld [tilespmem:s31+$0x8060]  }
0x122: {  	v9 =	vmax.f32 v9, v10;
	v16 =	vmax.f32 v15, v16;
	v14 =	vmax.f32 v14, v17;
	v15 =	vld [tilespmem:s31+$0x8000]  }
0x123: {  	v8 =	vsel vm0, s29, v8;
	v20 =	vimm.f32 $-Inf;
	v10 =	vmax.f32 v16, v14;
	v14 =	vld [tilespmem:s31+$0x8010]  }
0x124: {  	v19 =	vimm.f32 $-Inf;
	s30 =	sor.u32 $0x7, s28;
	s16 =	simm.s32 $0x200;
	v17 =	vimm.f32 $-Inf;
	v16 =	vimm.f32 $-Inf;
	v18 =	vld [tilespmem:s31+$0x8020]  }
.LBB2_19:
0x125: {  	p1 =	sne.s32 s16, $0x3E00;
	v21 =	vld [tilespmem:s31+$0x8030];
	v22 =	vmov v11  }
0x126: {  	v23 =	vld [tilespmem:s31+$0x8070];
	s31 =	sshra.s32 s16, $0x2;
	v24 =	vmov v12  }
0x127: {  	v25 =	vld [tilespmem:s31+$0x8040]  }
.Ltmp8:
0x128: {  	v15 =	vmax.f32 v16, v15;
	v11 =	vld [tilespmem:s31+$0x8050];
	(pc) =	sbr.rel @p1 .LBB2_19-.Ltmp8, $4  }
0x129: {  	v16 =	vmax.f32 v15, v13;
	v12 =	vld [tilespmem:s31+$0x8060]  }
0x12a: {  	v26 =	vmax.f32 v20, v14;
	v17 =	vmax.f32 v17, v18;
	v15 =	vld [tilespmem:s31+$0x8000];
	v18 =	vmax.f32 v19, v21  }
0x12b: {  	v20 =	vmax.f32 v26, v22;
	v17 =	vmax.f32 v17, v24;
	v14 =	vld [tilespmem:s31+$0x8010];
	v19 =	vmax.f32 v18, v23  }
0x12c: {  	s16 =	sadd.s32 $0x200, s16;
	v18 =	vld [tilespmem:s31+$0x8020];
	v13 =	vmov v25  }
0x12d: {  	s0 =	rddreg [dreg:$0x1b]  }
0x12e: {  	s0 =	sadd.s32 @!p0 s28, s0  }
0x12f: {  	s0 =	sshll.u32 @!p0 s0, $0x9  }
0x130: {  	v21 =	vld [tilespmem:s31+$0x8030];
	s16 =	simm.s32 @!p0 $0x80;
	s29 =	sand.u32 @!p0 $0xFFFF000, s0  }
0x131: {  	v22 =	vld [tilespmem:s31+$0x8070];
	s31 =	simm.s32 @!p0 $0x400;
	s4 =	simm.s32 @!p0 $0x8000;
	s0 =	sadd.s32 @!p0 s29, s22  }
0x132: {  	[tilespmem:s4], [sflag:$0x9] =	stream.strided.gather @!p0 [hbm4b:s0+s16], $0x1000, s31, s16, $0x38;
	[tilespmem:$0x10100] =	vst v63  }
0x133: {  	_ =	swait.ge [sflag:s2], $0x1000  }
0x134: {  	[sflag:s2] =	ssyncset.done $0x0  }
0x135: {  	v15 =	vmax.f32 v16, v15;
	s31 =	simm.s32 $0x0;
	[sflag:s2] =	ssyncadd.s32 $0xFFFFF000  }
0x136: {  	v15 =	vmax.f32 v15, v13;
	v14 =	vmax.f32 v20, v14;
	v13 =	vld [tilespmem:s31+$0x9040]  }
0x137: {  	v16 =	vmax.f32 v17, v18;
	v14 =	vmax.f32 v14, v11;
	v17 =	vmax.f32 v19, v21;
	v11 =	vld [tilespmem:s31+$0x9050]  }
0x138: {  	vm0 =	vgt.f32 v10, v9;
	v16 =	vmax.f32 v16, v12;
	v17 =	vmax.f32 v17, v22;
	v12 =	vld [tilespmem:s31+$0x9060]  }
0x139: {  	v9 =	vmax.f32 v9, v10;
	v16 =	vmax.f32 v15, v16;
	v14 =	vmax.f32 v14, v17;
	v15 =	vld [tilespmem:s31+$0x9000]  }
0x13a: {  	v8 =	vsel vm0, s30, v8;
	v20 =	vimm.f32 $-Inf;
	v10 =	vmax.f32 v16, v14;
	v14 =	vld [tilespmem:s31+$0x9010]  }
0x13b: {  	s30 =	sor.u32 $0x8, s28;
	s16 =	simm.s32 $0x200;
	v19 =	vimm.f32 $-Inf;
	v17 =	vimm.f32 $-Inf;
	v16 =	vimm.f32 $-Inf;
	v18 =	vld [tilespmem:s31+$0x9020]  }
.LBB2_21:
0x13c: {  	p1 =	sne.s32 s16, $0x3E00;
	v21 =	vld [tilespmem:s31+$0x9030];
	v22 =	vmov v11  }
0x13d: {  	v23 =	vld [tilespmem:s31+$0x9070];
	s31 =	sshra.s32 s16, $0x2;
	v24 =	vmov v12  }
0x13e: {  	v25 =	vld [tilespmem:s31+$0x9040]  }
.Ltmp9:
0x13f: {  	v15 =	vmax.f32 v16, v15;
	v11 =	vld [tilespmem:s31+$0x9050];
	(pc) =	sbr.rel @p1 .LBB2_21-.Ltmp9, $4  }
0x140: {  	v16 =	vmax.f32 v15, v13;
	v12 =	vld [tilespmem:s31+$0x9060]  }
0x141: {  	v26 =	vmax.f32 v20, v14;
	v17 =	vmax.f32 v17, v18;
	v15 =	vld [tilespmem:s31+$0x9000];
	v18 =	vmax.f32 v19, v21  }
0x142: {  	v20 =	vmax.f32 v26, v22;
	v17 =	vmax.f32 v17, v24;
	v14 =	vld [tilespmem:s31+$0x9010];
	v19 =	vmax.f32 v18, v23  }
0x143: {  	s16 =	sadd.s32 $0x200, s16;
	v18 =	vld [tilespmem:s31+$0x9020];
	v13 =	vmov v25  }
0x144: {  	v21 =	vld [tilespmem:s31+$0x9030];
	s0 =	sadd.s32 @!p0 s29, s9  }
0x145: {  	v22 =	vld [tilespmem:s31+$0x9070];
	s4 =	simm.s32 @!p0 $0x80;
	s16 =	simm.s32 @!p0 $0x400;
	s31 =	simm.s32 @!p0 $0x9000  }
0x146: {  	[tilespmem:s31], [sflag:$0xA] =	stream.strided.gather @!p0 [hbm4b:s0+s4], $0x1000, s16, s4, $0x38;
	[tilespmem:$0x10100] =	vst v63  }
0x147: {  	_ =	swait.ge [sflag:s12], $0x1000  }
0x148: {  	[sflag:s12] =	ssyncset.done $0x0  }
0x149: {  	s31 =	simm.s32 $0x0;
	v15 =	vmax.f32 v16, v15;
	[sflag:s12] =	ssyncadd.s32 $0xFFFFF000  }
0x14a: {  	v15 =	vmax.f32 v15, v13;
	v14 =	vmax.f32 v20, v14;
	v13 =	vld [tilespmem:s31+$0xA040]  }
0x14b: {  	vm0 =	vgt.f32 v10, v9;
	v16 =	vmax.f32 v17, v18;
	v14 =	vmax.f32 v14, v11;
	v11 =	vld [tilespmem:s31+$0xA050]  }
0x14c: {  	v9 =	vmax.f32 v9, v10;
	v17 =	vmax.f32 v19, v21;
	v16 =	vmax.f32 v16, v12;
	v12 =	vld [tilespmem:s31+$0xA060]  }
0x14d: {  	v8 =	vsel vm0, s30, v8;
	v20 =	vimm.f32 $-Inf;
	v18 =	vld [tilespmem:s31+$0xA020];
	v17 =	vmax.f32 v17, v22  }
0x14e: {  	v19 =	vimm.f32 $-Inf;
	v16 =	vmax.f32 v15, v16;
	v15 =	vld [tilespmem:s31+$0xA000];
	v14 =	vmax.f32 v14, v17  }
0x14f: {  	s30 =	sor.u32 $0x9, s28;
	s16 =	simm.s32 $0x200;
	v17 =	vimm.f32 $-Inf;
	v10 =	vmax.f32 v16, v14;
	v16 =	vimm.f32 $-Inf;
	v14 =	vld [tilespmem:s31+$0xA010]  }
.LBB2_23:
0x150: {  	p1 =	sne.s32 s16, $0x3E00;
	v21 =	vld [tilespmem:s31+$0xA030];
	v22 =	vmov v11  }
0x151: {  	v23 =	vld [tilespmem:s31+$0xA070];
	s31 =	sshra.s32 s16, $0x2;
	v24 =	vmov v12  }
0x152: {  	v25 =	vld [tilespmem:s31+$0xA040]  }
.Ltmp10:
0x153: {  	v15 =	vmax.f32 v16, v15;
	v11 =	vld [tilespmem:s31+$0xA050];
	(pc) =	sbr.rel @p1 .LBB2_23-.Ltmp10, $4  }
0x154: {  	v16 =	vmax.f32 v15, v13;
	v12 =	vld [tilespmem:s31+$0xA060]  }
0x155: {  	v26 =	vmax.f32 v20, v14;
	v17 =	vmax.f32 v17, v18;
	v15 =	vld [tilespmem:s31+$0xA000];
	v18 =	vmax.f32 v19, v21  }
0x156: {  	v20 =	vmax.f32 v26, v22;
	v17 =	vmax.f32 v17, v24;
	v14 =	vld [tilespmem:s31+$0xA010];
	v19 =	vmax.f32 v18, v23  }
0x157: {  	s16 =	sadd.s32 $0x200, s16;
	v18 =	vld [tilespmem:s31+$0xA020];
	v13 =	vmov v25  }
0x158: {  	s0 =	rddreg [dreg:$0x1c]  }
0x159: {  	s0 =	sadd.s32 @!p0 s28, s0  }
0x15a: {  	s4 =	sshll.u32 @!p0 s0, $0x4  }
0x15b: {  	s0 =	sshll.u32 @!p0 s0, $0x9;
	s4 =	sand.u32 @!p0 $0x60, s4  }
0x15c: {  	v21 =	vld [tilespmem:s31+$0xA030];
	s16 =	simm.s32 @!p0 $0x400;
	s0 =	sand.u32 @!p0 $0xFFFF000, s0;
	s4 =	sadd.s32 @!p0 s1, s4  }
0x15d: {  	v22 =	vld [tilespmem:s31+$0xA070];
	s31 =	simm.s32 @!p0 $0xA000;
	s0 =	sadd.s32 @!p0 s0, s4;
	s4 =	simm.s32 @!p0 $0x80  }
0x15e: {  	[tilespmem:s31], [sflag:$0xB] =	stream.strided.gather @!p0 [hbm4b:s0+s4], $0x1000, s16, s4, $0x38;
	[tilespmem:$0x10100] =	vst v63  }
0x15f: {  	_ =	swait.ge [sflag:s13], $0x1000  }
0x160: {  	[sflag:s13] =	ssyncset.done $0x0  }
0x161: {  	v15 =	vmax.f32 v16, v15;
	s16 =	simm.s32 $0x0;
	[sflag:s13] =	ssyncadd.s32 $0xFFFFF000  }
0x162: {  	v15 =	vmax.f32 v15, v13;
	v14 =	vmax.f32 v20, v14;
	v13 =	vld [tilespmem:s16+$0xB040]  }
0x163: {  	v16 =	vmax.f32 v17, v18;
	v14 =	vmax.f32 v14, v11;
	v17 =	vmax.f32 v19, v21;
	v11 =	vld [tilespmem:s16+$0xB050]  }
0x164: {  	vm0 =	vgt.f32 v10, v9;
	v16 =	vmax.f32 v16, v12;
	v17 =	vmax.f32 v17, v22;
	v12 =	vld [tilespmem:s16+$0xB060]  }
0x165: {  	v9 =	vmax.f32 v9, v10;
	v16 =	vmax.f32 v15, v16;
	v14 =	vmax.f32 v14, v17;
	v15 =	vld [tilespmem:s16+$0xB000]  }
0x166: {  	v8 =	vsel vm0, s30, v8;
	v20 =	vimm.f32 $-Inf;
	v10 =	vmax.f32 v16, v14;
	v14 =	vld [tilespmem:s16+$0xB010]  }
0x167: {  	s30 =	simm.s32 $0x200;
	v19 =	vimm.f32 $-Inf;
	s31 =	sor.u32 $0xA, s28;
	v17 =	vimm.f32 $-Inf;
	v16 =	vimm.f32 $-Inf;
	v18 =	vld [tilespmem:s16+$0xB020]  }
.LBB2_25:
0x168: {  	p1 =	sne.s32 s30, $0x3E00;
	v21 =	vld [tilespmem:s16+$0xB030];
	v22 =	vmov v11  }
0x169: {  	v23 =	vld [tilespmem:s16+$0xB070];
	s16 =	sshra.s32 s30, $0x2;
	v24 =	vmov v12  }
0x16a: {  	v25 =	vld [tilespmem:s16+$0xB040]  }
.Ltmp11:
0x16b: {  	v15 =	vmax.f32 v16, v15;
	v11 =	vld [tilespmem:s16+$0xB050];
	(pc) =	sbr.rel @p1 .LBB2_25-.Ltmp11, $4  }
0x16c: {  	v16 =	vmax.f32 v15, v13;
	v12 =	vld [tilespmem:s16+$0xB060]  }
0x16d: {  	v26 =	vmax.f32 v20, v14;
	v17 =	vmax.f32 v17, v18;
	v15 =	vld [tilespmem:s16+$0xB000];
	v18 =	vmax.f32 v19, v21  }
0x16e: {  	v20 =	vmax.f32 v26, v22;
	v17 =	vmax.f32 v17, v24;
	v14 =	vld [tilespmem:s16+$0xB010];
	v19 =	vmax.f32 v18, v23  }
0x16f: {  	s30 =	sadd.s32 $0x200, s30;
	v18 =	vld [tilespmem:s16+$0xB020];
	v13 =	vmov v25  }
0x170: {  	v21 =	vld [tilespmem:s16+$0xB030];
	s0 =	sadd.s32 @!p0 s29, s10  }
0x171: {  	v22 =	vld [tilespmem:s16+$0xB070];
	s4 =	simm.s32 @!p0 $0x80;
	s16 =	simm.s32 @!p0 $0x400;
	s29 =	simm.s32 @!p0 $0xB000  }
0x172: {  	[tilespmem:s29], [sflag:$0xC] =	stream.strided.gather @!p0 [hbm4b:s0+s4], $0x1000, s16, s4, $0x38;
	[tilespmem:$0x10100] =	vst v63  }
0x173: {  	_ =	swait.ge [sflag:s14], $0x1000  }
0x174: {  	[sflag:s14] =	ssyncset.done $0x0  }
0x175: {  	s30 =	simm.s32 $0x0;
	v15 =	vmax.f32 v16, v15;
	[sflag:s14] =	ssyncadd.s32 $0xFFFFF000  }
0x176: {  	v15 =	vmax.f32 v15, v13;
	v14 =	vmax.f32 v20, v14;
	v13 =	vld [tilespmem:s30+$0xC040]  }
0x177: {  	vm0 =	vgt.f32 v10, v9;
	v16 =	vmax.f32 v17, v18;
	v14 =	vmax.f32 v14, v11;
	v11 =	vld [tilespmem:s30+$0xC050]  }
0x178: {  	v9 =	vmax.f32 v9, v10;
	v17 =	vmax.f32 v19, v21;
	v16 =	vmax.f32 v16, v12;
	v12 =	vld [tilespmem:s30+$0xC060]  }
0x179: {  	v8 =	vsel vm0, s31, v8;
	v20 =	vimm.f32 $-Inf;
	v18 =	vld [tilespmem:s30+$0xC020];
	v17 =	vmax.f32 v17, v22  }
0x17a: {  	v19 =	vimm.f32 $-Inf;
	v16 =	vmax.f32 v15, v16;
	v15 =	vld [tilespmem:s30+$0xC000];
	v14 =	vmax.f32 v14, v17  }
0x17b: {  	s29 =	sor.u32 $0xB, s28;
	s16 =	simm.s32 $0x200;
	v17 =	vimm.f32 $-Inf;
	v10 =	vmax.f32 v16, v14;
	v16 =	vimm.f32 $-Inf;
	v14 =	vld [tilespmem:s30+$0xC010]  }
.LBB2_27:
0x17c: {  	p1 =	sne.s32 s16, $0x3E00;
	v21 =	vld [tilespmem:s30+$0xC030];
	v22 =	vmov v11  }
0x17d: {  	v23 =	vld [tilespmem:s30+$0xC070];
	s30 =	sshra.s32 s16, $0x2;
	v24 =	vmov v12  }
0x17e: {  	v25 =	vld [tilespmem:s30+$0xC040]  }
.Ltmp12:
0x17f: {  	v15 =	vmax.f32 v16, v15;
	v11 =	vld [tilespmem:s30+$0xC050];
	(pc) =	sbr.rel @p1 .LBB2_27-.Ltmp12, $4  }
0x180: {  	v16 =	vmax.f32 v15, v13;
	v12 =	vld [tilespmem:s30+$0xC060]  }
0x181: {  	v26 =	vmax.f32 v20, v14;
	v17 =	vmax.f32 v17, v18;
	v15 =	vld [tilespmem:s30+$0xC000];
	v18 =	vmax.f32 v19, v21  }
0x182: {  	v20 =	vmax.f32 v26, v22;
	v17 =	vmax.f32 v17, v24;
	v14 =	vld [tilespmem:s30+$0xC010];
	v19 =	vmax.f32 v18, v23  }
0x183: {  	s16 =	sadd.s32 $0x200, s16;
	v18 =	vld [tilespmem:s30+$0xC020];
	v13 =	vmov v25  }
0x184: {  	s0 =	rddreg [dreg:$0x1d]  }
0x185: {  	s0 =	sadd.s32 @!p0 s28, s0  }
0x186: {  	s4 =	sshll.u32 @!p0 s0, $0x4  }
0x187: {  	s0 =	sshll.u32 @!p0 s0, $0x9;
	s4 =	sand.u32 @!p0 $0x40, s4  }
0x188: {  	v21 =	vld [tilespmem:s30+$0xC030];
	s16 =	simm.s32 @!p0 $0x400;
	s0 =	sand.u32 @!p0 $0xFFFF000, s0;
	s4 =	sadd.s32 @!p0 s1, s4  }
0x189: {  	v22 =	vld [tilespmem:s30+$0xC070];
	s30 =	simm.s32 @!p0 $0xC000;
	s0 =	sadd.s32 @!p0 s0, s4;
	s4 =	simm.s32 @!p0 $0x80  }
0x18a: {  	[tilespmem:s30], [sflag:$0xD] =	stream.strided.gather @!p0 [hbm4b:s0+s4], $0x1000, s16, s4, $0x38;
	[tilespmem:$0x10100] =	vst v63  }
0x18b: {  	_ =	swait.ge [sflag:s23], $0x1000  }
0x18c: {  	[sflag:s23] =	ssyncset.done $0x0  }
0x18d: {  	v15 =	vmax.f32 v16, v15;
	s30 =	simm.s32 $0x0;
	[sflag:s23] =	ssyncadd.s32 $0xFFFFF000  }
0x18e: {  	v15 =	vmax.f32 v15, v13;
	v14 =	vmax.f32 v20, v14;
	v13 =	vld [tilespmem:s30+$0xD040]  }
0x18f: {  	v16 =	vmax.f32 v17, v18;
	v14 =	vmax.f32 v14, v11;
	v17 =	vmax.f32 v19, v21;
	v11 =	vld [tilespmem:s30+$0xD050]  }
0x190: {  	vm0 =	vgt.f32 v10, v9;
	v16 =	vmax.f32 v16, v12;
	v17 =	vmax.f32 v17, v22;
	v12 =	vld [tilespmem:s30+$0xD060]  }
0x191: {  	v9 =	vmax.f32 v9, v10;
	v16 =	vmax.f32 v15, v16;
	v14 =	vmax.f32 v14, v17;
	v15 =	vld [tilespmem:s30+$0xD000]  }
0x192: {  	v8 =	vsel vm0, s29, v8;
	v20 =	vimm.f32 $-Inf;
	v10 =	vmax.f32 v16, v14;
	v14 =	vld [tilespmem:s30+$0xD010]  }
0x193: {  	s29 =	sor.u32 $0xC, s28;
	v19 =	vimm.f32 $-Inf;
	s16 =	simm.s32 $0x200;
	v17 =	vimm.f32 $-Inf;
	v16 =	vimm.f32 $-Inf;
	v18 =	vld [tilespmem:s30+$0xD020]  }
.LBB2_29:
0x194: {  	p1 =	sne.s32 s16, $0x3E00;
	v21 =	vld [tilespmem:s30+$0xD030];
	v22 =	vmov v11  }
0x195: {  	v23 =	vld [tilespmem:s30+$0xD070];
	s30 =	sshra.s32 s16, $0x2;
	v24 =	vmov v12  }
0x196: {  	v25 =	vld [tilespmem:s30+$0xD040]  }
.Ltmp13:
0x197: {  	v15 =	vmax.f32 v16, v15;
	v11 =	vld [tilespmem:s30+$0xD050];
	(pc) =	sbr.rel @p1 .LBB2_29-.Ltmp13, $4  }
0x198: {  	v16 =	vmax.f32 v15, v13;
	v12 =	vld [tilespmem:s30+$0xD060]  }
0x199: {  	v26 =	vmax.f32 v20, v14;
	v17 =	vmax.f32 v17, v18;
	v15 =	vld [tilespmem:s30+$0xD000];
	v18 =	vmax.f32 v19, v21  }
0x19a: {  	v20 =	vmax.f32 v26, v22;
	v17 =	vmax.f32 v17, v24;
	v14 =	vld [tilespmem:s30+$0xD010];
	v19 =	vmax.f32 v18, v23  }
0x19b: {  	s16 =	sadd.s32 $0x200, s16;
	v18 =	vld [tilespmem:s30+$0xD020];
	v13 =	vmov v25  }
0x19c: {  	s0 =	rddreg [dreg:$0x1e]  }
0x19d: {  	s0 =	sadd.s32 @!p0 s28, s0  }
0x19e: {  	s4 =	sshll.u32 @!p0 s0, $0x4  }
0x19f: {  	s0 =	sshll.u32 @!p0 s0, $0x9;
	s4 =	sand.u32 @!p0 $0x50, s4  }
0x1a0: {  	v21 =	vld [tilespmem:s30+$0xD030];
	s16 =	simm.s32 @!p0 $0x400;
	s0 =	sand.u32 @!p0 $0xFFFF000, s0;
	s4 =	sadd.s32 @!p0 s1, s4  }
0x1a1: {  	v22 =	vld [tilespmem:s30+$0xD070];
	s30 =	simm.s32 @!p0 $0xD000;
	s0 =	sadd.s32 @!p0 s0, s4;
	s4 =	simm.s32 @!p0 $0x80  }
0x1a2: {  	[tilespmem:s30], [sflag:$0xE] =	stream.strided.gather @!p0 [hbm4b:s0+s4], $0x1000, s16, s4, $0x38;
	[tilespmem:$0x10100] =	vst v63  }
0x1a3: {  	_ =	swait.ge [sflag:s24], $0x1000  }
0x1a4: {  	[sflag:s24] =	ssyncset.done $0x0  }
0x1a5: {  	v15 =	vmax.f32 v16, v15;
	s30 =	simm.s32 $0x0;
	[sflag:s24] =	ssyncadd.s32 $0xFFFFF000  }
0x1a6: {  	v15 =	vmax.f32 v15, v13;
	v14 =	vmax.f32 v20, v14;
	v13 =	vld [tilespmem:s30+$0xE040]  }
0x1a7: {  	v16 =	vmax.f32 v17, v18;
	v14 =	vmax.f32 v14, v11;
	v17 =	vmax.f32 v19, v21;
	v11 =	vld [tilespmem:s30+$0xE050]  }
0x1a8: {  	vm0 =	vgt.f32 v10, v9;
	v16 =	vmax.f32 v16, v12;
	v17 =	vmax.f32 v17, v22;
	v12 =	vld [tilespmem:s30+$0xE060]  }
0x1a9: {  	v9 =	vmax.f32 v9, v10;
	v16 =	vmax.f32 v15, v16;
	v14 =	vmax.f32 v14, v17;
	v15 =	vld [tilespmem:s30+$0xE000]  }
0x1aa: {  	v8 =	vsel vm0, s29, v8;
	v20 =	vimm.f32 $-Inf;
	v10 =	vmax.f32 v16, v14;
	v14 =	vld [tilespmem:s30+$0xE010]  }
0x1ab: {  	s29 =	sor.u32 $0xD, s28;
	v19 =	vimm.f32 $-Inf;
	s16 =	simm.s32 $0x200;
	v17 =	vimm.f32 $-Inf;
	v16 =	vimm.f32 $-Inf;
	v18 =	vld [tilespmem:s30+$0xE020]  }
.LBB2_31:
0x1ac: {  	p1 =	sne.s32 s16, $0x3E00;
	v21 =	vld [tilespmem:s30+$0xE030];
	v22 =	vmov v11  }
0x1ad: {  	v23 =	vld [tilespmem:s30+$0xE070];
	s30 =	sshra.s32 s16, $0x2;
	v24 =	vmov v12  }
0x1ae: {  	v25 =	vld [tilespmem:s30+$0xE040]  }
.Ltmp14:
0x1af: {  	v15 =	vmax.f32 v16, v15;
	v11 =	vld [tilespmem:s30+$0xE050];
	(pc) =	sbr.rel @p1 .LBB2_31-.Ltmp14, $4  }
0x1b0: {  	v16 =	vmax.f32 v15, v13;
	v12 =	vld [tilespmem:s30+$0xE060]  }
0x1b1: {  	v26 =	vmax.f32 v20, v14;
	v17 =	vmax.f32 v17, v18;
	v15 =	vld [tilespmem:s30+$0xE000];
	v18 =	vmax.f32 v19, v21  }
0x1b2: {  	v20 =	vmax.f32 v26, v22;
	v17 =	vmax.f32 v17, v24;
	v14 =	vld [tilespmem:s30+$0xE010];
	v19 =	vmax.f32 v18, v23  }
0x1b3: {  	s16 =	sadd.s32 $0x200, s16;
	v18 =	vld [tilespmem:s30+$0xE020];
	v13 =	vmov v25  }
0x1b4: {  	s0 =	rddreg [dreg:$0x1f]  }
0x1b5: {  	s0 =	sadd.s32 @!p0 s28, s0  }
0x1b6: {  	s4 =	sshll.u32 @!p0 s0, $0x4  }
0x1b7: {  	s0 =	sshll.u32 @!p0 s0, $0x9;
	s4 =	sand.u32 @!p0 $0x60, s4  }
0x1b8: {  	v21 =	vld [tilespmem:s30+$0xE030];
	s16 =	simm.s32 @!p0 $0x400;
	s0 =	sand.u32 @!p0 $0xFFFF000, s0;
	s4 =	sadd.s32 @!p0 s1, s4  }
0x1b9: {  	v22 =	vld [tilespmem:s30+$0xE070];
	s30 =	simm.s32 @!p0 $0xE000;
	s0 =	sadd.s32 @!p0 s0, s4;
	s4 =	simm.s32 @!p0 $0x80  }
0x1ba: {  	[tilespmem:s30], [sflag:$0xF] =	stream.strided.gather @!p0 [hbm4b:s0+s4], $0x1000, s16, s4, $0x38;
	[tilespmem:$0x10100] =	vst v63  }
0x1bb: {  	_ =	swait.ge [sflag:s25], $0x1000  }
0x1bc: {  	[sflag:s25] =	ssyncset.done $0x0  }
0x1bd: {  	v15 =	vmax.f32 v16, v15;
	s16 =	simm.s32 $0x0;
	[sflag:s25] =	ssyncadd.s32 $0xFFFFF000  }
0x1be: {  	v15 =	vmax.f32 v15, v13;
	v14 =	vmax.f32 v20, v14;
	v13 =	vld [tilespmem:s16+$0xF040]  }
0x1bf: {  	v16 =	vmax.f32 v17, v18;
	v14 =	vmax.f32 v14, v11;
	v17 =	vmax.f32 v19, v21;
	v11 =	vld [tilespmem:s16+$0xF050]  }
0x1c0: {  	vm0 =	vgt.f32 v10, v9;
	v16 =	vmax.f32 v16, v12;
	v17 =	vmax.f32 v17, v22;
	v12 =	vld [tilespmem:s16+$0xF060]  }
0x1c1: {  	v9 =	vmax.f32 v9, v10;
	v16 =	vmax.f32 v15, v16;
	v14 =	vmax.f32 v14, v17;
	v15 =	vld [tilespmem:s16+$0xF000]  }
0x1c2: {  	v8 =	vsel vm0, s29, v8;
	v20 =	vimm.f32 $-Inf;
	v10 =	vmax.f32 v16, v14;
	v14 =	vld [tilespmem:s16+$0xF010]  }
0x1c3: {  	s29 =	sor.u32 $0xE, s28;
	v18 =	vimm.f32 $-Inf;
	s30 =	simm.s32 $0x200;
	v17 =	vimm.f32 $-Inf;
	v16 =	vimm.f32 $-Inf;
	v19 =	vld [tilespmem:s16+$0xF020]  }
.LBB2_33:
0x1c4: {  	p1 =	sne.s32 s30, $0x3E00;
	v21 =	vld [tilespmem:s16+$0xF030];
	v22 =	vmov v11  }
0x1c5: {  	v23 =	vld [tilespmem:s16+$0xF070];
	s16 =	sshra.s32 s30, $0x2;
	v24 =	vmov v12  }
0x1c6: {  	v25 =	vld [tilespmem:s16+$0xF040]  }
.Ltmp15:
0x1c7: {  	v15 =	vmax.f32 v16, v15;
	v11 =	vld [tilespmem:s16+$0xF050];
	(pc) =	sbr.rel @p1 .LBB2_33-.Ltmp15, $4  }
0x1c8: {  	v16 =	vmax.f32 v15, v13;
	v12 =	vld [tilespmem:s16+$0xF060]  }
0x1c9: {  	v26 =	vmax.f32 v17, v14;
	v18 =	vmax.f32 v18, v19;
	v15 =	vld [tilespmem:s16+$0xF000];
	v19 =	vmax.f32 v20, v21  }
0x1ca: {  	v17 =	vmax.f32 v26, v22;
	v18 =	vmax.f32 v18, v24;
	v14 =	vld [tilespmem:s16+$0xF010];
	v20 =	vmax.f32 v19, v23  }
0x1cb: {  	s30 =	sadd.s32 $0x200, s30;
	v19 =	vld [tilespmem:s16+$0xF020];
	v13 =	vmov v25  }
0x1cc: {  	s0 =	sld [smem:$0x7FA];
	_ =	sdelay $0x2  }
0x1cd: {  	s0 =	sadd.s32 @!p0 s28, s0  }
0x1ce: {  	v21 =	vld [tilespmem:s16+$0xF030];
	s4 =	sshll.u32 @!p0 s0, $0x4  }
0x1cf: {  	v22 =	vld [tilespmem:s16+$0xF070];
	s16 =	simm.s32 @!p0 $0x400;
	s0 =	sshll.u32 @!p0 s0, $0x9;
	s4 =	sand.u32 @!p0 $0x70, s4  }
0x1d0: {  	s30 =	simm.s32 @!p0 $0xF000;
	s0 =	sand.u32 @!p0 $0xFFFF000, s0;
	s4 =	sadd.s32 @!p0 s1, s4  }
0x1d1: {  	s26 =	sadd.s32 $0x1, s26;
	v15 =	vmax.f32 v16, v15;
	s0 =	sadd.s32 @!p0 s0, s4;
	s4 =	simm.s32 @!p0 $0x80  }
0x1d2: {  	v13 =	vmax.f32 v15, v13;
	[tilespmem:s30], [sflag:$0x10] =	stream.strided.gather @!p0 [hbm4b:s0+s4], $0x1000, s16, s4, $0x38;
	[tilespmem:$0x10100] =	vst v63  }
0x1d3: {  	v14 =	vmax.f32 v17, v14;
	v61 =	vmax.f32 v18, v19;
	v62 =	vmax.f32 v20, v21;
	p0 =	sne.s32 s26, $0x7  }
.Ltmp16:
0x1d4: {  	v11 =	vmax.f32 v14, v11;
	v12 =	vmax.f32 v61, v12;
	v63 =	vmax.f32 v62, v22;
	(pc) =	sbr.rel @p0 .LBB2_2-.Ltmp16, $4  }
0x1d5: {  	v12 =	vmax.f32 v13, v12;
	v11 =	vmax.f32 v11, v63  }
0x1d6: {  	vm0 =	vgt.f32 v10, v9;
	v9 =	vmax.f32 v9, v10;
	v10 =	vmax.f32 v12, v11  }
0x1d7: {  	s31 =	sor.u32 $0xF, s28;
	v8 =	vsel vm0, s29, v8;
	vm15 =	vgt.f32 v10, v9  }
0x1d8: {  	v9 =	vmax.f32 v9, v10;
	v8 =	vsel vm15, s31, v8  }
0x1d9: {  	_ =	swait.ge [sflag:s15], $0x1000  }
0x1da: {  	[sflag:s15] =	ssyncset.done $0x0  }
0x1db: {  	s16 =	simm.s32 $0x0;
	[sflag:s15] =	ssyncadd.s32 $0xFFFFF000  }
0x1dc: {  	v20 =	vld [tilespmem:s16+$0x40]  }
0x1dd: {  	v11 =	vld [tilespmem:s16+$0x50]  }
0x1de: {  	v12 =	vld [tilespmem:s16+$0x60]  }
0x1df: {  	v15 =	vld [tilespmem:s16+$0x0]  }
0x1e0: {  	v10 =	vimm.f32 $-Inf;
	v13 =	vld [tilespmem:s16+$0x10]  }
0x1e1: {  	s26 =	simm.s32 $0x200;
	v16 =	vimm.f32 $-Inf;
	v17 =	vimm.f32 $-Inf;
	v19 =	vimm.f32 $-Inf;
	v18 =	vld [tilespmem:s16+$0x20]  }
.LBB2_36:
0x1e2: {  	p0 =	sne.s32 s26, $0x3E00;
	v14 =	vld [tilespmem:s16+$0x30];
	v21 =	vmov v11  }
0x1e3: {  	v22 =	vld [tilespmem:s16+$0x70];
	s16 =	sshra.s32 s26, $0x2;
	v23 =	vmov v12  }
0x1e4: {  	v24 =	vld [tilespmem:s16+$0x40]  }
.Ltmp17:
0x1e5: {  	v10 =	vmax.f32 v10, v15;
	v11 =	vld [tilespmem:s16+$0x50];
	(pc) =	sbr.rel @p0 .LBB2_36-.Ltmp17, $4  }
0x1e6: {  	v10 =	vmax.f32 v10, v20;
	v12 =	vld [tilespmem:s16+$0x60]  }
0x1e7: {  	v16 =	vmax.f32 v16, v13;
	v17 =	vmax.f32 v17, v18;
	v15 =	vld [tilespmem:s16+$0x0];
	v14 =	vmax.f32 v19, v14  }
0x1e8: {  	v16 =	vmax.f32 v16, v21;
	v17 =	vmax.f32 v17, v23;
	v13 =	vld [tilespmem:s16+$0x10];
	v19 =	vmax.f32 v14, v22  }
0x1e9: {  	s26 =	sadd.s32 $0x200, s26;
	v18 =	vld [tilespmem:s16+$0x20];
	v20 =	vmov v24  }
0x1ea: {  	v21 =	vld [tilespmem:s16+$0x30]  }
0x1eb: {  	v22 =	vld [tilespmem:s16+$0x70];
	_ =	swait.ge [sflag:s17], $0x1000  }
0x1ec: {  	[sflag:s17] =	ssyncset.done $0x0  }
0x1ed: {  	s16 =	simm.s32 $0x0;
	[sflag:s17] =	ssyncadd.s32 $0xFFFFF000  }
0x1ee: {  	v14 =	vld [tilespmem:s16+$0x1040]  }
0x1ef: {  	v10 =	vmax.f32 v10, v15;
	v15 =	vld [tilespmem:s16+$0x1050]  }
0x1f0: {  	v24 =	vimm.f32 $-Inf;
	v13 =	vmax.f32 v16, v13;
	v16 =	vld [tilespmem:s16+$0x1060]  }
0x1f1: {  	v23 =	vimm.f32 $-Inf;
	v10 =	vmax.f32 v10, v20;
	v20 =	vld [tilespmem:s16+$0x1010];
	v18 =	vmax.f32 v17, v18  }
0x1f2: {  	v11 =	vmax.f32 v13, v11;
	v17 =	vld [tilespmem:s16+$0x1000];
	v19 =	vmax.f32 v19, v21;
	v12 =	vmax.f32 v18, v12  }
0x1f3: {  	s26 =	simm.s32 $0x200;
	v21 =	vimm.f32 $-Inf;
	v13 =	vmax.f32 v19, v22;
	v19 =	vimm.f32 $-Inf;
	v22 =	vld [tilespmem:s16+$0x1020]  }
.LBB2_38:
0x1f4: {  	p0 =	sne.s32 s26, $0x3E00;
	v18 =	vld [tilespmem:s16+$0x1030];
	v25 =	vmov v15  }
0x1f5: {  	v26 =	vld [tilespmem:s16+$0x1070];
	s16 =	sshra.s32 s26, $0x2;
	v27 =	vmov v16  }
0x1f6: {  	v28 =	vld [tilespmem:s16+$0x1040]  }
.Ltmp18:
0x1f7: {  	v17 =	vmax.f32 v19, v17;
	v15 =	vld [tilespmem:s16+$0x1050];
	(pc) =	sbr.rel @p0 .LBB2_38-.Ltmp18, $4  }
0x1f8: {  	v19 =	vmax.f32 v17, v14;
	v16 =	vld [tilespmem:s16+$0x1060]  }
0x1f9: {  	v29 =	vmax.f32 v24, v20;
	v21 =	vmax.f32 v21, v22;
	v17 =	vld [tilespmem:s16+$0x1000];
	v18 =	vmax.f32 v23, v18  }
0x1fa: {  	v24 =	vmax.f32 v29, v25;
	v21 =	vmax.f32 v21, v27;
	v20 =	vld [tilespmem:s16+$0x1010];
	v23 =	vmax.f32 v18, v26  }
0x1fb: {  	s26 =	sadd.s32 $0x200, s26;
	v22 =	vld [tilespmem:s16+$0x1020];
	v14 =	vmov v28  }
0x1fc: {  	v25 =	vld [tilespmem:s16+$0x1030]  }
0x1fd: {  	v26 =	vld [tilespmem:s16+$0x1070];
	_ =	swait.ge [sflag:s18], $0x1000  }
0x1fe: {  	[sflag:s18] =	ssyncset.done $0x0  }
0x1ff: {  	s16 =	simm.s32 $0x0;
	[sflag:s18] =	ssyncadd.s32 $0xFFFFF000  }
0x200: {  	v18 =	vld [tilespmem:s16+$0x2040]  }
0x201: {  	v17 =	vmax.f32 v19, v17;
	v19 =	vld [tilespmem:s16+$0x2050]  }
0x202: {  	v14 =	vmax.f32 v17, v14;
	v17 =	vmax.f32 v24, v20;
	v20 =	vld [tilespmem:s16+$0x2060]  }
0x203: {  	v28 =	vimm.f32 $-Inf;
	v24 =	vimm.f32 $-Inf;
	v22 =	vmax.f32 v21, v22;
	v21 =	vld [tilespmem:s16+$0x2000]  }
0x204: {  	v15 =	vmax.f32 v17, v15;
	v23 =	vmax.f32 v23, v25;
	v16 =	vmax.f32 v22, v16;
	v25 =	vld [tilespmem:s16+$0x2020]  }
0x205: {  	s26 =	simm.s32 $0x200;
	v22 =	vimm.f32 $-Inf;
	v17 =	vmax.f32 v23, v26;
	v23 =	vld [tilespmem:s16+$0x2010];
	v26 =	vimm.f32 $-Inf  }
.LBB2_40:
0x206: {  	p0 =	sne.s32 s26, $0x3E00;
	v27 =	vld [tilespmem:s16+$0x2030];
	v29 =	vmov v19  }
0x207: {  	v30 =	vld [tilespmem:s16+$0x2070];
	s16 =	sshra.s32 s26, $0x2;
	v31 =	vmov v20  }
0x208: {  	v32 =	vld [tilespmem:s16+$0x2040]  }
.Ltmp19:
0x209: {  	v21 =	vmax.f32 v22, v21;
	v19 =	vld [tilespmem:s16+$0x2050];
	(pc) =	sbr.rel @p0 .LBB2_40-.Ltmp19, $4  }
0x20a: {  	v22 =	vmax.f32 v21, v18;
	v20 =	vld [tilespmem:s16+$0x2060]  }
0x20b: {  	v33 =	vmax.f32 v28, v23;
	v24 =	vmax.f32 v24, v25;
	v21 =	vld [tilespmem:s16+$0x2000];
	v25 =	vmax.f32 v26, v27  }
0x20c: {  	v28 =	vmax.f32 v33, v29;
	v24 =	vmax.f32 v24, v31;
	v23 =	vld [tilespmem:s16+$0x2010];
	v26 =	vmax.f32 v25, v30  }
0x20d: {  	s26 =	sadd.s32 $0x200, s26;
	v25 =	vld [tilespmem:s16+$0x2020];
	v18 =	vmov v32  }
0x20e: {  	v29 =	vld [tilespmem:s16+$0x2030]  }
0x20f: {  	v30 =	vld [tilespmem:s16+$0x2070];
	_ =	swait.ge [sflag:s19], $0x1000  }
0x210: {  	[sflag:s19] =	ssyncset.done $0x0  }
0x211: {  	s16 =	simm.s32 $0x0;
	[sflag:s19] =	ssyncadd.s32 $0xFFFFF000  }
0x212: {  	v27 =	vld [tilespmem:s16+$0x3040]  }
0x213: {  	v21 =	vmax.f32 v22, v21;
	v22 =	vld [tilespmem:s16+$0x3050]  }
0x214: {  	v18 =	vmax.f32 v21, v18;
	v21 =	vmax.f32 v28, v23;
	v23 =	vld [tilespmem:s16+$0x3060]  }
0x215: {  	v31 =	vimm.f32 $-Inf;
	v25 =	vmax.f32 v24, v25;
	v24 =	vld [tilespmem:s16+$0x3000];
	v26 =	vmax.f32 v26, v29  }
0x216: {  	v28 =	vimm.f32 $-Inf;
	v19 =	vmax.f32 v21, v19;
	v21 =	vmax.f32 v26, v30;
	v26 =	vld [tilespmem:s16+$0x3010]  }
0x217: {  	s26 =	simm.s32 $0x200;
	v20 =	vmax.f32 v25, v20;
	v25 =	vimm.f32 $-Inf;
	v29 =	vimm.f32 $-Inf;
	v30 =	vld [tilespmem:s16+$0x3020]  }
.LBB2_42:
0x218: {  	p0 =	sne.s32 s26, $0x3E00;
	v32 =	vld [tilespmem:s16+$0x3030];
	v33 =	vmov v22  }
0x219: {  	v34 =	vld [tilespmem:s16+$0x3070];
	s16 =	sshra.s32 s26, $0x2;
	v35 =	vmov v23  }
0x21a: {  	v36 =	vld [tilespmem:s16+$0x3040]  }
.Ltmp20:
0x21b: {  	v24 =	vmax.f32 v25, v24;
	v22 =	vld [tilespmem:s16+$0x3050];
	(pc) =	sbr.rel @p0 .LBB2_42-.Ltmp20, $4  }
0x21c: {  	v25 =	vmax.f32 v24, v27;
	v23 =	vld [tilespmem:s16+$0x3060]  }
0x21d: {  	v37 =	vmax.f32 v28, v26;
	v29 =	vmax.f32 v29, v30;
	v24 =	vld [tilespmem:s16+$0x3000];
	v30 =	vmax.f32 v31, v32  }
0x21e: {  	v28 =	vmax.f32 v37, v33;
	v29 =	vmax.f32 v29, v35;
	v26 =	vld [tilespmem:s16+$0x3010];
	v31 =	vmax.f32 v30, v34  }
0x21f: {  	s26 =	sadd.s32 $0x200, s26;
	v30 =	vld [tilespmem:s16+$0x3020];
	v27 =	vmov v36  }
0x220: {  	v32 =	vld [tilespmem:s16+$0x3030]  }
0x221: {  	v33 =	vld [tilespmem:s16+$0x3070];
	v10 =	vmax.f32 v10, v12;
	v11 =	vmax.f32 v11, v13;
	v12 =	vmax.f32 v15, v17  }
0x222: {  	v15 =	vmax.f32 v18, v20;
	v53 =	vmax.f32 v19, v21;
	v10 =	vmax.f32 v10, v11  }
0x223: {  	v11 =	vmax.f32 v14, v16;
	v15 =	vmax.f32 v15, v53;
	v24 =	vmax.f32 v25, v24  }
0x224: {  	v14 =	vmax.f32 v9, v10;
	v11 =	vmax.f32 v11, v12;
	v24 =	vmax.f32 v24, v27  }
0x225: {  	v50 =	vmax.f32 v28, v26;
	v51 =	vmax.f32 v29, v30;
	v52 =	vmax.f32 v31, v32  }
0x226: {  	v22 =	vmax.f32 v50, v22;
	v23 =	vmax.f32 v51, v23;
	v13 =	vmax.f32 v52, v33  }
0x227: {  	v12 =	vmax.f32 v14, v11;
	v54 =	vmax.f32 v24, v23;
	v13 =	vmax.f32 v22, v13  }
0x228: {  	v55 =	vmax.f32 v12, v15;
	v13 =	vmax.f32 v54, v13  }
0x229: {  	v16 =	vmax.f32 v55, v13  }
0x22a: {  	v56 =	vperm.xlane v16, v3;
	_ =	sdelay $0x1  }
0x22b: {  	v18 =	vmax.f32 v16, v56  }
0x22c: {  	v57 =	vperm.xlane v18, v4;
	_ =	sdelay $0x1  }
0x22d: {  	v18 =	vmax.f32 v18, v57  }
0x22e: {  	v19 =	vperm.xlane v18, v5;
	_ =	sdelay $0x1  }
0x22f: {  	v18 =	vmax.f32 v18, v19  }
0x230: {  	v19 =	vperm.xlane v18, v6  }
0x231: {  	vm0 =	vgt.f32 v10, v9  }
0x232: {  	v8 =	vsel vm0, $0x70, v8;
	vm0 =	vgt.f32 v11, v14;
	v9 =	vmax.f32 v18, v19  }
0x233: {  	v10 =	vsel vm0, $0x71, v8;
	vm0 =	vgt.f32 v15, v12;
	v8 =	vbroadcast v9, $0x0  }
0x234: {  	v9 =	vsel vm0, $0x72, v10;
	vm0 =	vgt.f32 v13, v55  }
0x235: {  	v9 =	vsel vm0, $0x73, v9;
	vm0 =	veq.f32 v16, v8  }
0x236: {  	v9 =	vnsel vm0, $0x7FFFFFFF, v9  }
0x237: {  	v10 =	vperm.xlane v9, v3;
	_ =	sdelay $0x1  }
0x238: {  	vm0 =	vlt.s32 v9, v10  }
0x239: {  	v9 =	vsel vm0, v9, v10  }
0x23a: {  	v10 =	vperm.xlane v9, v4;
	_ =	sdelay $0x1  }
0x23b: {  	vm0 =	vlt.s32 v9, v10  }
0x23c: {  	v9 =	vsel vm0, v9, v10  }
0x23d: {  	v10 =	vperm.xlane v9, v5;
	_ =	sdelay $0x1  }
0x23e: {  	vm0 =	vlt.s32 v9, v10  }
0x23f: {  	v9 =	vsel vm0, v9, v10  }
0x240: {  	v10 =	vperm.xlane v9, v6;
	_ =	sdelay $0x1  }
0x241: {  	vm0 =	vlt.s32 v9, v10  }
0x242: {  	v9 =	vsel vm0, v9, v10  }
0x243: {  	(v2sf) =	vpush v9, $0x0;
	_ =	sdelay $0xe  }
0x244: {  	s4 =	rddreg [dreg:$0x3];
	s0 =	spop (v2sf)  }
0x245: {  	s4 =	sadd.s32 s4, s0  }
0x246: {  	s26 =	sshll.u32 s4, $0xC;
	s4 =	sshll.u32 s4, $0x7  }
0x247: {  	s16 =	sand.u32 $0xFFFF8000, s26;
	s4 =	sand.u32 $0x380, s4  }
0x248: {  	s4 =	sor.u32 s4, s16  }
0x249: {  	s4 =	sshrl.u32 s4, $0x3  }
0x24a: {  	s5 =	simm.s32 $0x0;
	s16 =	simm.s32 $0x11;
	s4 =	sadd.s32 s1, s4  }
0x24b: {  	[tilespmem:s5], [sflag:$0x11] =	stream.strided.gather [hbm4b:s4+s3], $0x1000, s11, s3, $0x38;
	[tilespmem:$0x10100] =	vst v63  }
0x24c: {  	_ =	swait.ge [sflag:s16], $0x1000  }
0x24d: {  	s0 =	sshll.u32 s0, $0xC;
	[sflag:s16] =	ssyncset.done $0x0;
	s26 =	rddreg [dreg:$0x12]  }
0x24e: {  	[sflag:s16] =	ssyncadd.s32 $0xFFFFF000;
	s26 =	sadd.s32 s0, s26;
	s0 =	simm.s32 $0x40  }
0x24f: {  	v9 =	vld [tilespmem:s0+$0xFFFFFFC0];
	s4 =	sadd.s32 $0x0, s26  }
0x250: {  	v10 =	vld [tilespmem:s0+$0xFFFFFFD0];
	s5 =	sadd.s32 $0x1180040, s4  }
0x251: {  	v11 =	vimm.s32 $0x7FFFFFFF;
	s28 =	sadd.s32 $0x1180060, s4;
	s29 =	sadd.s32 $0x1180020, s4  }
0x252: {  	v12 =	vld [tilespmem:s0+$0xFFFFFFE0];
	s30 =	sadd.s32 $0x1180000, s4;
	s31 =	sadd.s32 $0x1180010, s4;
	v13 =	vor.u32 s5, v7;
	v14 =	vor.u32 s28, v7  }
0x253: {  	v60 =	vld [tilespmem:s0+$0xFFFFFFF0];
	v15 =	vor.u32 s30, v7;
	v58 =	vor.u32 s31, v7;
	v59 =	vor.u32 s29, v7  }
0x254: {  	vm1 =	vlt.s32 v11, v15;
	vm2 =	vlt.s32 v11, v58;
	vm0 =	veq.f32 v9, v8  }
0x255: {  	s5 =	sadd.s32 $0x1180030, s4;
	v9 =	vsel vm1, v11, v15;
	vm1 =	veq.f32 v10, v8;
	v10 =	vsel vm2, v11, v58;
	v15 =	vld [tilespmem:s0+$0x0]  }
0x256: {  	v61 =	vld [tilespmem:s0+$0x10];
	v9 =	vsel vm0, v9, v11;
	v10 =	vsel vm1, v10, v11;
	v11 =	vor.u32 s5, v7  }
0x257: {  	vm0 =	veq.f32 v12, v8;
	vm1 =	vlt.s32 v9, v59;
	vm2 =	vlt.s32 v10, v11  }
0x258: {  	v62 =	vld [tilespmem:s0+$0x20];
	s5 =	sadd.s32 $0x1180050, s4;
	v12 =	vsel vm1, v9, v59;
	vm1 =	veq.f32 v60, v8;
	v11 =	vsel vm2, v10, v11  }
0x259: {  	v63 =	vld [tilespmem:s0+$0x30];
	v9 =	vsel vm0, v12, v9;
	v10 =	vsel vm1, v11, v10;
	v11 =	vor.u32 s5, v7  }
0x25a: {  	vm0 =	veq.f32 v15, v8;
	vm1 =	vlt.s32 v9, v13;
	vm2 =	vlt.s32 v10, v11  }
0x25b: {  	s16 =	sadd.s32 $0x1180070, s4;
	v12 =	vsel vm1, v9, v13;
	vm1 =	veq.f32 v61, v8;
	v13 =	vsel vm2, v10, v11  }
0x25c: {  	s28 =	simm.s32 $0xC0;
	v15 =	vor.u32 s16, v7;
	v11 =	vsel vm0, v12, v9;
	v12 =	vsel vm1, v13, v10  }
0x25d: {  	s29 =	sadd.s32 $0x80, s26;
	v9 =	vld [tilespmem:s28+$0xFFFFFFC0];
	vm0 =	veq.f32 v62, v8;
	vm1 =	vlt.s32 v11, v14;
	vm2 =	vlt.s32 v12, v15  }
0x25e: {  	s30 =	simm.s32 $0x100;
	s31 =	sadd.s32 $0x1180060, s29;
	s16 =	sadd.s32 $0x1180040, s29;
	v10 =	vld [tilespmem:s28+$0xFFFFFFD0];
	v13 =	vsel vm1, v11, v14;
	vm1 =	veq.f32 v63, v8;
	v14 =	vsel vm2, v12, v15  }
.LBB2_44:
0x25f: {  	p0 =	sne.s32 s30, $0xF80;
	s0 =	sadd.s32 $0x1180020, s29;
	v11 =	vsel vm0, v13, v11;
	v12 =	vsel vm1, v14, v12  }
0x260: {  	s4 =	sadd.s32 $0x1180000, s29;
	s5 =	sadd.s32 $0x1180010, s29;
	v14 =	vor.u32 s16, v7;
	v15 =	vor.u32 s31, v7;
	v13 =	vld [tilespmem:s28+$0xFFFFFFE0]  }
0x261: {  	v16 =	vor.u32 s4, v7;
	v17 =	vor.u32 s5, v7;
	v18 =	vor.u32 s0, v7;
	v19 =	vld [tilespmem:s28+$0xFFFFFFF0]  }
0x262: {  	vm1 =	vlt.s32 v11, v16;
	vm2 =	vlt.s32 v12, v17;
	vm0 =	veq.f32 v9, v8  }
0x263: {  	s0 =	sadd.s32 $0x1180030, s29;
	v9 =	vsel vm1, v11, v16;
	vm1 =	veq.f32 v10, v8;
	v10 =	vsel vm2, v12, v17;
	v16 =	vld [tilespmem:s28+$0x0]  }
0x264: {  	v9 =	vsel vm0, v9, v11;
	v11 =	vor.u32 s0, v7;
	v10 =	vsel vm1, v10, v12;
	v12 =	vld [tilespmem:s28+$0x10]  }
0x265: {  	vm1 =	vlt.s32 v9, v18;
	vm0 =	veq.f32 v13, v8;
	vm2 =	vlt.s32 v10, v11  }
0x266: {  	s0 =	sadd.s32 $0x1180050, s29;
	v13 =	vsel vm1, v9, v18;
	vm1 =	veq.f32 v19, v8;
	v11 =	vsel vm2, v10, v11;
	v17 =	vld [tilespmem:s28+$0x20]  }
0x267: {  	v9 =	vsel vm0, v13, v9;
	v10 =	vsel vm1, v11, v10;
	v11 =	vor.u32 s0, v7;
	v18 =	vld [tilespmem:s28+$0x30]  }
.Ltmp21:
0x268: {  	vm1 =	vlt.s32 v9, v14;
	vm0 =	veq.f32 v16, v8;
	vm2 =	vlt.s32 v10, v11;
	(pc) =	sbr.rel @p0 .LBB2_44-.Ltmp21, $4  }
0x269: {  	s0 =	sadd.s32 $0x1180070, s29;
	v13 =	vsel vm1, v9, v14;
	vm1 =	veq.f32 v12, v8;
	v12 =	vsel vm2, v10, v11  }
0x26a: {  	s28 =	sadd.s32 $0x80, s28;
	v14 =	vor.u32 s0, v7;
	v11 =	vsel vm0, v13, v9;
	v12 =	vsel vm1, v12, v10  }
0x26b: {  	s29 =	sadd.s32 s30, s26;
	vm1 =	vlt.s32 v11, v15;
	v9 =	vld [tilespmem:s28+$0xFFFFFFC0];
	vm0 =	veq.f32 v17, v8;
	vm2 =	vlt.s32 v12, v14  }
0x26c: {  	s30 =	sadd.s32 $0x80, s30;
	s16 =	sadd.s32 $0x1180040, s29;
	s31 =	sadd.s32 $0x1180060, s29;
	v13 =	vsel vm1, v11, v15;
	v10 =	vld [tilespmem:s28+$0xFFFFFFD0];
	vm1 =	veq.f32 v18, v8;
	v14 =	vsel vm2, v12, v14  }
0x26d: {  	s0 =	sadd.s32 $0x1180020, s29;
	v11 =	vsel vm0, v13, v11  }
0x26e: {  	v12 =	vsel vm1, v14, v12;
	s4 =	sadd.s32 $0x1180000, s29;
	s5 =	sadd.s32 $0x1180010, s29;
	v51 =	vld [tilespmem:s28+$0xFFFFFFE0];
	v52 =	vor.u32 s16, v7;
	v15 =	vor.u32 s31, v7  }
0x26f: {  	v19 =	vld [tilespmem:s28+$0xFFFFFFF0];
	v16 =	vor.u32 s4, v7;
	v17 =	vor.u32 s5, v7;
	v18 =	vor.u32 s0, v7  }
0x270: {  	vm14 =	vlt.s32 v11, v16;
	vm2 =	vlt.s32 v12, v17;
	vm13 =	veq.f32 v9, v8  }
0x271: {  	s30 =	sadd.s32 $0x1180030, s29;
	v55 =	vld [tilespmem:s28+$0x0];
	v53 =	vsel vm14, v11, v16;
	v54 =	vsel vm2, v12, v17;
	vm15 =	veq.f32 v10, v8  }
0x272: {  	v57 =	vld [tilespmem:s28+$0x10];
	v56 =	vor.u32 s30, v7;
	v9 =	vsel vm13, v53, v11;
	v10 =	vsel vm15, v54, v12  }
0x273: {  	vm4 =	veq.f32 v51, v8;
	vm5 =	vlt.s32 v9, v18;
	vm6 =	vlt.s32 v10, v56  }
0x274: {  	s31 =	sadd.s32 $0x1180050, s29;
	v59 =	vld [tilespmem:s28+$0x20];
	vm7 =	veq.f32 v19, v8;
	v58 =	vsel vm5, v9, v18;
	v11 =	vsel vm6, v10, v56  }
0x275: {  	v61 =	vld [tilespmem:s28+$0x30];
	v60 =	vor.u32 s31, v7;
	v9 =	vsel vm4, v58, v9;
	v10 =	vsel vm7, v11, v10  }
0x276: {  	vm8 =	veq.f32 v55, v8;
	vm9 =	vlt.s32 v9, v52;
	vm10 =	vlt.s32 v10, v60  }
0x277: {  	s4 =	sadd.s32 $0x1180070, s29;
	vm11 =	veq.f32 v57, v8;
	v14 =	vsel vm9, v9, v52;
	v11 =	vsel vm10, v10, v60  }
0x278: {  	v62 =	vor.u32 s4, v7;
	v9 =	vsel vm8, v14, v9;
	v10 =	vsel vm11, v11, v10  }
0x279: {  	vm12 =	veq.f32 v59, v8;
	vm13 =	vlt.s32 v9, v15;
	vm14 =	vlt.s32 v10, v62  }
0x27a: {  	vm15 =	veq.f32 v61, v8;
	v63 =	vsel vm13, v9, v15;
	v11 =	vsel vm14, v10, v62  }
0x27b: {  	v9 =	vsel vm12, v63, v9;
	v10 =	vsel vm15, v11, v10  }
0x27c: {  	vm0 =	vlt.s32 v9, v10  }
0x27d: {  	v9 =	vsel vm0, v9, v10  }
0x27e: {  	v10 =	vperm.xlane v9, v3;
	_ =	sdelay $0x1  }
0x27f: {  	vm0 =	vlt.s32 v9, v10  }
0x280: {  	v9 =	vsel vm0, v9, v10  }
0x281: {  	v10 =	vperm.xlane v9, v0;
	_ =	sdelay $0x1  }
0x282: {  	vm0 =	vlt.s32 v9, v10  }
0x283: {  	v9 =	vsel vm0, v9, v10  }
0x284: {  	v10 =	vperm.xlane v9, v1;
	_ =	sdelay $0x1  }
0x285: {  	vm0 =	vlt.s32 v9, v10  }
0x286: {  	v9 =	vsel vm0, v9, v10  }
0x287: {  	v10 =	vperm.xlane v9, v2;
	_ =	sdelay $0x1  }
0x288: {  	vm0 =	vlt.s32 v9, v10  }
0x289: {  	v9 =	vsel vm0, v9, v10  }
0x28a: {  	s5 =	sld [smem:$0x7FB];
	v9 =	vbroadcast v9, $0x0  }
0x28b: {  	[tilespmem:$0x10000] =	vst v8  }
0x28c: {  	s16 =	simm.s32 $0x0;
	s26 =	simm.s32 $0x10000;
	s28 =	simm.s32 $0x11;
	[tilespmem:$0x10080] =	vst v9  }
0x28d: {  	[hbm4b:s5+s16] =	stream.linear.scatter [tilespmem:s26], [sflag:$0x11], $0x80, $0x38;
	[tilespmem:$0x10100] =	vst v63  }
0x28e: {  	_ =	swait.ge [sflag:s28], $0x80  }
0x28f: {  	s29 =	sld [smem:$0x7FC]  }
0x290: {  	[sflag:s28] =	ssyncset.done $0x0  }
0x291: {  	s30 =	simm.s32 $0x10080;
	[sflag:s28] =	ssyncadd.s32 $0xFFFFFF80  }
0x292: {  	[hbm4b:s29+s16] =	stream.linear.scatter [tilespmem:s30], [sflag:$0x11], $0x80, $0x38;
	[tilespmem:$0x10100] =	vst v63  }
0x293: {  	_ =	swait.ge [sflag:s28], $0x80  }
0x294: {  	s26 =	sld [smem:$0x7F9]  }
0x295: {  	s31 =	sld [smem:$0x7FD];
	_ =	sdelay $0x1  }
0x296: {  	s26 =	sadd.s32 $0x1, s26  }
0x297: {  	p0 =	sne.s32 s26, s31  }
.Ltmp22:
0x298: {  	_ = 	snop;
	(pc) =	sbr.rel @p0 .LBB2_1-.Ltmp22, $3  }
0x299: {  	_ =	sdelay $0x1  }
0x29a: {  	[sflag:s28] =	ssyncset.done $0x0  }
0x29b: {  	s5 =	rddreg [dreg:$0x15];
	[sflag:s28] =	ssyncadd.s32 $0xFFFFFF80  }
0x29c: {  	_ =	sfence.sel $0x180000  }
0x29d: {  	[bflag:$0x0] =	sbarrier.arrive $0xFFFF  }
0x29e: {  	_ =	strace $0x90000047  }
0x29f: {  	s0 =	stileid.u32;
	[bflag:$0x2] =	sbarrier.arrive $0xFFFF  }
0x2a0: {  	p0 =	sne.s32 s0, $0x0;
	s0 =	rddreg [dreg:$0x2]  }
0x2a1: {  	s0 =	sadd.s32 @!p0 $0x100000, s0  }
0x2a2: {  	[sflag:s0] =	ssyncadd.tile.s32 @!p0 $0x1;
	_ =	shalt  }
.Lfunc_end2:
_tile_overlayer_lowered:
.L_overlay_start_2:
0x2a3: {  	(tag) =	ssettag $0x2  }
0x2a4: {  	s0 =	rddreg [dreg:$0x0];
	s2 =	stileid.u32  }
0x2a5: {  	s1 =	rddreg [dreg:$0x1];
	p0 =	sne.s32 s2, $0x0  }
0x2a6: {  	s3 =	rddreg [dreg:$0x2];
	[bflag:$0x3] =	sbarrier.arrive $0xFFFF;
	s2 =	simm.s32 @!p0 $0x1C11  }
0x2a7: {  	[timem:s3], [sflag:s2] =	dma.local @!p0 [hbm:s0], s1  }
0x2a8: {  	s0 =	simm.s32 @!p0 $0x11  }
0x2a9: {  	_ =	swait.ge @!p0 [sflag:s0], s1  }
0x2aa: {  	s1 =	ssub.s32 @!p0 $0x0, s1;
	[sflag:s0] =	ssyncset.done @!p0 $0x0  }
0x2ab: {  	[sflag:s0] =	ssyncadd.s32 @!p0 s1  }
0x2ac: {  	[bflag:$0x3] =	sbarrier.arrive $0xFFFF  }
0x2ad: {  	_ =	shalt  }

</sc_bundles>
